<compile_context>
chip_gen: v7x
topology: tpu7x:2x2x1
jax: 0.10.2.dev20260603
libtpu: 0.0.44.dev20260713+nightly
codegen_flags: <defaults>
</compile_context>

<pallas_src>
import jax
import jax.numpy as jnp
from jax import lax
from jax.experimental import pallas as pl
from jax.experimental.pallas import tpu as pltpu
from jax.experimental.pallas import tpu_sc as plsc

N = 10000
E = 160000
D_IN = 32
D_OUT = 32
D_EDGE = 16
H1 = 32
H2 = 64

NC = 2
NS = 16
NW = NC * NS
EP = 163840
EPW = EP // NW
GB = 1024
NCH = EPW // GB
SCB = 128
SPJ = EPW // SCB
SPC = GB // SCB
NPAD = 10240
NPS = NPAD // NS

_SC_PARAMS = pltpu.CompilerParams(use_tc_tiling_on_sc=False)


def _mesh():
    return plsc.VectorSubcoreMesh(core_axis_name="c", subcore_axis_name="s")


def _gather_count_body(x_hbm, src_hbm, dst3_hbm, ones_hbm, zeros_hbm,
                       xs_out, cnt_out, sidx_v, rows_a, rows_b, didx_v,
                       ones_v, acc_c, gsem_a, gsem_b, csem):
    c = lax.axis_index("c")
    s = lax.axis_index("s")
    wid = s * NC + c
    base = wid * EPW

    pltpu.sync_copy(zeros_hbm, acc_c.at[pl.ds(s * NPS, NPS)])
    pltpu.sync_copy(ones_hbm, ones_v)
    pltpu.sync_copy(dst3_hbm.at[wid], didx_v)
    pltpu.sync_copy(src_hbm.at[pl.ds(base, EPW)], sidx_v)

    bufs = (rows_a, rows_b)
    sems = (gsem_a, gsem_b)

    def fire(j, buf, sem):
        return [pltpu.async_copy(
                    x_hbm.at[sidx_v.at[pl.ds(j * GB + t * SCB, SCB)]],
                    buf.at[pl.ds(t * SCB, SCB)], sem)
                for t in range(SPC)]

    cps = fire(0, bufs[0], sems[0])
    for j in range(NCH):
        nxt = fire(j + 1, bufs[(j + 1) % 2], sems[(j + 1) % 2])             if j + 1 < NCH else None
        for cp in cps:
            cp.wait()
        pltpu.sync_copy(bufs[j % 2], xs_out.at[pl.ds(base + j * GB, GB)])
        cps = nxt

    plsc.subcore_barrier()

    for g in range(NCH):
        adds = [pltpu.async_copy(ones_v, acc_c.at[didx_v.at[g * SPC + t]],
                                 csem, add=True)
                for t in range(SPC)]
        for cp in adds:
            cp.wait()

    plsc.subcore_barrier()
    pltpu.sync_copy(acc_c.at[pl.ds(s * NPS, NPS)],
                    cnt_out.at[c, pl.ds(s * NPS, NPS)])


def _gather_count(x, src, dst3, ones_arr, zeros_arr):
    k = pl.kernel(
        _gather_count_body,
        out_type=(jax.ShapeDtypeStruct((EP, D_IN), jnp.float32),
                  jax.ShapeDtypeStruct((NC, NPAD, 16), jnp.float32)),
        mesh=_mesh(),
        scratch_types=[
            pltpu.VMEM((EPW,), jnp.int32),
            pltpu.VMEM((GB, D_IN), jnp.float32),
            pltpu.VMEM((GB, D_IN), jnp.float32),
            pltpu.VMEM((SPJ, SCB), jnp.int32),
            pltpu.VMEM((SCB, 16), jnp.float32),
            pltpu.VMEM_SHARED((NPAD, 16), jnp.float32),
            pltpu.SemaphoreType.DMA,
            pltpu.SemaphoreType.DMA,
            pltpu.SemaphoreType.DMA,
        ],
        compiler_params=_SC_PARAMS,
    )
    return k(x, src, dst3, ones_arr, zeros_arr)


def _scatter_body(msg_hbm, dst3_hbm, zeros_hbm, sum_out, msg_a, msg_b,
                  didx_v, acc_m, lsem_a, lsem_b, ssem):
    c = lax.axis_index("c")
    s = lax.axis_index("s")
    wid = s * NC + c
    base = wid * EPW

    pltpu.sync_copy(zeros_hbm, acc_m.at[pl.ds(s * NPS, NPS)])
    pltpu.sync_copy(dst3_hbm.at[wid], didx_v)
    plsc.subcore_barrier()

    bufs = (msg_a, msg_b)
    lsems = (lsem_a, lsem_b)
    lcp = pltpu.async_copy(msg_hbm.at[pl.ds(base, GB)], bufs[0], lsems[0])
    for j in range(NCH):
        nxt = pltpu.async_copy(msg_hbm.at[pl.ds(base + (j + 1) * GB, GB)],
                               bufs[(j + 1) % 2], lsems[(j + 1) % 2])             if j + 1 < NCH else None
        lcp.wait()
        adds = [pltpu.async_copy(bufs[j % 2].at[pl.ds(t * SCB, SCB)],
                                 acc_m.at[didx_v.at[j * SPC + t]], ssem,
                                 add=True)
                for t in range(SPC)]
        for cp in adds:
            cp.wait()
        lcp = nxt

    plsc.subcore_barrier()
    pltpu.sync_copy(acc_m.at[pl.ds(s * NPS, NPS)],
                    sum_out.at[c, pl.ds(s * NPS, NPS)])


def _scatter_sum(msg, dst3, zeros_arr):
    k = pl.kernel(
        _scatter_body,
        out_type=jax.ShapeDtypeStruct((NC, NPAD, D_OUT), jnp.float32),
        mesh=_mesh(),
        scratch_types=[
            pltpu.VMEM((GB, D_OUT), jnp.float32),
            pltpu.VMEM((GB, D_OUT), jnp.float32),
            pltpu.VMEM((SPJ, SCB), jnp.int32),
            pltpu.VMEM_SHARED((NPAD, D_OUT), jnp.float32),
            pltpu.SemaphoreType.DMA,
            pltpu.SemaphoreType.DMA,
            pltpu.SemaphoreType.DMA,
        ],
        compiler_params=_SC_PARAMS,
    )
    return k(msg, dst3, zeros_arr)


BE = 2000


def _sigmoid(z):
    return 1.0 / (1.0 + jnp.exp(-z))


def _msg_body(ef_ref, xs_ref, w1_ref, b1_ref, w2_ref, b2_ref, w3q_ref,
              b3q_ref, r_ref, msg_ref):
    ef = ef_ref[...]
    xs = xs_ref[...]
    fast = jax.lax.Precision.DEFAULT
    h = _sigmoid(jnp.dot(ef, w1_ref[...], precision=fast,
                         preferred_element_type=jnp.float32) + b1_ref[...])
    h = _sigmoid(jnp.dot(h, w2_ref[...], precision=fast,
                         preferred_element_type=jnp.float32) + b2_ref[...])
    w = jnp.dot(h, w3q_ref[...], precision=fast,
                preferred_element_type=jnp.float32) + b3q_ref[...]
    xt = pltpu.repeat(xs, D_OUT, axis=1)
    msg_ref[...] = jnp.dot(w * xt, r_ref[...], precision=fast,
                           preferred_element_type=jnp.float32)


def _messages(ef, xs, W1, b1, W2, b2, W3, b3):
    W3q = W3.reshape(H2, D_IN, D_OUT).transpose(0, 2, 1).reshape(H2, D_IN * D_OUT)
    b3q = b3.reshape(D_IN, D_OUT).T.reshape(1, D_IN * D_OUT)
    rmat = (jnp.arange(D_IN * D_OUT)[:, None] // D_IN
            == jnp.arange(D_OUT)[None, :]).astype(jnp.float32)
    grid = (E // BE,)
    full = lambda i: (0, 0)
    return pl.pallas_call(
        _msg_body,
        grid=grid,
        in_specs=[
            pl.BlockSpec((BE, D_EDGE), lambda i: (i, 0)),
            pl.BlockSpec((BE, D_IN), lambda i: (i, 0)),
            pl.BlockSpec((D_EDGE, H1), full),
            pl.BlockSpec((1, H1), full),
            pl.BlockSpec((H1, H2), full),
            pl.BlockSpec((1, H2), full),
            pl.BlockSpec((H2, D_IN * D_OUT), full),
            pl.BlockSpec((1, D_IN * D_OUT), full),
            pl.BlockSpec((D_IN * D_OUT, D_OUT), full),
        ],
        out_specs=pl.BlockSpec((BE, D_OUT), lambda i: (i, 0)),
        out_shape=jax.ShapeDtypeStruct((EP, D_OUT), jnp.float32),
    )(ef, xs, W1, b1.reshape(1, H1), W2, b2.reshape(1, H2), W3q, b3q, rmat)


def _final_body(sum_ref, cnt_ref, x_ref, wr_ref, br_ref, g_ref, bta_ref,
                out_ref):
    ssum = sum_ref[0] + sum_ref[1]
    cnt = cnt_ref[0, :, 0:1] + cnt_ref[1, :, 0:1]
    aggr = ssum / jnp.maximum(cnt, 1.0)
    out = aggr + jnp.dot(x_ref[...], wr_ref[...],
                         preferred_element_type=jnp.float32) + br_ref[...]
    out = jnp.where(out >= 0, out, 0.01 * out)
    mean = jnp.mean(out, axis=0, keepdims=True)
    cen = out - mean
    var = jnp.mean(cen * cen, axis=0, keepdims=True)
    out_ref[...] = g_ref[...] * cen * lax.rsqrt(var + 1e-5) + bta_ref[...]


def _finalize(sum_parts, cnt_parts, x, W_root, b_root, bn_gamma, bn_beta):
    full = lambda i: (0, 0)
    return pl.pallas_call(
        _final_body,
        grid=(1,),
        in_specs=[
            pl.BlockSpec((NC, N, D_OUT), lambda i: (0, 0, 0)),
            pl.BlockSpec((NC, N, 16), lambda i: (0, 0, 0)),
            pl.BlockSpec((N, D_IN), full),
            pl.BlockSpec((D_IN, D_OUT), full),
            pl.BlockSpec((1, D_OUT), full),
            pl.BlockSpec((1, D_OUT), full),
            pl.BlockSpec((1, D_OUT), full),
        ],
        out_specs=pl.BlockSpec((N, D_OUT), full),
        out_shape=jax.ShapeDtypeStruct((N, D_OUT), jnp.float32),
    )(sum_parts, cnt_parts, x, W_root, b_root.reshape(1, D_OUT),
      bn_gamma.reshape(1, D_OUT), bn_beta.reshape(1, D_OUT))


def kernel(x, edge_index, edge_features, W1, b1, W2, b2, W3, b3,
           W_root, b_root, bn_gamma, bn_beta):
    src = edge_index[0]
    dst = edge_index[1]
    src_p = jnp.concatenate([src, jnp.zeros((EP - E,), jnp.int32)])
    dst_p = jnp.concatenate([dst, jnp.full((EP - E,), N, jnp.int32)])
    dst3 = dst_p.reshape(NW, SPJ, SCB)

    ones_arr = jnp.zeros((SCB, 16), jnp.float32).at[:, 0].set(1.0)
    zeros16 = jnp.zeros((NPS, 16), jnp.float32)
    zeros32 = jnp.zeros((NPS, D_OUT), jnp.float32)

    xs, cnt_parts = _gather_count(x, src_p, dst3, ones_arr, zeros16)
    msg = _messages(edge_features, xs, W1, b1, W2, b2, W3, b3)
    sum_parts = _scatter_sum(msg, dst3, zeros32)
    out = _finalize(sum_parts, cnt_parts, x, W_root, b_root, bn_gamma, bn_beta)
    return (out, edge_index, edge_features)

# --- scband reference (transcript-rebuilt; emitter-appended) ---
"""Pipeline reference for scband-graph-conv-74019466379559 (READ-ONLY COPY).

The authoritative reference and input builder live on the scoring server;
editing this copy changes nothing except your own understanding.
"""

import jax, jax.numpy as jnp
import numpy as np

N = 10000
E = 160000
D_IN = 32
D_OUT = 32
D_EDGE = 16
H1 = 32
H2 = 64


def setup_inputs(seed: int = 0) -> dict:
    key = jax.random.key(seed)
    ks = jax.random.split(key, 14)
    x = jax.random.normal(ks[0], (N, D_IN), dtype=jnp.float32)
    edge_index = jax.random.randint(ks[1], (2, E), 0, N, dtype=jnp.int32)
    edge_features = jax.random.normal(ks[2], (E, D_EDGE), dtype=jnp.float32)
    # MLP params: D_EDGE -> H1 -> H2 -> D_IN*D_OUT
    W1 = jax.random.normal(ks[3], (D_EDGE, H1), dtype=jnp.float32) * 0.1
    b1 = jnp.zeros((H1,), dtype=jnp.float32)
    W2 = jax.random.normal(ks[4], (H1, H2), dtype=jnp.float32) * 0.1
    b2 = jnp.zeros((H2,), dtype=jnp.float32)
    W3 = jax.random.normal(ks[5], (H2, D_IN * D_OUT), dtype=jnp.float32) * 0.05
    b3 = jnp.zeros((D_IN * D_OUT,), dtype=jnp.float32)
    # NNConv root weight + bias
    W_root = jax.random.normal(ks[6], (D_IN, D_OUT), dtype=jnp.float32) * 0.1
    b_root = jnp.zeros((D_OUT,), dtype=jnp.float32)
    # BatchNorm affine params
    bn_gamma = jnp.ones((D_OUT,), dtype=jnp.float32)
    bn_beta = jnp.zeros((D_OUT,), dtype=jnp.float32)
    return {"x": x, "edge_index": edge_index, "edge_features": edge_features,
            "W1": W1, "b1": b1, "W2": W2, "b2": b2, "W3": W3, "b3": b3,
            "W_root": W_root, "b_root": b_root,
            "bn_gamma": bn_gamma, "bn_beta": bn_beta}


def reference(x, edge_index, edge_features, W1, b1, W2, b2, W3, b3, W_root, b_root, bn_gamma, bn_beta):
    # edge MLP -> per-edge weight matrix [E, D_IN, D_OUT]
    h = jax.nn.sigmoid(edge_features @ W1 + b1)
    h = jax.nn.sigmoid(h @ W2 + b2)
    w = (h @ W3 + b3).reshape(-1, D_IN, D_OUT)
    src = edge_index[0]
    dst = edge_index[1]
    # message: x_src @ per-edge weight
    msg = jnp.einsum('ei,eio->eo', jnp.take(x, src, axis=0), w)
    # mean aggregation at destination
    summed = jax.ops.segment_sum(msg, dst, num_segments=N)
    cnt = jax.ops.segment_sum(jnp.ones((msg.shape[0],), dtype=jnp.float32), dst, num_segments=N)
    aggr = summed / jnp.maximum(cnt, 1.0)[:, None]
    out = aggr + x @ W_root + b_root
    # LeakyReLU(0.01)
    out = jnp.where(out >= 0, out, 0.01 * out)
    # BatchNorm1d (training mode: batch statistics, biased var)
    mean = out.mean(axis=0)
    var = ((out - mean) ** 2).mean(axis=0)
    out = bn_gamma * (out - mean) / jnp.sqrt(var + 1e-5) + bn_beta
    return (out, edge_index, edge_features)

if __name__ == "__main__":
    import jax
    _d = setup_inputs()
    print(jax.jit(kernel)(*tuple(_d.values())))

</pallas_src>

<mosaic_0001>
#map = affine_map<(d0, d1) -> (0, 0)>
#map1 = affine_map<(d0, d1) -> (0)>
#map2 = affine_map<(d0, d1) -> (0, 0, 0)>
module attributes {stable_mosaic.version = 14 : i64} {
  func.func @_gather_count_body(%arg0: i32, %arg1: i32, %arg2: memref<10000x32xf32, #tpu.memory_space<hbm>>, %arg3: memref<163840xi32, #tpu.memory_space<hbm>>, %arg4: memref<32x40x128xi32, #tpu.memory_space<hbm>>, %arg5: memref<128x16xf32, #tpu.memory_space<hbm>>, %arg6: memref<640x16xf32, #tpu.memory_space<hbm>>, %arg7: memref<163840x32xf32, #tpu.memory_space<hbm>>, %arg8: memref<2x10240x16xf32, #tpu.memory_space<hbm>>, %arg9: memref<5120xi32, #tpu.memory_space<vmem>>, %arg10: memref<1024x32xf32, #tpu.memory_space<vmem>>, %arg11: memref<1024x32xf32, #tpu.memory_space<vmem>>, %arg12: memref<40x128xi32, #tpu.memory_space<vmem>>, %arg13: memref<128x16xf32, #tpu.memory_space<vmem>>, %arg14: memref<10240x16xf32, #tpu.memory_space<vmem_shared>>, %arg15: memref<!tpu.dma_semaphore, #tpu.memory_space<semaphore_mem>>, %arg16: memref<!tpu.dma_semaphore, #tpu.memory_space<semaphore_mem>>, %arg17: memref<!tpu.dma_semaphore, #tpu.memory_space<semaphore_mem>>) attributes {dimension_semantics = [#tpu.dimension_semantics<core_parallel>, #tpu.dimension_semantics<subcore_parallel>], iteration_bounds = array<i64: 2, 16>, scalar_prefetch = 0 : i64, scratch_operands = 9 : i64, tpu.core_type = #tpu.core_type<sc_vector_subcore>, window_params = [{transform_indices = #map}, {transform_indices = #map1}, {transform_indices = #map2}, {transform_indices = #map}, {transform_indices = #map}, {transform_indices = #map}, {transform_indices = #map2}]} {
    %mul3A = arith.constant 2 : i32
    %mul3A_0 = arith.muli %arg1, %mul3A : i32
    %add3A = arith.addi %mul3A_0, %arg0 : i32
    %mul3A_1 = arith.constant 5120 : i32
    %mul3A_2 = arith.muli %add3A, %mul3A_1 : i32
    %mul3A_3 = arith.constant 640 : i32
    %mul3A_4 = arith.muli %arg1, %mul3A_3 : i32
    "tpu.region"() ({
      %run_scoped3A = tpu.sem_alloc : memref<!tpu.dma_semaphore, #tpu.memory_space<semaphore_mem>>
      %dma_start3A_1218 = arith.constant 0 : i32
      %dma_start3A_1219 = tpu.memref_slice %arg14[%mul3A_4, %dma_start3A_1218] : memref<10240x16xf32, #tpu.memory_space<vmem_shared>> -> memref<640x16xf32, #tpu.memory_space<vmem_shared>>
      tpu.enqueue_dma source(%arg6 : memref<640x16xf32, #tpu.memory_space<hbm>>) target(%dma_start3A_1219 : memref<640x16xf32, #tpu.memory_space<vmem_shared>>) target_semaphore(%run_scoped3A : memref<!tpu.dma_semaphore, #tpu.memory_space<semaphore_mem>>)
      %dma_wait3A_1220 = arith.constant 0 : i32
      %dma_wait3A_1221 = tpu.memref_slice %arg14[%mul3A_4, %dma_wait3A_1220] : memref<10240x16xf32, #tpu.memory_space<vmem_shared>> -> memref<640x16xf32, #tpu.memory_space<vmem_shared>>
      tpu.wait_dma2 semaphore(%run_scoped3A : memref<!tpu.dma_semaphore, #tpu.memory_space<semaphore_mem>>) src(%arg6 : memref<640x16xf32, #tpu.memory_space<hbm>>) dst(%dma_wait3A_1221 : memref<640x16xf32, #tpu.memory_space<vmem_shared>>)
      tpu.yield
    }) : () -> ()
    "tpu.region"() ({
      %run_scoped3A = tpu.sem_alloc : memref<!tpu.dma_semaphore, #tpu.memory_space<semaphore_mem>>
      tpu.enqueue_dma source(%arg5 : memref<128x16xf32, #tpu.memory_space<hbm>>) target(%arg13 : memref<128x16xf32, #tpu.memory_space<vmem>>) target_semaphore(%run_scoped3A : memref<!tpu.dma_semaphore, #tpu.memory_space<semaphore_mem>>)
      tpu.wait_dma2 semaphore(%run_scoped3A : memref<!tpu.dma_semaphore, #tpu.memory_space<semaphore_mem>>) src(%arg5 : memref<128x16xf32, #tpu.memory_space<hbm>>) dst(%arg13 : memref<128x16xf32, #tpu.memory_space<vmem>>)
      tpu.yield
    }) : () -> ()
    "tpu.region"() ({
      %run_scoped3A = tpu.sem_alloc : memref<!tpu.dma_semaphore, #tpu.memory_space<semaphore_mem>>
      %dma_start3A_1218 = arith.constant 0 : i32
      %dma_start3A_1219 = arith.constant 0 : i32
      %dma_start3A_1220 = tpu.memref_slice %arg4[%add3A, %dma_start3A_1218, %dma_start3A_1219] : memref<32x40x128xi32, #tpu.memory_space<hbm>> -> memref<1x40x128xi32, #tpu.memory_space<hbm>>
      %dma_start3A_1221 = tpu.memref_squeeze %dma_start3A_1220 : memref<1x40x128xi32, #tpu.memory_space<hbm>> -> memref<40x128xi32, #tpu.memory_space<hbm>>
      %dma_start3A_1222 = arith.constant 0 : i32
      %dma_start3A_1223 = arith.constant 0 : i32
      %dma_start3A_1224 = tpu.memref_slice %arg4[%add3A, %dma_start3A_1222, %dma_start3A_1223] : memref<32x40x128xi32, #tpu.memory_space<hbm>> -> memref<1x40x128xi32, #tpu.memory_space<hbm>>
      %dma_start3A_1225 = tpu.memref_squeeze %dma_start3A_1224 : memref<1x40x128xi32, #tpu.memory_space<hbm>> -> memref<40x128xi32, #tpu.memory_space<hbm>>
      tpu.enqueue_dma source(%dma_start3A_1225 : memref<40x128xi32, #tpu.memory_space<hbm>>) target(%arg12 : memref<40x128xi32, #tpu.memory_space<vmem>>) target_semaphore(%run_scoped3A : memref<!tpu.dma_semaphore, #tpu.memory_space<semaphore_mem>>)
      %dma_wait3A_1226 = arith.constant 0 : i32
      %dma_wait3A_1227 = arith.constant 0 : i32
      %dma_wait3A_1228 = tpu.memref_slice %arg4[%add3A, %dma_wait3A_1226, %dma_wait3A_1227] : memref<32x40x128xi32, #tpu.memory_space<hbm>> -> memref<1x40x128xi32, #tpu.memory_space<hbm>>
      %dma_wait3A_1229 = tpu.memref_squeeze %dma_wait3A_1228 : memref<1x40x128xi32, #tpu.memory_space<hbm>> -> memref<40x128xi32, #tpu.memory_space<hbm>>
      %dma_wait3A_1230 = arith.constant 0 : i32
      %dma_wait3A_1231 = arith.constant 0 : i32
      %dma_wait3A_1232 = tpu.memref_slice %arg4[%add3A, %dma_wait3A_1230, %dma_wait3A_1231] : memref<32x40x128xi32, #tpu.memory_space<hbm>> -> memref<1x40x128xi32, #tpu.memory_space<hbm>>
      %dma_wait3A_1233 = tpu.memref_squeeze %dma_wait3A_1232 : memref<1x40x128xi32, #tpu.memory_space<hbm>> -> memref<40x128xi32, #tpu.memory_space<hbm>>
      tpu.wait_dma2 semaphore(%run_scoped3A : memref<!tpu.dma_semaphore, #tpu.memory_space<semaphore_mem>>) src(%dma_wait3A_1233 : memref<40x128xi32, #tpu.memory_space<hbm>>) dst(%arg12 : memref<40x128xi32, #tpu.memory_space<vmem>>)
      tpu.yield
    }) : () -> ()
    "tpu.region"() ({
      %run_scoped3A = tpu.sem_alloc : memref<!tpu.dma_semaphore, #tpu.memory_space<semaphore_mem>>
      %dma_start3A_1218 = tpu.memref_slice %arg3[%mul3A_2] : memref<163840xi32, #tpu.memory_space<hbm>> -> memref<5120xi32, #tpu.memory_space<hbm>>
      %dma_start3A_1219 = tpu.memref_slice %arg3[%mul3A_2] : memref<163840xi32, #tpu.memory_space<hbm>> -> memref<5120xi32, #tpu.memory_space<hbm>>
      tpu.enqueue_dma source(%dma_start3A_1219 : memref<5120xi32, #tpu.memory_space<hbm>>) target(%arg9 : memref<5120xi32, #tpu.memory_space<vmem>>) target_semaphore(%run_scoped3A : memref<!tpu.dma_semaphore, #tpu.memory_space<semaphore_mem>>)
      %dma_wait3A_1220 = tpu.memref_slice %arg3[%mul3A_2] : memref<163840xi32, #tpu.memory_space<hbm>> -> memref<5120xi32, #tpu.memory_space<hbm>>
      %dma_wait3A_1221 = tpu.memref_slice %arg3[%mul3A_2] : memref<163840xi32, #tpu.memory_space<hbm>> -> memref<5120xi32, #tpu.memory_space<hbm>>
      tpu.wait_dma2 semaphore(%run_scoped3A : memref<!tpu.dma_semaphore, #tpu.memory_space<semaphore_mem>>) src(%dma_wait3A_1221 : memref<5120xi32, #tpu.memory_space<hbm>>) dst(%arg9 : memref<5120xi32, #tpu.memory_space<vmem>>)
      tpu.yield
    }) : () -> ()
    %dma_start3A = arith.constant 0 : i32
    %dma_start3A_5 = arith.constant 0 : i32
    %dma_start3A_6 = tpu.memref_slice %arg10[%dma_start3A, %dma_start3A_5] : memref<1024x32xf32, #tpu.memory_space<vmem>> -> memref<128x32xf32, #tpu.memory_space<vmem>>
    %dma_start3A_7 = arith.constant 0 : i32
    %dma_start3A_8 = tpu.memref_slice %arg9[%dma_start3A_7] : memref<5120xi32, #tpu.memory_space<vmem>> -> memref<128xi32, #tpu.memory_space<vmem>>
    %dma_start3A_9 = arith.constant 0 : i32
    %dma_start3A_10 = arith.constant 0 : i32
    %dma_start3A_11 = tpu.memref_slice %arg2[%dma_start3A_9, %dma_start3A_10] : memref<10000x32xf32, #tpu.memory_space<hbm>> -> memref<10000x32xf32, #tpu.memory_space<hbm>>
    tpu.enqueue_indirect_dma source(%dma_start3A_11 : memref<10000x32xf32, #tpu.memory_space<hbm>>) target(%dma_start3A_6 : memref<128x32xf32, #tpu.memory_space<vmem>>) offsets(%dma_start3A_8 : memref<128xi32, #tpu.memory_space<vmem>>) semaphore(%arg15 : memref<!tpu.dma_semaphore, #tpu.memory_space<semaphore_mem>>)
    %dma_start3A_12 = arith.constant 128 : i32
    %dma_start3A_13 = arith.constant 0 : i32
    %dma_start3A_14 = tpu.memref_slice %arg10[%dma_start3A_12, %dma_start3A_13] : memref<1024x32xf32, #tpu.memory_space<vmem>> -> memref<128x32xf32, #tpu.memory_space<vmem>>
    %dma_start3A_15 = arith.constant 128 : i32
    %dma_start3A_16 = tpu.memref_slice %arg9[%dma_start3A_15] : memref<5120xi32, #tpu.memory_space<vmem>> -> memref<128xi32, #tpu.memory_space<vmem>>
    %dma_start3A_17 = arith.constant 0 : i32
    %dma_start3A_18 = arith.constant 0 : i32
    %dma_start3A_19 = tpu.memref_slice %arg2[%dma_start3A_17, %dma_start3A_18] : memref<10000x32xf32, #tpu.memory_space<hbm>> -> memref<10000x32xf32, #tpu.memory_space<hbm>>
    tpu.enqueue_indirect_dma source(%dma_start3A_19 : memref<10000x32xf32, #tpu.memory_space<hbm>>) target(%dma_start3A_14 : memref<128x32xf32, #tpu.memory_space<vmem>>) offsets(%dma_start3A_16 : memref<128xi32, #tpu.memory_space<vmem>>) semaphore(%arg15 : memref<!tpu.dma_semaphore, #tpu.memory_space<semaphore_mem>>)
    %dma_start3A_20 = arith.constant 256 : i32
    %dma_start3A_21 = arith.constant 0 : i32
    %dma_start3A_22 = tpu.memref_slice %arg10[%dma_start3A_20, %dma_start3A_21] : memref<1024x32xf32, #tpu.memory_space<vmem>> -> memref<128x32xf32, #tpu.memory_space<vmem>>
    %dma_start3A_23 = arith.constant 256 : i32
    %dma_start3A_24 = tpu.memref_slice %arg9[%dma_start3A_23] : memref<5120xi32, #tpu.memory_space<vmem>> -> memref<128xi32, #tpu.memory_space<vmem>>
    %dma_start3A_25 = arith.constant 0 : i32
    %dma_start3A_26 = arith.constant 0 : i32
    %dma_start3A_27 = tpu.memref_slice %arg2[%dma_start3A_25, %dma_start3A_26] : memref<10000x32xf32, #tpu.memory_space<hbm>> -> memref<10000x32xf32, #tpu.memory_space<hbm>>
    tpu.enqueue_indirect_dma source(%dma_start3A_27 : memref<10000x32xf32, #tpu.memory_space<hbm>>) target(%dma_start3A_22 : memref<128x32xf32, #tpu.memory_space<vmem>>) offsets(%dma_start3A_24 : memref<128xi32, #tpu.memory_space<vmem>>) semaphore(%arg15 : memref<!tpu.dma_semaphore, #tpu.memory_space<semaphore_mem>>)
    %dma_start3A_28 = arith.constant 384 : i32
    %dma_start3A_29 = arith.constant 0 : i32
    %dma_start3A_30 = tpu.memref_slice %arg10[%dma_start3A_28, %dma_start3A_29] : memref<1024x32xf32, #tpu.memory_space<vmem>> -> memref<128x32xf32, #tpu.memory_space<vmem>>
    %dma_start3A_31 = arith.constant 384 : i32
    %dma_start3A_32 = tpu.memref_slice %arg9[%dma_start3A_31] : memref<5120xi32, #tpu.memory_space<vmem>> -> memref<128xi32, #tpu.memory_space<vmem>>
    %dma_start3A_33 = arith.constant 0 : i32
    %dma_start3A_34 = arith.constant 0 : i32
    %dma_start3A_35 = tpu.memref_slice %arg2[%dma_start3A_33, %dma_start3A_34] : memref<10000x32xf32, #tpu.memory_space<hbm>> -> memref<10000x32xf32, #tpu.memory_space<hbm>>
    tpu.enqueue_indirect_dma source(%dma_start3A_35 : memref<10000x32xf32, #tpu.memory_space<hbm>>) target(%dma_start3A_30 : memref<128x32xf32, #tpu.memory_space<vmem>>) offsets(%dma_start3A_32 : memref<128xi32, #tpu.memory_space<vmem>>) semaphore(%arg15 : memref<!tpu.dma_semaphore, #tpu.memory_space<semaphore_mem>>)
    %dma_start3A_36 = arith.constant 512 : i32
    %dma_start3A_37 = arith.constant 0 : i32
    %dma_start3A_38 = tpu.memref_slice %arg10[%dma_start3A_36, %dma_start3A_37] : memref<1024x32xf32, #tpu.memory_space<vmem>> -> memref<128x32xf32, #tpu.memory_space<vmem>>
    %dma_start3A_39 = arith.constant 512 : i32
    %dma_start3A_40 = tpu.memref_slice %arg9[%dma_start3A_39] : memref<5120xi32, #tpu.memory_space<vmem>> -> memref<128xi32, #tpu.memory_space<vmem>>
    %dma_start3A_41 = arith.constant 0 : i32
    %dma_start3A_42 = arith.constant 0 : i32
    %dma_start3A_43 = tpu.memref_slice %arg2[%dma_start3A_41, %dma_start3A_42] : memref<10000x32xf32, #tpu.memory_space<hbm>> -> memref<10000x32xf32, #tpu.memory_space<hbm>>
    tpu.enqueue_indirect_dma source(%dma_start3A_43 : memref<10000x32xf32, #tpu.memory_space<hbm>>) target(%dma_start3A_38 : memref<128x32xf32, #tpu.memory_space<vmem>>) offsets(%dma_start3A_40 : memref<128xi32, #tpu.memory_space<vmem>>) semaphore(%arg15 : memref<!tpu.dma_semaphore, #tpu.memory_space<semaphore_mem>>)
    %dma_start3A_44 = arith.constant 640 : i32
    %dma_start3A_45 = arith.constant 0 : i32
    %dma_start3A_46 = tpu.memref_slice %arg10[%dma_start3A_44, %dma_start3A_45] : memref<1024x32xf32, #tpu.memory_space<vmem>> -> memref<128x32xf32, #tpu.memory_space<vmem>>
    %dma_start3A_47 = arith.constant 640 : i32
    %dma_start3A_48 = tpu.memref_slice %arg9[%dma_start3A_47] : memref<5120xi32, #tpu.memory_space<vmem>> -> memref<128xi32, #tpu.memory_space<vmem>>
    %dma_start3A_49 = arith.constant 0 : i32
    %dma_start3A_50 = arith.constant 0 : i32
    %dma_start3A_51 = tpu.memref_slice %arg2[%dma_start3A_49, %dma_start3A_50] : memref<10000x32xf32, #tpu.memory_space<hbm>> -> memref<10000x32xf32, #tpu.memory_space<hbm>>
    tpu.enqueue_indirect_dma source(%dma_start3A_51 : memref<10000x32xf32, #tpu.memory_space<hbm>>) target(%dma_start3A_46 : memref<128x32xf32, #tpu.memory_space<vmem>>) offsets(%dma_start3A_48 : memref<128xi32, #tpu.memory_space<vmem>>) semaphore(%arg15 : memref<!tpu.dma_semaphore, #tpu.memory_space<semaphore_mem>>)
    %dma_start3A_52 = arith.constant 768 : i32
    %dma_start3A_53 = arith.constant 0 : i32
    %dma_start3A_54 = tpu.memref_slice %arg10[%dma_start3A_52, %dma_start3A_53] : memref<1024x32xf32, #tpu.memory_space<vmem>> -> memref<128x32xf32, #tpu.memory_space<vmem>>
    %dma_start3A_55 = arith.constant 768 : i32
    %dma_start3A_56 = tpu.memref_slice %arg9[%dma_start3A_55] : memref<5120xi32, #tpu.memory_space<vmem>> -> memref<128xi32, #tpu.memory_space<vmem>>
    %dma_start3A_57 = arith.constant 0 : i32
    %dma_start3A_58 = arith.constant 0 : i32
    %dma_start3A_59 = tpu.memref_slice %arg2[%dma_start3A_57, %dma_start3A_58] : memref<10000x32xf32, #tpu.memory_space<hbm>> -> memref<10000x32xf32, #tpu.memory_space<hbm>>
    tpu.enqueue_indirect_dma source(%dma_start3A_59 : memref<10000x32xf32, #tpu.memory_space<hbm>>) target(%dma_start3A_54 : memref<128x32xf32, #tpu.memory_space<vmem>>) offsets(%dma_start3A_56 : memref<128xi32, #tpu.memory_space<vmem>>) semaphore(%arg15 : memref<!tpu.dma_semaphore, #tpu.memory_space<semaphore_mem>>)
    %dma_start3A_60 = arith.constant 896 : i32
    %dma_start3A_61 = arith.constant 0 : i32
    %dma_start3A_62 = tpu.memref_slice %arg10[%dma_start3A_60, %dma_start3A_61] : memref<1024x32xf32, #tpu.memory_space<vmem>> -> memref<128x32xf32, #tpu.memory_space<vmem>>
    %dma_start3A_63 = arith.constant 896 : i32
    %dma_start3A_64 = tpu.memref_slice %arg9[%dma_start3A_63] : memref<5120xi32, #tpu.memory_space<vmem>> -> memref<128xi32, #tpu.memory_space<vmem>>
    %dma_start3A_65 = arith.constant 0 : i32
    %dma_start3A_66 = arith.constant 0 : i32
    %dma_start3A_67 = tpu.memref_slice %arg2[%dma_start3A_65, %dma_start3A_66] : memref<10000x32xf32, #tpu.memory_space<hbm>> -> memref<10000x32xf32, #tpu.memory_space<hbm>>
    tpu.enqueue_indirect_dma source(%dma_start3A_67 : memref<10000x32xf32, #tpu.memory_space<hbm>>) target(%dma_start3A_62 : memref<128x32xf32, #tpu.memory_space<vmem>>) offsets(%dma_start3A_64 : memref<128xi32, #tpu.memory_space<vmem>>) semaphore(%arg15 : memref<!tpu.dma_semaphore, #tpu.memory_space<semaphore_mem>>)
    %dma_start3A_68 = arith.constant 0 : i32
    %dma_start3A_69 = arith.constant 0 : i32
    %dma_start3A_70 = tpu.memref_slice %arg11[%dma_start3A_68, %dma_start3A_69] : memref<1024x32xf32, #tpu.memory_space<vmem>> -> memref<128x32xf32, #tpu.memory_space<vmem>>
    %dma_start3A_71 = arith.constant 1024 : i32
    %dma_start3A_72 = tpu.memref_slice %arg9[%dma_start3A_71] : memref<5120xi32, #tpu.memory_space<vmem>> -> memref<128xi32, #tpu.memory_space<vmem>>
    %dma_start3A_73 = arith.constant 0 : i32
    %dma_start3A_74 = arith.constant 0 : i32
    %dma_start3A_75 = tpu.memref_slice %arg2[%dma_start3A_73, %dma_start3A_74] : memref<10000x32xf32, #tpu.memory_space<hbm>> -> memref<10000x32xf32, #tpu.memory_space<hbm>>
    tpu.enqueue_indirect_dma source(%dma_start3A_75 : memref<10000x32xf32, #tpu.memory_space<hbm>>) target(%dma_start3A_70 : memref<128x32xf32, #tpu.memory_space<vmem>>) offsets(%dma_start3A_72 : memref<128xi32, #tpu.memory_space<vmem>>) semaphore(%arg16 : memref<!tpu.dma_semaphore, #tpu.memory_space<semaphore_mem>>)
    %dma_start3A_76 = arith.constant 128 : i32
    %dma_start3A_77 = arith.constant 0 : i32
    %dma_start3A_78 = tpu.memref_slice %arg11[%dma_start3A_76, %dma_start3A_77] : memref<1024x32xf32, #tpu.memory_space<vmem>> -> memref<128x32xf32, #tpu.memory_space<vmem>>
    %dma_start3A_79 = arith.constant 1152 : i32
    %dma_start3A_80 = tpu.memref_slice %arg9[%dma_start3A_79] : memref<5120xi32, #tpu.memory_space<vmem>> -> memref<128xi32, #tpu.memory_space<vmem>>
    %dma_start3A_81 = arith.constant 0 : i32
    %dma_start3A_82 = arith.constant 0 : i32
    %dma_start3A_83 = tpu.memref_slice %arg2[%dma_start3A_81, %dma_start3A_82] : memref<10000x32xf32, #tpu.memory_space<hbm>> -> memref<10000x32xf32, #tpu.memory_space<hbm>>
    tpu.enqueue_indirect_dma source(%dma_start3A_83 : memref<10000x32xf32, #tpu.memory_space<hbm>>) target(%dma_start3A_78 : memref<128x32xf32, #tpu.memory_space<vmem>>) offsets(%dma_start3A_80 : memref<128xi32, #tpu.memory_space<vmem>>) semaphore(%arg16 : memref<!tpu.dma_semaphore, #tpu.memory_space<semaphore_mem>>)
    %dma_start3A_84 = arith.constant 256 : i32
    %dma_start3A_85 = arith.constant 0 : i32
    %dma_start3A_86 = tpu.memref_slice %arg11[%dma_start3A_84, %dma_start3A_85] : memref<1024x32xf32, #tpu.memory_space<vmem>> -> memref<128x32xf32, #tpu.memory_space<vmem>>
    %dma_start3A_87 = arith.constant 1280 : i32
    %dma_start3A_88 = tpu.memref_slice %arg9[%dma_start3A_87] : memref<5120xi32, #tpu.memory_space<vmem>> -> memref<128xi32, #tpu.memory_space<vmem>>
    %dma_start3A_89 = arith.constant 0 : i32
    %dma_start3A_90 = arith.constant 0 : i32
    %dma_start3A_91 = tpu.memref_slice %arg2[%dma_start3A_89, %dma_start3A_90] : memref<10000x32xf32, #tpu.memory_space<hbm>> -> memref<10000x32xf32, #tpu.memory_space<hbm>>
    tpu.enqueue_indirect_dma source(%dma_start3A_91 : memref<10000x32xf32, #tpu.memory_space<hbm>>) target(%dma_start3A_86 : memref<128x32xf32, #tpu.memory_space<vmem>>) offsets(%dma_start3A_88 : memref<128xi32, #tpu.memory_space<vmem>>) semaphore(%arg16 : memref<!tpu.dma_semaphore, #tpu.memory_space<semaphore_mem>>)
    %dma_start3A_92 = arith.constant 384 : i32
    %dma_start3A_93 = arith.constant 0 : i32
    %dma_start3A_94 = tpu.memref_slice %arg11[%dma_start3A_92, %dma_start3A_93] : memref<1024x32xf32, #tpu.memory_space<vmem>> -> memref<128x32xf32, #tpu.memory_space<vmem>>
    %dma_start3A_95 = arith.constant 1408 : i32
    %dma_start3A_96 = tpu.memref_slice %arg9[%dma_start3A_95] : memref<5120xi32, #tpu.memory_space<vmem>> -> memref<128xi32, #tpu.memory_space<vmem>>
    %dma_start3A_97 = arith.constant 0 : i32
    %dma_start3A_98 = arith.constant 0 : i32
    %dma_start3A_99 = tpu.memref_slice %arg2[%dma_start3A_97, %dma_start3A_98] : memref<10000x32xf32, #tpu.memory_space<hbm>> -> memref<10000x32xf32, #tpu.memory_space<hbm>>
    tpu.enqueue_indirect_dma source(%dma_start3A_99 : memref<10000x32xf32, #tpu.memory_space<hbm>>) target(%dma_start3A_94 : memref<128x32xf32, #tpu.memory_space<vmem>>) offsets(%dma_start3A_96 : memref<128xi32, #tpu.memory_space<vmem>>) semaphore(%arg16 : memref<!tpu.dma_semaphore, #tpu.memory_space<semaphore_mem>>)
    %dma_start3A_100 = arith.constant 512 : i32
    %dma_start3A_101 = arith.constant 0 : i32
    %dma_start3A_102 = tpu.memref_slice %arg11[%dma_start3A_100, %dma_start3A_101] : memref<1024x32xf32, #tpu.memory_space<vmem>> -> memref<128x32xf32, #tpu.memory_space<vmem>>
    %dma_start3A_103 = arith.constant 1536 : i32
    %dma_start3A_104 = tpu.memref_slice %arg9[%dma_start3A_103] : memref<5120xi32, #tpu.memory_space<vmem>> -> memref<128xi32, #tpu.memory_space<vmem>>
    %dma_start3A_105 = arith.constant 0 : i32
    %dma_start3A_106 = arith.constant 0 : i32
    %dma_start3A_107 = tpu.memref_slice %arg2[%dma_start3A_105, %dma_start3A_106] : memref<10000x32xf32, #tpu.memory_space<hbm>> -> memref<10000x32xf32, #tpu.memory_space<hbm>>
    tpu.enqueue_indirect_dma source(%dma_start3A_107 : memref<10000x32xf32, #tpu.memory_space<hbm>>) target(%dma_start3A_102 : memref<128x32xf32, #tpu.memory_space<vmem>>) offsets(%dma_start3A_104 : memref<128xi32, #tpu.memory_space<vmem>>) semaphore(%arg16 : memref<!tpu.dma_semaphore, #tpu.memory_space<semaphore_mem>>)
    %dma_start3A_108 = arith.constant 640 : i32
    %dma_start3A_109 = arith.constant 0 : i32
    %dma_start3A_110 = tpu.memref_slice %arg11[%dma_start3A_108, %dma_start3A_109] : memref<1024x32xf32, #tpu.memory_space<vmem>> -> memref<128x32xf32, #tpu.memory_space<vmem>>
    %dma_start3A_111 = arith.constant 1664 : i32
    %dma_start3A_112 = tpu.memref_slice %arg9[%dma_start3A_111] : memref<5120xi32, #tpu.memory_space<vmem>> -> memref<128xi32, #tpu.memory_space<vmem>>
    %dma_start3A_113 = arith.constant 0 : i32
    %dma_start3A_114 = arith.constant 0 : i32
    %dma_start3A_115 = tpu.memref_slice %arg2[%dma_start3A_113, %dma_start3A_114] : memref<10000x32xf32, #tpu.memory_space<hbm>> -> memref<10000x32xf32, #tpu.memory_space<hbm>>
    tpu.enqueue_indirect_dma source(%dma_start3A_115 : memref<10000x32xf32, #tpu.memory_space<hbm>>) target(%dma_start3A_110 : memref<128x32xf32, #tpu.memory_space<vmem>>) offsets(%dma_start3A_112 : memref<128xi32, #tpu.memory_space<vmem>>) semaphore(%arg16 : memref<!tpu.dma_semaphore, #tpu.memory_space<semaphore_mem>>)
    %dma_start3A_116 = arith.constant 768 : i32
    %dma_start3A_117 = arith.constant 0 : i32
    %dma_start3A_118 = tpu.memref_slice %arg11[%dma_start3A_116, %dma_start3A_117] : memref<1024x32xf32, #tpu.memory_space<vmem>> -> memref<128x32xf32, #tpu.memory_space<vmem>>
    %dma_start3A_119 = arith.constant 1792 : i32
    %dma_start3A_120 = tpu.memref_slice %arg9[%dma_start3A_119] : memref<5120xi32, #tpu.memory_space<vmem>> -> memref<128xi32, #tpu.memory_space<vmem>>
    %dma_start3A_121 = arith.constant 0 : i32
    %dma_start3A_122 = arith.constant 0 : i32
    %dma_start3A_123 = tpu.memref_slice %arg2[%dma_start3A_121, %dma_start3A_122] : memref<10000x32xf32, #tpu.memory_space<hbm>> -> memref<10000x32xf32, #tpu.memory_space<hbm>>
    tpu.enqueue_indirect_dma source(%dma_start3A_123 : memref<10000x32xf32, #tpu.memory_space<hbm>>) target(%dma_start3A_118 : memref<128x32xf32, #tpu.memory_space<vmem>>) offsets(%dma_start3A_120 : memref<128xi32, #tpu.memory_space<vmem>>) semaphore(%arg16 : memref<!tpu.dma_semaphore, #tpu.memory_space<semaphore_mem>>)
    %dma_start3A_124 = arith.constant 896 : i32
    %dma_start3A_125 = arith.constant 0 : i32
    %dma_start3A_126 = tpu.memref_slice %arg11[%dma_start3A_124, %dma_start3A_125] : memref<1024x32xf32, #tpu.memory_space<vmem>> -> memref<128x32xf32, #tpu.memory_space<vmem>>
    %dma_start3A_127 = arith.constant 1920 : i32
    %dma_start3A_128 = tpu.memref_slice %arg9[%dma_start3A_127] : memref<5120xi32, #tpu.memory_space<vmem>> -> memref<128xi32, #tpu.memory_space<vmem>>
    %dma_start3A_129 = arith.constant 0 : i32
    %dma_start3A_130 = arith.constant 0 : i32
    %dma_start3A_131 = tpu.memref_slice %arg2[%dma_start3A_129, %dma_start3A_130] : memref<10000x32xf32, #tpu.memory_space<hbm>> -> memref<10000x32xf32, #tpu.memory_space<hbm>>
    tpu.enqueue_indirect_dma source(%dma_start3A_131 : memref<10000x32xf32, #tpu.memory_space<hbm>>) target(%dma_start3A_126 : memref<128x32xf32, #tpu.memory_space<vmem>>) offsets(%dma_start3A_128 : memref<128xi32, #tpu.memory_space<vmem>>) semaphore(%arg16 : memref<!tpu.dma_semaphore, #tpu.memory_space<semaphore_mem>>)
    %dma_wait3A = arith.constant 0 : i32
    %dma_wait3A_132 = arith.constant 0 : i32
    %dma_wait3A_133 = tpu.memref_slice %arg10[%dma_wait3A, %dma_wait3A_132] : memref<1024x32xf32, #tpu.memory_space<vmem>> -> memref<128x32xf32, #tpu.memory_space<vmem>>
    %dma_wait3A_134 = arith.constant 0 : i32
    %dma_wait3A_135 = tpu.memref_slice %arg9[%dma_wait3A_134] : memref<5120xi32, #tpu.memory_space<vmem>> -> memref<128xi32, #tpu.memory_space<vmem>>
    %dma_wait3A_136 = arith.constant 0 : i32
    %dma_wait3A_137 = arith.constant 0 : i32
    %dma_wait3A_138 = tpu.memref_slice %arg2[%dma_wait3A_136, %dma_wait3A_137] : memref<10000x32xf32, #tpu.memory_space<hbm>> -> memref<10000x32xf32, #tpu.memory_space<hbm>>
    tpu.wait_indirect_dma semaphore(%arg15 : memref<!tpu.dma_semaphore, #tpu.memory_space<semaphore_mem>>) src(%dma_wait3A_138 : memref<10000x32xf32, #tpu.memory_space<hbm>>) dst(%dma_wait3A_133 : memref<128x32xf32, #tpu.memory_space<vmem>>)
    %dma_wait3A_139 = arith.constant 128 : i32
    %dma_wait3A_140 = arith.constant 0 : i32
    %dma_wait3A_141 = tpu.memref_slice %arg10[%dma_wait3A_139, %dma_wait3A_140] : memref<1024x32xf32, #tpu.memory_space<vmem>> -> memref<128x32xf32, #tpu.memory_space<vmem>>
    %dma_wait3A_142 = arith.constant 128 : i32
    %dma_wait3A_143 = tpu.memref_slice %arg9[%dma_wait3A_142] : memref<5120xi32, #tpu.memory_space<vmem>> -> memref<128xi32, #tpu.memory_space<vmem>>
    %dma_wait3A_144 = arith.constant 0 : i32
    %dma_wait3A_145 = arith.constant 0 : i32
    %dma_wait3A_146 = tpu.memref_slice %arg2[%dma_wait3A_144, %dma_wait3A_145] : memref<10000x32xf32, #tpu.memory_space<hbm>> -> memref<10000x32xf32, #tpu.memory_space<hbm>>
    tpu.wait_indirect_dma semaphore(%arg15 : memref<!tpu.dma_semaphore, #tpu.memory_space<semaphore_mem>>) src(%dma_wait3A_146 : memref<10000x32xf32, #tpu.memory_space<hbm>>) dst(%dma_wait3A_141 : memref<128x32xf32, #tpu.memory_space<vmem>>)
    %dma_wait3A_147 = arith.constant 256 : i32
    %dma_wait3A_148 = arith.constant 0 : i32
    %dma_wait3A_149 = tpu.memref_slice %arg10[%dma_wait3A_147, %dma_wait3A_148] : memref<1024x32xf32, #tpu.memory_space<vmem>> -> memref<128x32xf32, #tpu.memory_space<vmem>>
    %dma_wait3A_150 = arith.constant 256 : i32
    %dma_wait3A_151 = tpu.memref_slice %arg9[%dma_wait3A_150] : memref<5120xi32, #tpu.memory_space<vmem>> -> memref<128xi32, #tpu.memory_space<vmem>>
    %dma_wait3A_152 = arith.constant 0 : i32
    %dma_wait3A_153 = arith.constant 0 : i32
    %dma_wait3A_154 = tpu.memref_slice %arg2[%dma_wait3A_152, %dma_wait3A_153] : memref<10000x32xf32, #tpu.memory_space<hbm>> -> memref<10000x32xf32, #tpu.memory_space<hbm>>
    tpu.wait_indirect_dma semaphore(%arg15 : memref<!tpu.dma_semaphore, #tpu.memory_space<semaphore_mem>>) src(%dma_wait3A_154 : memref<10000x32xf32, #tpu.memory_space<hbm>>) dst(%dma_wait3A_149 : memref<128x32xf32, #tpu.memory_space<vmem>>)
    %dma_wait3A_155 = arith.constant 384 : i32
    %dma_wait3A_156 = arith.constant 0 : i32
    %dma_wait3A_157 = tpu.memref_slice %arg10[%dma_wait3A_155, %dma_wait3A_156] : memref<1024x32xf32, #tpu.memory_space<vmem>> -> memref<128x32xf32, #tpu.memory_space<vmem>>
    %dma_wait3A_158 = arith.constant 384 : i32
    %dma_wait3A_159 = tpu.memref_slice %arg9[%dma_wait3A_158] : memref<5120xi32, #tpu.memory_space<vmem>> -> memref<128xi32, #tpu.memory_space<vmem>>
    %dma_wait3A_160 = arith.constant 0 : i32
    %dma_wait3A_161 = arith.constant 0 : i32
    %dma_wait3A_162 = tpu.memref_slice %arg2[%dma_wait3A_160, %dma_wait3A_161] : memref<10000x32xf32, #tpu.memory_space<hbm>> -> memref<10000x32xf32, #tpu.memory_space<hbm>>
    tpu.wait_indirect_dma semaphore(%arg15 : memref<!tpu.dma_semaphore, #tpu.memory_space<semaphore_mem>>) src(%dma_wait3A_162 : memref<10000x32xf32, #tpu.memory_space<hbm>>) dst(%dma_wait3A_157 : memref<128x32xf32, #tpu.memory_space<vmem>>)
    %dma_wait3A_163 = arith.constant 512 : i32
    %dma_wait3A_164 = arith.constant 0 : i32
    %dma_wait3A_165 = tpu.memref_slice %arg10[%dma_wait3A_163, %dma_wait3A_164] : memref<1024x32xf32, #tpu.memory_space<vmem>> -> memref<128x32xf32, #tpu.memory_space<vmem>>
    %dma_wait3A_166 = arith.constant 512 : i32
    %dma_wait3A_167 = tpu.memref_slice %arg9[%dma_wait3A_166] : memref<5120xi32, #tpu.memory_space<vmem>> -> memref<128xi32, #tpu.memory_space<vmem>>
    %dma_wait3A_168 = arith.constant 0 : i32
    %dma_wait3A_169 = arith.constant 0 : i32
    %dma_wait3A_170 = tpu.memref_slice %arg2[%dma_wait3A_168, %dma_wait3A_169] : memref<10000x32xf32, #tpu.memory_space<hbm>> -> memref<10000x32xf32, #tpu.memory_space<hbm>>
    tpu.wait_indirect_dma semaphore(%arg15 : memref<!tpu.dma_semaphore, #tpu.memory_space<semaphore_mem>>) src(%dma_wait3A_170 : memref<10000x32xf32, #tpu.memory_space<hbm>>) dst(%dma_wait3A_165 : memref<128x32xf32, #tpu.memory_space<vmem>>)
    %dma_wait3A_171 = arith.constant 640 : i32
    %dma_wait3A_172 = arith.constant 0 : i32
    %dma_wait3A_173 = tpu.memref_slice %arg10[%dma_wait3A_171, %dma_wait3A_172] : memref<1024x32xf32, #tpu.memory_space<vmem>> -> memref<128x32xf32, #tpu.memory_space<vmem>>
    %dma_wait3A_174 = arith.constant 640 : i32
    %dma_wait3A_175 = tpu.memref_slice %arg9[%dma_wait3A_174] : memref<5120xi32, #tpu.memory_space<vmem>> -> memref<128xi32, #tpu.memory_space<vmem>>
    %dma_wait3A_176 = arith.constant 0 : i32
    %dma_wait3A_177 = arith.constant 0 : i32
    %dma_wait3A_178 = tpu.memref_slice %arg2[%dma_wait3A_176, %dma_wait3A_177] : memref<10000x32xf32, #tpu.memory_space<hbm>> -> memref<10000x32xf32, #tpu.memory_space<hbm>>
    tpu.wait_indirect_dma semaphore(%arg15 : memref<!tpu.dma_semaphore, #tpu.memory_space<semaphore_mem>>) src(%dma_wait3A_178 : memref<10000x32xf32, #tpu.memory_space<hbm>>) dst(%dma_wait3A_173 : memref<128x32xf32, #tpu.memory_space<vmem>>)
    %dma_wait3A_179 = arith.constant 768 : i32
    %dma_wait3A_180 = arith.constant 0 : i32
    %dma_wait3A_181 = tpu.memref_slice %arg10[%dma_wait3A_179, %dma_wait3A_180] : memref<1024x32xf32, #tpu.memory_space<vmem>> -> memref<128x32xf32, #tpu.memory_space<vmem>>
    %dma_wait3A_182 = arith.constant 768 : i32
    %dma_wait3A_183 = tpu.memref_slice %arg9[%dma_wait3A_182] : memref<5120xi32, #tpu.memory_space<vmem>> -> memref<128xi32, #tpu.memory_space<vmem>>
    %dma_wait3A_184 = arith.constant 0 : i32
    %dma_wait3A_185 = arith.constant 0 : i32
    %dma_wait3A_186 = tpu.memref_slice %arg2[%dma_wait3A_184, %dma_wait3A_185] : memref<10000x32xf32, #tpu.memory_space<hbm>> -> memref<10000x32xf32, #tpu.memory_space<hbm>>
    tpu.wait_indirect_dma semaphore(%arg15 : memref<!tpu.dma_semaphore, #tpu.memory_space<semaphore_mem>>) src(%dma_wait3A_186 : memref<10000x32xf32, #tpu.memory_space<hbm>>) dst(%dma_wait3A_181 : memref<128x32xf32, #tpu.memory_space<vmem>>)
    %dma_wait3A_187 = arith.constant 896 : i32
    %dma_wait3A_188 = arith.constant 0 : i32
    %dma_wait3A_189 = tpu.memref_slice %arg10[%dma_wait3A_187, %dma_wait3A_188] : memref<1024x32xf32, #tpu.memory_space<vmem>> -> memref<128x32xf32, #tpu.memory_space<vmem>>
    %dma_wait3A_190 = arith.constant 896 : i32
    %dma_wait3A_191 = tpu.memref_slice %arg9[%dma_wait3A_190] : memref<5120xi32, #tpu.memory_space<vmem>> -> memref<128xi32, #tpu.memory_space<vmem>>
    %dma_wait3A_192 = arith.constant 0 : i32
    %dma_wait3A_193 = arith.constant 0 : i32
    %dma_wait3A_194 = tpu.memref_slice %arg2[%dma_wait3A_192, %dma_wait3A_193] : memref<10000x32xf32, #tpu.memory_space<hbm>> -> memref<10000x32xf32, #tpu.memory_space<hbm>>
    tpu.wait_indirect_dma semaphore(%arg15 : memref<!tpu.dma_semaphore, #tpu.memory_space<semaphore_mem>>) src(%dma_wait3A_194 : memref<10000x32xf32, #tpu.memory_space<hbm>>) dst(%dma_wait3A_189 : memref<128x32xf32, #tpu.memory_space<vmem>>)
    %add3A_195 = arith.constant 0 : i32
    %add3A_196 = arith.addi %mul3A_2, %add3A_195 : i32
    "tpu.region"() ({
      %run_scoped3A = tpu.sem_alloc : memref<!tpu.dma_semaphore, #tpu.memory_space<semaphore_mem>>
      %dma_start3A_1218 = arith.constant 0 : i32
      %dma_start3A_1219 = tpu.memref_slice %arg7[%add3A_196, %dma_start3A_1218] : memref<163840x32xf32, #tpu.memory_space<hbm>> -> memref<1024x32xf32, #tpu.memory_space<hbm>>
      %dma_start3A_1220 = arith.constant 0 : i32
      %dma_start3A_1221 = tpu.memref_slice %arg7[%add3A_196, %dma_start3A_1220] : memref<163840x32xf32, #tpu.memory_space<hbm>> -> memref<1024x32xf32, #tpu.memory_space<hbm>>
      tpu.enqueue_dma source(%arg10 : memref<1024x32xf32, #tpu.memory_space<vmem>>) target(%dma_start3A_1221 : memref<1024x32xf32, #tpu.memory_space<hbm>>) target_semaphore(%run_scoped3A : memref<!tpu.dma_semaphore, #tpu.memory_space<semaphore_mem>>)
      %dma_wait3A_1222 = arith.constant 0 : i32
      %dma_wait3A_1223 = tpu.memref_slice %arg7[%add3A_196, %dma_wait3A_1222] : memref<163840x32xf32, #tpu.memory_space<hbm>> -> memref<1024x32xf32, #tpu.memory_space<hbm>>
      %dma_wait3A_1224 = arith.constant 0 : i32
      %dma_wait3A_1225 = tpu.memref_slice %arg7[%add3A_196, %dma_wait3A_1224] : memref<163840x32xf32, #tpu.memory_space<hbm>> -> memref<1024x32xf32, #tpu.memory_space<hbm>>
      tpu.wait_dma2 semaphore(%run_scoped3A : memref<!tpu.dma_semaphore, #tpu.memory_space<semaphore_mem>>) src(%arg10 : memref<1024x32xf32, #tpu.memory_space<vmem>>) dst(%dma_wait3A_1225 : memref<1024x32xf32, #tpu.memory_space<hbm>>)
      tpu.yield
    }) : () -> ()
    %dma_start3A_197 = arith.constant 0 : i32
    %dma_start3A_198 = arith.constant 0 : i32
    %dma_start3A_199 = tpu.memref_slice %arg10[%dma_start3A_197, %dma_start3A_198] : memref<1024x32xf32, #tpu.memory_space<vmem>> -> memref<128x32xf32, #tpu.memory_space<vmem>>
    %dma_start3A_200 = arith.constant 2048 : i32
    %dma_start3A_201 = tpu.memref_slice %arg9[%dma_start3A_200] : memref<5120xi32, #tpu.memory_space<vmem>> -> memref<128xi32, #tpu.memory_space<vmem>>
    %dma_start3A_202 = arith.constant 0 : i32
    %dma_start3A_203 = arith.constant 0 : i32
    %dma_start3A_204 = tpu.memref_slice %arg2[%dma_start3A_202, %dma_start3A_203] : memref<10000x32xf32, #tpu.memory_space<hbm>> -> memref<10000x32xf32, #tpu.memory_space<hbm>>
    tpu.enqueue_indirect_dma source(%dma_start3A_204 : memref<10000x32xf32, #tpu.memory_space<hbm>>) target(%dma_start3A_199 : memref<128x32xf32, #tpu.memory_space<vmem>>) offsets(%dma_start3A_201 : memref<128xi32, #tpu.memory_space<vmem>>) semaphore(%arg15 : memref<!tpu.dma_semaphore, #tpu.memory_space<semaphore_mem>>)
    %dma_start3A_205 = arith.constant 128 : i32
    %dma_start3A_206 = arith.constant 0 : i32
    %dma_start3A_207 = tpu.memref_slice %arg10[%dma_start3A_205, %dma_start3A_206] : memref<1024x32xf32, #tpu.memory_space<vmem>> -> memref<128x32xf32, #tpu.memory_space<vmem>>
    %dma_start3A_208 = arith.constant 2176 : i32
    %dma_start3A_209 = tpu.memref_slice %arg9[%dma_start3A_208] : memref<5120xi32, #tpu.memory_space<vmem>> -> memref<128xi32, #tpu.memory_space<vmem>>
    %dma_start3A_210 = arith.constant 0 : i32
    %dma_start3A_211 = arith.constant 0 : i32
    %dma_start3A_212 = tpu.memref_slice %arg2[%dma_start3A_210, %dma_start3A_211] : memref<10000x32xf32, #tpu.memory_space<hbm>> -> memref<10000x32xf32, #tpu.memory_space<hbm>>
    tpu.enqueue_indirect_dma source(%dma_start3A_212 : memref<10000x32xf32, #tpu.memory_space<hbm>>) target(%dma_start3A_207 : memref<128x32xf32, #tpu.memory_space<vmem>>) offsets(%dma_start3A_209 : memref<128xi32, #tpu.memory_space<vmem>>) semaphore(%arg15 : memref<!tpu.dma_semaphore, #tpu.memory_space<semaphore_mem>>)
    %dma_start3A_213 = arith.constant 256 : i32
    %dma_start3A_214 = arith.constant 0 : i32
    %dma_start3A_215 = tpu.memref_slice %arg10[%dma_start3A_213, %dma_start3A_214] : memref<1024x32xf32, #tpu.memory_space<vmem>> -> memref<128x32xf32, #tpu.memory_space<vmem>>
    %dma_start3A_216 = arith.constant 2304 : i32
    %dma_start3A_217 = tpu.memref_slice %arg9[%dma_start3A_216] : memref<5120xi32, #tpu.memory_space<vmem>> -> memref<128xi32, #tpu.memory_space<vmem>>
    %dma_start3A_218 = arith.constant 0 : i32
    %dma_start3A_219 = arith.constant 0 : i32
    %dma_start3A_220 = tpu.memref_slice %arg2[%dma_start3A_218, %dma_start3A_219] : memref<10000x32xf32, #tpu.memory_space<hbm>> -> memref<10000x32xf32, #tpu.memory_space<hbm>>
    tpu.enqueue_indirect_dma source(%dma_start3A_220 : memref<10000x32xf32, #tpu.memory_space<hbm>>) target(%dma_start3A_215 : memref<128x32xf32, #tpu.memory_space<vmem>>) offsets(%dma_start3A_217 : memref<128xi32, #tpu.memory_space<vmem>>) semaphore(%arg15 : memref<!tpu.dma_semaphore, #tpu.memory_space<semaphore_mem>>)
    %dma_start3A_221 = arith.constant 384 : i32
    %dma_start3A_222 = arith.constant 0 : i32
    %dma_start3A_223 = tpu.memref_slice %arg10[%dma_start3A_221, %dma_start3A_222] : memref<1024x32xf32, #tpu.memory_space<vmem>> -> memref<128x32xf32, #tpu.memory_space<vmem>>
    %dma_start3A_224 = arith.constant 2432 : i32
    %dma_start3A_225 = tpu.memref_slice %arg9[%dma_start3A_224] : memref<5120xi32, #tpu.memory_space<vmem>> -> memref<128xi32, #tpu.memory_space<vmem>>
    %dma_start3A_226 = arith.constant 0 : i32
    %dma_start3A_227 = arith.constant 0 : i32
    %dma_start3A_228 = tpu.memref_slice %arg2[%dma_start3A_226, %dma_start3A_227] : memref<10000x32xf32, #tpu.memory_space<hbm>> -> memref<10000x32xf32, #tpu.memory_space<hbm>>
    tpu.enqueue_indirect_dma source(%dma_start3A_228 : memref<10000x32xf32, #tpu.memory_space<hbm>>) target(%dma_start3A_223 : memref<128x32xf32, #tpu.memory_space<vmem>>) offsets(%dma_start3A_225 : memref<128xi32, #tpu.memory_space<vmem>>) semaphore(%arg15 : memref<!tpu.dma_semaphore, #tpu.memory_space<semaphore_mem>>)
    %dma_start3A_229 = arith.constant 512 : i32
    %dma_start3A_230 = arith.constant 0 : i32
    %dma_start3A_231 = tpu.memref_slice %arg10[%dma_start3A_229, %dma_start3A_230] : memref<1024x32xf32, #tpu.memory_space<vmem>> -> memref<128x32xf32, #tpu.memory_space<vmem>>
    %dma_start3A_232 = arith.constant 2560 : i32
    %dma_start3A_233 = tpu.memref_slice %arg9[%dma_start3A_232] : memref<5120xi32, #tpu.memory_space<vmem>> -> memref<128xi32, #tpu.memory_space<vmem>>
    %dma_start3A_234 = arith.constant 0 : i32
    %dma_start3A_235 = arith.constant 0 : i32
    %dma_start3A_236 = tpu.memref_slice %arg2[%dma_start3A_234, %dma_start3A_235] : memref<10000x32xf32, #tpu.memory_space<hbm>> -> memref<10000x32xf32, #tpu.memory_space<hbm>>
    tpu.enqueue_indirect_dma source(%dma_start3A_236 : memref<10000x32xf32, #tpu.memory_space<hbm>>) target(%dma_start3A_231 : memref<128x32xf32, #tpu.memory_space<vmem>>) offsets(%dma_start3A_233 : memref<128xi32, #tpu.memory_space<vmem>>) semaphore(%arg15 : memref<!tpu.dma_semaphore, #tpu.memory_space<semaphore_mem>>)
    %dma_start3A_237 = arith.constant 640 : i32
    %dma_start3A_238 = arith.constant 0 : i32
    %dma_start3A_239 = tpu.memref_slice %arg10[%dma_start3A_237, %dma_start3A_238] : memref<1024x32xf32, #tpu.memory_space<vmem>> -> memref<128x32xf32, #tpu.memory_space<vmem>>
    %dma_start3A_240 = arith.constant 2688 : i32
    %dma_start3A_241 = tpu.memref_slice %arg9[%dma_start3A_240] : memref<5120xi32, #tpu.memory_space<vmem>> -> memref<128xi32, #tpu.memory_space<vmem>>
    %dma_start3A_242 = arith.constant 0 : i32
    %dma_start3A_243 = arith.constant 0 : i32
    %dma_start3A_244 = tpu.memref_slice %arg2[%dma_start3A_242, %dma_start3A_243] : memref<10000x32xf32, #tpu.memory_space<hbm>> -> memref<10000x32xf32, #tpu.memory_space<hbm>>
    tpu.enqueue_indirect_dma source(%dma_start3A_244 : memref<10000x32xf32, #tpu.memory_space<hbm>>) target(%dma_start3A_239 : memref<128x32xf32, #tpu.memory_space<vmem>>) offsets(%dma_start3A_241 : memref<128xi32, #tpu.memory_space<vmem>>) semaphore(%arg15 : memref<!tpu.dma_semaphore, #tpu.memory_space<semaphore_mem>>)
    %dma_start3A_245 = arith.constant 768 : i32
    %dma_start3A_246 = arith.constant 0 : i32
    %dma_start3A_247 = tpu.memref_slice %arg10[%dma_start3A_245, %dma_start3A_246] : memref<1024x32xf32, #tpu.memory_space<vmem>> -> memref<128x32xf32, #tpu.memory_space<vmem>>
    %dma_start3A_248 = arith.constant 2816 : i32
    %dma_start3A_249 = tpu.memref_slice %arg9[%dma_start3A_248] : memref<5120xi32, #tpu.memory_space<vmem>> -> memref<128xi32, #tpu.memory_space<vmem>>
    %dma_start3A_250 = arith.constant 0 : i32
    %dma_start3A_251 = arith.constant 0 : i32
    %dma_start3A_252 = tpu.memref_slice %arg2[%dma_start3A_250, %dma_start3A_251] : memref<10000x32xf32, #tpu.memory_space<hbm>> -> memref<10000x32xf32, #tpu.memory_space<hbm>>
    tpu.enqueue_indirect_dma source(%dma_start3A_252 : memref<10000x32xf32, #tpu.memory_space<hbm>>) target(%dma_start3A_247 : memref<128x32xf32, #tpu.memory_space<vmem>>) offsets(%dma_start3A_249 : memref<128xi32, #tpu.memory_space<vmem>>) semaphore(%arg15 : memref<!tpu.dma_semaphore, #tpu.memory_space<semaphore_mem>>)
    %dma_start3A_253 = arith.constant 896 : i32
    %dma_start3A_254 = arith.constant 0 : i32
    %dma_start3A_255 = tpu.memref_slice %arg10[%dma_start3A_253, %dma_start3A_254] : memref<1024x32xf32, #tpu.memory_space<vmem>> -> memref<128x32xf32, #tpu.memory_space<vmem>>
    %dma_start3A_256 = arith.constant 2944 : i32
    %dma_start3A_257 = tpu.memref_slice %arg9[%dma_start3A_256] : memref<5120xi32, #tpu.memory_space<vmem>> -> memref<128xi32, #tpu.memory_space<vmem>>
    %dma_start3A_258 = arith.constant 0 : i32
    %dma_start3A_259 = arith.constant 0 : i32
    %dma_start3A_260 = tpu.memref_slice %arg2[%dma_start3A_258, %dma_start3A_259] : memref<10000x32xf32, #tpu.memory_space<hbm>> -> memref<10000x32xf32, #tpu.memory_space<hbm>>
    tpu.enqueue_indirect_dma source(%dma_start3A_260 : memref<10000x32xf32, #tpu.memory_space<hbm>>) target(%dma_start3A_255 : memref<128x32xf32, #tpu.memory_space<vmem>>) offsets(%dma_start3A_257 : memref<128xi32, #tpu.memory_space<vmem>>) semaphore(%arg15 : memref<!tpu.dma_semaphore, #tpu.memory_space<semaphore_mem>>)
    %dma_wait3A_261 = arith.constant 0 : i32
    %dma_wait3A_262 = arith.constant 0 : i32
    %dma_wait3A_263 = tpu.memref_slice %arg11[%dma_wait3A_261, %dma_wait3A_262] : memref<1024x32xf32, #tpu.memory_space<vmem>> -> memref<128x32xf32, #tpu.memory_space<vmem>>
    %dma_wait3A_264 = arith.constant 1024 : i32
    %dma_wait3A_265 = tpu.memref_slice %arg9[%dma_wait3A_264] : memref<5120xi32, #tpu.memory_space<vmem>> -> memref<128xi32, #tpu.memory_space<vmem>>
    %dma_wait3A_266 = arith.constant 0 : i32
    %dma_wait3A_267 = arith.constant 0 : i32
    %dma_wait3A_268 = tpu.memref_slice %arg2[%dma_wait3A_266, %dma_wait3A_267] : memref<10000x32xf32, #tpu.memory_space<hbm>> -> memref<10000x32xf32, #tpu.memory_space<hbm>>
    tpu.wait_indirect_dma semaphore(%arg16 : memref<!tpu.dma_semaphore, #tpu.memory_space<semaphore_mem>>) src(%dma_wait3A_268 : memref<10000x32xf32, #tpu.memory_space<hbm>>) dst(%dma_wait3A_263 : memref<128x32xf32, #tpu.memory_space<vmem>>)
    %dma_wait3A_269 = arith.constant 128 : i32
    %dma_wait3A_270 = arith.constant 0 : i32
    %dma_wait3A_271 = tpu.memref_slice %arg11[%dma_wait3A_269, %dma_wait3A_270] : memref<1024x32xf32, #tpu.memory_space<vmem>> -> memref<128x32xf32, #tpu.memory_space<vmem>>
    %dma_wait3A_272 = arith.constant 1152 : i32
    %dma_wait3A_273 = tpu.memref_slice %arg9[%dma_wait3A_272] : memref<5120xi32, #tpu.memory_space<vmem>> -> memref<128xi32, #tpu.memory_space<vmem>>
    %dma_wait3A_274 = arith.constant 0 : i32
    %dma_wait3A_275 = arith.constant 0 : i32
    %dma_wait3A_276 = tpu.memref_slice %arg2[%dma_wait3A_274, %dma_wait3A_275] : memref<10000x32xf32, #tpu.memory_space<hbm>> -> memref<10000x32xf32, #tpu.memory_space<hbm>>
    tpu.wait_indirect_dma semaphore(%arg16 : memref<!tpu.dma_semaphore, #tpu.memory_space<semaphore_mem>>) src(%dma_wait3A_276 : memref<10000x32xf32, #tpu.memory_space<hbm>>) dst(%dma_wait3A_271 : memref<128x32xf32, #tpu.memory_space<vmem>>)
    %dma_wait3A_277 = arith.constant 256 : i32
    %dma_wait3A_278 = arith.constant 0 : i32
    %dma_wait3A_279 = tpu.memref_slice %arg11[%dma_wait3A_277, %dma_wait3A_278] : memref<1024x32xf32, #tpu.memory_space<vmem>> -> memref<128x32xf32, #tpu.memory_space<vmem>>
    %dma_wait3A_280 = arith.constant 1280 : i32
    %dma_wait3A_281 = tpu.memref_slice %arg9[%dma_wait3A_280] : memref<5120xi32, #tpu.memory_space<vmem>> -> memref<128xi32, #tpu.memory_space<vmem>>
    %dma_wait3A_282 = arith.constant 0 : i32
    %dma_wait3A_283 = arith.constant 0 : i32
    %dma_wait3A_284 = tpu.memref_slice %arg2[%dma_wait3A_282, %dma_wait3A_283] : memref<10000x32xf32, #tpu.memory_space<hbm>> -> memref<10000x32xf32, #tpu.memory_space<hbm>>
    tpu.wait_indirect_dma semaphore(%arg16 : memref<!tpu.dma_semaphore, #tpu.memory_space<semaphore_mem>>) src(%dma_wait3A_284 : memref<10000x32xf32, #tpu.memory_space<hbm>>) dst(%dma_wait3A_279 : memref<128x32xf32, #tpu.memory_space<vmem>>)
    %dma_wait3A_285 = arith.constant 384 : i32
    %dma_wait3A_286 = arith.constant 0 : i32
    %dma_wait3A_287 = tpu.memref_slice %arg11[%dma_wait3A_285, %dma_wait3A_286] : memref<1024x32xf32, #tpu.memory_space<vmem>> -> memref<128x32xf32, #tpu.memory_space<vmem>>
    %dma_wait3A_288 = arith.constant 1408 : i32
    %dma_wait3A_289 = tpu.memref_slice %arg9[%dma_wait3A_288] : memref<5120xi32, #tpu.memory_space<vmem>> -> memref<128xi32, #tpu.memory_space<vmem>>
    %dma_wait3A_290 = arith.constant 0 : i32
    %dma_wait3A_291 = arith.constant 0 : i32
    %dma_wait3A_292 = tpu.memref_slice %arg2[%dma_wait3A_290, %dma_wait3A_291] : memref<10000x32xf32, #tpu.memory_space<hbm>> -> memref<10000x32xf32, #tpu.memory_space<hbm>>
    tpu.wait_indirect_dma semaphore(%arg16 : memref<!tpu.dma_semaphore, #tpu.memory_space<semaphore_mem>>) src(%dma_wait3A_292 : memref<10000x32xf32, #tpu.memory_space<hbm>>) dst(%dma_wait3A_287 : memref<128x32xf32, #tpu.memory_space<vmem>>)
    %dma_wait3A_293 = arith.constant 512 : i32
    %dma_wait3A_294 = arith.constant 0 : i32
    %dma_wait3A_295 = tpu.memref_slice %arg11[%dma_wait3A_293, %dma_wait3A_294] : memref<1024x32xf32, #tpu.memory_space<vmem>> -> memref<128x32xf32, #tpu.memory_space<vmem>>
    %dma_wait3A_296 = arith.constant 1536 : i32
    %dma_wait3A_297 = tpu.memref_slice %arg9[%dma_wait3A_296] : memref<5120xi32, #tpu.memory_space<vmem>> -> memref<128xi32, #tpu.memory_space<vmem>>
    %dma_wait3A_298 = arith.constant 0 : i32
    %dma_wait3A_299 = arith.constant 0 : i32
    %dma_wait3A_300 = tpu.memref_slice %arg2[%dma_wait3A_298, %dma_wait3A_299] : memref<10000x32xf32, #tpu.memory_space<hbm>> -> memref<10000x32xf32, #tpu.memory_space<hbm>>
    tpu.wait_indirect_dma semaphore(%arg16 : memref<!tpu.dma_semaphore, #tpu.memory_space<semaphore_mem>>) src(%dma_wait3A_300 : memref<10000x32xf32, #tpu.memory_space<hbm>>) dst(%dma_wait3A_295 : memref<128x32xf32, #tpu.memory_space<vmem>>)
    %dma_wait3A_301 = arith.constant 640 : i32
    %dma_wait3A_302 = arith.constant 0 : i32
    %dma_wait3A_303 = tpu.memref_slice %arg11[%dma_wait3A_301, %dma_wait3A_302] : memref<1024x32xf32, #tpu.memory_space<vmem>> -> memref<128x32xf32, #tpu.memory_space<vmem>>
    %dma_wait3A_304 = arith.constant 1664 : i32
    %dma_wait3A_305 = tpu.memref_slice %arg9[%dma_wait3A_304] : memref<5120xi32, #tpu.memory_space<vmem>> -> memref<128xi32, #tpu.memory_space<vmem>>
    %dma_wait3A_306 = arith.constant 0 : i32
    %dma_wait3A_307 = arith.constant 0 : i32
    %dma_wait3A_308 = tpu.memref_slice %arg2[%dma_wait3A_306, %dma_wait3A_307] : memref<10000x32xf32, #tpu.memory_space<hbm>> -> memref<10000x32xf32, #tpu.memory_space<hbm>>
    tpu.wait_indirect_dma semaphore(%arg16 : memref<!tpu.dma_semaphore, #tpu.memory_space<semaphore_mem>>) src(%dma_wait3A_308 : memref<10000x32xf32, #tpu.memory_space<hbm>>) dst(%dma_wait3A_303 : memref<128x32xf32, #tpu.memory_space<vmem>>)
    %dma_wait3A_309 = arith.constant 768 : i32
    %dma_wait3A_310 = arith.constant 0 : i32
    %dma_wait3A_311 = tpu.memref_slice %arg11[%dma_wait3A_309, %dma_wait3A_310] : memref<1024x32xf32, #tpu.memory_space<vmem>> -> memref<128x32xf32, #tpu.memory_space<vmem>>
    %dma_wait3A_312 = arith.constant 1792 : i32
    %dma_wait3A_313 = tpu.memref_slice %arg9[%dma_wait3A_312] : memref<5120xi32, #tpu.memory_space<vmem>> -> memref<128xi32, #tpu.memory_space<vmem>>
    %dma_wait3A_314 = arith.constant 0 : i32
    %dma_wait3A_315 = arith.constant 0 : i32
    %dma_wait3A_316 = tpu.memref_slice %arg2[%dma_wait3A_314, %dma_wait3A_315] : memref<10000x32xf32, #tpu.memory_space<hbm>> -> memref<10000x32xf32, #tpu.memory_space<hbm>>
    tpu.wait_indirect_dma semaphore(%arg16 : memref<!tpu.dma_semaphore, #tpu.memory_space<semaphore_mem>>) src(%dma_wait3A_316 : memref<10000x32xf32, #tpu.memory_space<hbm>>) dst(%dma_wait3A_311 : memref<128x32xf32, #tpu.memory_space<vmem>>)
    %dma_wait3A_317 = arith.constant 896 : i32
    %dma_wait3A_318 = arith.constant 0 : i32
    %dma_wait3A_319 = tpu.memref_slice %arg11[%dma_wait3A_317, %dma_wait3A_318] : memref<1024x32xf32, #tpu.memory_space<vmem>> -> memref<128x32xf32, #tpu.memory_space<vmem>>
    %dma_wait3A_320 = arith.constant 1920 : i32
    %dma_wait3A_321 = tpu.memref_slice %arg9[%dma_wait3A_320] : memref<5120xi32, #tpu.memory_space<vmem>> -> memref<128xi32, #tpu.memory_space<vmem>>
    %dma_wait3A_322 = arith.constant 0 : i32
    %dma_wait3A_323 = arith.constant 0 : i32
    %dma_wait3A_324 = tpu.memref_slice %arg2[%dma_wait3A_322, %dma_wait3A_323] : memref<10000x32xf32, #tpu.memory_space<hbm>> -> memref<10000x32xf32, #tpu.memory_space<hbm>>
    tpu.wait_indirect_dma semaphore(%arg16 : memref<!tpu.dma_semaphore, #tpu.memory_space<semaphore_mem>>) src(%dma_wait3A_324 : memref<10000x32xf32, #tpu.memory_space<hbm>>) dst(%dma_wait3A_319 : memref<128x32xf32, #tpu.memory_space<vmem>>)
    %add3A_325 = arith.constant 1024 : i32
    %add3A_326 = arith.addi %mul3A_2, %add3A_325 : i32
    "tpu.region"() ({
      %run_scoped3A = tpu.sem_alloc : memref<!tpu.dma_semaphore, #tpu.memory_space<semaphore_mem>>
      %dma_start3A_1218 = arith.constant 0 : i32
      %dma_start3A_1219 = tpu.memref_slice %arg7[%add3A_326, %dma_start3A_1218] : memref<163840x32xf32, #tpu.memory_space<hbm>> -> memref<1024x32xf32, #tpu.memory_space<hbm>>
      %dma_start3A_1220 = arith.constant 0 : i32
      %dma_start3A_1221 = tpu.memref_slice %arg7[%add3A_326, %dma_start3A_1220] : memref<163840x32xf32, #tpu.memory_space<hbm>> -> memref<1024x32xf32, #tpu.memory_space<hbm>>
      tpu.enqueue_dma source(%arg11 : memref<1024x32xf32, #tpu.memory_space<vmem>>) target(%dma_start3A_1221 : memref<1024x32xf32, #tpu.memory_space<hbm>>) target_semaphore(%run_scoped3A : memref<!tpu.dma_semaphore, #tpu.memory_space<semaphore_mem>>)
      %dma_wait3A_1222 = arith.constant 0 : i32
      %dma_wait3A_1223 = tpu.memref_slice %arg7[%add3A_326, %dma_wait3A_1222] : memref<163840x32xf32, #tpu.memory_space<hbm>> -> memref<1024x32xf32, #tpu.memory_space<hbm>>
      %dma_wait3A_1224 = arith.constant 0 : i32
      %dma_wait3A_1225 = tpu.memref_slice %arg7[%add3A_326, %dma_wait3A_1224] : memref<163840x32xf32, #tpu.memory_space<hbm>> -> memref<1024x32xf32, #tpu.memory_space<hbm>>
      tpu.wait_dma2 semaphore(%run_scoped3A : memref<!tpu.dma_semaphore, #tpu.memory_space<semaphore_mem>>) src(%arg11 : memref<1024x32xf32, #tpu.memory_space<vmem>>) dst(%dma_wait3A_1225 : memref<1024x32xf32, #tpu.memory_space<hbm>>)
      tpu.yield
    }) : () -> ()
    %dma_start3A_327 = arith.constant 0 : i32
    %dma_start3A_328 = arith.constant 0 : i32
    %dma_start3A_329 = tpu.memref_slice %arg11[%dma_start3A_327, %dma_start3A_328] : memref<1024x32xf32, #tpu.memory_space<vmem>> -> memref<128x32xf32, #tpu.memory_space<vmem>>
    %dma_start3A_330 = arith.constant 3072 : i32
    %dma_start3A_331 = tpu.memref_slice %arg9[%dma_start3A_330] : memref<5120xi32, #tpu.memory_space<vmem>> -> memref<128xi32, #tpu.memory_space<vmem>>
    %dma_start3A_332 = arith.constant 0 : i32
    %dma_start3A_333 = arith.constant 0 : i32
    %dma_start3A_334 = tpu.memref_slice %arg2[%dma_start3A_332, %dma_start3A_333] : memref<10000x32xf32, #tpu.memory_space<hbm>> -> memref<10000x32xf32, #tpu.memory_space<hbm>>
    tpu.enqueue_indirect_dma source(%dma_start3A_334 : memref<10000x32xf32, #tpu.memory_space<hbm>>) target(%dma_start3A_329 : memref<128x32xf32, #tpu.memory_space<vmem>>) offsets(%dma_start3A_331 : memref<128xi32, #tpu.memory_space<vmem>>) semaphore(%arg16 : memref<!tpu.dma_semaphore, #tpu.memory_space<semaphore_mem>>)
    %dma_start3A_335 = arith.constant 128 : i32
    %dma_start3A_336 = arith.constant 0 : i32
    %dma_start3A_337 = tpu.memref_slice %arg11[%dma_start3A_335, %dma_start3A_336] : memref<1024x32xf32, #tpu.memory_space<vmem>> -> memref<128x32xf32, #tpu.memory_space<vmem>>
    %dma_start3A_338 = arith.constant 3200 : i32
    %dma_start3A_339 = tpu.memref_slice %arg9[%dma_start3A_338] : memref<5120xi32, #tpu.memory_space<vmem>> -> memref<128xi32, #tpu.memory_space<vmem>>
    %dma_start3A_340 = arith.constant 0 : i32
    %dma_start3A_341 = arith.constant 0 : i32
    %dma_start3A_342 = tpu.memref_slice %arg2[%dma_start3A_340, %dma_start3A_341] : memref<10000x32xf32, #tpu.memory_space<hbm>> -> memref<10000x32xf32, #tpu.memory_space<hbm>>
    tpu.enqueue_indirect_dma source(%dma_start3A_342 : memref<10000x32xf32, #tpu.memory_space<hbm>>) target(%dma_start3A_337 : memref<128x32xf32, #tpu.memory_space<vmem>>) offsets(%dma_start3A_339 : memref<128xi32, #tpu.memory_space<vmem>>) semaphore(%arg16 : memref<!tpu.dma_semaphore, #tpu.memory_space<semaphore_mem>>)
    %dma_start3A_343 = arith.constant 256 : i32
    %dma_start3A_344 = arith.constant 0 : i32
    %dma_start3A_345 = tpu.memref_slice %arg11[%dma_start3A_343, %dma_start3A_344] : memref<1024x32xf32, #tpu.memory_space<vmem>> -> memref<128x32xf32, #tpu.memory_space<vmem>>
    %dma_start3A_346 = arith.constant 3328 : i32
    %dma_start3A_347 = tpu.memref_slice %arg9[%dma_start3A_346] : memref<5120xi32, #tpu.memory_space<vmem>> -> memref<128xi32, #tpu.memory_space<vmem>>
    %dma_start3A_348 = arith.constant 0 : i32
    %dma_start3A_349 = arith.constant 0 : i32
    %dma_start3A_350 = tpu.memref_slice %arg2[%dma_start3A_348, %dma_start3A_349] : memref<10000x32xf32, #tpu.memory_space<hbm>> -> memref<10000x32xf32, #tpu.memory_space<hbm>>
    tpu.enqueue_indirect_dma source(%dma_start3A_350 : memref<10000x32xf32, #tpu.memory_space<hbm>>) target(%dma_start3A_345 : memref<128x32xf32, #tpu.memory_space<vmem>>) offsets(%dma_start3A_347 : memref<128xi32, #tpu.memory_space<vmem>>) semaphore(%arg16 : memref<!tpu.dma_semaphore, #tpu.memory_space<semaphore_mem>>)
    %dma_start3A_351 = arith.constant 384 : i32
    %dma_start3A_352 = arith.constant 0 : i32
    %dma_start3A_353 = tpu.memref_slice %arg11[%dma_start3A_351, %dma_start3A_352] : memref<1024x32xf32, #tpu.memory_space<vmem>> -> memref<128x32xf32, #tpu.memory_space<vmem>>
    %dma_start3A_354 = arith.constant 3456 : i32
    %dma_start3A_355 = tpu.memref_slice %arg9[%dma_start3A_354] : memref<5120xi32, #tpu.memory_space<vmem>> -> memref<128xi32, #tpu.memory_space<vmem>>
    %dma_start3A_356 = arith.constant 0 : i32
    %dma_start3A_357 = arith.constant 0 : i32
    %dma_start3A_358 = tpu.memref_slice %arg2[%dma_start3A_356, %dma_start3A_357] : memref<10000x32xf32, #tpu.memory_space<hbm>> -> memref<10000x32xf32, #tpu.memory_space<hbm>>
    tpu.enqueue_indirect_dma source(%dma_start3A_358 : memref<10000x32xf32, #tpu.memory_space<hbm>>) target(%dma_start3A_353 : memref<128x32xf32, #tpu.memory_space<vmem>>) offsets(%dma_start3A_355 : memref<128xi32, #tpu.memory_space<vmem>>) semaphore(%arg16 : memref<!tpu.dma_semaphore, #tpu.memory_space<semaphore_mem>>)
    %dma_start3A_359 = arith.constant 512 : i32
    %dma_start3A_360 = arith.constant 0 : i32
    %dma_start3A_361 = tpu.memref_slice %arg11[%dma_start3A_359, %dma_start3A_360] : memref<1024x32xf32, #tpu.memory_space<vmem>> -> memref<128x32xf32, #tpu.memory_space<vmem>>
    %dma_start3A_362 = arith.constant 3584 : i32
    %dma_start3A_363 = tpu.memref_slice %arg9[%dma_start3A_362] : memref<5120xi32, #tpu.memory_space<vmem>> -> memref<128xi32, #tpu.memory_space<vmem>>
    %dma_start3A_364 = arith.constant 0 : i32
    %dma_start3A_365 = arith.constant 0 : i32
    %dma_start3A_366 = tpu.memref_slice %arg2[%dma_start3A_364, %dma_start3A_365] : memref<10000x32xf32, #tpu.memory_space<hbm>> -> memref<10000x32xf32, #tpu.memory_space<hbm>>
    tpu.enqueue_indirect_dma source(%dma_start3A_366 : memref<10000x32xf32, #tpu.memory_space<hbm>>) target(%dma_start3A_361 : memref<128x32xf32, #tpu.memory_space<vmem>>) offsets(%dma_start3A_363 : memref<128xi32, #tpu.memory_space<vmem>>) semaphore(%arg16 : memref<!tpu.dma_semaphore, #tpu.memory_space<semaphore_mem>>)
    %dma_start3A_367 = arith.constant 640 : i32
    %dma_start3A_368 = arith.constant 0 : i32
    %dma_start3A_369 = tpu.memref_slice %arg11[%dma_start3A_367, %dma_start3A_368] : memref<1024x32xf32, #tpu.memory_space<vmem>> -> memref<128x32xf32, #tpu.memory_space<vmem>>
    %dma_start3A_370 = arith.constant 3712 : i32
    %dma_start3A_371 = tpu.memref_slice %arg9[%dma_start3A_370] : memref<5120xi32, #tpu.memory_space<vmem>> -> memref<128xi32, #tpu.memory_space<vmem>>
    %dma_start3A_372 = arith.constant 0 : i32
    %dma_start3A_373 = arith.constant 0 : i32
    %dma_start3A_374 = tpu.memref_slice %arg2[%dma_start3A_372, %dma_start3A_373] : memref<10000x32xf32, #tpu.memory_space<hbm>> -> memref<10000x32xf32, #tpu.memory_space<hbm>>
    tpu.enqueue_indirect_dma source(%dma_start3A_374 : memref<10000x32xf32, #tpu.memory_space<hbm>>) target(%dma_start3A_369 : memref<128x32xf32, #tpu.memory_space<vmem>>) offsets(%dma_start3A_371 : memref<128xi32, #tpu.memory_space<vmem>>) semaphore(%arg16 : memref<!tpu.dma_semaphore, #tpu.memory_space<semaphore_mem>>)
    %dma_start3A_375 = arith.constant 768 : i32
    %dma_start3A_376 = arith.constant 0 : i32
    %dma_start3A_377 = tpu.memref_slice %arg11[%dma_start3A_375, %dma_start3A_376] : memref<1024x32xf32, #tpu.memory_space<vmem>> -> memref<128x32xf32, #tpu.memory_space<vmem>>
    %dma_start3A_378 = arith.constant 3840 : i32
    %dma_start3A_379 = tpu.memref_slice %arg9[%dma_start3A_378] : memref<5120xi32, #tpu.memory_space<vmem>> -> memref<128xi32, #tpu.memory_space<vmem>>
    %dma_start3A_380 = arith.constant 0 : i32
    %dma_start3A_381 = arith.constant 0 : i32
    %dma_start3A_382 = tpu.memref_slice %arg2[%dma_start3A_380, %dma_start3A_381] : memref<10000x32xf32, #tpu.memory_space<hbm>> -> memref<10000x32xf32, #tpu.memory_space<hbm>>
    tpu.enqueue_indirect_dma source(%dma_start3A_382 : memref<10000x32xf32, #tpu.memory_space<hbm>>) target(%dma_start3A_377 : memref<128x32xf32, #tpu.memory_space<vmem>>) offsets(%dma_start3A_379 : memref<128xi32, #tpu.memory_space<vmem>>) semaphore(%arg16 : memref<!tpu.dma_semaphore, #tpu.memory_space<semaphore_mem>>)
    %dma_start3A_383 = arith.constant 896 : i32
    %dma_start3A_384 = arith.constant 0 : i32
    %dma_start3A_385 = tpu.memref_slice %arg11[%dma_start3A_383, %dma_start3A_384] : memref<1024x32xf32, #tpu.memory_space<vmem>> -> memref<128x32xf32, #tpu.memory_space<vmem>>
    %dma_start3A_386 = arith.constant 3968 : i32
    %dma_start3A_387 = tpu.memref_slice %arg9[%dma_start3A_386] : memref<5120xi32, #tpu.memory_space<vmem>> -> memref<128xi32, #tpu.memory_space<vmem>>
    %dma_start3A_388 = arith.constant 0 : i32
    %dma_start3A_389 = arith.constant 0 : i32
    %dma_start3A_390 = tpu.memref_slice %arg2[%dma_start3A_388, %dma_start3A_389] : memref<10000x32xf32, #tpu.memory_space<hbm>> -> memref<10000x32xf32, #tpu.memory_space<hbm>>
    tpu.enqueue_indirect_dma source(%dma_start3A_390 : memref<10000x32xf32, #tpu.memory_space<hbm>>) target(%dma_start3A_385 : memref<128x32xf32, #tpu.memory_space<vmem>>) offsets(%dma_start3A_387 : memref<128xi32, #tpu.memory_space<vmem>>) semaphore(%arg16 : memref<!tpu.dma_semaphore, #tpu.memory_space<semaphore_mem>>)
    %dma_wait3A_391 = arith.constant 0 : i32
    %dma_wait3A_392 = arith.constant 0 : i32
    %dma_wait3A_393 = tpu.memref_slice %arg10[%dma_wait3A_391, %dma_wait3A_392] : memref<1024x32xf32, #tpu.memory_space<vmem>> -> memref<128x32xf32, #tpu.memory_space<vmem>>
    %dma_wait3A_394 = arith.constant 2048 : i32
    %dma_wait3A_395 = tpu.memref_slice %arg9[%dma_wait3A_394] : memref<5120xi32, #tpu.memory_space<vmem>> -> memref<128xi32, #tpu.memory_space<vmem>>
    %dma_wait3A_396 = arith.constant 0 : i32
    %dma_wait3A_397 = arith.constant 0 : i32
    %dma_wait3A_398 = tpu.memref_slice %arg2[%dma_wait3A_396, %dma_wait3A_397] : memref<10000x32xf32, #tpu.memory_space<hbm>> -> memref<10000x32xf32, #tpu.memory_space<hbm>>
    tpu.wait_indirect_dma semaphore(%arg15 : memref<!tpu.dma_semaphore, #tpu.memory_space<semaphore_mem>>) src(%dma_wait3A_398 : memref<10000x32xf32, #tpu.memory_space<hbm>>) dst(%dma_wait3A_393 : memref<128x32xf32, #tpu.memory_space<vmem>>)
    %dma_wait3A_399 = arith.constant 128 : i32
    %dma_wait3A_400 = arith.constant 0 : i32
    %dma_wait3A_401 = tpu.memref_slice %arg10[%dma_wait3A_399, %dma_wait3A_400] : memref<1024x32xf32, #tpu.memory_space<vmem>> -> memref<128x32xf32, #tpu.memory_space<vmem>>
    %dma_wait3A_402 = arith.constant 2176 : i32
    %dma_wait3A_403 = tpu.memref_slice %arg9[%dma_wait3A_402] : memref<5120xi32, #tpu.memory_space<vmem>> -> memref<128xi32, #tpu.memory_space<vmem>>
    %dma_wait3A_404 = arith.constant 0 : i32
    %dma_wait3A_405 = arith.constant 0 : i32
    %dma_wait3A_406 = tpu.memref_slice %arg2[%dma_wait3A_404, %dma_wait3A_405] : memref<10000x32xf32, #tpu.memory_space<hbm>> -> memref<10000x32xf32, #tpu.memory_space<hbm>>
    tpu.wait_indirect_dma semaphore(%arg15 : memref<!tpu.dma_semaphore, #tpu.memory_space<semaphore_mem>>) src(%dma_wait3A_406 : memref<10000x32xf32, #tpu.memory_space<hbm>>) dst(%dma_wait3A_401 : memref<128x32xf32, #tpu.memory_space<vmem>>)
    %dma_wait3A_407 = arith.constant 256 : i32
    %dma_wait3A_408 = arith.constant 0 : i32
    %dma_wait3A_409 = tpu.memref_slice %arg10[%dma_wait3A_407, %dma_wait3A_408] : memref<1024x32xf32, #tpu.memory_space<vmem>> -> memref<128x32xf32, #tpu.memory_space<vmem>>
    %dma_wait3A_410 = arith.constant 2304 : i32
    %dma_wait3A_411 = tpu.memref_slice %arg9[%dma_wait3A_410] : memref<5120xi32, #tpu.memory_space<vmem>> -> memref<128xi32, #tpu.memory_space<vmem>>
    %dma_wait3A_412 = arith.constant 0 : i32
    %dma_wait3A_413 = arith.constant 0 : i32
    %dma_wait3A_414 = tpu.memref_slice %arg2[%dma_wait3A_412, %dma_wait3A_413] : memref<10000x32xf32, #tpu.memory_space<hbm>> -> memref<10000x32xf32, #tpu.memory_space<hbm>>
    tpu.wait_indirect_dma semaphore(%arg15 : memref<!tpu.dma_semaphore, #tpu.memory_space<semaphore_mem>>) src(%dma_wait3A_414 : memref<10000x32xf32, #tpu.memory_space<hbm>>) dst(%dma_wait3A_409 : memref<128x32xf32, #tpu.memory_space<vmem>>)
    %dma_wait3A_415 = arith.constant 384 : i32
    %dma_wait3A_416 = arith.constant 0 : i32
    %dma_wait3A_417 = tpu.memref_slice %arg10[%dma_wait3A_415, %dma_wait3A_416] : memref<1024x32xf32, #tpu.memory_space<vmem>> -> memref<128x32xf32, #tpu.memory_space<vmem>>
    %dma_wait3A_418 = arith.constant 2432 : i32
    %dma_wait3A_419 = tpu.memref_slice %arg9[%dma_wait3A_418] : memref<5120xi32, #tpu.memory_space<vmem>> -> memref<128xi32, #tpu.memory_space<vmem>>
    %dma_wait3A_420 = arith.constant 0 : i32
    %dma_wait3A_421 = arith.constant 0 : i32
    %dma_wait3A_422 = tpu.memref_slice %arg2[%dma_wait3A_420, %dma_wait3A_421] : memref<10000x32xf32, #tpu.memory_space<hbm>> -> memref<10000x32xf32, #tpu.memory_space<hbm>>
    tpu.wait_indirect_dma semaphore(%arg15 : memref<!tpu.dma_semaphore, #tpu.memory_space<semaphore_mem>>) src(%dma_wait3A_422 : memref<10000x32xf32, #tpu.memory_space<hbm>>) dst(%dma_wait3A_417 : memref<128x32xf32, #tpu.memory_space<vmem>>)
    %dma_wait3A_423 = arith.constant 512 : i32
    %dma_wait3A_424 = arith.constant 0 : i32
    %dma_wait3A_425 = tpu.memref_slice %arg10[%dma_wait3A_423, %dma_wait3A_424] : memref<1024x32xf32, #tpu.memory_space<vmem>> -> memref<128x32xf32, #tpu.memory_space<vmem>>
    %dma_wait3A_426 = arith.constant 2560 : i32
    %dma_wait3A_427 = tpu.memref_slice %arg9[%dma_wait3A_426] : memref<5120xi32, #tpu.memory_space<vmem>> -> memref<128xi32, #tpu.memory_space<vmem>>
    %dma_wait3A_428 = arith.constant 0 : i32
    %dma_wait3A_429 = arith.constant 0 : i32
    %dma_wait3A_430 = tpu.memref_slice %arg2[%dma_wait3A_428, %dma_wait3A_429] : memref<10000x32xf32, #tpu.memory_space<hbm>> -> memref<10000x32xf32, #tpu.memory_space<hbm>>
    tpu.wait_indirect_dma semaphore(%arg15 : memref<!tpu.dma_semaphore, #tpu.memory_space<semaphore_mem>>) src(%dma_wait3A_430 : memref<10000x32xf32, #tpu.memory_space<hbm>>) dst(%dma_wait3A_425 : memref<128x32xf32, #tpu.memory_space<vmem>>)
    %dma_wait3A_431 = arith.constant 640 : i32
    %dma_wait3A_432 = arith.constant 0 : i32
    %dma_wait3A_433 = tpu.memref_slice %arg10[%dma_wait3A_431, %dma_wait3A_432] : memref<1024x32xf32, #tpu.memory_space<vmem>> -> memref<128x32xf32, #tpu.memory_space<vmem>>
    %dma_wait3A_434 = arith.constant 2688 : i32
    %dma_wait3A_435 = tpu.memref_slice %arg9[%dma_wait3A_434] : memref<5120xi32, #tpu.memory_space<vmem>> -> memref<128xi32, #tpu.memory_space<vmem>>
    %dma_wait3A_436 = arith.constant 0 : i32
    %dma_wait3A_437 = arith.constant 0 : i32
    %dma_wait3A_438 = tpu.memref_slice %arg2[%dma_wait3A_436, %dma_wait3A_437] : memref<10000x32xf32, #tpu.memory_space<hbm>> -> memref<10000x32xf32, #tpu.memory_space<hbm>>
    tpu.wait_indirect_dma semaphore(%arg15 : memref<!tpu.dma_semaphore, #tpu.memory_space<semaphore_mem>>) src(%dma_wait3A_438 : memref<10000x32xf32, #tpu.memory_space<hbm>>) dst(%dma_wait3A_433 : memref<128x32xf32, #tpu.memory_space<vmem>>)
    %dma_wait3A_439 = arith.constant 768 : i32
    %dma_wait3A_440 = arith.constant 0 : i32
    %dma_wait3A_441 = tpu.memref_slice %arg10[%dma_wait3A_439, %dma_wait3A_440] : memref<1024x32xf32, #tpu.memory_space<vmem>> -> memref<128x32xf32, #tpu.memory_space<vmem>>
    %dma_wait3A_442 = arith.constant 2816 : i32
    %dma_wait3A_443 = tpu.memref_slice %arg9[%dma_wait3A_442] : memref<5120xi32, #tpu.memory_space<vmem>> -> memref<128xi32, #tpu.memory_space<vmem>>
    %dma_wait3A_444 = arith.constant 0 : i32
    %dma_wait3A_445 = arith.constant 0 : i32
    %dma_wait3A_446 = tpu.memref_slice %arg2[%dma_wait3A_444, %dma_wait3A_445] : memref<10000x32xf32, #tpu.memory_space<hbm>> -> memref<10000x32xf32, #tpu.memory_space<hbm>>
    tpu.wait_indirect_dma semaphore(%arg15 : memref<!tpu.dma_semaphore, #tpu.memory_space<semaphore_mem>>) src(%dma_wait3A_446 : memref<10000x32xf32, #tpu.memory_space<hbm>>) dst(%dma_wait3A_441 : memref<128x32xf32, #tpu.memory_space<vmem>>)
    %dma_wait3A_447 = arith.constant 896 : i32
    %dma_wait3A_448 = arith.constant 0 : i32
    %dma_wait3A_449 = tpu.memref_slice %arg10[%dma_wait3A_447, %dma_wait3A_448] : memref<1024x32xf32, #tpu.memory_space<vmem>> -> memref<128x32xf32, #tpu.memory_space<vmem>>
    %dma_wait3A_450 = arith.constant 2944 : i32
    %dma_wait3A_451 = tpu.memref_slice %arg9[%dma_wait3A_450] : memref<5120xi32, #tpu.memory_space<vmem>> -> memref<128xi32, #tpu.memory_space<vmem>>
    %dma_wait3A_452 = arith.constant 0 : i32
    %dma_wait3A_453 = arith.constant 0 : i32
    %dma_wait3A_454 = tpu.memref_slice %arg2[%dma_wait3A_452, %dma_wait3A_453] : memref<10000x32xf32, #tpu.memory_space<hbm>> -> memref<10000x32xf32, #tpu.memory_space<hbm>>
    tpu.wait_indirect_dma semaphore(%arg15 : memref<!tpu.dma_semaphore, #tpu.memory_space<semaphore_mem>>) src(%dma_wait3A_454 : memref<10000x32xf32, #tpu.memory_space<hbm>>) dst(%dma_wait3A_449 : memref<128x32xf32, #tpu.memory_space<vmem>>)
    %add3A_455 = arith.constant 2048 : i32
    %add3A_456 = arith.addi %mul3A_2, %add3A_455 : i32
    "tpu.region"() ({
      %run_scoped3A = tpu.sem_alloc : memref<!tpu.dma_semaphore, #tpu.memory_space<semaphore_mem>>
      %dma_start3A_1218 = arith.constant 0 : i32
      %dma_start3A_1219 = tpu.memref_slice %arg7[%add3A_456, %dma_start3A_1218] : memref<163840x32xf32, #tpu.memory_space<hbm>> -> memref<1024x32xf32, #tpu.memory_space<hbm>>
      %dma_start3A_1220 = arith.constant 0 : i32
      %dma_start3A_1221 = tpu.memref_slice %arg7[%add3A_456, %dma_start3A_1220] : memref<163840x32xf32, #tpu.memory_space<hbm>> -> memref<1024x32xf32, #tpu.memory_space<hbm>>
      tpu.enqueue_dma source(%arg10 : memref<1024x32xf32, #tpu.memory_space<vmem>>) target(%dma_start3A_1221 : memref<1024x32xf32, #tpu.memory_space<hbm>>) target_semaphore(%run_scoped3A : memref<!tpu.dma_semaphore, #tpu.memory_space<semaphore_mem>>)
      %dma_wait3A_1222 = arith.constant 0 : i32
      %dma_wait3A_1223 = tpu.memref_slice %arg7[%add3A_456, %dma_wait3A_1222] : memref<163840x32xf32, #tpu.memory_space<hbm>> -> memref<1024x32xf32, #tpu.memory_space<hbm>>
      %dma_wait3A_1224 = arith.constant 0 : i32
      %dma_wait3A_1225 = tpu.memref_slice %arg7[%add3A_456, %dma_wait3A_1224] : memref<163840x32xf32, #tpu.memory_space<hbm>> -> memref<1024x32xf32, #tpu.memory_space<hbm>>
      tpu.wait_dma2 semaphore(%run_scoped3A : memref<!tpu.dma_semaphore, #tpu.memory_space<semaphore_mem>>) src(%arg10 : memref<1024x32xf32, #tpu.memory_space<vmem>>) dst(%dma_wait3A_1225 : memref<1024x32xf32, #tpu.memory_space<hbm>>)
      tpu.yield
    }) : () -> ()
    %dma_start3A_457 = arith.constant 0 : i32
    %dma_start3A_458 = arith.constant 0 : i32
    %dma_start3A_459 = tpu.memref_slice %arg10[%dma_start3A_457, %dma_start3A_458] : memref<1024x32xf32, #tpu.memory_space<vmem>> -> memref<128x32xf32, #tpu.memory_space<vmem>>
    %dma_start3A_460 = arith.constant 4096 : i32
    %dma_start3A_461 = tpu.memref_slice %arg9[%dma_start3A_460] : memref<5120xi32, #tpu.memory_space<vmem>> -> memref<128xi32, #tpu.memory_space<vmem>>
    %dma_start3A_462 = arith.constant 0 : i32
    %dma_start3A_463 = arith.constant 0 : i32
    %dma_start3A_464 = tpu.memref_slice %arg2[%dma_start3A_462, %dma_start3A_463] : memref<10000x32xf32, #tpu.memory_space<hbm>> -> memref<10000x32xf32, #tpu.memory_space<hbm>>
    tpu.enqueue_indirect_dma source(%dma_start3A_464 : memref<10000x32xf32, #tpu.memory_space<hbm>>) target(%dma_start3A_459 : memref<128x32xf32, #tpu.memory_space<vmem>>) offsets(%dma_start3A_461 : memref<128xi32, #tpu.memory_space<vmem>>) semaphore(%arg15 : memref<!tpu.dma_semaphore, #tpu.memory_space<semaphore_mem>>)
    %dma_start3A_465 = arith.constant 128 : i32
    %dma_start3A_466 = arith.constant 0 : i32
    %dma_start3A_467 = tpu.memref_slice %arg10[%dma_start3A_465, %dma_start3A_466] : memref<1024x32xf32, #tpu.memory_space<vmem>> -> memref<128x32xf32, #tpu.memory_space<vmem>>
    %dma_start3A_468 = arith.constant 4224 : i32
    %dma_start3A_469 = tpu.memref_slice %arg9[%dma_start3A_468] : memref<5120xi32, #tpu.memory_space<vmem>> -> memref<128xi32, #tpu.memory_space<vmem>>
    %dma_start3A_470 = arith.constant 0 : i32
    %dma_start3A_471 = arith.constant 0 : i32
    %dma_start3A_472 = tpu.memref_slice %arg2[%dma_start3A_470, %dma_start3A_471] : memref<10000x32xf32, #tpu.memory_space<hbm>> -> memref<10000x32xf32, #tpu.memory_space<hbm>>
    tpu.enqueue_indirect_dma source(%dma_start3A_472 : memref<10000x32xf32, #tpu.memory_space<hbm>>) target(%dma_start3A_467 : memref<128x32xf32, #tpu.memory_space<vmem>>) offsets(%dma_start3A_469 : memref<128xi32, #tpu.memory_space<vmem>>) semaphore(%arg15 : memref<!tpu.dma_semaphore, #tpu.memory_space<semaphore_mem>>)
    %dma_start3A_473 = arith.constant 256 : i32
    %dma_start3A_474 = arith.constant 0 : i32
    %dma_start3A_475 = tpu.memref_slice %arg10[%dma_start3A_473, %dma_start3A_474] : memref<1024x32xf32, #tpu.memory_space<vmem>> -> memref<128x32xf32, #tpu.memory_space<vmem>>
    %dma_start3A_476 = arith.constant 4352 : i32
    %dma_start3A_477 = tpu.memref_slice %arg9[%dma_start3A_476] : memref<5120xi32, #tpu.memory_space<vmem>> -> memref<128xi32, #tpu.memory_space<vmem>>
    %dma_start3A_478 = arith.constant 0 : i32
    %dma_start3A_479 = arith.constant 0 : i32
    %dma_start3A_480 = tpu.memref_slice %arg2[%dma_start3A_478, %dma_start3A_479] : memref<10000x32xf32, #tpu.memory_space<hbm>> -> memref<10000x32xf32, #tpu.memory_space<hbm>>
    tpu.enqueue_indirect_dma source(%dma_start3A_480 : memref<10000x32xf32, #tpu.memory_space<hbm>>) target(%dma_start3A_475 : memref<128x32xf32, #tpu.memory_space<vmem>>) offsets(%dma_start3A_477 : memref<128xi32, #tpu.memory_space<vmem>>) semaphore(%arg15 : memref<!tpu.dma_semaphore, #tpu.memory_space<semaphore_mem>>)
    %dma_start3A_481 = arith.constant 384 : i32
    %dma_start3A_482 = arith.constant 0 : i32
    %dma_start3A_483 = tpu.memref_slice %arg10[%dma_start3A_481, %dma_start3A_482] : memref<1024x32xf32, #tpu.memory_space<vmem>> -> memref<128x32xf32, #tpu.memory_space<vmem>>
    %dma_start3A_484 = arith.constant 4480 : i32
    %dma_start3A_485 = tpu.memref_slice %arg9[%dma_start3A_484] : memref<5120xi32, #tpu.memory_space<vmem>> -> memref<128xi32, #tpu.memory_space<vmem>>
    %dma_start3A_486 = arith.constant 0 : i32
    %dma_start3A_487 = arith.constant 0 : i32
    %dma_start3A_488 = tpu.memref_slice %arg2[%dma_start3A_486, %dma_start3A_487] : memref<10000x32xf32, #tpu.memory_space<hbm>> -> memref<10000x32xf32, #tpu.memory_space<hbm>>
    tpu.enqueue_indirect_dma source(%dma_start3A_488 : memref<10000x32xf32, #tpu.memory_space<hbm>>) target(%dma_start3A_483 : memref<128x32xf32, #tpu.memory_space<vmem>>) offsets(%dma_start3A_485 : memref<128xi32, #tpu.memory_space<vmem>>) semaphore(%arg15 : memref<!tpu.dma_semaphore, #tpu.memory_space<semaphore_mem>>)
    %dma_start3A_489 = arith.constant 512 : i32
    %dma_start3A_490 = arith.constant 0 : i32
    %dma_start3A_491 = tpu.memref_slice %arg10[%dma_start3A_489, %dma_start3A_490] : memref<1024x32xf32, #tpu.memory_space<vmem>> -> memref<128x32xf32, #tpu.memory_space<vmem>>
    %dma_start3A_492 = arith.constant 4608 : i32
    %dma_start3A_493 = tpu.memref_slice %arg9[%dma_start3A_492] : memref<5120xi32, #tpu.memory_space<vmem>> -> memref<128xi32, #tpu.memory_space<vmem>>
    %dma_start3A_494 = arith.constant 0 : i32
    %dma_start3A_495 = arith.constant 0 : i32
    %dma_start3A_496 = tpu.memref_slice %arg2[%dma_start3A_494, %dma_start3A_495] : memref<10000x32xf32, #tpu.memory_space<hbm>> -> memref<10000x32xf32, #tpu.memory_space<hbm>>
    tpu.enqueue_indirect_dma source(%dma_start3A_496 : memref<10000x32xf32, #tpu.memory_space<hbm>>) target(%dma_start3A_491 : memref<128x32xf32, #tpu.memory_space<vmem>>) offsets(%dma_start3A_493 : memref<128xi32, #tpu.memory_space<vmem>>) semaphore(%arg15 : memref<!tpu.dma_semaphore, #tpu.memory_space<semaphore_mem>>)
    %dma_start3A_497 = arith.constant 640 : i32
    %dma_start3A_498 = arith.constant 0 : i32
    %dma_start3A_499 = tpu.memref_slice %arg10[%dma_start3A_497, %dma_start3A_498] : memref<1024x32xf32, #tpu.memory_space<vmem>> -> memref<128x32xf32, #tpu.memory_space<vmem>>
    %dma_start3A_500 = arith.constant 4736 : i32
    %dma_start3A_501 = tpu.memref_slice %arg9[%dma_start3A_500] : memref<5120xi32, #tpu.memory_space<vmem>> -> memref<128xi32, #tpu.memory_space<vmem>>
    %dma_start3A_502 = arith.constant 0 : i32
    %dma_start3A_503 = arith.constant 0 : i32
    %dma_start3A_504 = tpu.memref_slice %arg2[%dma_start3A_502, %dma_start3A_503] : memref<10000x32xf32, #tpu.memory_space<hbm>> -> memref<10000x32xf32, #tpu.memory_space<hbm>>
    tpu.enqueue_indirect_dma source(%dma_start3A_504 : memref<10000x32xf32, #tpu.memory_space<hbm>>) target(%dma_start3A_499 : memref<128x32xf32, #tpu.memory_space<vmem>>) offsets(%dma_start3A_501 : memref<128xi32, #tpu.memory_space<vmem>>) semaphore(%arg15 : memref<!tpu.dma_semaphore, #tpu.memory_space<semaphore_mem>>)
    %dma_start3A_505 = arith.constant 768 : i32
    %dma_start3A_506 = arith.constant 0 : i32
    %dma_start3A_507 = tpu.memref_slice %arg10[%dma_start3A_505, %dma_start3A_506] : memref<1024x32xf32, #tpu.memory_space<vmem>> -> memref<128x32xf32, #tpu.memory_space<vmem>>
    %dma_start3A_508 = arith.constant 4864 : i32
    %dma_start3A_509 = tpu.memref_slice %arg9[%dma_start3A_508] : memref<5120xi32, #tpu.memory_space<vmem>> -> memref<128xi32, #tpu.memory_space<vmem>>
    %dma_start3A_510 = arith.constant 0 : i32
    %dma_start3A_511 = arith.constant 0 : i32
    %dma_start3A_512 = tpu.memref_slice %arg2[%dma_start3A_510, %dma_start3A_511] : memref<10000x32xf32, #tpu.memory_space<hbm>> -> memref<10000x32xf32, #tpu.memory_space<hbm>>
    tpu.enqueue_indirect_dma source(%dma_start3A_512 : memref<10000x32xf32, #tpu.memory_space<hbm>>) target(%dma_start3A_507 : memref<128x32xf32, #tpu.memory_space<vmem>>) offsets(%dma_start3A_509 : memref<128xi32, #tpu.memory_space<vmem>>) semaphore(%arg15 : memref<!tpu.dma_semaphore, #tpu.memory_space<semaphore_mem>>)
    %dma_start3A_513 = arith.constant 896 : i32
    %dma_start3A_514 = arith.constant 0 : i32
    %dma_start3A_515 = tpu.memref_slice %arg10[%dma_start3A_513, %dma_start3A_514] : memref<1024x32xf32, #tpu.memory_space<vmem>> -> memref<128x32xf32, #tpu.memory_space<vmem>>
    %dma_start3A_516 = arith.constant 4992 : i32
    %dma_start3A_517 = tpu.memref_slice %arg9[%dma_start3A_516] : memref<5120xi32, #tpu.memory_space<vmem>> -> memref<128xi32, #tpu.memory_space<vmem>>
    %dma_start3A_518 = arith.constant 0 : i32
    %dma_start3A_519 = arith.constant 0 : i32
    %dma_start3A_520 = tpu.memref_slice %arg2[%dma_start3A_518, %dma_start3A_519] : memref<10000x32xf32, #tpu.memory_space<hbm>> -> memref<10000x32xf32, #tpu.memory_space<hbm>>
    tpu.enqueue_indirect_dma source(%dma_start3A_520 : memref<10000x32xf32, #tpu.memory_space<hbm>>) target(%dma_start3A_515 : memref<128x32xf32, #tpu.memory_space<vmem>>) offsets(%dma_start3A_517 : memref<128xi32, #tpu.memory_space<vmem>>) semaphore(%arg15 : memref<!tpu.dma_semaphore, #tpu.memory_space<semaphore_mem>>)
    %dma_wait3A_521 = arith.constant 0 : i32
    %dma_wait3A_522 = arith.constant 0 : i32
    %dma_wait3A_523 = tpu.memref_slice %arg11[%dma_wait3A_521, %dma_wait3A_522] : memref<1024x32xf32, #tpu.memory_space<vmem>> -> memref<128x32xf32, #tpu.memory_space<vmem>>
    %dma_wait3A_524 = arith.constant 3072 : i32
    %dma_wait3A_525 = tpu.memref_slice %arg9[%dma_wait3A_524] : memref<5120xi32, #tpu.memory_space<vmem>> -> memref<128xi32, #tpu.memory_space<vmem>>
    %dma_wait3A_526 = arith.constant 0 : i32
    %dma_wait3A_527 = arith.constant 0 : i32
    %dma_wait3A_528 = tpu.memref_slice %arg2[%dma_wait3A_526, %dma_wait3A_527] : memref<10000x32xf32, #tpu.memory_space<hbm>> -> memref<10000x32xf32, #tpu.memory_space<hbm>>
    tpu.wait_indirect_dma semaphore(%arg16 : memref<!tpu.dma_semaphore, #tpu.memory_space<semaphore_mem>>) src(%dma_wait3A_528 : memref<10000x32xf32, #tpu.memory_space<hbm>>) dst(%dma_wait3A_523 : memref<128x32xf32, #tpu.memory_space<vmem>>)
    %dma_wait3A_529 = arith.constant 128 : i32
    %dma_wait3A_530 = arith.constant 0 : i32
    %dma_wait3A_531 = tpu.memref_slice %arg11[%dma_wait3A_529, %dma_wait3A_530] : memref<1024x32xf32, #tpu.memory_space<vmem>> -> memref<128x32xf32, #tpu.memory_space<vmem>>
    %dma_wait3A_532 = arith.constant 3200 : i32
    %dma_wait3A_533 = tpu.memref_slice %arg9[%dma_wait3A_532] : memref<5120xi32, #tpu.memory_space<vmem>> -> memref<128xi32, #tpu.memory_space<vmem>>
    %dma_wait3A_534 = arith.constant 0 : i32
    %dma_wait3A_535 = arith.constant 0 : i32
    %dma_wait3A_536 = tpu.memref_slice %arg2[%dma_wait3A_534, %dma_wait3A_535] : memref<10000x32xf32, #tpu.memory_space<hbm>> -> memref<10000x32xf32, #tpu.memory_space<hbm>>
    tpu.wait_indirect_dma semaphore(%arg16 : memref<!tpu.dma_semaphore, #tpu.memory_space<semaphore_mem>>) src(%dma_wait3A_536 : memref<10000x32xf32, #tpu.memory_space<hbm>>) dst(%dma_wait3A_531 : memref<128x32xf32, #tpu.memory_space<vmem>>)
    %dma_wait3A_537 = arith.constant 256 : i32
    %dma_wait3A_538 = arith.constant 0 : i32
    %dma_wait3A_539 = tpu.memref_slice %arg11[%dma_wait3A_537, %dma_wait3A_538] : memref<1024x32xf32, #tpu.memory_space<vmem>> -> memref<128x32xf32, #tpu.memory_space<vmem>>
    %dma_wait3A_540 = arith.constant 3328 : i32
    %dma_wait3A_541 = tpu.memref_slice %arg9[%dma_wait3A_540] : memref<5120xi32, #tpu.memory_space<vmem>> -> memref<128xi32, #tpu.memory_space<vmem>>
    %dma_wait3A_542 = arith.constant 0 : i32
    %dma_wait3A_543 = arith.constant 0 : i32
    %dma_wait3A_544 = tpu.memref_slice %arg2[%dma_wait3A_542, %dma_wait3A_543] : memref<10000x32xf32, #tpu.memory_space<hbm>> -> memref<10000x32xf32, #tpu.memory_space<hbm>>
    tpu.wait_indirect_dma semaphore(%arg16 : memref<!tpu.dma_semaphore, #tpu.memory_space<semaphore_mem>>) src(%dma_wait3A_544 : memref<10000x32xf32, #tpu.memory_space<hbm>>) dst(%dma_wait3A_539 : memref<128x32xf32, #tpu.memory_space<vmem>>)
    %dma_wait3A_545 = arith.constant 384 : i32
    %dma_wait3A_546 = arith.constant 0 : i32
    %dma_wait3A_547 = tpu.memref_slice %arg11[%dma_wait3A_545, %dma_wait3A_546] : memref<1024x32xf32, #tpu.memory_space<vmem>> -> memref<128x32xf32, #tpu.memory_space<vmem>>
    %dma_wait3A_548 = arith.constant 3456 : i32
    %dma_wait3A_549 = tpu.memref_slice %arg9[%dma_wait3A_548] : memref<5120xi32, #tpu.memory_space<vmem>> -> memref<128xi32, #tpu.memory_space<vmem>>
    %dma_wait3A_550 = arith.constant 0 : i32
    %dma_wait3A_551 = arith.constant 0 : i32
    %dma_wait3A_552 = tpu.memref_slice %arg2[%dma_wait3A_550, %dma_wait3A_551] : memref<10000x32xf32, #tpu.memory_space<hbm>> -> memref<10000x32xf32, #tpu.memory_space<hbm>>
    tpu.wait_indirect_dma semaphore(%arg16 : memref<!tpu.dma_semaphore, #tpu.memory_space<semaphore_mem>>) src(%dma_wait3A_552 : memref<10000x32xf32, #tpu.memory_space<hbm>>) dst(%dma_wait3A_547 : memref<128x32xf32, #tpu.memory_space<vmem>>)
    %dma_wait3A_553 = arith.constant 512 : i32
    %dma_wait3A_554 = arith.constant 0 : i32
    %dma_wait3A_555 = tpu.memref_slice %arg11[%dma_wait3A_553, %dma_wait3A_554] : memref<1024x32xf32, #tpu.memory_space<vmem>> -> memref<128x32xf32, #tpu.memory_space<vmem>>
    %dma_wait3A_556 = arith.constant 3584 : i32
    %dma_wait3A_557 = tpu.memref_slice %arg9[%dma_wait3A_556] : memref<5120xi32, #tpu.memory_space<vmem>> -> memref<128xi32, #tpu.memory_space<vmem>>
    %dma_wait3A_558 = arith.constant 0 : i32
    %dma_wait3A_559 = arith.constant 0 : i32
    %dma_wait3A_560 = tpu.memref_slice %arg2[%dma_wait3A_558, %dma_wait3A_559] : memref<10000x32xf32, #tpu.memory_space<hbm>> -> memref<10000x32xf32, #tpu.memory_space<hbm>>
    tpu.wait_indirect_dma semaphore(%arg16 : memref<!tpu.dma_semaphore, #tpu.memory_space<semaphore_mem>>) src(%dma_wait3A_560 : memref<10000x32xf32, #tpu.memory_space<hbm>>) dst(%dma_wait3A_555 : memref<128x32xf32, #tpu.memory_space<vmem>>)
    %dma_wait3A_561 = arith.constant 640 : i32
    %dma_wait3A_562 = arith.constant 0 : i32
    %dma_wait3A_563 = tpu.memref_slice %arg11[%dma_wait3A_561, %dma_wait3A_562] : memref<1024x32xf32, #tpu.memory_space<vmem>> -> memref<128x32xf32, #tpu.memory_space<vmem>>
    %dma_wait3A_564 = arith.constant 3712 : i32
    %dma_wait3A_565 = tpu.memref_slice %arg9[%dma_wait3A_564] : memref<5120xi32, #tpu.memory_space<vmem>> -> memref<128xi32, #tpu.memory_space<vmem>>
    %dma_wait3A_566 = arith.constant 0 : i32
    %dma_wait3A_567 = arith.constant 0 : i32
    %dma_wait3A_568 = tpu.memref_slice %arg2[%dma_wait3A_566, %dma_wait3A_567] : memref<10000x32xf32, #tpu.memory_space<hbm>> -> memref<10000x32xf32, #tpu.memory_space<hbm>>
    tpu.wait_indirect_dma semaphore(%arg16 : memref<!tpu.dma_semaphore, #tpu.memory_space<semaphore_mem>>) src(%dma_wait3A_568 : memref<10000x32xf32, #tpu.memory_space<hbm>>) dst(%dma_wait3A_563 : memref<128x32xf32, #tpu.memory_space<vmem>>)
    %dma_wait3A_569 = arith.constant 768 : i32
    %dma_wait3A_570 = arith.constant 0 : i32
    %dma_wait3A_571 = tpu.memref_slice %arg11[%dma_wait3A_569, %dma_wait3A_570] : memref<1024x32xf32, #tpu.memory_space<vmem>> -> memref<128x32xf32, #tpu.memory_space<vmem>>
    %dma_wait3A_572 = arith.constant 3840 : i32
    %dma_wait3A_573 = tpu.memref_slice %arg9[%dma_wait3A_572] : memref<5120xi32, #tpu.memory_space<vmem>> -> memref<128xi32, #tpu.memory_space<vmem>>
    %dma_wait3A_574 = arith.constant 0 : i32
    %dma_wait3A_575 = arith.constant 0 : i32
    %dma_wait3A_576 = tpu.memref_slice %arg2[%dma_wait3A_574, %dma_wait3A_575] : memref<10000x32xf32, #tpu.memory_space<hbm>> -> memref<10000x32xf32, #tpu.memory_space<hbm>>
    tpu.wait_indirect_dma semaphore(%arg16 : memref<!tpu.dma_semaphore, #tpu.memory_space<semaphore_mem>>) src(%dma_wait3A_576 : memref<10000x32xf32, #tpu.memory_space<hbm>>) dst(%dma_wait3A_571 : memref<128x32xf32, #tpu.memory_space<vmem>>)
    %dma_wait3A_577 = arith.constant 896 : i32
    %dma_wait3A_578 = arith.constant 0 : i32
    %dma_wait3A_579 = tpu.memref_slice %arg11[%dma_wait3A_577, %dma_wait3A_578] : memref<1024x32xf32, #tpu.memory_space<vmem>> -> memref<128x32xf32, #tpu.memory_space<vmem>>
    %dma_wait3A_580 = arith.constant 3968 : i32
    %dma_wait3A_581 = tpu.memref_slice %arg9[%dma_wait3A_580] : memref<5120xi32, #tpu.memory_space<vmem>> -> memref<128xi32, #tpu.memory_space<vmem>>
    %dma_wait3A_582 = arith.constant 0 : i32
    %dma_wait3A_583 = arith.constant 0 : i32
    %dma_wait3A_584 = tpu.memref_slice %arg2[%dma_wait3A_582, %dma_wait3A_583] : memref<10000x32xf32, #tpu.memory_space<hbm>> -> memref<10000x32xf32, #tpu.memory_space<hbm>>
    tpu.wait_indirect_dma semaphore(%arg16 : memref<!tpu.dma_semaphore, #tpu.memory_space<semaphore_mem>>) src(%dma_wait3A_584 : memref<10000x32xf32, #tpu.memory_space<hbm>>) dst(%dma_wait3A_579 : memref<128x32xf32, #tpu.memory_space<vmem>>)
    %add3A_585 = arith.constant 3072 : i32
    %add3A_586 = arith.addi %mul3A_2, %add3A_585 : i32
    "tpu.region"() ({
      %run_scoped3A = tpu.sem_alloc : memref<!tpu.dma_semaphore, #tpu.memory_space<semaphore_mem>>
      %dma_start3A_1218 = arith.constant 0 : i32
      %dma_start3A_1219 = tpu.memref_slice %arg7[%add3A_586, %dma_start3A_1218] : memref<163840x32xf32, #tpu.memory_space<hbm>> -> memref<1024x32xf32, #tpu.memory_space<hbm>>
      %dma_start3A_1220 = arith.constant 0 : i32
      %dma_start3A_1221 = tpu.memref_slice %arg7[%add3A_586, %dma_start3A_1220] : memref<163840x32xf32, #tpu.memory_space<hbm>> -> memref<1024x32xf32, #tpu.memory_space<hbm>>
      tpu.enqueue_dma source(%arg11 : memref<1024x32xf32, #tpu.memory_space<vmem>>) target(%dma_start3A_1221 : memref<1024x32xf32, #tpu.memory_space<hbm>>) target_semaphore(%run_scoped3A : memref<!tpu.dma_semaphore, #tpu.memory_space<semaphore_mem>>)
      %dma_wait3A_1222 = arith.constant 0 : i32
      %dma_wait3A_1223 = tpu.memref_slice %arg7[%add3A_586, %dma_wait3A_1222] : memref<163840x32xf32, #tpu.memory_space<hbm>> -> memref<1024x32xf32, #tpu.memory_space<hbm>>
      %dma_wait3A_1224 = arith.constant 0 : i32
      %dma_wait3A_1225 = tpu.memref_slice %arg7[%add3A_586, %dma_wait3A_1224] : memref<163840x32xf32, #tpu.memory_space<hbm>> -> memref<1024x32xf32, #tpu.memory_space<hbm>>
      tpu.wait_dma2 semaphore(%run_scoped3A : memref<!tpu.dma_semaphore, #tpu.memory_space<semaphore_mem>>) src(%arg11 : memref<1024x32xf32, #tpu.memory_space<vmem>>) dst(%dma_wait3A_1225 : memref<1024x32xf32, #tpu.memory_space<hbm>>)
      tpu.yield
    }) : () -> ()
    %dma_wait3A_587 = arith.constant 0 : i32
    %dma_wait3A_588 = arith.constant 0 : i32
    %dma_wait3A_589 = tpu.memref_slice %arg10[%dma_wait3A_587, %dma_wait3A_588] : memref<1024x32xf32, #tpu.memory_space<vmem>> -> memref<128x32xf32, #tpu.memory_space<vmem>>
    %dma_wait3A_590 = arith.constant 4096 : i32
    %dma_wait3A_591 = tpu.memref_slice %arg9[%dma_wait3A_590] : memref<5120xi32, #tpu.memory_space<vmem>> -> memref<128xi32, #tpu.memory_space<vmem>>
    %dma_wait3A_592 = arith.constant 0 : i32
    %dma_wait3A_593 = arith.constant 0 : i32
    %dma_wait3A_594 = tpu.memref_slice %arg2[%dma_wait3A_592, %dma_wait3A_593] : memref<10000x32xf32, #tpu.memory_space<hbm>> -> memref<10000x32xf32, #tpu.memory_space<hbm>>
    tpu.wait_indirect_dma semaphore(%arg15 : memref<!tpu.dma_semaphore, #tpu.memory_space<semaphore_mem>>) src(%dma_wait3A_594 : memref<10000x32xf32, #tpu.memory_space<hbm>>) dst(%dma_wait3A_589 : memref<128x32xf32, #tpu.memory_space<vmem>>)
    %dma_wait3A_595 = arith.constant 128 : i32
    %dma_wait3A_596 = arith.constant 0 : i32
    %dma_wait3A_597 = tpu.memref_slice %arg10[%dma_wait3A_595, %dma_wait3A_596] : memref<1024x32xf32, #tpu.memory_space<vmem>> -> memref<128x32xf32, #tpu.memory_space<vmem>>
    %dma_wait3A_598 = arith.constant 4224 : i32
    %dma_wait3A_599 = tpu.memref_slice %arg9[%dma_wait3A_598] : memref<5120xi32, #tpu.memory_space<vmem>> -> memref<128xi32, #tpu.memory_space<vmem>>
    %dma_wait3A_600 = arith.constant 0 : i32
    %dma_wait3A_601 = arith.constant 0 : i32
    %dma_wait3A_602 = tpu.memref_slice %arg2[%dma_wait3A_600, %dma_wait3A_601] : memref<10000x32xf32, #tpu.memory_space<hbm>> -> memref<10000x32xf32, #tpu.memory_space<hbm>>
    tpu.wait_indirect_dma semaphore(%arg15 : memref<!tpu.dma_semaphore, #tpu.memory_space<semaphore_mem>>) src(%dma_wait3A_602 : memref<10000x32xf32, #tpu.memory_space<hbm>>) dst(%dma_wait3A_597 : memref<128x32xf32, #tpu.memory_space<vmem>>)
    %dma_wait3A_603 = arith.constant 256 : i32
    %dma_wait3A_604 = arith.constant 0 : i32
    %dma_wait3A_605 = tpu.memref_slice %arg10[%dma_wait3A_603, %dma_wait3A_604] : memref<1024x32xf32, #tpu.memory_space<vmem>> -> memref<128x32xf32, #tpu.memory_space<vmem>>
    %dma_wait3A_606 = arith.constant 4352 : i32
    %dma_wait3A_607 = tpu.memref_slice %arg9[%dma_wait3A_606] : memref<5120xi32, #tpu.memory_space<vmem>> -> memref<128xi32, #tpu.memory_space<vmem>>
    %dma_wait3A_608 = arith.constant 0 : i32
    %dma_wait3A_609 = arith.constant 0 : i32
    %dma_wait3A_610 = tpu.memref_slice %arg2[%dma_wait3A_608, %dma_wait3A_609] : memref<10000x32xf32, #tpu.memory_space<hbm>> -> memref<10000x32xf32, #tpu.memory_space<hbm>>
    tpu.wait_indirect_dma semaphore(%arg15 : memref<!tpu.dma_semaphore, #tpu.memory_space<semaphore_mem>>) src(%dma_wait3A_610 : memref<10000x32xf32, #tpu.memory_space<hbm>>) dst(%dma_wait3A_605 : memref<128x32xf32, #tpu.memory_space<vmem>>)
    %dma_wait3A_611 = arith.constant 384 : i32
    %dma_wait3A_612 = arith.constant 0 : i32
    %dma_wait3A_613 = tpu.memref_slice %arg10[%dma_wait3A_611, %dma_wait3A_612] : memref<1024x32xf32, #tpu.memory_space<vmem>> -> memref<128x32xf32, #tpu.memory_space<vmem>>
    %dma_wait3A_614 = arith.constant 4480 : i32
    %dma_wait3A_615 = tpu.memref_slice %arg9[%dma_wait3A_614] : memref<5120xi32, #tpu.memory_space<vmem>> -> memref<128xi32, #tpu.memory_space<vmem>>
    %dma_wait3A_616 = arith.constant 0 : i32
    %dma_wait3A_617 = arith.constant 0 : i32
    %dma_wait3A_618 = tpu.memref_slice %arg2[%dma_wait3A_616, %dma_wait3A_617] : memref<10000x32xf32, #tpu.memory_space<hbm>> -> memref<10000x32xf32, #tpu.memory_space<hbm>>
    tpu.wait_indirect_dma semaphore(%arg15 : memref<!tpu.dma_semaphore, #tpu.memory_space<semaphore_mem>>) src(%dma_wait3A_618 : memref<10000x32xf32, #tpu.memory_space<hbm>>) dst(%dma_wait3A_613 : memref<128x32xf32, #tpu.memory_space<vmem>>)
    %dma_wait3A_619 = arith.constant 512 : i32
    %dma_wait3A_620 = arith.constant 0 : i32
    %dma_wait3A_621 = tpu.memref_slice %arg10[%dma_wait3A_619, %dma_wait3A_620] : memref<1024x32xf32, #tpu.memory_space<vmem>> -> memref<128x32xf32, #tpu.memory_space<vmem>>
    %dma_wait3A_622 = arith.constant 4608 : i32
    %dma_wait3A_623 = tpu.memref_slice %arg9[%dma_wait3A_622] : memref<5120xi32, #tpu.memory_space<vmem>> -> memref<128xi32, #tpu.memory_space<vmem>>
    %dma_wait3A_624 = arith.constant 0 : i32
    %dma_wait3A_625 = arith.constant 0 : i32
    %dma_wait3A_626 = tpu.memref_slice %arg2[%dma_wait3A_624, %dma_wait3A_625] : memref<10000x32xf32, #tpu.memory_space<hbm>> -> memref<10000x32xf32, #tpu.memory_space<hbm>>
    tpu.wait_indirect_dma semaphore(%arg15 : memref<!tpu.dma_semaphore, #tpu.memory_space<semaphore_mem>>) src(%dma_wait3A_626 : memref<10000x32xf32, #tpu.memory_space<hbm>>) dst(%dma_wait3A_621 : memref<128x32xf32, #tpu.memory_space<vmem>>)
    %dma_wait3A_627 = arith.constant 640 : i32
    %dma_wait3A_628 = arith.constant 0 : i32
    %dma_wait3A_629 = tpu.memref_slice %arg10[%dma_wait3A_627, %dma_wait3A_628] : memref<1024x32xf32, #tpu.memory_space<vmem>> -> memref<128x32xf32, #tpu.memory_space<vmem>>
    %dma_wait3A_630 = arith.constant 4736 : i32
    %dma_wait3A_631 = tpu.memref_slice %arg9[%dma_wait3A_630] : memref<5120xi32, #tpu.memory_space<vmem>> -> memref<128xi32, #tpu.memory_space<vmem>>
    %dma_wait3A_632 = arith.constant 0 : i32
    %dma_wait3A_633 = arith.constant 0 : i32
    %dma_wait3A_634 = tpu.memref_slice %arg2[%dma_wait3A_632, %dma_wait3A_633] : memref<10000x32xf32, #tpu.memory_space<hbm>> -> memref<10000x32xf32, #tpu.memory_space<hbm>>
    tpu.wait_indirect_dma semaphore(%arg15 : memref<!tpu.dma_semaphore, #tpu.memory_space<semaphore_mem>>) src(%dma_wait3A_634 : memref<10000x32xf32, #tpu.memory_space<hbm>>) dst(%dma_wait3A_629 : memref<128x32xf32, #tpu.memory_space<vmem>>)
    %dma_wait3A_635 = arith.constant 768 : i32
    %dma_wait3A_636 = arith.constant 0 : i32
    %dma_wait3A_637 = tpu.memref_slice %arg10[%dma_wait3A_635, %dma_wait3A_636] : memref<1024x32xf32, #tpu.memory_space<vmem>> -> memref<128x32xf32, #tpu.memory_space<vmem>>
    %dma_wait3A_638 = arith.constant 4864 : i32
    %dma_wait3A_639 = tpu.memref_slice %arg9[%dma_wait3A_638] : memref<5120xi32, #tpu.memory_space<vmem>> -> memref<128xi32, #tpu.memory_space<vmem>>
    %dma_wait3A_640 = arith.constant 0 : i32
    %dma_wait3A_641 = arith.constant 0 : i32
    %dma_wait3A_642 = tpu.memref_slice %arg2[%dma_wait3A_640, %dma_wait3A_641] : memref<10000x32xf32, #tpu.memory_space<hbm>> -> memref<10000x32xf32, #tpu.memory_space<hbm>>
    tpu.wait_indirect_dma semaphore(%arg15 : memref<!tpu.dma_semaphore, #tpu.memory_space<semaphore_mem>>) src(%dma_wait3A_642 : memref<10000x32xf32, #tpu.memory_space<hbm>>) dst(%dma_wait3A_637 : memref<128x32xf32, #tpu.memory_space<vmem>>)
    %dma_wait3A_643 = arith.constant 896 : i32
    %dma_wait3A_644 = arith.constant 0 : i32
    %dma_wait3A_645 = tpu.memref_slice %arg10[%dma_wait3A_643, %dma_wait3A_644] : memref<1024x32xf32, #tpu.memory_space<vmem>> -> memref<128x32xf32, #tpu.memory_space<vmem>>
    %dma_wait3A_646 = arith.constant 4992 : i32
    %dma_wait3A_647 = tpu.memref_slice %arg9[%dma_wait3A_646] : memref<5120xi32, #tpu.memory_space<vmem>> -> memref<128xi32, #tpu.memory_space<vmem>>
    %dma_wait3A_648 = arith.constant 0 : i32
    %dma_wait3A_649 = arith.constant 0 : i32
    %dma_wait3A_650 = tpu.memref_slice %arg2[%dma_wait3A_648, %dma_wait3A_649] : memref<10000x32xf32, #tpu.memory_space<hbm>> -> memref<10000x32xf32, #tpu.memory_space<hbm>>
    tpu.wait_indirect_dma semaphore(%arg15 : memref<!tpu.dma_semaphore, #tpu.memory_space<semaphore_mem>>) src(%dma_wait3A_650 : memref<10000x32xf32, #tpu.memory_space<hbm>>) dst(%dma_wait3A_645 : memref<128x32xf32, #tpu.memory_space<vmem>>)
    %add3A_651 = arith.constant 4096 : i32
    %add3A_652 = arith.addi %mul3A_2, %add3A_651 : i32
    "tpu.region"() ({
      %run_scoped3A = tpu.sem_alloc : memref<!tpu.dma_semaphore, #tpu.memory_space<semaphore_mem>>
      %dma_start3A_1218 = arith.constant 0 : i32
      %dma_start3A_1219 = tpu.memref_slice %arg7[%add3A_652, %dma_start3A_1218] : memref<163840x32xf32, #tpu.memory_space<hbm>> -> memref<1024x32xf32, #tpu.memory_space<hbm>>
      %dma_start3A_1220 = arith.constant 0 : i32
      %dma_start3A_1221 = tpu.memref_slice %arg7[%add3A_652, %dma_start3A_1220] : memref<163840x32xf32, #tpu.memory_space<hbm>> -> memref<1024x32xf32, #tpu.memory_space<hbm>>
      tpu.enqueue_dma source(%arg10 : memref<1024x32xf32, #tpu.memory_space<vmem>>) target(%dma_start3A_1221 : memref<1024x32xf32, #tpu.memory_space<hbm>>) target_semaphore(%run_scoped3A : memref<!tpu.dma_semaphore, #tpu.memory_space<semaphore_mem>>)
      %dma_wait3A_1222 = arith.constant 0 : i32
      %dma_wait3A_1223 = tpu.memref_slice %arg7[%add3A_652, %dma_wait3A_1222] : memref<163840x32xf32, #tpu.memory_space<hbm>> -> memref<1024x32xf32, #tpu.memory_space<hbm>>
      %dma_wait3A_1224 = arith.constant 0 : i32
      %dma_wait3A_1225 = tpu.memref_slice %arg7[%add3A_652, %dma_wait3A_1224] : memref<163840x32xf32, #tpu.memory_space<hbm>> -> memref<1024x32xf32, #tpu.memory_space<hbm>>
      tpu.wait_dma2 semaphore(%run_scoped3A : memref<!tpu.dma_semaphore, #tpu.memory_space<semaphore_mem>>) src(%arg10 : memref<1024x32xf32, #tpu.memory_space<vmem>>) dst(%dma_wait3A_1225 : memref<1024x32xf32, #tpu.memory_space<hbm>>)
      tpu.yield
    }) : () -> ()
    %barrier3A = arith.constant 0 : index
    tpu.barrier barrier_id(%barrier3A)
    %dma_start3A_653 = arith.constant 0 : i32
    %dma_start3A_654 = arith.constant 0 : i32
    %dma_start3A_655 = tpu.memref_slice %arg12[%dma_start3A_653, %dma_start3A_654] : memref<40x128xi32, #tpu.memory_space<vmem>> -> memref<1x128xi32, #tpu.memory_space<vmem>>
    %dma_start3A_656 = tpu.memref_squeeze %dma_start3A_655 : memref<1x128xi32, #tpu.memory_space<vmem>> -> memref<128xi32, #tpu.memory_space<vmem>>
    %dma_start3A_657 = arith.constant 0 : i32
    %dma_start3A_658 = arith.constant 0 : i32
    %dma_start3A_659 = tpu.memref_slice %arg14[%dma_start3A_657, %dma_start3A_658] : memref<10240x16xf32, #tpu.memory_space<vmem_shared>> -> memref<10240x16xf32, #tpu.memory_space<vmem_shared>>
    tpu.enqueue_indirect_dma source(%arg13 : memref<128x16xf32, #tpu.memory_space<vmem>>) target(%dma_start3A_659 : memref<10240x16xf32, #tpu.memory_space<vmem_shared>>) offsets(%dma_start3A_656 : memref<128xi32, #tpu.memory_space<vmem>>) semaphore(%arg17 : memref<!tpu.dma_semaphore, #tpu.memory_space<semaphore_mem>>) {add = true}
    %dma_start3A_660 = arith.constant 1 : i32
    %dma_start3A_661 = arith.constant 0 : i32
    %dma_start3A_662 = tpu.memref_slice %arg12[%dma_start3A_660, %dma_start3A_661] : memref<40x128xi32, #tpu.memory_space<vmem>> -> memref<1x128xi32, #tpu.memory_space<vmem>>
    %dma_start3A_663 = tpu.memref_squeeze %dma_start3A_662 : memref<1x128xi32, #tpu.memory_space<vmem>> -> memref<128xi32, #tpu.memory_space<vmem>>
    %dma_start3A_664 = arith.constant 0 : i32
    %dma_start3A_665 = arith.constant 0 : i32
    %dma_start3A_666 = tpu.memref_slice %arg14[%dma_start3A_664, %dma_start3A_665] : memref<10240x16xf32, #tpu.memory_space<vmem_shared>> -> memref<10240x16xf32, #tpu.memory_space<vmem_shared>>
    tpu.enqueue_indirect_dma source(%arg13 : memref<128x16xf32, #tpu.memory_space<vmem>>) target(%dma_start3A_666 : memref<10240x16xf32, #tpu.memory_space<vmem_shared>>) offsets(%dma_start3A_663 : memref<128xi32, #tpu.memory_space<vmem>>) semaphore(%arg17 : memref<!tpu.dma_semaphore, #tpu.memory_space<semaphore_mem>>) {add = true}
    %dma_start3A_667 = arith.constant 2 : i32
    %dma_start3A_668 = arith.constant 0 : i32
    %dma_start3A_669 = tpu.memref_slice %arg12[%dma_start3A_667, %dma_start3A_668] : memref<40x128xi32, #tpu.memory_space<vmem>> -> memref<1x128xi32, #tpu.memory_space<vmem>>
    %dma_start3A_670 = tpu.memref_squeeze %dma_start3A_669 : memref<1x128xi32, #tpu.memory_space<vmem>> -> memref<128xi32, #tpu.memory_space<vmem>>
    %dma_start3A_671 = arith.constant 0 : i32
    %dma_start3A_672 = arith.constant 0 : i32
    %dma_start3A_673 = tpu.memref_slice %arg14[%dma_start3A_671, %dma_start3A_672] : memref<10240x16xf32, #tpu.memory_space<vmem_shared>> -> memref<10240x16xf32, #tpu.memory_space<vmem_shared>>
    tpu.enqueue_indirect_dma source(%arg13 : memref<128x16xf32, #tpu.memory_space<vmem>>) target(%dma_start3A_673 : memref<10240x16xf32, #tpu.memory_space<vmem_shared>>) offsets(%dma_start3A_670 : memref<128xi32, #tpu.memory_space<vmem>>) semaphore(%arg17 : memref<!tpu.dma_semaphore, #tpu.memory_space<semaphore_mem>>) {add = true}
    %dma_start3A_674 = arith.constant 3 : i32
    %dma_start3A_675 = arith.constant 0 : i32
    %dma_start3A_676 = tpu.memref_slice %arg12[%dma_start3A_674, %dma_start3A_675] : memref<40x128xi32, #tpu.memory_space<vmem>> -> memref<1x128xi32, #tpu.memory_space<vmem>>
    %dma_start3A_677 = tpu.memref_squeeze %dma_start3A_676 : memref<1x128xi32, #tpu.memory_space<vmem>> -> memref<128xi32, #tpu.memory_space<vmem>>
    %dma_start3A_678 = arith.constant 0 : i32
    %dma_start3A_679 = arith.constant 0 : i32
    %dma_start3A_680 = tpu.memref_slice %arg14[%dma_start3A_678, %dma_start3A_679] : memref<10240x16xf32, #tpu.memory_space<vmem_shared>> -> memref<10240x16xf32, #tpu.memory_space<vmem_shared>>
    tpu.enqueue_indirect_dma source(%arg13 : memref<128x16xf32, #tpu.memory_space<vmem>>) target(%dma_start3A_680 : memref<10240x16xf32, #tpu.memory_space<vmem_shared>>) offsets(%dma_start3A_677 : memref<128xi32, #tpu.memory_space<vmem>>) semaphore(%arg17 : memref<!tpu.dma_semaphore, #tpu.memory_space<semaphore_mem>>) {add = true}
    %dma_start3A_681 = arith.constant 4 : i32
    %dma_start3A_682 = arith.constant 0 : i32
    %dma_start3A_683 = tpu.memref_slice %arg12[%dma_start3A_681, %dma_start3A_682] : memref<40x128xi32, #tpu.memory_space<vmem>> -> memref<1x128xi32, #tpu.memory_space<vmem>>
    %dma_start3A_684 = tpu.memref_squeeze %dma_start3A_683 : memref<1x128xi32, #tpu.memory_space<vmem>> -> memref<128xi32, #tpu.memory_space<vmem>>
    %dma_start3A_685 = arith.constant 0 : i32
    %dma_start3A_686 = arith.constant 0 : i32
    %dma_start3A_687 = tpu.memref_slice %arg14[%dma_start3A_685, %dma_start3A_686] : memref<10240x16xf32, #tpu.memory_space<vmem_shared>> -> memref<10240x16xf32, #tpu.memory_space<vmem_shared>>
    tpu.enqueue_indirect_dma source(%arg13 : memref<128x16xf32, #tpu.memory_space<vmem>>) target(%dma_start3A_687 : memref<10240x16xf32, #tpu.memory_space<vmem_shared>>) offsets(%dma_start3A_684 : memref<128xi32, #tpu.memory_space<vmem>>) semaphore(%arg17 : memref<!tpu.dma_semaphore, #tpu.memory_space<semaphore_mem>>) {add = true}
    %dma_start3A_688 = arith.constant 5 : i32
    %dma_start3A_689 = arith.constant 0 : i32
    %dma_start3A_690 = tpu.memref_slice %arg12[%dma_start3A_688, %dma_start3A_689] : memref<40x128xi32, #tpu.memory_space<vmem>> -> memref<1x128xi32, #tpu.memory_space<vmem>>
    %dma_start3A_691 = tpu.memref_squeeze %dma_start3A_690 : memref<1x128xi32, #tpu.memory_space<vmem>> -> memref<128xi32, #tpu.memory_space<vmem>>
    %dma_start3A_692 = arith.constant 0 : i32
    %dma_start3A_693 = arith.constant 0 : i32
    %dma_start3A_694 = tpu.memref_slice %arg14[%dma_start3A_692, %dma_start3A_693] : memref<10240x16xf32, #tpu.memory_space<vmem_shared>> -> memref<10240x16xf32, #tpu.memory_space<vmem_shared>>
    tpu.enqueue_indirect_dma source(%arg13 : memref<128x16xf32, #tpu.memory_space<vmem>>) target(%dma_start3A_694 : memref<10240x16xf32, #tpu.memory_space<vmem_shared>>) offsets(%dma_start3A_691 : memref<128xi32, #tpu.memory_space<vmem>>) semaphore(%arg17 : memref<!tpu.dma_semaphore, #tpu.memory_space<semaphore_mem>>) {add = true}
    %dma_start3A_695 = arith.constant 6 : i32
    %dma_start3A_696 = arith.constant 0 : i32
    %dma_start3A_697 = tpu.memref_slice %arg12[%dma_start3A_695, %dma_start3A_696] : memref<40x128xi32, #tpu.memory_space<vmem>> -> memref<1x128xi32, #tpu.memory_space<vmem>>
    %dma_start3A_698 = tpu.memref_squeeze %dma_start3A_697 : memref<1x128xi32, #tpu.memory_space<vmem>> -> memref<128xi32, #tpu.memory_space<vmem>>
    %dma_start3A_699 = arith.constant 0 : i32
    %dma_start3A_700 = arith.constant 0 : i32
    %dma_start3A_701 = tpu.memref_slice %arg14[%dma_start3A_699, %dma_start3A_700] : memref<10240x16xf32, #tpu.memory_space<vmem_shared>> -> memref<10240x16xf32, #tpu.memory_space<vmem_shared>>
    tpu.enqueue_indirect_dma source(%arg13 : memref<128x16xf32, #tpu.memory_space<vmem>>) target(%dma_start3A_701 : memref<10240x16xf32, #tpu.memory_space<vmem_shared>>) offsets(%dma_start3A_698 : memref<128xi32, #tpu.memory_space<vmem>>) semaphore(%arg17 : memref<!tpu.dma_semaphore, #tpu.memory_space<semaphore_mem>>) {add = true}
    %dma_start3A_702 = arith.constant 7 : i32
    %dma_start3A_703 = arith.constant 0 : i32
    %dma_start3A_704 = tpu.memref_slice %arg12[%dma_start3A_702, %dma_start3A_703] : memref<40x128xi32, #tpu.memory_space<vmem>> -> memref<1x128xi32, #tpu.memory_space<vmem>>
    %dma_start3A_705 = tpu.memref_squeeze %dma_start3A_704 : memref<1x128xi32, #tpu.memory_space<vmem>> -> memref<128xi32, #tpu.memory_space<vmem>>
    %dma_start3A_706 = arith.constant 0 : i32
    %dma_start3A_707 = arith.constant 0 : i32
    %dma_start3A_708 = tpu.memref_slice %arg14[%dma_start3A_706, %dma_start3A_707] : memref<10240x16xf32, #tpu.memory_space<vmem_shared>> -> memref<10240x16xf32, #tpu.memory_space<vmem_shared>>
    tpu.enqueue_indirect_dma source(%arg13 : memref<128x16xf32, #tpu.memory_space<vmem>>) target(%dma_start3A_708 : memref<10240x16xf32, #tpu.memory_space<vmem_shared>>) offsets(%dma_start3A_705 : memref<128xi32, #tpu.memory_space<vmem>>) semaphore(%arg17 : memref<!tpu.dma_semaphore, #tpu.memory_space<semaphore_mem>>) {add = true}
    %dma_wait3A_709 = arith.constant 0 : i32
    %dma_wait3A_710 = arith.constant 0 : i32
    %dma_wait3A_711 = tpu.memref_slice %arg12[%dma_wait3A_709, %dma_wait3A_710] : memref<40x128xi32, #tpu.memory_space<vmem>> -> memref<1x128xi32, #tpu.memory_space<vmem>>
    %dma_wait3A_712 = tpu.memref_squeeze %dma_wait3A_711 : memref<1x128xi32, #tpu.memory_space<vmem>> -> memref<128xi32, #tpu.memory_space<vmem>>
    %dma_wait3A_713 = arith.constant 0 : i32
    %dma_wait3A_714 = arith.constant 0 : i32
    %dma_wait3A_715 = tpu.memref_slice %arg14[%dma_wait3A_713, %dma_wait3A_714] : memref<10240x16xf32, #tpu.memory_space<vmem_shared>> -> memref<10240x16xf32, #tpu.memory_space<vmem_shared>>
    tpu.wait_indirect_dma semaphore(%arg17 : memref<!tpu.dma_semaphore, #tpu.memory_space<semaphore_mem>>) src(%arg13 : memref<128x16xf32, #tpu.memory_space<vmem>>) dst(%dma_wait3A_715 : memref<10240x16xf32, #tpu.memory_space<vmem_shared>>)
    %dma_wait3A_716 = arith.constant 1 : i32
    %dma_wait3A_717 = arith.constant 0 : i32
    %dma_wait3A_718 = tpu.memref_slice %arg12[%dma_wait3A_716, %dma_wait3A_717] : memref<40x128xi32, #tpu.memory_space<vmem>> -> memref<1x128xi32, #tpu.memory_space<vmem>>
    %dma_wait3A_719 = tpu.memref_squeeze %dma_wait3A_718 : memref<1x128xi32, #tpu.memory_space<vmem>> -> memref<128xi32, #tpu.memory_space<vmem>>
    %dma_wait3A_720 = arith.constant 0 : i32
    %dma_wait3A_721 = arith.constant 0 : i32
    %dma_wait3A_722 = tpu.memref_slice %arg14[%dma_wait3A_720, %dma_wait3A_721] : memref<10240x16xf32, #tpu.memory_space<vmem_shared>> -> memref<10240x16xf32, #tpu.memory_space<vmem_shared>>
    tpu.wait_indirect_dma semaphore(%arg17 : memref<!tpu.dma_semaphore, #tpu.memory_space<semaphore_mem>>) src(%arg13 : memref<128x16xf32, #tpu.memory_space<vmem>>) dst(%dma_wait3A_722 : memref<10240x16xf32, #tpu.memory_space<vmem_shared>>)
    %dma_wait3A_723 = arith.constant 2 : i32
    %dma_wait3A_724 = arith.constant 0 : i32
    %dma_wait3A_725 = tpu.memref_slice %arg12[%dma_wait3A_723, %dma_wait3A_724] : memref<40x128xi32, #tpu.memory_space<vmem>> -> memref<1x128xi32, #tpu.memory_space<vmem>>
    %dma_wait3A_726 = tpu.memref_squeeze %dma_wait3A_725 : memref<1x128xi32, #tpu.memory_space<vmem>> -> memref<128xi32, #tpu.memory_space<vmem>>
    %dma_wait3A_727 = arith.constant 0 : i32
    %dma_wait3A_728 = arith.constant 0 : i32
    %dma_wait3A_729 = tpu.memref_slice %arg14[%dma_wait3A_727, %dma_wait3A_728] : memref<10240x16xf32, #tpu.memory_space<vmem_shared>> -> memref<10240x16xf32, #tpu.memory_space<vmem_shared>>
    tpu.wait_indirect_dma semaphore(%arg17 : memref<!tpu.dma_semaphore, #tpu.memory_space<semaphore_mem>>) src(%arg13 : memref<128x16xf32, #tpu.memory_space<vmem>>) dst(%dma_wait3A_729 : memref<10240x16xf32, #tpu.memory_space<vmem_shared>>)
    %dma_wait3A_730 = arith.constant 3 : i32
    %dma_wait3A_731 = arith.constant 0 : i32
    %dma_wait3A_732 = tpu.memref_slice %arg12[%dma_wait3A_730, %dma_wait3A_731] : memref<40x128xi32, #tpu.memory_space<vmem>> -> memref<1x128xi32, #tpu.memory_space<vmem>>
    %dma_wait3A_733 = tpu.memref_squeeze %dma_wait3A_732 : memref<1x128xi32, #tpu.memory_space<vmem>> -> memref<128xi32, #tpu.memory_space<vmem>>
    %dma_wait3A_734 = arith.constant 0 : i32
    %dma_wait3A_735 = arith.constant 0 : i32
    %dma_wait3A_736 = tpu.memref_slice %arg14[%dma_wait3A_734, %dma_wait3A_735] : memref<10240x16xf32, #tpu.memory_space<vmem_shared>> -> memref<10240x16xf32, #tpu.memory_space<vmem_shared>>
    tpu.wait_indirect_dma semaphore(%arg17 : memref<!tpu.dma_semaphore, #tpu.memory_space<semaphore_mem>>) src(%arg13 : memref<128x16xf32, #tpu.memory_space<vmem>>) dst(%dma_wait3A_736 : memref<10240x16xf32, #tpu.memory_space<vmem_shared>>)
    %dma_wait3A_737 = arith.constant 4 : i32
    %dma_wait3A_738 = arith.constant 0 : i32
    %dma_wait3A_739 = tpu.memref_slice %arg12[%dma_wait3A_737, %dma_wait3A_738] : memref<40x128xi32, #tpu.memory_space<vmem>> -> memref<1x128xi32, #tpu.memory_space<vmem>>
    %dma_wait3A_740 = tpu.memref_squeeze %dma_wait3A_739 : memref<1x128xi32, #tpu.memory_space<vmem>> -> memref<128xi32, #tpu.memory_space<vmem>>
    %dma_wait3A_741 = arith.constant 0 : i32
    %dma_wait3A_742 = arith.constant 0 : i32
    %dma_wait3A_743 = tpu.memref_slice %arg14[%dma_wait3A_741, %dma_wait3A_742] : memref<10240x16xf32, #tpu.memory_space<vmem_shared>> -> memref<10240x16xf32, #tpu.memory_space<vmem_shared>>
    tpu.wait_indirect_dma semaphore(%arg17 : memref<!tpu.dma_semaphore, #tpu.memory_space<semaphore_mem>>) src(%arg13 : memref<128x16xf32, #tpu.memory_space<vmem>>) dst(%dma_wait3A_743 : memref<10240x16xf32, #tpu.memory_space<vmem_shared>>)
    %dma_wait3A_744 = arith.constant 5 : i32
    %dma_wait3A_745 = arith.constant 0 : i32
    %dma_wait3A_746 = tpu.memref_slice %arg12[%dma_wait3A_744, %dma_wait3A_745] : memref<40x128xi32, #tpu.memory_space<vmem>> -> memref<1x128xi32, #tpu.memory_space<vmem>>
    %dma_wait3A_747 = tpu.memref_squeeze %dma_wait3A_746 : memref<1x128xi32, #tpu.memory_space<vmem>> -> memref<128xi32, #tpu.memory_space<vmem>>
    %dma_wait3A_748 = arith.constant 0 : i32
    %dma_wait3A_749 = arith.constant 0 : i32
    %dma_wait3A_750 = tpu.memref_slice %arg14[%dma_wait3A_748, %dma_wait3A_749] : memref<10240x16xf32, #tpu.memory_space<vmem_shared>> -> memref<10240x16xf32, #tpu.memory_space<vmem_shared>>
    tpu.wait_indirect_dma semaphore(%arg17 : memref<!tpu.dma_semaphore, #tpu.memory_space<semaphore_mem>>) src(%arg13 : memref<128x16xf32, #tpu.memory_space<vmem>>) dst(%dma_wait3A_750 : memref<10240x16xf32, #tpu.memory_space<vmem_shared>>)
    %dma_wait3A_751 = arith.constant 6 : i32
    %dma_wait3A_752 = arith.constant 0 : i32
    %dma_wait3A_753 = tpu.memref_slice %arg12[%dma_wait3A_751, %dma_wait3A_752] : memref<40x128xi32, #tpu.memory_space<vmem>> -> memref<1x128xi32, #tpu.memory_space<vmem>>
    %dma_wait3A_754 = tpu.memref_squeeze %dma_wait3A_753 : memref<1x128xi32, #tpu.memory_space<vmem>> -> memref<128xi32, #tpu.memory_space<vmem>>
    %dma_wait3A_755 = arith.constant 0 : i32
    %dma_wait3A_756 = arith.constant 0 : i32
    %dma_wait3A_757 = tpu.memref_slice %arg14[%dma_wait3A_755, %dma_wait3A_756] : memref<10240x16xf32, #tpu.memory_space<vmem_shared>> -> memref<10240x16xf32, #tpu.memory_space<vmem_shared>>
    tpu.wait_indirect_dma semaphore(%arg17 : memref<!tpu.dma_semaphore, #tpu.memory_space<semaphore_mem>>) src(%arg13 : memref<128x16xf32, #tpu.memory_space<vmem>>) dst(%dma_wait3A_757 : memref<10240x16xf32, #tpu.memory_space<vmem_shared>>)
    %dma_wait3A_758 = arith.constant 7 : i32
    %dma_wait3A_759 = arith.constant 0 : i32
    %dma_wait3A_760 = tpu.memref_slice %arg12[%dma_wait3A_758, %dma_wait3A_759] : memref<40x128xi32, #tpu.memory_space<vmem>> -> memref<1x128xi32, #tpu.memory_space<vmem>>
    %dma_wait3A_761 = tpu.memref_squeeze %dma_wait3A_760 : memref<1x128xi32, #tpu.memory_space<vmem>> -> memref<128xi32, #tpu.memory_space<vmem>>
    %dma_wait3A_762 = arith.constant 0 : i32
    %dma_wait3A_763 = arith.constant 0 : i32
    %dma_wait3A_764 = tpu.memref_slice %arg14[%dma_wait3A_762, %dma_wait3A_763] : memref<10240x16xf32, #tpu.memory_space<vmem_shared>> -> memref<10240x16xf32, #tpu.memory_space<vmem_shared>>
    tpu.wait_indirect_dma semaphore(%arg17 : memref<!tpu.dma_semaphore, #tpu.memory_space<semaphore_mem>>) src(%arg13 : memref<128x16xf32, #tpu.memory_space<vmem>>) dst(%dma_wait3A_764 : memref<10240x16xf32, #tpu.memory_space<vmem_shared>>)
    %dma_start3A_765 = arith.constant 8 : i32
    %dma_start3A_766 = arith.constant 0 : i32
    %dma_start3A_767 = tpu.memref_slice %arg12[%dma_start3A_765, %dma_start3A_766] : memref<40x128xi32, #tpu.memory_space<vmem>> -> memref<1x128xi32, #tpu.memory_space<vmem>>
    %dma_start3A_768 = tpu.memref_squeeze %dma_start3A_767 : memref<1x128xi32, #tpu.memory_space<vmem>> -> memref<128xi32, #tpu.memory_space<vmem>>
    %dma_start3A_769 = arith.constant 0 : i32
    %dma_start3A_770 = arith.constant 0 : i32
    %dma_start3A_771 = tpu.memref_slice %arg14[%dma_start3A_769, %dma_start3A_770] : memref<10240x16xf32, #tpu.memory_space<vmem_shared>> -> memref<10240x16xf32, #tpu.memory_space<vmem_shared>>
    tpu.enqueue_indirect_dma source(%arg13 : memref<128x16xf32, #tpu.memory_space<vmem>>) target(%dma_start3A_771 : memref<10240x16xf32, #tpu.memory_space<vmem_shared>>) offsets(%dma_start3A_768 : memref<128xi32, #tpu.memory_space<vmem>>) semaphore(%arg17 : memref<!tpu.dma_semaphore, #tpu.memory_space<semaphore_mem>>) {add = true}
    %dma_start3A_772 = arith.constant 9 : i32
    %dma_start3A_773 = arith.constant 0 : i32
    %dma_start3A_774 = tpu.memref_slice %arg12[%dma_start3A_772, %dma_start3A_773] : memref<40x128xi32, #tpu.memory_space<vmem>> -> memref<1x128xi32, #tpu.memory_space<vmem>>
    %dma_start3A_775 = tpu.memref_squeeze %dma_start3A_774 : memref<1x128xi32, #tpu.memory_space<vmem>> -> memref<128xi32, #tpu.memory_space<vmem>>
    %dma_start3A_776 = arith.constant 0 : i32
    %dma_start3A_777 = arith.constant 0 : i32
    %dma_start3A_778 = tpu.memref_slice %arg14[%dma_start3A_776, %dma_start3A_777] : memref<10240x16xf32, #tpu.memory_space<vmem_shared>> -> memref<10240x16xf32, #tpu.memory_space<vmem_shared>>
    tpu.enqueue_indirect_dma source(%arg13 : memref<128x16xf32, #tpu.memory_space<vmem>>) target(%dma_start3A_778 : memref<10240x16xf32, #tpu.memory_space<vmem_shared>>) offsets(%dma_start3A_775 : memref<128xi32, #tpu.memory_space<vmem>>) semaphore(%arg17 : memref<!tpu.dma_semaphore, #tpu.memory_space<semaphore_mem>>) {add = true}
    %dma_start3A_779 = arith.constant 10 : i32
    %dma_start3A_780 = arith.constant 0 : i32
    %dma_start3A_781 = tpu.memref_slice %arg12[%dma_start3A_779, %dma_start3A_780] : memref<40x128xi32, #tpu.memory_space<vmem>> -> memref<1x128xi32, #tpu.memory_space<vmem>>
    %dma_start3A_782 = tpu.memref_squeeze %dma_start3A_781 : memref<1x128xi32, #tpu.memory_space<vmem>> -> memref<128xi32, #tpu.memory_space<vmem>>
    %dma_start3A_783 = arith.constant 0 : i32
    %dma_start3A_784 = arith.constant 0 : i32
    %dma_start3A_785 = tpu.memref_slice %arg14[%dma_start3A_783, %dma_start3A_784] : memref<10240x16xf32, #tpu.memory_space<vmem_shared>> -> memref<10240x16xf32, #tpu.memory_space<vmem_shared>>
    tpu.enqueue_indirect_dma source(%arg13 : memref<128x16xf32, #tpu.memory_space<vmem>>) target(%dma_start3A_785 : memref<10240x16xf32, #tpu.memory_space<vmem_shared>>) offsets(%dma_start3A_782 : memref<128xi32, #tpu.memory_space<vmem>>) semaphore(%arg17 : memref<!tpu.dma_semaphore, #tpu.memory_space<semaphore_mem>>) {add = true}
    %dma_start3A_786 = arith.constant 11 : i32
    %dma_start3A_787 = arith.constant 0 : i32
    %dma_start3A_788 = tpu.memref_slice %arg12[%dma_start3A_786, %dma_start3A_787] : memref<40x128xi32, #tpu.memory_space<vmem>> -> memref<1x128xi32, #tpu.memory_space<vmem>>
    %dma_start3A_789 = tpu.memref_squeeze %dma_start3A_788 : memref<1x128xi32, #tpu.memory_space<vmem>> -> memref<128xi32, #tpu.memory_space<vmem>>
    %dma_start3A_790 = arith.constant 0 : i32
    %dma_start3A_791 = arith.constant 0 : i32
    %dma_start3A_792 = tpu.memref_slice %arg14[%dma_start3A_790, %dma_start3A_791] : memref<10240x16xf32, #tpu.memory_space<vmem_shared>> -> memref<10240x16xf32, #tpu.memory_space<vmem_shared>>
    tpu.enqueue_indirect_dma source(%arg13 : memref<128x16xf32, #tpu.memory_space<vmem>>) target(%dma_start3A_792 : memref<10240x16xf32, #tpu.memory_space<vmem_shared>>) offsets(%dma_start3A_789 : memref<128xi32, #tpu.memory_space<vmem>>) semaphore(%arg17 : memref<!tpu.dma_semaphore, #tpu.memory_space<semaphore_mem>>) {add = true}
    %dma_start3A_793 = arith.constant 12 : i32
    %dma_start3A_794 = arith.constant 0 : i32
    %dma_start3A_795 = tpu.memref_slice %arg12[%dma_start3A_793, %dma_start3A_794] : memref<40x128xi32, #tpu.memory_space<vmem>> -> memref<1x128xi32, #tpu.memory_space<vmem>>
    %dma_start3A_796 = tpu.memref_squeeze %dma_start3A_795 : memref<1x128xi32, #tpu.memory_space<vmem>> -> memref<128xi32, #tpu.memory_space<vmem>>
    %dma_start3A_797 = arith.constant 0 : i32
    %dma_start3A_798 = arith.constant 0 : i32
    %dma_start3A_799 = tpu.memref_slice %arg14[%dma_start3A_797, %dma_start3A_798] : memref<10240x16xf32, #tpu.memory_space<vmem_shared>> -> memref<10240x16xf32, #tpu.memory_space<vmem_shared>>
    tpu.enqueue_indirect_dma source(%arg13 : memref<128x16xf32, #tpu.memory_space<vmem>>) target(%dma_start3A_799 : memref<10240x16xf32, #tpu.memory_space<vmem_shared>>) offsets(%dma_start3A_796 : memref<128xi32, #tpu.memory_space<vmem>>) semaphore(%arg17 : memref<!tpu.dma_semaphore, #tpu.memory_space<semaphore_mem>>) {add = true}
    %dma_start3A_800 = arith.constant 13 : i32
    %dma_start3A_801 = arith.constant 0 : i32
    %dma_start3A_802 = tpu.memref_slice %arg12[%dma_start3A_800, %dma_start3A_801] : memref<40x128xi32, #tpu.memory_space<vmem>> -> memref<1x128xi32, #tpu.memory_space<vmem>>
    %dma_start3A_803 = tpu.memref_squeeze %dma_start3A_802 : memref<1x128xi32, #tpu.memory_space<vmem>> -> memref<128xi32, #tpu.memory_space<vmem>>
    %dma_start3A_804 = arith.constant 0 : i32
    %dma_start3A_805 = arith.constant 0 : i32
    %dma_start3A_806 = tpu.memref_slice %arg14[%dma_start3A_804, %dma_start3A_805] : memref<10240x16xf32, #tpu.memory_space<vmem_shared>> -> memref<10240x16xf32, #tpu.memory_space<vmem_shared>>
    tpu.enqueue_indirect_dma source(%arg13 : memref<128x16xf32, #tpu.memory_space<vmem>>) target(%dma_start3A_806 : memref<10240x16xf32, #tpu.memory_space<vmem_shared>>) offsets(%dma_start3A_803 : memref<128xi32, #tpu.memory_space<vmem>>) semaphore(%arg17 : memref<!tpu.dma_semaphore, #tpu.memory_space<semaphore_mem>>) {add = true}
    %dma_start3A_807 = arith.constant 14 : i32
    %dma_start3A_808 = arith.constant 0 : i32
    %dma_start3A_809 = tpu.memref_slice %arg12[%dma_start3A_807, %dma_start3A_808] : memref<40x128xi32, #tpu.memory_space<vmem>> -> memref<1x128xi32, #tpu.memory_space<vmem>>
    %dma_start3A_810 = tpu.memref_squeeze %dma_start3A_809 : memref<1x128xi32, #tpu.memory_space<vmem>> -> memref<128xi32, #tpu.memory_space<vmem>>
    %dma_start3A_811 = arith.constant 0 : i32
    %dma_start3A_812 = arith.constant 0 : i32
    %dma_start3A_813 = tpu.memref_slice %arg14[%dma_start3A_811, %dma_start3A_812] : memref<10240x16xf32, #tpu.memory_space<vmem_shared>> -> memref<10240x16xf32, #tpu.memory_space<vmem_shared>>
    tpu.enqueue_indirect_dma source(%arg13 : memref<128x16xf32, #tpu.memory_space<vmem>>) target(%dma_start3A_813 : memref<10240x16xf32, #tpu.memory_space<vmem_shared>>) offsets(%dma_start3A_810 : memref<128xi32, #tpu.memory_space<vmem>>) semaphore(%arg17 : memref<!tpu.dma_semaphore, #tpu.memory_space<semaphore_mem>>) {add = true}
    %dma_start3A_814 = arith.constant 15 : i32
    %dma_start3A_815 = arith.constant 0 : i32
    %dma_start3A_816 = tpu.memref_slice %arg12[%dma_start3A_814, %dma_start3A_815] : memref<40x128xi32, #tpu.memory_space<vmem>> -> memref<1x128xi32, #tpu.memory_space<vmem>>
    %dma_start3A_817 = tpu.memref_squeeze %dma_start3A_816 : memref<1x128xi32, #tpu.memory_space<vmem>> -> memref<128xi32, #tpu.memory_space<vmem>>
    %dma_start3A_818 = arith.constant 0 : i32
    %dma_start3A_819 = arith.constant 0 : i32
    %dma_start3A_820 = tpu.memref_slice %arg14[%dma_start3A_818, %dma_start3A_819] : memref<10240x16xf32, #tpu.memory_space<vmem_shared>> -> memref<10240x16xf32, #tpu.memory_space<vmem_shared>>
    tpu.enqueue_indirect_dma source(%arg13 : memref<128x16xf32, #tpu.memory_space<vmem>>) target(%dma_start3A_820 : memref<10240x16xf32, #tpu.memory_space<vmem_shared>>) offsets(%dma_start3A_817 : memref<128xi32, #tpu.memory_space<vmem>>) semaphore(%arg17 : memref<!tpu.dma_semaphore, #tpu.memory_space<semaphore_mem>>) {add = true}
    %dma_wait3A_821 = arith.constant 8 : i32
    %dma_wait3A_822 = arith.constant 0 : i32
    %dma_wait3A_823 = tpu.memref_slice %arg12[%dma_wait3A_821, %dma_wait3A_822] : memref<40x128xi32, #tpu.memory_space<vmem>> -> memref<1x128xi32, #tpu.memory_space<vmem>>
    %dma_wait3A_824 = tpu.memref_squeeze %dma_wait3A_823 : memref<1x128xi32, #tpu.memory_space<vmem>> -> memref<128xi32, #tpu.memory_space<vmem>>
    %dma_wait3A_825 = arith.constant 0 : i32
    %dma_wait3A_826 = arith.constant 0 : i32
    %dma_wait3A_827 = tpu.memref_slice %arg14[%dma_wait3A_825, %dma_wait3A_826] : memref<10240x16xf32, #tpu.memory_space<vmem_shared>> -> memref<10240x16xf32, #tpu.memory_space<vmem_shared>>
    tpu.wait_indirect_dma semaphore(%arg17 : memref<!tpu.dma_semaphore, #tpu.memory_space<semaphore_mem>>) src(%arg13 : memref<128x16xf32, #tpu.memory_space<vmem>>) dst(%dma_wait3A_827 : memref<10240x16xf32, #tpu.memory_space<vmem_shared>>)
    %dma_wait3A_828 = arith.constant 9 : i32
    %dma_wait3A_829 = arith.constant 0 : i32
    %dma_wait3A_830 = tpu.memref_slice %arg12[%dma_wait3A_828, %dma_wait3A_829] : memref<40x128xi32, #tpu.memory_space<vmem>> -> memref<1x128xi32, #tpu.memory_space<vmem>>
    %dma_wait3A_831 = tpu.memref_squeeze %dma_wait3A_830 : memref<1x128xi32, #tpu.memory_space<vmem>> -> memref<128xi32, #tpu.memory_space<vmem>>
    %dma_wait3A_832 = arith.constant 0 : i32
    %dma_wait3A_833 = arith.constant 0 : i32
    %dma_wait3A_834 = tpu.memref_slice %arg14[%dma_wait3A_832, %dma_wait3A_833] : memref<10240x16xf32, #tpu.memory_space<vmem_shared>> -> memref<10240x16xf32, #tpu.memory_space<vmem_shared>>
    tpu.wait_indirect_dma semaphore(%arg17 : memref<!tpu.dma_semaphore, #tpu.memory_space<semaphore_mem>>) src(%arg13 : memref<128x16xf32, #tpu.memory_space<vmem>>) dst(%dma_wait3A_834 : memref<10240x16xf32, #tpu.memory_space<vmem_shared>>)
    %dma_wait3A_835 = arith.constant 10 : i32
    %dma_wait3A_836 = arith.constant 0 : i32
    %dma_wait3A_837 = tpu.memref_slice %arg12[%dma_wait3A_835, %dma_wait3A_836] : memref<40x128xi32, #tpu.memory_space<vmem>> -> memref<1x128xi32, #tpu.memory_space<vmem>>
    %dma_wait3A_838 = tpu.memref_squeeze %dma_wait3A_837 : memref<1x128xi32, #tpu.memory_space<vmem>> -> memref<128xi32, #tpu.memory_space<vmem>>
    %dma_wait3A_839 = arith.constant 0 : i32
    %dma_wait3A_840 = arith.constant 0 : i32
    %dma_wait3A_841 = tpu.memref_slice %arg14[%dma_wait3A_839, %dma_wait3A_840] : memref<10240x16xf32, #tpu.memory_space<vmem_shared>> -> memref<10240x16xf32, #tpu.memory_space<vmem_shared>>
    tpu.wait_indirect_dma semaphore(%arg17 : memref<!tpu.dma_semaphore, #tpu.memory_space<semaphore_mem>>) src(%arg13 : memref<128x16xf32, #tpu.memory_space<vmem>>) dst(%dma_wait3A_841 : memref<10240x16xf32, #tpu.memory_space<vmem_shared>>)
    %dma_wait3A_842 = arith.constant 11 : i32
    %dma_wait3A_843 = arith.constant 0 : i32
    %dma_wait3A_844 = tpu.memref_slice %arg12[%dma_wait3A_842, %dma_wait3A_843] : memref<40x128xi32, #tpu.memory_space<vmem>> -> memref<1x128xi32, #tpu.memory_space<vmem>>
    %dma_wait3A_845 = tpu.memref_squeeze %dma_wait3A_844 : memref<1x128xi32, #tpu.memory_space<vmem>> -> memref<128xi32, #tpu.memory_space<vmem>>
    %dma_wait3A_846 = arith.constant 0 : i32
    %dma_wait3A_847 = arith.constant 0 : i32
    %dma_wait3A_848 = tpu.memref_slice %arg14[%dma_wait3A_846, %dma_wait3A_847] : memref<10240x16xf32, #tpu.memory_space<vmem_shared>> -> memref<10240x16xf32, #tpu.memory_space<vmem_shared>>
    tpu.wait_indirect_dma semaphore(%arg17 : memref<!tpu.dma_semaphore, #tpu.memory_space<semaphore_mem>>) src(%arg13 : memref<128x16xf32, #tpu.memory_space<vmem>>) dst(%dma_wait3A_848 : memref<10240x16xf32, #tpu.memory_space<vmem_shared>>)
    %dma_wait3A_849 = arith.constant 12 : i32
    %dma_wait3A_850 = arith.constant 0 : i32
    %dma_wait3A_851 = tpu.memref_slice %arg12[%dma_wait3A_849, %dma_wait3A_850] : memref<40x128xi32, #tpu.memory_space<vmem>> -> memref<1x128xi32, #tpu.memory_space<vmem>>
    %dma_wait3A_852 = tpu.memref_squeeze %dma_wait3A_851 : memref<1x128xi32, #tpu.memory_space<vmem>> -> memref<128xi32, #tpu.memory_space<vmem>>
    %dma_wait3A_853 = arith.constant 0 : i32
    %dma_wait3A_854 = arith.constant 0 : i32
    %dma_wait3A_855 = tpu.memref_slice %arg14[%dma_wait3A_853, %dma_wait3A_854] : memref<10240x16xf32, #tpu.memory_space<vmem_shared>> -> memref<10240x16xf32, #tpu.memory_space<vmem_shared>>
    tpu.wait_indirect_dma semaphore(%arg17 : memref<!tpu.dma_semaphore, #tpu.memory_space<semaphore_mem>>) src(%arg13 : memref<128x16xf32, #tpu.memory_space<vmem>>) dst(%dma_wait3A_855 : memref<10240x16xf32, #tpu.memory_space<vmem_shared>>)
    %dma_wait3A_856 = arith.constant 13 : i32
    %dma_wait3A_857 = arith.constant 0 : i32
    %dma_wait3A_858 = tpu.memref_slice %arg12[%dma_wait3A_856, %dma_wait3A_857] : memref<40x128xi32, #tpu.memory_space<vmem>> -> memref<1x128xi32, #tpu.memory_space<vmem>>
    %dma_wait3A_859 = tpu.memref_squeeze %dma_wait3A_858 : memref<1x128xi32, #tpu.memory_space<vmem>> -> memref<128xi32, #tpu.memory_space<vmem>>
    %dma_wait3A_860 = arith.constant 0 : i32
    %dma_wait3A_861 = arith.constant 0 : i32
    %dma_wait3A_862 = tpu.memref_slice %arg14[%dma_wait3A_860, %dma_wait3A_861] : memref<10240x16xf32, #tpu.memory_space<vmem_shared>> -> memref<10240x16xf32, #tpu.memory_space<vmem_shared>>
    tpu.wait_indirect_dma semaphore(%arg17 : memref<!tpu.dma_semaphore, #tpu.memory_space<semaphore_mem>>) src(%arg13 : memref<128x16xf32, #tpu.memory_space<vmem>>) dst(%dma_wait3A_862 : memref<10240x16xf32, #tpu.memory_space<vmem_shared>>)
    %dma_wait3A_863 = arith.constant 14 : i32
    %dma_wait3A_864 = arith.constant 0 : i32
    %dma_wait3A_865 = tpu.memref_slice %arg12[%dma_wait3A_863, %dma_wait3A_864] : memref<40x128xi32, #tpu.memory_space<vmem>> -> memref<1x128xi32, #tpu.memory_space<vmem>>
    %dma_wait3A_866 = tpu.memref_squeeze %dma_wait3A_865 : memref<1x128xi32, #tpu.memory_space<vmem>> -> memref<128xi32, #tpu.memory_space<vmem>>
    %dma_wait3A_867 = arith.constant 0 : i32
    %dma_wait3A_868 = arith.constant 0 : i32
    %dma_wait3A_869 = tpu.memref_slice %arg14[%dma_wait3A_867, %dma_wait3A_868] : memref<10240x16xf32, #tpu.memory_space<vmem_shared>> -> memref<10240x16xf32, #tpu.memory_space<vmem_shared>>
    tpu.wait_indirect_dma semaphore(%arg17 : memref<!tpu.dma_semaphore, #tpu.memory_space<semaphore_mem>>) src(%arg13 : memref<128x16xf32, #tpu.memory_space<vmem>>) dst(%dma_wait3A_869 : memref<10240x16xf32, #tpu.memory_space<vmem_shared>>)
    %dma_wait3A_870 = arith.constant 15 : i32
    %dma_wait3A_871 = arith.constant 0 : i32
    %dma_wait3A_872 = tpu.memref_slice %arg12[%dma_wait3A_870, %dma_wait3A_871] : memref<40x128xi32, #tpu.memory_space<vmem>> -> memref<1x128xi32, #tpu.memory_space<vmem>>
    %dma_wait3A_873 = tpu.memref_squeeze %dma_wait3A_872 : memref<1x128xi32, #tpu.memory_space<vmem>> -> memref<128xi32, #tpu.memory_space<vmem>>
    %dma_wait3A_874 = arith.constant 0 : i32
    %dma_wait3A_875 = arith.constant 0 : i32
    %dma_wait3A_876 = tpu.memref_slice %arg14[%dma_wait3A_874, %dma_wait3A_875] : memref<10240x16xf32, #tpu.memory_space<vmem_shared>> -> memref<10240x16xf32, #tpu.memory_space<vmem_shared>>
    tpu.wait_indirect_dma semaphore(%arg17 : memref<!tpu.dma_semaphore, #tpu.memory_space<semaphore_mem>>) src(%arg13 : memref<128x16xf32, #tpu.memory_space<vmem>>) dst(%dma_wait3A_876 : memref<10240x16xf32, #tpu.memory_space<vmem_shared>>)
    %dma_start3A_877 = arith.constant 16 : i32
    %dma_start3A_878 = arith.constant 0 : i32
    %dma_start3A_879 = tpu.memref_slice %arg12[%dma_start3A_877, %dma_start3A_878] : memref<40x128xi32, #tpu.memory_space<vmem>> -> memref<1x128xi32, #tpu.memory_space<vmem>>
    %dma_start3A_880 = tpu.memref_squeeze %dma_start3A_879 : memref<1x128xi32, #tpu.memory_space<vmem>> -> memref<128xi32, #tpu.memory_space<vmem>>
    %dma_start3A_881 = arith.constant 0 : i32
    %dma_start3A_882 = arith.constant 0 : i32
    %dma_start3A_883 = tpu.memref_slice %arg14[%dma_start3A_881, %dma_start3A_882] : memref<10240x16xf32, #tpu.memory_space<vmem_shared>> -> memref<10240x16xf32, #tpu.memory_space<vmem_shared>>
    tpu.enqueue_indirect_dma source(%arg13 : memref<128x16xf32, #tpu.memory_space<vmem>>) target(%dma_start3A_883 : memref<10240x16xf32, #tpu.memory_space<vmem_shared>>) offsets(%dma_start3A_880 : memref<128xi32, #tpu.memory_space<vmem>>) semaphore(%arg17 : memref<!tpu.dma_semaphore, #tpu.memory_space<semaphore_mem>>) {add = true}
    %dma_start3A_884 = arith.constant 17 : i32
    %dma_start3A_885 = arith.constant 0 : i32
    %dma_start3A_886 = tpu.memref_slice %arg12[%dma_start3A_884, %dma_start3A_885] : memref<40x128xi32, #tpu.memory_space<vmem>> -> memref<1x128xi32, #tpu.memory_space<vmem>>
    %dma_start3A_887 = tpu.memref_squeeze %dma_start3A_886 : memref<1x128xi32, #tpu.memory_space<vmem>> -> memref<128xi32, #tpu.memory_space<vmem>>
    %dma_start3A_888 = arith.constant 0 : i32
    %dma_start3A_889 = arith.constant 0 : i32
    %dma_start3A_890 = tpu.memref_slice %arg14[%dma_start3A_888, %dma_start3A_889] : memref<10240x16xf32, #tpu.memory_space<vmem_shared>> -> memref<10240x16xf32, #tpu.memory_space<vmem_shared>>
    tpu.enqueue_indirect_dma source(%arg13 : memref<128x16xf32, #tpu.memory_space<vmem>>) target(%dma_start3A_890 : memref<10240x16xf32, #tpu.memory_space<vmem_shared>>) offsets(%dma_start3A_887 : memref<128xi32, #tpu.memory_space<vmem>>) semaphore(%arg17 : memref<!tpu.dma_semaphore, #tpu.memory_space<semaphore_mem>>) {add = true}
    %dma_start3A_891 = arith.constant 18 : i32
    %dma_start3A_892 = arith.constant 0 : i32
    %dma_start3A_893 = tpu.memref_slice %arg12[%dma_start3A_891, %dma_start3A_892] : memref<40x128xi32, #tpu.memory_space<vmem>> -> memref<1x128xi32, #tpu.memory_space<vmem>>
    %dma_start3A_894 = tpu.memref_squeeze %dma_start3A_893 : memref<1x128xi32, #tpu.memory_space<vmem>> -> memref<128xi32, #tpu.memory_space<vmem>>
    %dma_start3A_895 = arith.constant 0 : i32
    %dma_start3A_896 = arith.constant 0 : i32
    %dma_start3A_897 = tpu.memref_slice %arg14[%dma_start3A_895, %dma_start3A_896] : memref<10240x16xf32, #tpu.memory_space<vmem_shared>> -> memref<10240x16xf32, #tpu.memory_space<vmem_shared>>
    tpu.enqueue_indirect_dma source(%arg13 : memref<128x16xf32, #tpu.memory_space<vmem>>) target(%dma_start3A_897 : memref<10240x16xf32, #tpu.memory_space<vmem_shared>>) offsets(%dma_start3A_894 : memref<128xi32, #tpu.memory_space<vmem>>) semaphore(%arg17 : memref<!tpu.dma_semaphore, #tpu.memory_space<semaphore_mem>>) {add = true}
    %dma_start3A_898 = arith.constant 19 : i32
    %dma_start3A_899 = arith.constant 0 : i32
    %dma_start3A_900 = tpu.memref_slice %arg12[%dma_start3A_898, %dma_start3A_899] : memref<40x128xi32, #tpu.memory_space<vmem>> -> memref<1x128xi32, #tpu.memory_space<vmem>>
    %dma_start3A_901 = tpu.memref_squeeze %dma_start3A_900 : memref<1x128xi32, #tpu.memory_space<vmem>> -> memref<128xi32, #tpu.memory_space<vmem>>
    %dma_start3A_902 = arith.constant 0 : i32
    %dma_start3A_903 = arith.constant 0 : i32
    %dma_start3A_904 = tpu.memref_slice %arg14[%dma_start3A_902, %dma_start3A_903] : memref<10240x16xf32, #tpu.memory_space<vmem_shared>> -> memref<10240x16xf32, #tpu.memory_space<vmem_shared>>
    tpu.enqueue_indirect_dma source(%arg13 : memref<128x16xf32, #tpu.memory_space<vmem>>) target(%dma_start3A_904 : memref<10240x16xf32, #tpu.memory_space<vmem_shared>>) offsets(%dma_start3A_901 : memref<128xi32, #tpu.memory_space<vmem>>) semaphore(%arg17 : memref<!tpu.dma_semaphore, #tpu.memory_space<semaphore_mem>>) {add = true}
    %dma_start3A_905 = arith.constant 20 : i32
    %dma_start3A_906 = arith.constant 0 : i32
    %dma_start3A_907 = tpu.memref_slice %arg12[%dma_start3A_905, %dma_start3A_906] : memref<40x128xi32, #tpu.memory_space<vmem>> -> memref<1x128xi32, #tpu.memory_space<vmem>>
    %dma_start3A_908 = tpu.memref_squeeze %dma_start3A_907 : memref<1x128xi32, #tpu.memory_space<vmem>> -> memref<128xi32, #tpu.memory_space<vmem>>
    %dma_start3A_909 = arith.constant 0 : i32
    %dma_start3A_910 = arith.constant 0 : i32
    %dma_start3A_911 = tpu.memref_slice %arg14[%dma_start3A_909, %dma_start3A_910] : memref<10240x16xf32, #tpu.memory_space<vmem_shared>> -> memref<10240x16xf32, #tpu.memory_space<vmem_shared>>
    tpu.enqueue_indirect_dma source(%arg13 : memref<128x16xf32, #tpu.memory_space<vmem>>) target(%dma_start3A_911 : memref<10240x16xf32, #tpu.memory_space<vmem_shared>>) offsets(%dma_start3A_908 : memref<128xi32, #tpu.memory_space<vmem>>) semaphore(%arg17 : memref<!tpu.dma_semaphore, #tpu.memory_space<semaphore_mem>>) {add = true}
    %dma_start3A_912 = arith.constant 21 : i32
    %dma_start3A_913 = arith.constant 0 : i32
    %dma_start3A_914 = tpu.memref_slice %arg12[%dma_start3A_912, %dma_start3A_913] : memref<40x128xi32, #tpu.memory_space<vmem>> -> memref<1x128xi32, #tpu.memory_space<vmem>>
    %dma_start3A_915 = tpu.memref_squeeze %dma_start3A_914 : memref<1x128xi32, #tpu.memory_space<vmem>> -> memref<128xi32, #tpu.memory_space<vmem>>
    %dma_start3A_916 = arith.constant 0 : i32
    %dma_start3A_917 = arith.constant 0 : i32
    %dma_start3A_918 = tpu.memref_slice %arg14[%dma_start3A_916, %dma_start3A_917] : memref<10240x16xf32, #tpu.memory_space<vmem_shared>> -> memref<10240x16xf32, #tpu.memory_space<vmem_shared>>
    tpu.enqueue_indirect_dma source(%arg13 : memref<128x16xf32, #tpu.memory_space<vmem>>) target(%dma_start3A_918 : memref<10240x16xf32, #tpu.memory_space<vmem_shared>>) offsets(%dma_start3A_915 : memref<128xi32, #tpu.memory_space<vmem>>) semaphore(%arg17 : memref<!tpu.dma_semaphore, #tpu.memory_space<semaphore_mem>>) {add = true}
    %dma_start3A_919 = arith.constant 22 : i32
    %dma_start3A_920 = arith.constant 0 : i32
    %dma_start3A_921 = tpu.memref_slice %arg12[%dma_start3A_919, %dma_start3A_920] : memref<40x128xi32, #tpu.memory_space<vmem>> -> memref<1x128xi32, #tpu.memory_space<vmem>>
    %dma_start3A_922 = tpu.memref_squeeze %dma_start3A_921 : memref<1x128xi32, #tpu.memory_space<vmem>> -> memref<128xi32, #tpu.memory_space<vmem>>
    %dma_start3A_923 = arith.constant 0 : i32
    %dma_start3A_924 = arith.constant 0 : i32
    %dma_start3A_925 = tpu.memref_slice %arg14[%dma_start3A_923, %dma_start3A_924] : memref<10240x16xf32, #tpu.memory_space<vmem_shared>> -> memref<10240x16xf32, #tpu.memory_space<vmem_shared>>
    tpu.enqueue_indirect_dma source(%arg13 : memref<128x16xf32, #tpu.memory_space<vmem>>) target(%dma_start3A_925 : memref<10240x16xf32, #tpu.memory_space<vmem_shared>>) offsets(%dma_start3A_922 : memref<128xi32, #tpu.memory_space<vmem>>) semaphore(%arg17 : memref<!tpu.dma_semaphore, #tpu.memory_space<semaphore_mem>>) {add = true}
    %dma_start3A_926 = arith.constant 23 : i32
    %dma_start3A_927 = arith.constant 0 : i32
    %dma_start3A_928 = tpu.memref_slice %arg12[%dma_start3A_926, %dma_start3A_927] : memref<40x128xi32, #tpu.memory_space<vmem>> -> memref<1x128xi32, #tpu.memory_space<vmem>>
    %dma_start3A_929 = tpu.memref_squeeze %dma_start3A_928 : memref<1x128xi32, #tpu.memory_space<vmem>> -> memref<128xi32, #tpu.memory_space<vmem>>
    %dma_start3A_930 = arith.constant 0 : i32
    %dma_start3A_931 = arith.constant 0 : i32
    %dma_start3A_932 = tpu.memref_slice %arg14[%dma_start3A_930, %dma_start3A_931] : memref<10240x16xf32, #tpu.memory_space<vmem_shared>> -> memref<10240x16xf32, #tpu.memory_space<vmem_shared>>
    tpu.enqueue_indirect_dma source(%arg13 : memref<128x16xf32, #tpu.memory_space<vmem>>) target(%dma_start3A_932 : memref<10240x16xf32, #tpu.memory_space<vmem_shared>>) offsets(%dma_start3A_929 : memref<128xi32, #tpu.memory_space<vmem>>) semaphore(%arg17 : memref<!tpu.dma_semaphore, #tpu.memory_space<semaphore_mem>>) {add = true}
    %dma_wait3A_933 = arith.constant 16 : i32
    %dma_wait3A_934 = arith.constant 0 : i32
    %dma_wait3A_935 = tpu.memref_slice %arg12[%dma_wait3A_933, %dma_wait3A_934] : memref<40x128xi32, #tpu.memory_space<vmem>> -> memref<1x128xi32, #tpu.memory_space<vmem>>
    %dma_wait3A_936 = tpu.memref_squeeze %dma_wait3A_935 : memref<1x128xi32, #tpu.memory_space<vmem>> -> memref<128xi32, #tpu.memory_space<vmem>>
    %dma_wait3A_937 = arith.constant 0 : i32
    %dma_wait3A_938 = arith.constant 0 : i32
    %dma_wait3A_939 = tpu.memref_slice %arg14[%dma_wait3A_937, %dma_wait3A_938] : memref<10240x16xf32, #tpu.memory_space<vmem_shared>> -> memref<10240x16xf32, #tpu.memory_space<vmem_shared>>
    tpu.wait_indirect_dma semaphore(%arg17 : memref<!tpu.dma_semaphore, #tpu.memory_space<semaphore_mem>>) src(%arg13 : memref<128x16xf32, #tpu.memory_space<vmem>>) dst(%dma_wait3A_939 : memref<10240x16xf32, #tpu.memory_space<vmem_shared>>)
    %dma_wait3A_940 = arith.constant 17 : i32
    %dma_wait3A_941 = arith.constant 0 : i32
    %dma_wait3A_942 = tpu.memref_slice %arg12[%dma_wait3A_940, %dma_wait3A_941] : memref<40x128xi32, #tpu.memory_space<vmem>> -> memref<1x128xi32, #tpu.memory_space<vmem>>
    %dma_wait3A_943 = tpu.memref_squeeze %dma_wait3A_942 : memref<1x128xi32, #tpu.memory_space<vmem>> -> memref<128xi32, #tpu.memory_space<vmem>>
    %dma_wait3A_944 = arith.constant 0 : i32
    %dma_wait3A_945 = arith.constant 0 : i32
    %dma_wait3A_946 = tpu.memref_slice %arg14[%dma_wait3A_944, %dma_wait3A_945] : memref<10240x16xf32, #tpu.memory_space<vmem_shared>> -> memref<10240x16xf32, #tpu.memory_space<vmem_shared>>
    tpu.wait_indirect_dma semaphore(%arg17 : memref<!tpu.dma_semaphore, #tpu.memory_space<semaphore_mem>>) src(%arg13 : memref<128x16xf32, #tpu.memory_space<vmem>>) dst(%dma_wait3A_946 : memref<10240x16xf32, #tpu.memory_space<vmem_shared>>)
    %dma_wait3A_947 = arith.constant 18 : i32
    %dma_wait3A_948 = arith.constant 0 : i32
    %dma_wait3A_949 = tpu.memref_slice %arg12[%dma_wait3A_947, %dma_wait3A_948] : memref<40x128xi32, #tpu.memory_space<vmem>> -> memref<1x128xi32, #tpu.memory_space<vmem>>
    %dma_wait3A_950 = tpu.memref_squeeze %dma_wait3A_949 : memref<1x128xi32, #tpu.memory_space<vmem>> -> memref<128xi32, #tpu.memory_space<vmem>>
    %dma_wait3A_951 = arith.constant 0 : i32
    %dma_wait3A_952 = arith.constant 0 : i32
    %dma_wait3A_953 = tpu.memref_slice %arg14[%dma_wait3A_951, %dma_wait3A_952] : memref<10240x16xf32, #tpu.memory_space<vmem_shared>> -> memref<10240x16xf32, #tpu.memory_space<vmem_shared>>
    tpu.wait_indirect_dma semaphore(%arg17 : memref<!tpu.dma_semaphore, #tpu.memory_space<semaphore_mem>>) src(%arg13 : memref<128x16xf32, #tpu.memory_space<vmem>>) dst(%dma_wait3A_953 : memref<10240x16xf32, #tpu.memory_space<vmem_shared>>)
    %dma_wait3A_954 = arith.constant 19 : i32
    %dma_wait3A_955 = arith.constant 0 : i32
    %dma_wait3A_956 = tpu.memref_slice %arg12[%dma_wait3A_954, %dma_wait3A_955] : memref<40x128xi32, #tpu.memory_space<vmem>> -> memref<1x128xi32, #tpu.memory_space<vmem>>
    %dma_wait3A_957 = tpu.memref_squeeze %dma_wait3A_956 : memref<1x128xi32, #tpu.memory_space<vmem>> -> memref<128xi32, #tpu.memory_space<vmem>>
    %dma_wait3A_958 = arith.constant 0 : i32
    %dma_wait3A_959 = arith.constant 0 : i32
    %dma_wait3A_960 = tpu.memref_slice %arg14[%dma_wait3A_958, %dma_wait3A_959] : memref<10240x16xf32, #tpu.memory_space<vmem_shared>> -> memref<10240x16xf32, #tpu.memory_space<vmem_shared>>
    tpu.wait_indirect_dma semaphore(%arg17 : memref<!tpu.dma_semaphore, #tpu.memory_space<semaphore_mem>>) src(%arg13 : memref<128x16xf32, #tpu.memory_space<vmem>>) dst(%dma_wait3A_960 : memref<10240x16xf32, #tpu.memory_space<vmem_shared>>)
    %dma_wait3A_961 = arith.constant 20 : i32
    %dma_wait3A_962 = arith.constant 0 : i32
    %dma_wait3A_963 = tpu.memref_slice %arg12[%dma_wait3A_961, %dma_wait3A_962] : memref<40x128xi32, #tpu.memory_space<vmem>> -> memref<1x128xi32, #tpu.memory_space<vmem>>
    %dma_wait3A_964 = tpu.memref_squeeze %dma_wait3A_963 : memref<1x128xi32, #tpu.memory_space<vmem>> -> memref<128xi32, #tpu.memory_space<vmem>>
    %dma_wait3A_965 = arith.constant 0 : i32
    %dma_wait3A_966 = arith.constant 0 : i32
    %dma_wait3A_967 = tpu.memref_slice %arg14[%dma_wait3A_965, %dma_wait3A_966] : memref<10240x16xf32, #tpu.memory_space<vmem_shared>> -> memref<10240x16xf32, #tpu.memory_space<vmem_shared>>
    tpu.wait_indirect_dma semaphore(%arg17 : memref<!tpu.dma_semaphore, #tpu.memory_space<semaphore_mem>>) src(%arg13 : memref<128x16xf32, #tpu.memory_space<vmem>>) dst(%dma_wait3A_967 : memref<10240x16xf32, #tpu.memory_space<vmem_shared>>)
    %dma_wait3A_968 = arith.constant 21 : i32
    %dma_wait3A_969 = arith.constant 0 : i32
    %dma_wait3A_970 = tpu.memref_slice %arg12[%dma_wait3A_968, %dma_wait3A_969] : memref<40x128xi32, #tpu.memory_space<vmem>> -> memref<1x128xi32, #tpu.memory_space<vmem>>
    %dma_wait3A_971 = tpu.memref_squeeze %dma_wait3A_970 : memref<1x128xi32, #tpu.memory_space<vmem>> -> memref<128xi32, #tpu.memory_space<vmem>>
    %dma_wait3A_972 = arith.constant 0 : i32
    %dma_wait3A_973 = arith.constant 0 : i32
    %dma_wait3A_974 = tpu.memref_slice %arg14[%dma_wait3A_972, %dma_wait3A_973] : memref<10240x16xf32, #tpu.memory_space<vmem_shared>> -> memref<10240x16xf32, #tpu.memory_space<vmem_shared>>
    tpu.wait_indirect_dma semaphore(%arg17 : memref<!tpu.dma_semaphore, #tpu.memory_space<semaphore_mem>>) src(%arg13 : memref<128x16xf32, #tpu.memory_space<vmem>>) dst(%dma_wait3A_974 : memref<10240x16xf32, #tpu.memory_space<vmem_shared>>)
    %dma_wait3A_975 = arith.constant 22 : i32
    %dma_wait3A_976 = arith.constant 0 : i32
    %dma_wait3A_977 = tpu.memref_slice %arg12[%dma_wait3A_975, %dma_wait3A_976] : memref<40x128xi32, #tpu.memory_space<vmem>> -> memref<1x128xi32, #tpu.memory_space<vmem>>
    %dma_wait3A_978 = tpu.memref_squeeze %dma_wait3A_977 : memref<1x128xi32, #tpu.memory_space<vmem>> -> memref<128xi32, #tpu.memory_space<vmem>>
    %dma_wait3A_979 = arith.constant 0 : i32
    %dma_wait3A_980 = arith.constant 0 : i32
    %dma_wait3A_981 = tpu.memref_slice %arg14[%dma_wait3A_979, %dma_wait3A_980] : memref<10240x16xf32, #tpu.memory_space<vmem_shared>> -> memref<10240x16xf32, #tpu.memory_space<vmem_shared>>
    tpu.wait_indirect_dma semaphore(%arg17 : memref<!tpu.dma_semaphore, #tpu.memory_space<semaphore_mem>>) src(%arg13 : memref<128x16xf32, #tpu.memory_space<vmem>>) dst(%dma_wait3A_981 : memref<10240x16xf32, #tpu.memory_space<vmem_shared>>)
    %dma_wait3A_982 = arith.constant 23 : i32
    %dma_wait3A_983 = arith.constant 0 : i32
    %dma_wait3A_984 = tpu.memref_slice %arg12[%dma_wait3A_982, %dma_wait3A_983] : memref<40x128xi32, #tpu.memory_space<vmem>> -> memref<1x128xi32, #tpu.memory_space<vmem>>
    %dma_wait3A_985 = tpu.memref_squeeze %dma_wait3A_984 : memref<1x128xi32, #tpu.memory_space<vmem>> -> memref<128xi32, #tpu.memory_space<vmem>>
    %dma_wait3A_986 = arith.constant 0 : i32
    %dma_wait3A_987 = arith.constant 0 : i32
    %dma_wait3A_988 = tpu.memref_slice %arg14[%dma_wait3A_986, %dma_wait3A_987] : memref<10240x16xf32, #tpu.memory_space<vmem_shared>> -> memref<10240x16xf32, #tpu.memory_space<vmem_shared>>
    tpu.wait_indirect_dma semaphore(%arg17 : memref<!tpu.dma_semaphore, #tpu.memory_space<semaphore_mem>>) src(%arg13 : memref<128x16xf32, #tpu.memory_space<vmem>>) dst(%dma_wait3A_988 : memref<10240x16xf32, #tpu.memory_space<vmem_shared>>)
    %dma_start3A_989 = arith.constant 24 : i32
    %dma_start3A_990 = arith.constant 0 : i32
    %dma_start3A_991 = tpu.memref_slice %arg12[%dma_start3A_989, %dma_start3A_990] : memref<40x128xi32, #tpu.memory_space<vmem>> -> memref<1x128xi32, #tpu.memory_space<vmem>>
    %dma_start3A_992 = tpu.memref_squeeze %dma_start3A_991 : memref<1x128xi32, #tpu.memory_space<vmem>> -> memref<128xi32, #tpu.memory_space<vmem>>
    %dma_start3A_993 = arith.constant 0 : i32
    %dma_start3A_994 = arith.constant 0 : i32
    %dma_start3A_995 = tpu.memref_slice %arg14[%dma_start3A_993, %dma_start3A_994] : memref<10240x16xf32, #tpu.memory_space<vmem_shared>> -> memref<10240x16xf32, #tpu.memory_space<vmem_shared>>
    tpu.enqueue_indirect_dma source(%arg13 : memref<128x16xf32, #tpu.memory_space<vmem>>) target(%dma_start3A_995 : memref<10240x16xf32, #tpu.memory_space<vmem_shared>>) offsets(%dma_start3A_992 : memref<128xi32, #tpu.memory_space<vmem>>) semaphore(%arg17 : memref<!tpu.dma_semaphore, #tpu.memory_space<semaphore_mem>>) {add = true}
    %dma_start3A_996 = arith.constant 25 : i32
    %dma_start3A_997 = arith.constant 0 : i32
    %dma_start3A_998 = tpu.memref_slice %arg12[%dma_start3A_996, %dma_start3A_997] : memref<40x128xi32, #tpu.memory_space<vmem>> -> memref<1x128xi32, #tpu.memory_space<vmem>>
    %dma_start3A_999 = tpu.memref_squeeze %dma_start3A_998 : memref<1x128xi32, #tpu.memory_space<vmem>> -> memref<128xi32, #tpu.memory_space<vmem>>
    %dma_start3A_1000 = arith.constant 0 : i32
    %dma_start3A_1001 = arith.constant 0 : i32
    %dma_start3A_1002 = tpu.memref_slice %arg14[%dma_start3A_1000, %dma_start3A_1001] : memref<10240x16xf32, #tpu.memory_space<vmem_shared>> -> memref<10240x16xf32, #tpu.memory_space<vmem_shared>>
    tpu.enqueue_indirect_dma source(%arg13 : memref<128x16xf32, #tpu.memory_space<vmem>>) target(%dma_start3A_1002 : memref<10240x16xf32, #tpu.memory_space<vmem_shared>>) offsets(%dma_start3A_999 : memref<128xi32, #tpu.memory_space<vmem>>) semaphore(%arg17 : memref<!tpu.dma_semaphore, #tpu.memory_space<semaphore_mem>>) {add = true}
    %dma_start3A_1003 = arith.constant 26 : i32
    %dma_start3A_1004 = arith.constant 0 : i32
    %dma_start3A_1005 = tpu.memref_slice %arg12[%dma_start3A_1003, %dma_start3A_1004] : memref<40x128xi32, #tpu.memory_space<vmem>> -> memref<1x128xi32, #tpu.memory_space<vmem>>
    %dma_start3A_1006 = tpu.memref_squeeze %dma_start3A_1005 : memref<1x128xi32, #tpu.memory_space<vmem>> -> memref<128xi32, #tpu.memory_space<vmem>>
    %dma_start3A_1007 = arith.constant 0 : i32
    %dma_start3A_1008 = arith.constant 0 : i32
    %dma_start3A_1009 = tpu.memref_slice %arg14[%dma_start3A_1007, %dma_start3A_1008] : memref<10240x16xf32, #tpu.memory_space<vmem_shared>> -> memref<10240x16xf32, #tpu.memory_space<vmem_shared>>
    tpu.enqueue_indirect_dma source(%arg13 : memref<128x16xf32, #tpu.memory_space<vmem>>) target(%dma_start3A_1009 : memref<10240x16xf32, #tpu.memory_space<vmem_shared>>) offsets(%dma_start3A_1006 : memref<128xi32, #tpu.memory_space<vmem>>) semaphore(%arg17 : memref<!tpu.dma_semaphore, #tpu.memory_space<semaphore_mem>>) {add = true}
    %dma_start3A_1010 = arith.constant 27 : i32
    %dma_start3A_1011 = arith.constant 0 : i32
    %dma_start3A_1012 = tpu.memref_slice %arg12[%dma_start3A_1010, %dma_start3A_1011] : memref<40x128xi32, #tpu.memory_space<vmem>> -> memref<1x128xi32, #tpu.memory_space<vmem>>
    %dma_start3A_1013 = tpu.memref_squeeze %dma_start3A_1012 : memref<1x128xi32, #tpu.memory_space<vmem>> -> memref<128xi32, #tpu.memory_space<vmem>>
    %dma_start3A_1014 = arith.constant 0 : i32
    %dma_start3A_1015 = arith.constant 0 : i32
    %dma_start3A_1016 = tpu.memref_slice %arg14[%dma_start3A_1014, %dma_start3A_1015] : memref<10240x16xf32, #tpu.memory_space<vmem_shared>> -> memref<10240x16xf32, #tpu.memory_space<vmem_shared>>
    tpu.enqueue_indirect_dma source(%arg13 : memref<128x16xf32, #tpu.memory_space<vmem>>) target(%dma_start3A_1016 : memref<10240x16xf32, #tpu.memory_space<vmem_shared>>) offsets(%dma_start3A_1013 : memref<128xi32, #tpu.memory_space<vmem>>) semaphore(%arg17 : memref<!tpu.dma_semaphore, #tpu.memory_space<semaphore_mem>>) {add = true}
    %dma_start3A_1017 = arith.constant 28 : i32
    %dma_start3A_1018 = arith.constant 0 : i32
    %dma_start3A_1019 = tpu.memref_slice %arg12[%dma_start3A_1017, %dma_start3A_1018] : memref<40x128xi32, #tpu.memory_space<vmem>> -> memref<1x128xi32, #tpu.memory_space<vmem>>
    %dma_start3A_1020 = tpu.memref_squeeze %dma_start3A_1019 : memref<1x128xi32, #tpu.memory_space<vmem>> -> memref<128xi32, #tpu.memory_space<vmem>>
    %dma_start3A_1021 = arith.constant 0 : i32
    %dma_start3A_1022 = arith.constant 0 : i32
    %dma_start3A_1023 = tpu.memref_slice %arg14[%dma_start3A_1021, %dma_start3A_1022] : memref<10240x16xf32, #tpu.memory_space<vmem_shared>> -> memref<10240x16xf32, #tpu.memory_space<vmem_shared>>
    tpu.enqueue_indirect_dma source(%arg13 : memref<128x16xf32, #tpu.memory_space<vmem>>) target(%dma_start3A_1023 : memref<10240x16xf32, #tpu.memory_space<vmem_shared>>) offsets(%dma_start3A_1020 : memref<128xi32, #tpu.memory_space<vmem>>) semaphore(%arg17 : memref<!tpu.dma_semaphore, #tpu.memory_space<semaphore_mem>>) {add = true}
    %dma_start3A_1024 = arith.constant 29 : i32
    %dma_start3A_1025 = arith.constant 0 : i32
    %dma_start3A_1026 = tpu.memref_slice %arg12[%dma_start3A_1024, %dma_start3A_1025] : memref<40x128xi32, #tpu.memory_space<vmem>> -> memref<1x128xi32, #tpu.memory_space<vmem>>
    %dma_start3A_1027 = tpu.memref_squeeze %dma_start3A_1026 : memref<1x128xi32, #tpu.memory_space<vmem>> -> memref<128xi32, #tpu.memory_space<vmem>>
    %dma_start3A_1028 = arith.constant 0 : i32
    %dma_start3A_1029 = arith.constant 0 : i32
    %dma_start3A_1030 = tpu.memref_slice %arg14[%dma_start3A_1028, %dma_start3A_1029] : memref<10240x16xf32, #tpu.memory_space<vmem_shared>> -> memref<10240x16xf32, #tpu.memory_space<vmem_shared>>
    tpu.enqueue_indirect_dma source(%arg13 : memref<128x16xf32, #tpu.memory_space<vmem>>) target(%dma_start3A_1030 : memref<10240x16xf32, #tpu.memory_space<vmem_shared>>) offsets(%dma_start3A_1027 : memref<128xi32, #tpu.memory_space<vmem>>) semaphore(%arg17 : memref<!tpu.dma_semaphore, #tpu.memory_space<semaphore_mem>>) {add = true}
    %dma_start3A_1031 = arith.constant 30 : i32
    %dma_start3A_1032 = arith.constant 0 : i32
    %dma_start3A_1033 = tpu.memref_slice %arg12[%dma_start3A_1031, %dma_start3A_1032] : memref<40x128xi32, #tpu.memory_space<vmem>> -> memref<1x128xi32, #tpu.memory_space<vmem>>
    %dma_start3A_1034 = tpu.memref_squeeze %dma_start3A_1033 : memref<1x128xi32, #tpu.memory_space<vmem>> -> memref<128xi32, #tpu.memory_space<vmem>>
    %dma_start3A_1035 = arith.constant 0 : i32
    %dma_start3A_1036 = arith.constant 0 : i32
    %dma_start3A_1037 = tpu.memref_slice %arg14[%dma_start3A_1035, %dma_start3A_1036] : memref<10240x16xf32, #tpu.memory_space<vmem_shared>> -> memref<10240x16xf32, #tpu.memory_space<vmem_shared>>
    tpu.enqueue_indirect_dma source(%arg13 : memref<128x16xf32, #tpu.memory_space<vmem>>) target(%dma_start3A_1037 : memref<10240x16xf32, #tpu.memory_space<vmem_shared>>) offsets(%dma_start3A_1034 : memref<128xi32, #tpu.memory_space<vmem>>) semaphore(%arg17 : memref<!tpu.dma_semaphore, #tpu.memory_space<semaphore_mem>>) {add = true}
    %dma_start3A_1038 = arith.constant 31 : i32
    %dma_start3A_1039 = arith.constant 0 : i32
    %dma_start3A_1040 = tpu.memref_slice %arg12[%dma_start3A_1038, %dma_start3A_1039] : memref<40x128xi32, #tpu.memory_space<vmem>> -> memref<1x128xi32, #tpu.memory_space<vmem>>
    %dma_start3A_1041 = tpu.memref_squeeze %dma_start3A_1040 : memref<1x128xi32, #tpu.memory_space<vmem>> -> memref<128xi32, #tpu.memory_space<vmem>>
    %dma_start3A_1042 = arith.constant 0 : i32
    %dma_start3A_1043 = arith.constant 0 : i32
    %dma_start3A_1044 = tpu.memref_slice %arg14[%dma_start3A_1042, %dma_start3A_1043] : memref<10240x16xf32, #tpu.memory_space<vmem_shared>> -> memref<10240x16xf32, #tpu.memory_space<vmem_shared>>
    tpu.enqueue_indirect_dma source(%arg13 : memref<128x16xf32, #tpu.memory_space<vmem>>) target(%dma_start3A_1044 : memref<10240x16xf32, #tpu.memory_space<vmem_shared>>) offsets(%dma_start3A_1041 : memref<128xi32, #tpu.memory_space<vmem>>) semaphore(%arg17 : memref<!tpu.dma_semaphore, #tpu.memory_space<semaphore_mem>>) {add = true}
    %dma_wait3A_1045 = arith.constant 24 : i32
    %dma_wait3A_1046 = arith.constant 0 : i32
    %dma_wait3A_1047 = tpu.memref_slice %arg12[%dma_wait3A_1045, %dma_wait3A_1046] : memref<40x128xi32, #tpu.memory_space<vmem>> -> memref<1x128xi32, #tpu.memory_space<vmem>>
    %dma_wait3A_1048 = tpu.memref_squeeze %dma_wait3A_1047 : memref<1x128xi32, #tpu.memory_space<vmem>> -> memref<128xi32, #tpu.memory_space<vmem>>
    %dma_wait3A_1049 = arith.constant 0 : i32
    %dma_wait3A_1050 = arith.constant 0 : i32
    %dma_wait3A_1051 = tpu.memref_slice %arg14[%dma_wait3A_1049, %dma_wait3A_1050] : memref<10240x16xf32, #tpu.memory_space<vmem_shared>> -> memref<10240x16xf32, #tpu.memory_space<vmem_shared>>
    tpu.wait_indirect_dma semaphore(%arg17 : memref<!tpu.dma_semaphore, #tpu.memory_space<semaphore_mem>>) src(%arg13 : memref<128x16xf32, #tpu.memory_space<vmem>>) dst(%dma_wait3A_1051 : memref<10240x16xf32, #tpu.memory_space<vmem_shared>>)
    %dma_wait3A_1052 = arith.constant 25 : i32
    %dma_wait3A_1053 = arith.constant 0 : i32
    %dma_wait3A_1054 = tpu.memref_slice %arg12[%dma_wait3A_1052, %dma_wait3A_1053] : memref<40x128xi32, #tpu.memory_space<vmem>> -> memref<1x128xi32, #tpu.memory_space<vmem>>
    %dma_wait3A_1055 = tpu.memref_squeeze %dma_wait3A_1054 : memref<1x128xi32, #tpu.memory_space<vmem>> -> memref<128xi32, #tpu.memory_space<vmem>>
    %dma_wait3A_1056 = arith.constant 0 : i32
    %dma_wait3A_1057 = arith.constant 0 : i32
    %dma_wait3A_1058 = tpu.memref_slice %arg14[%dma_wait3A_1056, %dma_wait3A_1057] : memref<10240x16xf32, #tpu.memory_space<vmem_shared>> -> memref<10240x16xf32, #tpu.memory_space<vmem_shared>>
    tpu.wait_indirect_dma semaphore(%arg17 : memref<!tpu.dma_semaphore, #tpu.memory_space<semaphore_mem>>) src(%arg13 : memref<128x16xf32, #tpu.memory_space<vmem>>) dst(%dma_wait3A_1058 : memref<10240x16xf32, #tpu.memory_space<vmem_shared>>)
    %dma_wait3A_1059 = arith.constant 26 : i32
    %dma_wait3A_1060 = arith.constant 0 : i32
    %dma_wait3A_1061 = tpu.memref_slice %arg12[%dma_wait3A_1059, %dma_wait3A_1060] : memref<40x128xi32, #tpu.memory_space<vmem>> -> memref<1x128xi32, #tpu.memory_space<vmem>>
    %dma_wait3A_1062 = tpu.memref_squeeze %dma_wait3A_1061 : memref<1x128xi32, #tpu.memory_space<vmem>> -> memref<128xi32, #tpu.memory_space<vmem>>
    %dma_wait3A_1063 = arith.constant 0 : i32
    %dma_wait3A_1064 = arith.constant 0 : i32
    %dma_wait3A_1065 = tpu.memref_slice %arg14[%dma_wait3A_1063, %dma_wait3A_1064] : memref<10240x16xf32, #tpu.memory_space<vmem_shared>> -> memref<10240x16xf32, #tpu.memory_space<vmem_shared>>
    tpu.wait_indirect_dma semaphore(%arg17 : memref<!tpu.dma_semaphore, #tpu.memory_space<semaphore_mem>>) src(%arg13 : memref<128x16xf32, #tpu.memory_space<vmem>>) dst(%dma_wait3A_1065 : memref<10240x16xf32, #tpu.memory_space<vmem_shared>>)
    %dma_wait3A_1066 = arith.constant 27 : i32
    %dma_wait3A_1067 = arith.constant 0 : i32
    %dma_wait3A_1068 = tpu.memref_slice %arg12[%dma_wait3A_1066, %dma_wait3A_1067] : memref<40x128xi32, #tpu.memory_space<vmem>> -> memref<1x128xi32, #tpu.memory_space<vmem>>
    %dma_wait3A_1069 = tpu.memref_squeeze %dma_wait3A_1068 : memref<1x128xi32, #tpu.memory_space<vmem>> -> memref<128xi32, #tpu.memory_space<vmem>>
    %dma_wait3A_1070 = arith.constant 0 : i32
    %dma_wait3A_1071 = arith.constant 0 : i32
    %dma_wait3A_1072 = tpu.memref_slice %arg14[%dma_wait3A_1070, %dma_wait3A_1071] : memref<10240x16xf32, #tpu.memory_space<vmem_shared>> -> memref<10240x16xf32, #tpu.memory_space<vmem_shared>>
    tpu.wait_indirect_dma semaphore(%arg17 : memref<!tpu.dma_semaphore, #tpu.memory_space<semaphore_mem>>) src(%arg13 : memref<128x16xf32, #tpu.memory_space<vmem>>) dst(%dma_wait3A_1072 : memref<10240x16xf32, #tpu.memory_space<vmem_shared>>)
    %dma_wait3A_1073 = arith.constant 28 : i32
    %dma_wait3A_1074 = arith.constant 0 : i32
    %dma_wait3A_1075 = tpu.memref_slice %arg12[%dma_wait3A_1073, %dma_wait3A_1074] : memref<40x128xi32, #tpu.memory_space<vmem>> -> memref<1x128xi32, #tpu.memory_space<vmem>>
    %dma_wait3A_1076 = tpu.memref_squeeze %dma_wait3A_1075 : memref<1x128xi32, #tpu.memory_space<vmem>> -> memref<128xi32, #tpu.memory_space<vmem>>
    %dma_wait3A_1077 = arith.constant 0 : i32
    %dma_wait3A_1078 = arith.constant 0 : i32
    %dma_wait3A_1079 = tpu.memref_slice %arg14[%dma_wait3A_1077, %dma_wait3A_1078] : memref<10240x16xf32, #tpu.memory_space<vmem_shared>> -> memref<10240x16xf32, #tpu.memory_space<vmem_shared>>
    tpu.wait_indirect_dma semaphore(%arg17 : memref<!tpu.dma_semaphore, #tpu.memory_space<semaphore_mem>>) src(%arg13 : memref<128x16xf32, #tpu.memory_space<vmem>>) dst(%dma_wait3A_1079 : memref<10240x16xf32, #tpu.memory_space<vmem_shared>>)
    %dma_wait3A_1080 = arith.constant 29 : i32
    %dma_wait3A_1081 = arith.constant 0 : i32
    %dma_wait3A_1082 = tpu.memref_slice %arg12[%dma_wait3A_1080, %dma_wait3A_1081] : memref<40x128xi32, #tpu.memory_space<vmem>> -> memref<1x128xi32, #tpu.memory_space<vmem>>
    %dma_wait3A_1083 = tpu.memref_squeeze %dma_wait3A_1082 : memref<1x128xi32, #tpu.memory_space<vmem>> -> memref<128xi32, #tpu.memory_space<vmem>>
    %dma_wait3A_1084 = arith.constant 0 : i32
    %dma_wait3A_1085 = arith.constant 0 : i32
    %dma_wait3A_1086 = tpu.memref_slice %arg14[%dma_wait3A_1084, %dma_wait3A_1085] : memref<10240x16xf32, #tpu.memory_space<vmem_shared>> -> memref<10240x16xf32, #tpu.memory_space<vmem_shared>>
    tpu.wait_indirect_dma semaphore(%arg17 : memref<!tpu.dma_semaphore, #tpu.memory_space<semaphore_mem>>) src(%arg13 : memref<128x16xf32, #tpu.memory_space<vmem>>) dst(%dma_wait3A_1086 : memref<10240x16xf32, #tpu.memory_space<vmem_shared>>)
    %dma_wait3A_1087 = arith.constant 30 : i32
    %dma_wait3A_1088 = arith.constant 0 : i32
    %dma_wait3A_1089 = tpu.memref_slice %arg12[%dma_wait3A_1087, %dma_wait3A_1088] : memref<40x128xi32, #tpu.memory_space<vmem>> -> memref<1x128xi32, #tpu.memory_space<vmem>>
    %dma_wait3A_1090 = tpu.memref_squeeze %dma_wait3A_1089 : memref<1x128xi32, #tpu.memory_space<vmem>> -> memref<128xi32, #tpu.memory_space<vmem>>
    %dma_wait3A_1091 = arith.constant 0 : i32
    %dma_wait3A_1092 = arith.constant 0 : i32
    %dma_wait3A_1093 = tpu.memref_slice %arg14[%dma_wait3A_1091, %dma_wait3A_1092] : memref<10240x16xf32, #tpu.memory_space<vmem_shared>> -> memref<10240x16xf32, #tpu.memory_space<vmem_shared>>
    tpu.wait_indirect_dma semaphore(%arg17 : memref<!tpu.dma_semaphore, #tpu.memory_space<semaphore_mem>>) src(%arg13 : memref<128x16xf32, #tpu.memory_space<vmem>>) dst(%dma_wait3A_1093 : memref<10240x16xf32, #tpu.memory_space<vmem_shared>>)
    %dma_wait3A_1094 = arith.constant 31 : i32
    %dma_wait3A_1095 = arith.constant 0 : i32
    %dma_wait3A_1096 = tpu.memref_slice %arg12[%dma_wait3A_1094, %dma_wait3A_1095] : memref<40x128xi32, #tpu.memory_space<vmem>> -> memref<1x128xi32, #tpu.memory_space<vmem>>
    %dma_wait3A_1097 = tpu.memref_squeeze %dma_wait3A_1096 : memref<1x128xi32, #tpu.memory_space<vmem>> -> memref<128xi32, #tpu.memory_space<vmem>>
    %dma_wait3A_1098 = arith.constant 0 : i32
    %dma_wait3A_1099 = arith.constant 0 : i32
    %dma_wait3A_1100 = tpu.memref_slice %arg14[%dma_wait3A_1098, %dma_wait3A_1099] : memref<10240x16xf32, #tpu.memory_space<vmem_shared>> -> memref<10240x16xf32, #tpu.memory_space<vmem_shared>>
    tpu.wait_indirect_dma semaphore(%arg17 : memref<!tpu.dma_semaphore, #tpu.memory_space<semaphore_mem>>) src(%arg13 : memref<128x16xf32, #tpu.memory_space<vmem>>) dst(%dma_wait3A_1100 : memref<10240x16xf32, #tpu.memory_space<vmem_shared>>)
    %dma_start3A_1101 = arith.constant 32 : i32
    %dma_start3A_1102 = arith.constant 0 : i32
    %dma_start3A_1103 = tpu.memref_slice %arg12[%dma_start3A_1101, %dma_start3A_1102] : memref<40x128xi32, #tpu.memory_space<vmem>> -> memref<1x128xi32, #tpu.memory_space<vmem>>
    %dma_start3A_1104 = tpu.memref_squeeze %dma_start3A_1103 : memref<1x128xi32, #tpu.memory_space<vmem>> -> memref<128xi32, #tpu.memory_space<vmem>>
    %dma_start3A_1105 = arith.constant 0 : i32
    %dma_start3A_1106 = arith.constant 0 : i32
    %dma_start3A_1107 = tpu.memref_slice %arg14[%dma_start3A_1105, %dma_start3A_1106] : memref<10240x16xf32, #tpu.memory_space<vmem_shared>> -> memref<10240x16xf32, #tpu.memory_space<vmem_shared>>
    tpu.enqueue_indirect_dma source(%arg13 : memref<128x16xf32, #tpu.memory_space<vmem>>) target(%dma_start3A_1107 : memref<10240x16xf32, #tpu.memory_space<vmem_shared>>) offsets(%dma_start3A_1104 : memref<128xi32, #tpu.memory_space<vmem>>) semaphore(%arg17 : memref<!tpu.dma_semaphore, #tpu.memory_space<semaphore_mem>>) {add = true}
    %dma_start3A_1108 = arith.constant 33 : i32
    %dma_start3A_1109 = arith.constant 0 : i32
    %dma_start3A_1110 = tpu.memref_slice %arg12[%dma_start3A_1108, %dma_start3A_1109] : memref<40x128xi32, #tpu.memory_space<vmem>> -> memref<1x128xi32, #tpu.memory_space<vmem>>
    %dma_start3A_1111 = tpu.memref_squeeze %dma_start3A_1110 : memref<1x128xi32, #tpu.memory_space<vmem>> -> memref<128xi32, #tpu.memory_space<vmem>>
    %dma_start3A_1112 = arith.constant 0 : i32
    %dma_start3A_1113 = arith.constant 0 : i32
    %dma_start3A_1114 = tpu.memref_slice %arg14[%dma_start3A_1112, %dma_start3A_1113] : memref<10240x16xf32, #tpu.memory_space<vmem_shared>> -> memref<10240x16xf32, #tpu.memory_space<vmem_shared>>
    tpu.enqueue_indirect_dma source(%arg13 : memref<128x16xf32, #tpu.memory_space<vmem>>) target(%dma_start3A_1114 : memref<10240x16xf32, #tpu.memory_space<vmem_shared>>) offsets(%dma_start3A_1111 : memref<128xi32, #tpu.memory_space<vmem>>) semaphore(%arg17 : memref<!tpu.dma_semaphore, #tpu.memory_space<semaphore_mem>>) {add = true}
    %dma_start3A_1115 = arith.constant 34 : i32
    %dma_start3A_1116 = arith.constant 0 : i32
    %dma_start3A_1117 = tpu.memref_slice %arg12[%dma_start3A_1115, %dma_start3A_1116] : memref<40x128xi32, #tpu.memory_space<vmem>> -> memref<1x128xi32, #tpu.memory_space<vmem>>
    %dma_start3A_1118 = tpu.memref_squeeze %dma_start3A_1117 : memref<1x128xi32, #tpu.memory_space<vmem>> -> memref<128xi32, #tpu.memory_space<vmem>>
    %dma_start3A_1119 = arith.constant 0 : i32
    %dma_start3A_1120 = arith.constant 0 : i32
    %dma_start3A_1121 = tpu.memref_slice %arg14[%dma_start3A_1119, %dma_start3A_1120] : memref<10240x16xf32, #tpu.memory_space<vmem_shared>> -> memref<10240x16xf32, #tpu.memory_space<vmem_shared>>
    tpu.enqueue_indirect_dma source(%arg13 : memref<128x16xf32, #tpu.memory_space<vmem>>) target(%dma_start3A_1121 : memref<10240x16xf32, #tpu.memory_space<vmem_shared>>) offsets(%dma_start3A_1118 : memref<128xi32, #tpu.memory_space<vmem>>) semaphore(%arg17 : memref<!tpu.dma_semaphore, #tpu.memory_space<semaphore_mem>>) {add = true}
    %dma_start3A_1122 = arith.constant 35 : i32
    %dma_start3A_1123 = arith.constant 0 : i32
    %dma_start3A_1124 = tpu.memref_slice %arg12[%dma_start3A_1122, %dma_start3A_1123] : memref<40x128xi32, #tpu.memory_space<vmem>> -> memref<1x128xi32, #tpu.memory_space<vmem>>
    %dma_start3A_1125 = tpu.memref_squeeze %dma_start3A_1124 : memref<1x128xi32, #tpu.memory_space<vmem>> -> memref<128xi32, #tpu.memory_space<vmem>>
    %dma_start3A_1126 = arith.constant 0 : i32
    %dma_start3A_1127 = arith.constant 0 : i32
    %dma_start3A_1128 = tpu.memref_slice %arg14[%dma_start3A_1126, %dma_start3A_1127] : memref<10240x16xf32, #tpu.memory_space<vmem_shared>> -> memref<10240x16xf32, #tpu.memory_space<vmem_shared>>
    tpu.enqueue_indirect_dma source(%arg13 : memref<128x16xf32, #tpu.memory_space<vmem>>) target(%dma_start3A_1128 : memref<10240x16xf32, #tpu.memory_space<vmem_shared>>) offsets(%dma_start3A_1125 : memref<128xi32, #tpu.memory_space<vmem>>) semaphore(%arg17 : memref<!tpu.dma_semaphore, #tpu.memory_space<semaphore_mem>>) {add = true}
    %dma_start3A_1129 = arith.constant 36 : i32
    %dma_start3A_1130 = arith.constant 0 : i32
    %dma_start3A_1131 = tpu.memref_slice %arg12[%dma_start3A_1129, %dma_start3A_1130] : memref<40x128xi32, #tpu.memory_space<vmem>> -> memref<1x128xi32, #tpu.memory_space<vmem>>
    %dma_start3A_1132 = tpu.memref_squeeze %dma_start3A_1131 : memref<1x128xi32, #tpu.memory_space<vmem>> -> memref<128xi32, #tpu.memory_space<vmem>>
    %dma_start3A_1133 = arith.constant 0 : i32
    %dma_start3A_1134 = arith.constant 0 : i32
    %dma_start3A_1135 = tpu.memref_slice %arg14[%dma_start3A_1133, %dma_start3A_1134] : memref<10240x16xf32, #tpu.memory_space<vmem_shared>> -> memref<10240x16xf32, #tpu.memory_space<vmem_shared>>
    tpu.enqueue_indirect_dma source(%arg13 : memref<128x16xf32, #tpu.memory_space<vmem>>) target(%dma_start3A_1135 : memref<10240x16xf32, #tpu.memory_space<vmem_shared>>) offsets(%dma_start3A_1132 : memref<128xi32, #tpu.memory_space<vmem>>) semaphore(%arg17 : memref<!tpu.dma_semaphore, #tpu.memory_space<semaphore_mem>>) {add = true}
    %dma_start3A_1136 = arith.constant 37 : i32
    %dma_start3A_1137 = arith.constant 0 : i32
    %dma_start3A_1138 = tpu.memref_slice %arg12[%dma_start3A_1136, %dma_start3A_1137] : memref<40x128xi32, #tpu.memory_space<vmem>> -> memref<1x128xi32, #tpu.memory_space<vmem>>
    %dma_start3A_1139 = tpu.memref_squeeze %dma_start3A_1138 : memref<1x128xi32, #tpu.memory_space<vmem>> -> memref<128xi32, #tpu.memory_space<vmem>>
    %dma_start3A_1140 = arith.constant 0 : i32
    %dma_start3A_1141 = arith.constant 0 : i32
    %dma_start3A_1142 = tpu.memref_slice %arg14[%dma_start3A_1140, %dma_start3A_1141] : memref<10240x16xf32, #tpu.memory_space<vmem_shared>> -> memref<10240x16xf32, #tpu.memory_space<vmem_shared>>
    tpu.enqueue_indirect_dma source(%arg13 : memref<128x16xf32, #tpu.memory_space<vmem>>) target(%dma_start3A_1142 : memref<10240x16xf32, #tpu.memory_space<vmem_shared>>) offsets(%dma_start3A_1139 : memref<128xi32, #tpu.memory_space<vmem>>) semaphore(%arg17 : memref<!tpu.dma_semaphore, #tpu.memory_space<semaphore_mem>>) {add = true}
    %dma_start3A_1143 = arith.constant 38 : i32
    %dma_start3A_1144 = arith.constant 0 : i32
    %dma_start3A_1145 = tpu.memref_slice %arg12[%dma_start3A_1143, %dma_start3A_1144] : memref<40x128xi32, #tpu.memory_space<vmem>> -> memref<1x128xi32, #tpu.memory_space<vmem>>
    %dma_start3A_1146 = tpu.memref_squeeze %dma_start3A_1145 : memref<1x128xi32, #tpu.memory_space<vmem>> -> memref<128xi32, #tpu.memory_space<vmem>>
    %dma_start3A_1147 = arith.constant 0 : i32
    %dma_start3A_1148 = arith.constant 0 : i32
    %dma_start3A_1149 = tpu.memref_slice %arg14[%dma_start3A_1147, %dma_start3A_1148] : memref<10240x16xf32, #tpu.memory_space<vmem_shared>> -> memref<10240x16xf32, #tpu.memory_space<vmem_shared>>
    tpu.enqueue_indirect_dma source(%arg13 : memref<128x16xf32, #tpu.memory_space<vmem>>) target(%dma_start3A_1149 : memref<10240x16xf32, #tpu.memory_space<vmem_shared>>) offsets(%dma_start3A_1146 : memref<128xi32, #tpu.memory_space<vmem>>) semaphore(%arg17 : memref<!tpu.dma_semaphore, #tpu.memory_space<semaphore_mem>>) {add = true}
    %dma_start3A_1150 = arith.constant 39 : i32
    %dma_start3A_1151 = arith.constant 0 : i32
    %dma_start3A_1152 = tpu.memref_slice %arg12[%dma_start3A_1150, %dma_start3A_1151] : memref<40x128xi32, #tpu.memory_space<vmem>> -> memref<1x128xi32, #tpu.memory_space<vmem>>
    %dma_start3A_1153 = tpu.memref_squeeze %dma_start3A_1152 : memref<1x128xi32, #tpu.memory_space<vmem>> -> memref<128xi32, #tpu.memory_space<vmem>>
    %dma_start3A_1154 = arith.constant 0 : i32
    %dma_start3A_1155 = arith.constant 0 : i32
    %dma_start3A_1156 = tpu.memref_slice %arg14[%dma_start3A_1154, %dma_start3A_1155] : memref<10240x16xf32, #tpu.memory_space<vmem_shared>> -> memref<10240x16xf32, #tpu.memory_space<vmem_shared>>
    tpu.enqueue_indirect_dma source(%arg13 : memref<128x16xf32, #tpu.memory_space<vmem>>) target(%dma_start3A_1156 : memref<10240x16xf32, #tpu.memory_space<vmem_shared>>) offsets(%dma_start3A_1153 : memref<128xi32, #tpu.memory_space<vmem>>) semaphore(%arg17 : memref<!tpu.dma_semaphore, #tpu.memory_space<semaphore_mem>>) {add = true}
    %dma_wait3A_1157 = arith.constant 32 : i32
    %dma_wait3A_1158 = arith.constant 0 : i32
    %dma_wait3A_1159 = tpu.memref_slice %arg12[%dma_wait3A_1157, %dma_wait3A_1158] : memref<40x128xi32, #tpu.memory_space<vmem>> -> memref<1x128xi32, #tpu.memory_space<vmem>>
    %dma_wait3A_1160 = tpu.memref_squeeze %dma_wait3A_1159 : memref<1x128xi32, #tpu.memory_space<vmem>> -> memref<128xi32, #tpu.memory_space<vmem>>
    %dma_wait3A_1161 = arith.constant 0 : i32
    %dma_wait3A_1162 = arith.constant 0 : i32
    %dma_wait3A_1163 = tpu.memref_slice %arg14[%dma_wait3A_1161, %dma_wait3A_1162] : memref<10240x16xf32, #tpu.memory_space<vmem_shared>> -> memref<10240x16xf32, #tpu.memory_space<vmem_shared>>
    tpu.wait_indirect_dma semaphore(%arg17 : memref<!tpu.dma_semaphore, #tpu.memory_space<semaphore_mem>>) src(%arg13 : memref<128x16xf32, #tpu.memory_space<vmem>>) dst(%dma_wait3A_1163 : memref<10240x16xf32, #tpu.memory_space<vmem_shared>>)
    %dma_wait3A_1164 = arith.constant 33 : i32
    %dma_wait3A_1165 = arith.constant 0 : i32
    %dma_wait3A_1166 = tpu.memref_slice %arg12[%dma_wait3A_1164, %dma_wait3A_1165] : memref<40x128xi32, #tpu.memory_space<vmem>> -> memref<1x128xi32, #tpu.memory_space<vmem>>
    %dma_wait3A_1167 = tpu.memref_squeeze %dma_wait3A_1166 : memref<1x128xi32, #tpu.memory_space<vmem>> -> memref<128xi32, #tpu.memory_space<vmem>>
    %dma_wait3A_1168 = arith.constant 0 : i32
    %dma_wait3A_1169 = arith.constant 0 : i32
    %dma_wait3A_1170 = tpu.memref_slice %arg14[%dma_wait3A_1168, %dma_wait3A_1169] : memref<10240x16xf32, #tpu.memory_space<vmem_shared>> -> memref<10240x16xf32, #tpu.memory_space<vmem_shared>>
    tpu.wait_indirect_dma semaphore(%arg17 : memref<!tpu.dma_semaphore, #tpu.memory_space<semaphore_mem>>) src(%arg13 : memref<128x16xf32, #tpu.memory_space<vmem>>) dst(%dma_wait3A_1170 : memref<10240x16xf32, #tpu.memory_space<vmem_shared>>)
    %dma_wait3A_1171 = arith.constant 34 : i32
    %dma_wait3A_1172 = arith.constant 0 : i32
    %dma_wait3A_1173 = tpu.memref_slice %arg12[%dma_wait3A_1171, %dma_wait3A_1172] : memref<40x128xi32, #tpu.memory_space<vmem>> -> memref<1x128xi32, #tpu.memory_space<vmem>>
    %dma_wait3A_1174 = tpu.memref_squeeze %dma_wait3A_1173 : memref<1x128xi32, #tpu.memory_space<vmem>> -> memref<128xi32, #tpu.memory_space<vmem>>
    %dma_wait3A_1175 = arith.constant 0 : i32
    %dma_wait3A_1176 = arith.constant 0 : i32
    %dma_wait3A_1177 = tpu.memref_slice %arg14[%dma_wait3A_1175, %dma_wait3A_1176] : memref<10240x16xf32, #tpu.memory_space<vmem_shared>> -> memref<10240x16xf32, #tpu.memory_space<vmem_shared>>
    tpu.wait_indirect_dma semaphore(%arg17 : memref<!tpu.dma_semaphore, #tpu.memory_space<semaphore_mem>>) src(%arg13 : memref<128x16xf32, #tpu.memory_space<vmem>>) dst(%dma_wait3A_1177 : memref<10240x16xf32, #tpu.memory_space<vmem_shared>>)
    %dma_wait3A_1178 = arith.constant 35 : i32
    %dma_wait3A_1179 = arith.constant 0 : i32
    %dma_wait3A_1180 = tpu.memref_slice %arg12[%dma_wait3A_1178, %dma_wait3A_1179] : memref<40x128xi32, #tpu.memory_space<vmem>> -> memref<1x128xi32, #tpu.memory_space<vmem>>
    %dma_wait3A_1181 = tpu.memref_squeeze %dma_wait3A_1180 : memref<1x128xi32, #tpu.memory_space<vmem>> -> memref<128xi32, #tpu.memory_space<vmem>>
    %dma_wait3A_1182 = arith.constant 0 : i32
    %dma_wait3A_1183 = arith.constant 0 : i32
    %dma_wait3A_1184 = tpu.memref_slice %arg14[%dma_wait3A_1182, %dma_wait3A_1183] : memref<10240x16xf32, #tpu.memory_space<vmem_shared>> -> memref<10240x16xf32, #tpu.memory_space<vmem_shared>>
    tpu.wait_indirect_dma semaphore(%arg17 : memref<!tpu.dma_semaphore, #tpu.memory_space<semaphore_mem>>) src(%arg13 : memref<128x16xf32, #tpu.memory_space<vmem>>) dst(%dma_wait3A_1184 : memref<10240x16xf32, #tpu.memory_space<vmem_shared>>)
    %dma_wait3A_1185 = arith.constant 36 : i32
    %dma_wait3A_1186 = arith.constant 0 : i32
    %dma_wait3A_1187 = tpu.memref_slice %arg12[%dma_wait3A_1185, %dma_wait3A_1186] : memref<40x128xi32, #tpu.memory_space<vmem>> -> memref<1x128xi32, #tpu.memory_space<vmem>>
    %dma_wait3A_1188 = tpu.memref_squeeze %dma_wait3A_1187 : memref<1x128xi32, #tpu.memory_space<vmem>> -> memref<128xi32, #tpu.memory_space<vmem>>
    %dma_wait3A_1189 = arith.constant 0 : i32
    %dma_wait3A_1190 = arith.constant 0 : i32
    %dma_wait3A_1191 = tpu.memref_slice %arg14[%dma_wait3A_1189, %dma_wait3A_1190] : memref<10240x16xf32, #tpu.memory_space<vmem_shared>> -> memref<10240x16xf32, #tpu.memory_space<vmem_shared>>
    tpu.wait_indirect_dma semaphore(%arg17 : memref<!tpu.dma_semaphore, #tpu.memory_space<semaphore_mem>>) src(%arg13 : memref<128x16xf32, #tpu.memory_space<vmem>>) dst(%dma_wait3A_1191 : memref<10240x16xf32, #tpu.memory_space<vmem_shared>>)
    %dma_wait3A_1192 = arith.constant 37 : i32
    %dma_wait3A_1193 = arith.constant 0 : i32
    %dma_wait3A_1194 = tpu.memref_slice %arg12[%dma_wait3A_1192, %dma_wait3A_1193] : memref<40x128xi32, #tpu.memory_space<vmem>> -> memref<1x128xi32, #tpu.memory_space<vmem>>
    %dma_wait3A_1195 = tpu.memref_squeeze %dma_wait3A_1194 : memref<1x128xi32, #tpu.memory_space<vmem>> -> memref<128xi32, #tpu.memory_space<vmem>>
    %dma_wait3A_1196 = arith.constant 0 : i32
    %dma_wait3A_1197 = arith.constant 0 : i32
    %dma_wait3A_1198 = tpu.memref_slice %arg14[%dma_wait3A_1196, %dma_wait3A_1197] : memref<10240x16xf32, #tpu.memory_space<vmem_shared>> -> memref<10240x16xf32, #tpu.memory_space<vmem_shared>>
    tpu.wait_indirect_dma semaphore(%arg17 : memref<!tpu.dma_semaphore, #tpu.memory_space<semaphore_mem>>) src(%arg13 : memref<128x16xf32, #tpu.memory_space<vmem>>) dst(%dma_wait3A_1198 : memref<10240x16xf32, #tpu.memory_space<vmem_shared>>)
    %dma_wait3A_1199 = arith.constant 38 : i32
    %dma_wait3A_1200 = arith.constant 0 : i32
    %dma_wait3A_1201 = tpu.memref_slice %arg12[%dma_wait3A_1199, %dma_wait3A_1200] : memref<40x128xi32, #tpu.memory_space<vmem>> -> memref<1x128xi32, #tpu.memory_space<vmem>>
    %dma_wait3A_1202 = tpu.memref_squeeze %dma_wait3A_1201 : memref<1x128xi32, #tpu.memory_space<vmem>> -> memref<128xi32, #tpu.memory_space<vmem>>
    %dma_wait3A_1203 = arith.constant 0 : i32
    %dma_wait3A_1204 = arith.constant 0 : i32
    %dma_wait3A_1205 = tpu.memref_slice %arg14[%dma_wait3A_1203, %dma_wait3A_1204] : memref<10240x16xf32, #tpu.memory_space<vmem_shared>> -> memref<10240x16xf32, #tpu.memory_space<vmem_shared>>
    tpu.wait_indirect_dma semaphore(%arg17 : memref<!tpu.dma_semaphore, #tpu.memory_space<semaphore_mem>>) src(%arg13 : memref<128x16xf32, #tpu.memory_space<vmem>>) dst(%dma_wait3A_1205 : memref<10240x16xf32, #tpu.memory_space<vmem_shared>>)
    %dma_wait3A_1206 = arith.constant 39 : i32
    %dma_wait3A_1207 = arith.constant 0 : i32
    %dma_wait3A_1208 = tpu.memref_slice %arg12[%dma_wait3A_1206, %dma_wait3A_1207] : memref<40x128xi32, #tpu.memory_space<vmem>> -> memref<1x128xi32, #tpu.memory_space<vmem>>
    %dma_wait3A_1209 = tpu.memref_squeeze %dma_wait3A_1208 : memref<1x128xi32, #tpu.memory_space<vmem>> -> memref<128xi32, #tpu.memory_space<vmem>>
    %dma_wait3A_1210 = arith.constant 0 : i32
    %dma_wait3A_1211 = arith.constant 0 : i32
    %dma_wait3A_1212 = tpu.memref_slice %arg14[%dma_wait3A_1210, %dma_wait3A_1211] : memref<10240x16xf32, #tpu.memory_space<vmem_shared>> -> memref<10240x16xf32, #tpu.memory_space<vmem_shared>>
    tpu.wait_indirect_dma semaphore(%arg17 : memref<!tpu.dma_semaphore, #tpu.memory_space<semaphore_mem>>) src(%arg13 : memref<128x16xf32, #tpu.memory_space<vmem>>) dst(%dma_wait3A_1212 : memref<10240x16xf32, #tpu.memory_space<vmem_shared>>)
    %barrier3A_1213 = arith.constant 0 : index
    tpu.barrier barrier_id(%barrier3A_1213)
    %mul3A_1214 = arith.constant 640 : i32
    %mul3A_1215 = arith.muli %arg1, %mul3A_1214 : i32
    %mul3A_1216 = arith.constant 640 : i32
    %mul3A_1217 = arith.muli %arg1, %mul3A_1216 : i32
    "tpu.region"() ({
      %run_scoped3A = tpu.sem_alloc : memref<!tpu.dma_semaphore, #tpu.memory_space<semaphore_mem>>
      %dma_start3A_1218 = arith.constant 0 : i32
      %dma_start3A_1219 = tpu.memref_slice %arg8[%arg0, %mul3A_1217, %dma_start3A_1218] : memref<2x10240x16xf32, #tpu.memory_space<hbm>> -> memref<1x640x16xf32, #tpu.memory_space<hbm>>
      %dma_start3A_1220 = tpu.memref_squeeze %dma_start3A_1219 : memref<1x640x16xf32, #tpu.memory_space<hbm>> -> memref<640x16xf32, #tpu.memory_space<hbm>>
      %dma_start3A_1221 = arith.constant 0 : i32
      %dma_start3A_1222 = tpu.memref_slice %arg14[%mul3A_1215, %dma_start3A_1221] : memref<10240x16xf32, #tpu.memory_space<vmem_shared>> -> memref<640x16xf32, #tpu.memory_space<vmem_shared>>
      tpu.enqueue_dma source(%dma_start3A_1222 : memref<640x16xf32, #tpu.memory_space<vmem_shared>>) target(%dma_start3A_1220 : memref<640x16xf32, #tpu.memory_space<hbm>>) target_semaphore(%run_scoped3A : memref<!tpu.dma_semaphore, #tpu.memory_space<semaphore_mem>>)
      %dma_wait3A_1223 = arith.constant 0 : i32
      %dma_wait3A_1224 = tpu.memref_slice %arg8[%arg0, %mul3A_1217, %dma_wait3A_1223] : memref<2x10240x16xf32, #tpu.memory_space<hbm>> -> memref<1x640x16xf32, #tpu.memory_space<hbm>>
      %dma_wait3A_1225 = tpu.memref_squeeze %dma_wait3A_1224 : memref<1x640x16xf32, #tpu.memory_space<hbm>> -> memref<640x16xf32, #tpu.memory_space<hbm>>
      %dma_wait3A_1226 = arith.constant 0 : i32
      %dma_wait3A_1227 = tpu.memref_slice %arg14[%mul3A_1215, %dma_wait3A_1226] : memref<10240x16xf32, #tpu.memory_space<vmem_shared>> -> memref<640x16xf32, #tpu.memory_space<vmem_shared>>
      tpu.wait_dma2 semaphore(%run_scoped3A : memref<!tpu.dma_semaphore, #tpu.memory_space<semaphore_mem>>) src(%dma_wait3A_1227 : memref<640x16xf32, #tpu.memory_space<vmem_shared>>) dst(%dma_wait3A_1225 : memref<640x16xf32, #tpu.memory_space<hbm>>)
      tpu.yield
    }) : () -> ()
    return
  }
}

#map = affine_map<(d0, d1) -> (0, 0)>
#map1 = affine_map<(d0, d1) -> (0, 0, 0)>
module attributes {stable_mosaic.version = 14 : i64} {
  func.func @_scatter_body(%arg0: i32, %arg1: i32, %arg2: memref<163840x32xf32, #tpu.memory_space<hbm>>, %arg3: memref<32x40x128xi32, #tpu.memory_space<hbm>>, %arg4: memref<640x32xf32, #tpu.memory_space<hbm>>, %arg5: memref<2x10240x32xf32, #tpu.memory_space<hbm>>, %arg6: memref<1024x32xf32, #tpu.memory_space<vmem>>, %arg7: memref<1024x32xf32, #tpu.memory_space<vmem>>, %arg8: memref<40x128xi32, #tpu.memory_space<vmem>>, %arg9: memref<10240x32xf32, #tpu.memory_space<vmem_shared>>, %arg10: memref<!tpu.dma_semaphore, #tpu.memory_space<semaphore_mem>>, %arg11: memref<!tpu.dma_semaphore, #tpu.memory_space<semaphore_mem>>, %arg12: memref<!tpu.dma_semaphore, #tpu.memory_space<semaphore_mem>>) attributes {dimension_semantics = [#tpu.dimension_semantics<core_parallel>, #tpu.dimension_semantics<subcore_parallel>], iteration_bounds = array<i64: 2, 16>, scalar_prefetch = 0 : i64, scratch_operands = 7 : i64, tpu.core_type = #tpu.core_type<sc_vector_subcore>, window_params = [{transform_indices = #map}, {transform_indices = #map1}, {transform_indices = #map}, {transform_indices = #map1}]} {
    %mul3A = arith.constant 2 : i32
    %mul3A_0 = arith.muli %arg1, %mul3A : i32
    %add3A = arith.addi %mul3A_0, %arg0 : i32
    %mul3A_1 = arith.constant 5120 : i32
    %mul3A_2 = arith.muli %add3A, %mul3A_1 : i32
    %mul3A_3 = arith.constant 640 : i32
    %mul3A_4 = arith.muli %arg1, %mul3A_3 : i32
    "tpu.region"() ({
      %run_scoped3A = tpu.sem_alloc : memref<!tpu.dma_semaphore, #tpu.memory_space<semaphore_mem>>
      %dma_start3A_856 = arith.constant 0 : i32
      %dma_start3A_857 = tpu.memref_slice %arg9[%mul3A_4, %dma_start3A_856] : memref<10240x32xf32, #tpu.memory_space<vmem_shared>> -> memref<640x32xf32, #tpu.memory_space<vmem_shared>>
      tpu.enqueue_dma source(%arg4 : memref<640x32xf32, #tpu.memory_space<hbm>>) target(%dma_start3A_857 : memref<640x32xf32, #tpu.memory_space<vmem_shared>>) target_semaphore(%run_scoped3A : memref<!tpu.dma_semaphore, #tpu.memory_space<semaphore_mem>>)
      %dma_wait3A_858 = arith.constant 0 : i32
      %dma_wait3A_859 = tpu.memref_slice %arg9[%mul3A_4, %dma_wait3A_858] : memref<10240x32xf32, #tpu.memory_space<vmem_shared>> -> memref<640x32xf32, #tpu.memory_space<vmem_shared>>
      tpu.wait_dma2 semaphore(%run_scoped3A : memref<!tpu.dma_semaphore, #tpu.memory_space<semaphore_mem>>) src(%arg4 : memref<640x32xf32, #tpu.memory_space<hbm>>) dst(%dma_wait3A_859 : memref<640x32xf32, #tpu.memory_space<vmem_shared>>)
      tpu.yield
    }) : () -> ()
    "tpu.region"() ({
      %run_scoped3A = tpu.sem_alloc : memref<!tpu.dma_semaphore, #tpu.memory_space<semaphore_mem>>
      %dma_start3A_856 = arith.constant 0 : i32
      %dma_start3A_857 = arith.constant 0 : i32
      %dma_start3A_858 = tpu.memref_slice %arg3[%add3A, %dma_start3A_856, %dma_start3A_857] : memref<32x40x128xi32, #tpu.memory_space<hbm>> -> memref<1x40x128xi32, #tpu.memory_space<hbm>>
      %dma_start3A_859 = tpu.memref_squeeze %dma_start3A_858 : memref<1x40x128xi32, #tpu.memory_space<hbm>> -> memref<40x128xi32, #tpu.memory_space<hbm>>
      %dma_start3A_860 = arith.constant 0 : i32
      %dma_start3A_861 = arith.constant 0 : i32
      %dma_start3A_862 = tpu.memref_slice %arg3[%add3A, %dma_start3A_860, %dma_start3A_861] : memref<32x40x128xi32, #tpu.memory_space<hbm>> -> memref<1x40x128xi32, #tpu.memory_space<hbm>>
      %dma_start3A_863 = tpu.memref_squeeze %dma_start3A_862 : memref<1x40x128xi32, #tpu.memory_space<hbm>> -> memref<40x128xi32, #tpu.memory_space<hbm>>
      tpu.enqueue_dma source(%dma_start3A_863 : memref<40x128xi32, #tpu.memory_space<hbm>>) target(%arg8 : memref<40x128xi32, #tpu.memory_space<vmem>>) target_semaphore(%run_scoped3A : memref<!tpu.dma_semaphore, #tpu.memory_space<semaphore_mem>>)
      %dma_wait3A_864 = arith.constant 0 : i32
      %dma_wait3A_865 = arith.constant 0 : i32
      %dma_wait3A_866 = tpu.memref_slice %arg3[%add3A, %dma_wait3A_864, %dma_wait3A_865] : memref<32x40x128xi32, #tpu.memory_space<hbm>> -> memref<1x40x128xi32, #tpu.memory_space<hbm>>
      %dma_wait3A_867 = tpu.memref_squeeze %dma_wait3A_866 : memref<1x40x128xi32, #tpu.memory_space<hbm>> -> memref<40x128xi32, #tpu.memory_space<hbm>>
      %dma_wait3A_868 = arith.constant 0 : i32
      %dma_wait3A_869 = arith.constant 0 : i32
      %dma_wait3A_870 = tpu.memref_slice %arg3[%add3A, %dma_wait3A_868, %dma_wait3A_869] : memref<32x40x128xi32, #tpu.memory_space<hbm>> -> memref<1x40x128xi32, #tpu.memory_space<hbm>>
      %dma_wait3A_871 = tpu.memref_squeeze %dma_wait3A_870 : memref<1x40x128xi32, #tpu.memory_space<hbm>> -> memref<40x128xi32, #tpu.memory_space<hbm>>
      tpu.wait_dma2 semaphore(%run_scoped3A : memref<!tpu.dma_semaphore, #tpu.memory_space<semaphore_mem>>) src(%dma_wait3A_871 : memref<40x128xi32, #tpu.memory_space<hbm>>) dst(%arg8 : memref<40x128xi32, #tpu.memory_space<vmem>>)
      tpu.yield
    }) : () -> ()
    %barrier3A = arith.constant 0 : index
    tpu.barrier barrier_id(%barrier3A)
    %dma_start3A = arith.constant 0 : i32
    %dma_start3A_5 = tpu.memref_slice %arg2[%mul3A_2, %dma_start3A] : memref<163840x32xf32, #tpu.memory_space<hbm>> -> memref<1024x32xf32, #tpu.memory_space<hbm>>
    %dma_start3A_6 = arith.constant 0 : i32
    %dma_start3A_7 = tpu.memref_slice %arg2[%mul3A_2, %dma_start3A_6] : memref<163840x32xf32, #tpu.memory_space<hbm>> -> memref<1024x32xf32, #tpu.memory_space<hbm>>
    tpu.enqueue_dma source(%dma_start3A_7 : memref<1024x32xf32, #tpu.memory_space<hbm>>) target(%arg6 : memref<1024x32xf32, #tpu.memory_space<vmem>>) target_semaphore(%arg10 : memref<!tpu.dma_semaphore, #tpu.memory_space<semaphore_mem>>)
    %add3A_8 = arith.constant 1024 : i32
    %add3A_9 = arith.addi %mul3A_2, %add3A_8 : i32
    %dma_start3A_10 = arith.constant 0 : i32
    %dma_start3A_11 = tpu.memref_slice %arg2[%add3A_9, %dma_start3A_10] : memref<163840x32xf32, #tpu.memory_space<hbm>> -> memref<1024x32xf32, #tpu.memory_space<hbm>>
    %dma_start3A_12 = arith.constant 0 : i32
    %dma_start3A_13 = tpu.memref_slice %arg2[%add3A_9, %dma_start3A_12] : memref<163840x32xf32, #tpu.memory_space<hbm>> -> memref<1024x32xf32, #tpu.memory_space<hbm>>
    tpu.enqueue_dma source(%dma_start3A_13 : memref<1024x32xf32, #tpu.memory_space<hbm>>) target(%arg7 : memref<1024x32xf32, #tpu.memory_space<vmem>>) target_semaphore(%arg11 : memref<!tpu.dma_semaphore, #tpu.memory_space<semaphore_mem>>)
    %dma_wait3A = arith.constant 0 : i32
    %dma_wait3A_14 = tpu.memref_slice %arg2[%mul3A_2, %dma_wait3A] : memref<163840x32xf32, #tpu.memory_space<hbm>> -> memref<1024x32xf32, #tpu.memory_space<hbm>>
    %dma_wait3A_15 = arith.constant 0 : i32
    %dma_wait3A_16 = tpu.memref_slice %arg2[%mul3A_2, %dma_wait3A_15] : memref<163840x32xf32, #tpu.memory_space<hbm>> -> memref<1024x32xf32, #tpu.memory_space<hbm>>
    tpu.wait_dma2 semaphore(%arg10 : memref<!tpu.dma_semaphore, #tpu.memory_space<semaphore_mem>>) src(%dma_wait3A_16 : memref<1024x32xf32, #tpu.memory_space<hbm>>) dst(%arg6 : memref<1024x32xf32, #tpu.memory_space<vmem>>)
    %dma_start3A_17 = arith.constant 0 : i32
    %dma_start3A_18 = arith.constant 0 : i32
    %dma_start3A_19 = arith.constant 0 : i32
    %dma_start3A_20 = tpu.memref_slice %arg6[%dma_start3A_18, %dma_start3A_19] : memref<1024x32xf32, #tpu.memory_space<vmem>> -> memref<128x32xf32, #tpu.memory_space<vmem>>
    %dma_start3A_21 = arith.constant 0 : i32
    %dma_start3A_22 = tpu.memref_slice %arg8[%dma_start3A_17, %dma_start3A_21] : memref<40x128xi32, #tpu.memory_space<vmem>> -> memref<1x128xi32, #tpu.memory_space<vmem>>
    %dma_start3A_23 = tpu.memref_squeeze %dma_start3A_22 : memref<1x128xi32, #tpu.memory_space<vmem>> -> memref<128xi32, #tpu.memory_space<vmem>>
    %dma_start3A_24 = arith.constant 0 : i32
    %dma_start3A_25 = arith.constant 0 : i32
    %dma_start3A_26 = tpu.memref_slice %arg9[%dma_start3A_24, %dma_start3A_25] : memref<10240x32xf32, #tpu.memory_space<vmem_shared>> -> memref<10240x32xf32, #tpu.memory_space<vmem_shared>>
    tpu.enqueue_indirect_dma source(%dma_start3A_20 : memref<128x32xf32, #tpu.memory_space<vmem>>) target(%dma_start3A_26 : memref<10240x32xf32, #tpu.memory_space<vmem_shared>>) offsets(%dma_start3A_23 : memref<128xi32, #tpu.memory_space<vmem>>) semaphore(%arg12 : memref<!tpu.dma_semaphore, #tpu.memory_space<semaphore_mem>>) {add = true}
    %dma_start3A_27 = arith.constant 1 : i32
    %dma_start3A_28 = arith.constant 128 : i32
    %dma_start3A_29 = arith.constant 0 : i32
    %dma_start3A_30 = tpu.memref_slice %arg6[%dma_start3A_28, %dma_start3A_29] : memref<1024x32xf32, #tpu.memory_space<vmem>> -> memref<128x32xf32, #tpu.memory_space<vmem>>
    %dma_start3A_31 = arith.constant 0 : i32
    %dma_start3A_32 = tpu.memref_slice %arg8[%dma_start3A_27, %dma_start3A_31] : memref<40x128xi32, #tpu.memory_space<vmem>> -> memref<1x128xi32, #tpu.memory_space<vmem>>
    %dma_start3A_33 = tpu.memref_squeeze %dma_start3A_32 : memref<1x128xi32, #tpu.memory_space<vmem>> -> memref<128xi32, #tpu.memory_space<vmem>>
    %dma_start3A_34 = arith.constant 0 : i32
    %dma_start3A_35 = arith.constant 0 : i32
    %dma_start3A_36 = tpu.memref_slice %arg9[%dma_start3A_34, %dma_start3A_35] : memref<10240x32xf32, #tpu.memory_space<vmem_shared>> -> memref<10240x32xf32, #tpu.memory_space<vmem_shared>>
    tpu.enqueue_indirect_dma source(%dma_start3A_30 : memref<128x32xf32, #tpu.memory_space<vmem>>) target(%dma_start3A_36 : memref<10240x32xf32, #tpu.memory_space<vmem_shared>>) offsets(%dma_start3A_33 : memref<128xi32, #tpu.memory_space<vmem>>) semaphore(%arg12 : memref<!tpu.dma_semaphore, #tpu.memory_space<semaphore_mem>>) {add = true}
    %dma_start3A_37 = arith.constant 2 : i32
    %dma_start3A_38 = arith.constant 256 : i32
    %dma_start3A_39 = arith.constant 0 : i32
    %dma_start3A_40 = tpu.memref_slice %arg6[%dma_start3A_38, %dma_start3A_39] : memref<1024x32xf32, #tpu.memory_space<vmem>> -> memref<128x32xf32, #tpu.memory_space<vmem>>
    %dma_start3A_41 = arith.constant 0 : i32
    %dma_start3A_42 = tpu.memref_slice %arg8[%dma_start3A_37, %dma_start3A_41] : memref<40x128xi32, #tpu.memory_space<vmem>> -> memref<1x128xi32, #tpu.memory_space<vmem>>
    %dma_start3A_43 = tpu.memref_squeeze %dma_start3A_42 : memref<1x128xi32, #tpu.memory_space<vmem>> -> memref<128xi32, #tpu.memory_space<vmem>>
    %dma_start3A_44 = arith.constant 0 : i32
    %dma_start3A_45 = arith.constant 0 : i32
    %dma_start3A_46 = tpu.memref_slice %arg9[%dma_start3A_44, %dma_start3A_45] : memref<10240x32xf32, #tpu.memory_space<vmem_shared>> -> memref<10240x32xf32, #tpu.memory_space<vmem_shared>>
    tpu.enqueue_indirect_dma source(%dma_start3A_40 : memref<128x32xf32, #tpu.memory_space<vmem>>) target(%dma_start3A_46 : memref<10240x32xf32, #tpu.memory_space<vmem_shared>>) offsets(%dma_start3A_43 : memref<128xi32, #tpu.memory_space<vmem>>) semaphore(%arg12 : memref<!tpu.dma_semaphore, #tpu.memory_space<semaphore_mem>>) {add = true}
    %dma_start3A_47 = arith.constant 3 : i32
    %dma_start3A_48 = arith.constant 384 : i32
    %dma_start3A_49 = arith.constant 0 : i32
    %dma_start3A_50 = tpu.memref_slice %arg6[%dma_start3A_48, %dma_start3A_49] : memref<1024x32xf32, #tpu.memory_space<vmem>> -> memref<128x32xf32, #tpu.memory_space<vmem>>
    %dma_start3A_51 = arith.constant 0 : i32
    %dma_start3A_52 = tpu.memref_slice %arg8[%dma_start3A_47, %dma_start3A_51] : memref<40x128xi32, #tpu.memory_space<vmem>> -> memref<1x128xi32, #tpu.memory_space<vmem>>
    %dma_start3A_53 = tpu.memref_squeeze %dma_start3A_52 : memref<1x128xi32, #tpu.memory_space<vmem>> -> memref<128xi32, #tpu.memory_space<vmem>>
    %dma_start3A_54 = arith.constant 0 : i32
    %dma_start3A_55 = arith.constant 0 : i32
    %dma_start3A_56 = tpu.memref_slice %arg9[%dma_start3A_54, %dma_start3A_55] : memref<10240x32xf32, #tpu.memory_space<vmem_shared>> -> memref<10240x32xf32, #tpu.memory_space<vmem_shared>>
    tpu.enqueue_indirect_dma source(%dma_start3A_50 : memref<128x32xf32, #tpu.memory_space<vmem>>) target(%dma_start3A_56 : memref<10240x32xf32, #tpu.memory_space<vmem_shared>>) offsets(%dma_start3A_53 : memref<128xi32, #tpu.memory_space<vmem>>) semaphore(%arg12 : memref<!tpu.dma_semaphore, #tpu.memory_space<semaphore_mem>>) {add = true}
    %dma_start3A_57 = arith.constant 4 : i32
    %dma_start3A_58 = arith.constant 512 : i32
    %dma_start3A_59 = arith.constant 0 : i32
    %dma_start3A_60 = tpu.memref_slice %arg6[%dma_start3A_58, %dma_start3A_59] : memref<1024x32xf32, #tpu.memory_space<vmem>> -> memref<128x32xf32, #tpu.memory_space<vmem>>
    %dma_start3A_61 = arith.constant 0 : i32
    %dma_start3A_62 = tpu.memref_slice %arg8[%dma_start3A_57, %dma_start3A_61] : memref<40x128xi32, #tpu.memory_space<vmem>> -> memref<1x128xi32, #tpu.memory_space<vmem>>
    %dma_start3A_63 = tpu.memref_squeeze %dma_start3A_62 : memref<1x128xi32, #tpu.memory_space<vmem>> -> memref<128xi32, #tpu.memory_space<vmem>>
    %dma_start3A_64 = arith.constant 0 : i32
    %dma_start3A_65 = arith.constant 0 : i32
    %dma_start3A_66 = tpu.memref_slice %arg9[%dma_start3A_64, %dma_start3A_65] : memref<10240x32xf32, #tpu.memory_space<vmem_shared>> -> memref<10240x32xf32, #tpu.memory_space<vmem_shared>>
    tpu.enqueue_indirect_dma source(%dma_start3A_60 : memref<128x32xf32, #tpu.memory_space<vmem>>) target(%dma_start3A_66 : memref<10240x32xf32, #tpu.memory_space<vmem_shared>>) offsets(%dma_start3A_63 : memref<128xi32, #tpu.memory_space<vmem>>) semaphore(%arg12 : memref<!tpu.dma_semaphore, #tpu.memory_space<semaphore_mem>>) {add = true}
    %dma_start3A_67 = arith.constant 5 : i32
    %dma_start3A_68 = arith.constant 640 : i32
    %dma_start3A_69 = arith.constant 0 : i32
    %dma_start3A_70 = tpu.memref_slice %arg6[%dma_start3A_68, %dma_start3A_69] : memref<1024x32xf32, #tpu.memory_space<vmem>> -> memref<128x32xf32, #tpu.memory_space<vmem>>
    %dma_start3A_71 = arith.constant 0 : i32
    %dma_start3A_72 = tpu.memref_slice %arg8[%dma_start3A_67, %dma_start3A_71] : memref<40x128xi32, #tpu.memory_space<vmem>> -> memref<1x128xi32, #tpu.memory_space<vmem>>
    %dma_start3A_73 = tpu.memref_squeeze %dma_start3A_72 : memref<1x128xi32, #tpu.memory_space<vmem>> -> memref<128xi32, #tpu.memory_space<vmem>>
    %dma_start3A_74 = arith.constant 0 : i32
    %dma_start3A_75 = arith.constant 0 : i32
    %dma_start3A_76 = tpu.memref_slice %arg9[%dma_start3A_74, %dma_start3A_75] : memref<10240x32xf32, #tpu.memory_space<vmem_shared>> -> memref<10240x32xf32, #tpu.memory_space<vmem_shared>>
    tpu.enqueue_indirect_dma source(%dma_start3A_70 : memref<128x32xf32, #tpu.memory_space<vmem>>) target(%dma_start3A_76 : memref<10240x32xf32, #tpu.memory_space<vmem_shared>>) offsets(%dma_start3A_73 : memref<128xi32, #tpu.memory_space<vmem>>) semaphore(%arg12 : memref<!tpu.dma_semaphore, #tpu.memory_space<semaphore_mem>>) {add = true}
    %dma_start3A_77 = arith.constant 6 : i32
    %dma_start3A_78 = arith.constant 768 : i32
    %dma_start3A_79 = arith.constant 0 : i32
    %dma_start3A_80 = tpu.memref_slice %arg6[%dma_start3A_78, %dma_start3A_79] : memref<1024x32xf32, #tpu.memory_space<vmem>> -> memref<128x32xf32, #tpu.memory_space<vmem>>
    %dma_start3A_81 = arith.constant 0 : i32
    %dma_start3A_82 = tpu.memref_slice %arg8[%dma_start3A_77, %dma_start3A_81] : memref<40x128xi32, #tpu.memory_space<vmem>> -> memref<1x128xi32, #tpu.memory_space<vmem>>
    %dma_start3A_83 = tpu.memref_squeeze %dma_start3A_82 : memref<1x128xi32, #tpu.memory_space<vmem>> -> memref<128xi32, #tpu.memory_space<vmem>>
    %dma_start3A_84 = arith.constant 0 : i32
    %dma_start3A_85 = arith.constant 0 : i32
    %dma_start3A_86 = tpu.memref_slice %arg9[%dma_start3A_84, %dma_start3A_85] : memref<10240x32xf32, #tpu.memory_space<vmem_shared>> -> memref<10240x32xf32, #tpu.memory_space<vmem_shared>>
    tpu.enqueue_indirect_dma source(%dma_start3A_80 : memref<128x32xf32, #tpu.memory_space<vmem>>) target(%dma_start3A_86 : memref<10240x32xf32, #tpu.memory_space<vmem_shared>>) offsets(%dma_start3A_83 : memref<128xi32, #tpu.memory_space<vmem>>) semaphore(%arg12 : memref<!tpu.dma_semaphore, #tpu.memory_space<semaphore_mem>>) {add = true}
    %dma_start3A_87 = arith.constant 7 : i32
    %dma_start3A_88 = arith.constant 896 : i32
    %dma_start3A_89 = arith.constant 0 : i32
    %dma_start3A_90 = tpu.memref_slice %arg6[%dma_start3A_88, %dma_start3A_89] : memref<1024x32xf32, #tpu.memory_space<vmem>> -> memref<128x32xf32, #tpu.memory_space<vmem>>
    %dma_start3A_91 = arith.constant 0 : i32
    %dma_start3A_92 = tpu.memref_slice %arg8[%dma_start3A_87, %dma_start3A_91] : memref<40x128xi32, #tpu.memory_space<vmem>> -> memref<1x128xi32, #tpu.memory_space<vmem>>
    %dma_start3A_93 = tpu.memref_squeeze %dma_start3A_92 : memref<1x128xi32, #tpu.memory_space<vmem>> -> memref<128xi32, #tpu.memory_space<vmem>>
    %dma_start3A_94 = arith.constant 0 : i32
    %dma_start3A_95 = arith.constant 0 : i32
    %dma_start3A_96 = tpu.memref_slice %arg9[%dma_start3A_94, %dma_start3A_95] : memref<10240x32xf32, #tpu.memory_space<vmem_shared>> -> memref<10240x32xf32, #tpu.memory_space<vmem_shared>>
    tpu.enqueue_indirect_dma source(%dma_start3A_90 : memref<128x32xf32, #tpu.memory_space<vmem>>) target(%dma_start3A_96 : memref<10240x32xf32, #tpu.memory_space<vmem_shared>>) offsets(%dma_start3A_93 : memref<128xi32, #tpu.memory_space<vmem>>) semaphore(%arg12 : memref<!tpu.dma_semaphore, #tpu.memory_space<semaphore_mem>>) {add = true}
    %dma_wait3A_97 = arith.constant 0 : i32
    %dma_wait3A_98 = arith.constant 0 : i32
    %dma_wait3A_99 = arith.constant 0 : i32
    %dma_wait3A_100 = tpu.memref_slice %arg6[%dma_wait3A_98, %dma_wait3A_99] : memref<1024x32xf32, #tpu.memory_space<vmem>> -> memref<128x32xf32, #tpu.memory_space<vmem>>
    %dma_wait3A_101 = arith.constant 0 : i32
    %dma_wait3A_102 = tpu.memref_slice %arg8[%dma_wait3A_97, %dma_wait3A_101] : memref<40x128xi32, #tpu.memory_space<vmem>> -> memref<1x128xi32, #tpu.memory_space<vmem>>
    %dma_wait3A_103 = tpu.memref_squeeze %dma_wait3A_102 : memref<1x128xi32, #tpu.memory_space<vmem>> -> memref<128xi32, #tpu.memory_space<vmem>>
    %dma_wait3A_104 = arith.constant 0 : i32
    %dma_wait3A_105 = arith.constant 0 : i32
    %dma_wait3A_106 = tpu.memref_slice %arg9[%dma_wait3A_104, %dma_wait3A_105] : memref<10240x32xf32, #tpu.memory_space<vmem_shared>> -> memref<10240x32xf32, #tpu.memory_space<vmem_shared>>
    tpu.wait_indirect_dma semaphore(%arg12 : memref<!tpu.dma_semaphore, #tpu.memory_space<semaphore_mem>>) src(%dma_wait3A_100 : memref<128x32xf32, #tpu.memory_space<vmem>>) dst(%dma_wait3A_106 : memref<10240x32xf32, #tpu.memory_space<vmem_shared>>)
    %dma_wait3A_107 = arith.constant 1 : i32
    %dma_wait3A_108 = arith.constant 128 : i32
    %dma_wait3A_109 = arith.constant 0 : i32
    %dma_wait3A_110 = tpu.memref_slice %arg6[%dma_wait3A_108, %dma_wait3A_109] : memref<1024x32xf32, #tpu.memory_space<vmem>> -> memref<128x32xf32, #tpu.memory_space<vmem>>
    %dma_wait3A_111 = arith.constant 0 : i32
    %dma_wait3A_112 = tpu.memref_slice %arg8[%dma_wait3A_107, %dma_wait3A_111] : memref<40x128xi32, #tpu.memory_space<vmem>> -> memref<1x128xi32, #tpu.memory_space<vmem>>
    %dma_wait3A_113 = tpu.memref_squeeze %dma_wait3A_112 : memref<1x128xi32, #tpu.memory_space<vmem>> -> memref<128xi32, #tpu.memory_space<vmem>>
    %dma_wait3A_114 = arith.constant 0 : i32
    %dma_wait3A_115 = arith.constant 0 : i32
    %dma_wait3A_116 = tpu.memref_slice %arg9[%dma_wait3A_114, %dma_wait3A_115] : memref<10240x32xf32, #tpu.memory_space<vmem_shared>> -> memref<10240x32xf32, #tpu.memory_space<vmem_shared>>
    tpu.wait_indirect_dma semaphore(%arg12 : memref<!tpu.dma_semaphore, #tpu.memory_space<semaphore_mem>>) src(%dma_wait3A_110 : memref<128x32xf32, #tpu.memory_space<vmem>>) dst(%dma_wait3A_116 : memref<10240x32xf32, #tpu.memory_space<vmem_shared>>)
    %dma_wait3A_117 = arith.constant 2 : i32
    %dma_wait3A_118 = arith.constant 256 : i32
    %dma_wait3A_119 = arith.constant 0 : i32
    %dma_wait3A_120 = tpu.memref_slice %arg6[%dma_wait3A_118, %dma_wait3A_119] : memref<1024x32xf32, #tpu.memory_space<vmem>> -> memref<128x32xf32, #tpu.memory_space<vmem>>
    %dma_wait3A_121 = arith.constant 0 : i32
    %dma_wait3A_122 = tpu.memref_slice %arg8[%dma_wait3A_117, %dma_wait3A_121] : memref<40x128xi32, #tpu.memory_space<vmem>> -> memref<1x128xi32, #tpu.memory_space<vmem>>
    %dma_wait3A_123 = tpu.memref_squeeze %dma_wait3A_122 : memref<1x128xi32, #tpu.memory_space<vmem>> -> memref<128xi32, #tpu.memory_space<vmem>>
    %dma_wait3A_124 = arith.constant 0 : i32
    %dma_wait3A_125 = arith.constant 0 : i32
    %dma_wait3A_126 = tpu.memref_slice %arg9[%dma_wait3A_124, %dma_wait3A_125] : memref<10240x32xf32, #tpu.memory_space<vmem_shared>> -> memref<10240x32xf32, #tpu.memory_space<vmem_shared>>
    tpu.wait_indirect_dma semaphore(%arg12 : memref<!tpu.dma_semaphore, #tpu.memory_space<semaphore_mem>>) src(%dma_wait3A_120 : memref<128x32xf32, #tpu.memory_space<vmem>>) dst(%dma_wait3A_126 : memref<10240x32xf32, #tpu.memory_space<vmem_shared>>)
    %dma_wait3A_127 = arith.constant 3 : i32
    %dma_wait3A_128 = arith.constant 384 : i32
    %dma_wait3A_129 = arith.constant 0 : i32
    %dma_wait3A_130 = tpu.memref_slice %arg6[%dma_wait3A_128, %dma_wait3A_129] : memref<1024x32xf32, #tpu.memory_space<vmem>> -> memref<128x32xf32, #tpu.memory_space<vmem>>
    %dma_wait3A_131 = arith.constant 0 : i32
    %dma_wait3A_132 = tpu.memref_slice %arg8[%dma_wait3A_127, %dma_wait3A_131] : memref<40x128xi32, #tpu.memory_space<vmem>> -> memref<1x128xi32, #tpu.memory_space<vmem>>
    %dma_wait3A_133 = tpu.memref_squeeze %dma_wait3A_132 : memref<1x128xi32, #tpu.memory_space<vmem>> -> memref<128xi32, #tpu.memory_space<vmem>>
    %dma_wait3A_134 = arith.constant 0 : i32
    %dma_wait3A_135 = arith.constant 0 : i32
    %dma_wait3A_136 = tpu.memref_slice %arg9[%dma_wait3A_134, %dma_wait3A_135] : memref<10240x32xf32, #tpu.memory_space<vmem_shared>> -> memref<10240x32xf32, #tpu.memory_space<vmem_shared>>
    tpu.wait_indirect_dma semaphore(%arg12 : memref<!tpu.dma_semaphore, #tpu.memory_space<semaphore_mem>>) src(%dma_wait3A_130 : memref<128x32xf32, #tpu.memory_space<vmem>>) dst(%dma_wait3A_136 : memref<10240x32xf32, #tpu.memory_space<vmem_shared>>)
    %dma_wait3A_137 = arith.constant 4 : i32
    %dma_wait3A_138 = arith.constant 512 : i32
    %dma_wait3A_139 = arith.constant 0 : i32
    %dma_wait3A_140 = tpu.memref_slice %arg6[%dma_wait3A_138, %dma_wait3A_139] : memref<1024x32xf32, #tpu.memory_space<vmem>> -> memref<128x32xf32, #tpu.memory_space<vmem>>
    %dma_wait3A_141 = arith.constant 0 : i32
    %dma_wait3A_142 = tpu.memref_slice %arg8[%dma_wait3A_137, %dma_wait3A_141] : memref<40x128xi32, #tpu.memory_space<vmem>> -> memref<1x128xi32, #tpu.memory_space<vmem>>
    %dma_wait3A_143 = tpu.memref_squeeze %dma_wait3A_142 : memref<1x128xi32, #tpu.memory_space<vmem>> -> memref<128xi32, #tpu.memory_space<vmem>>
    %dma_wait3A_144 = arith.constant 0 : i32
    %dma_wait3A_145 = arith.constant 0 : i32
    %dma_wait3A_146 = tpu.memref_slice %arg9[%dma_wait3A_144, %dma_wait3A_145] : memref<10240x32xf32, #tpu.memory_space<vmem_shared>> -> memref<10240x32xf32, #tpu.memory_space<vmem_shared>>
    tpu.wait_indirect_dma semaphore(%arg12 : memref<!tpu.dma_semaphore, #tpu.memory_space<semaphore_mem>>) src(%dma_wait3A_140 : memref<128x32xf32, #tpu.memory_space<vmem>>) dst(%dma_wait3A_146 : memref<10240x32xf32, #tpu.memory_space<vmem_shared>>)
    %dma_wait3A_147 = arith.constant 5 : i32
    %dma_wait3A_148 = arith.constant 640 : i32
    %dma_wait3A_149 = arith.constant 0 : i32
    %dma_wait3A_150 = tpu.memref_slice %arg6[%dma_wait3A_148, %dma_wait3A_149] : memref<1024x32xf32, #tpu.memory_space<vmem>> -> memref<128x32xf32, #tpu.memory_space<vmem>>
    %dma_wait3A_151 = arith.constant 0 : i32
    %dma_wait3A_152 = tpu.memref_slice %arg8[%dma_wait3A_147, %dma_wait3A_151] : memref<40x128xi32, #tpu.memory_space<vmem>> -> memref<1x128xi32, #tpu.memory_space<vmem>>
    %dma_wait3A_153 = tpu.memref_squeeze %dma_wait3A_152 : memref<1x128xi32, #tpu.memory_space<vmem>> -> memref<128xi32, #tpu.memory_space<vmem>>
    %dma_wait3A_154 = arith.constant 0 : i32
    %dma_wait3A_155 = arith.constant 0 : i32
    %dma_wait3A_156 = tpu.memref_slice %arg9[%dma_wait3A_154, %dma_wait3A_155] : memref<10240x32xf32, #tpu.memory_space<vmem_shared>> -> memref<10240x32xf32, #tpu.memory_space<vmem_shared>>
    tpu.wait_indirect_dma semaphore(%arg12 : memref<!tpu.dma_semaphore, #tpu.memory_space<semaphore_mem>>) src(%dma_wait3A_150 : memref<128x32xf32, #tpu.memory_space<vmem>>) dst(%dma_wait3A_156 : memref<10240x32xf32, #tpu.memory_space<vmem_shared>>)
    %dma_wait3A_157 = arith.constant 6 : i32
    %dma_wait3A_158 = arith.constant 768 : i32
    %dma_wait3A_159 = arith.constant 0 : i32
    %dma_wait3A_160 = tpu.memref_slice %arg6[%dma_wait3A_158, %dma_wait3A_159] : memref<1024x32xf32, #tpu.memory_space<vmem>> -> memref<128x32xf32, #tpu.memory_space<vmem>>
    %dma_wait3A_161 = arith.constant 0 : i32
    %dma_wait3A_162 = tpu.memref_slice %arg8[%dma_wait3A_157, %dma_wait3A_161] : memref<40x128xi32, #tpu.memory_space<vmem>> -> memref<1x128xi32, #tpu.memory_space<vmem>>
    %dma_wait3A_163 = tpu.memref_squeeze %dma_wait3A_162 : memref<1x128xi32, #tpu.memory_space<vmem>> -> memref<128xi32, #tpu.memory_space<vmem>>
    %dma_wait3A_164 = arith.constant 0 : i32
    %dma_wait3A_165 = arith.constant 0 : i32
    %dma_wait3A_166 = tpu.memref_slice %arg9[%dma_wait3A_164, %dma_wait3A_165] : memref<10240x32xf32, #tpu.memory_space<vmem_shared>> -> memref<10240x32xf32, #tpu.memory_space<vmem_shared>>
    tpu.wait_indirect_dma semaphore(%arg12 : memref<!tpu.dma_semaphore, #tpu.memory_space<semaphore_mem>>) src(%dma_wait3A_160 : memref<128x32xf32, #tpu.memory_space<vmem>>) dst(%dma_wait3A_166 : memref<10240x32xf32, #tpu.memory_space<vmem_shared>>)
    %dma_wait3A_167 = arith.constant 7 : i32
    %dma_wait3A_168 = arith.constant 896 : i32
    %dma_wait3A_169 = arith.constant 0 : i32
    %dma_wait3A_170 = tpu.memref_slice %arg6[%dma_wait3A_168, %dma_wait3A_169] : memref<1024x32xf32, #tpu.memory_space<vmem>> -> memref<128x32xf32, #tpu.memory_space<vmem>>
    %dma_wait3A_171 = arith.constant 0 : i32
    %dma_wait3A_172 = tpu.memref_slice %arg8[%dma_wait3A_167, %dma_wait3A_171] : memref<40x128xi32, #tpu.memory_space<vmem>> -> memref<1x128xi32, #tpu.memory_space<vmem>>
    %dma_wait3A_173 = tpu.memref_squeeze %dma_wait3A_172 : memref<1x128xi32, #tpu.memory_space<vmem>> -> memref<128xi32, #tpu.memory_space<vmem>>
    %dma_wait3A_174 = arith.constant 0 : i32
    %dma_wait3A_175 = arith.constant 0 : i32
    %dma_wait3A_176 = tpu.memref_slice %arg9[%dma_wait3A_174, %dma_wait3A_175] : memref<10240x32xf32, #tpu.memory_space<vmem_shared>> -> memref<10240x32xf32, #tpu.memory_space<vmem_shared>>
    tpu.wait_indirect_dma semaphore(%arg12 : memref<!tpu.dma_semaphore, #tpu.memory_space<semaphore_mem>>) src(%dma_wait3A_170 : memref<128x32xf32, #tpu.memory_space<vmem>>) dst(%dma_wait3A_176 : memref<10240x32xf32, #tpu.memory_space<vmem_shared>>)
    %add3A_177 = arith.constant 2048 : i32
    %add3A_178 = arith.addi %mul3A_2, %add3A_177 : i32
    %dma_start3A_179 = arith.constant 0 : i32
    %dma_start3A_180 = tpu.memref_slice %arg2[%add3A_178, %dma_start3A_179] : memref<163840x32xf32, #tpu.memory_space<hbm>> -> memref<1024x32xf32, #tpu.memory_space<hbm>>
    %dma_start3A_181 = arith.constant 0 : i32
    %dma_start3A_182 = tpu.memref_slice %arg2[%add3A_178, %dma_start3A_181] : memref<163840x32xf32, #tpu.memory_space<hbm>> -> memref<1024x32xf32, #tpu.memory_space<hbm>>
    tpu.enqueue_dma source(%dma_start3A_182 : memref<1024x32xf32, #tpu.memory_space<hbm>>) target(%arg6 : memref<1024x32xf32, #tpu.memory_space<vmem>>) target_semaphore(%arg10 : memref<!tpu.dma_semaphore, #tpu.memory_space<semaphore_mem>>)
    %dma_wait3A_183 = arith.constant 0 : i32
    %dma_wait3A_184 = tpu.memref_slice %arg2[%add3A_9, %dma_wait3A_183] : memref<163840x32xf32, #tpu.memory_space<hbm>> -> memref<1024x32xf32, #tpu.memory_space<hbm>>
    %dma_wait3A_185 = arith.constant 0 : i32
    %dma_wait3A_186 = tpu.memref_slice %arg2[%add3A_9, %dma_wait3A_185] : memref<163840x32xf32, #tpu.memory_space<hbm>> -> memref<1024x32xf32, #tpu.memory_space<hbm>>
    tpu.wait_dma2 semaphore(%arg11 : memref<!tpu.dma_semaphore, #tpu.memory_space<semaphore_mem>>) src(%dma_wait3A_186 : memref<1024x32xf32, #tpu.memory_space<hbm>>) dst(%arg7 : memref<1024x32xf32, #tpu.memory_space<vmem>>)
    %dma_start3A_187 = arith.constant 8 : i32
    %dma_start3A_188 = arith.constant 0 : i32
    %dma_start3A_189 = arith.constant 0 : i32
    %dma_start3A_190 = tpu.memref_slice %arg7[%dma_start3A_188, %dma_start3A_189] : memref<1024x32xf32, #tpu.memory_space<vmem>> -> memref<128x32xf32, #tpu.memory_space<vmem>>
    %dma_start3A_191 = arith.constant 0 : i32
    %dma_start3A_192 = tpu.memref_slice %arg8[%dma_start3A_187, %dma_start3A_191] : memref<40x128xi32, #tpu.memory_space<vmem>> -> memref<1x128xi32, #tpu.memory_space<vmem>>
    %dma_start3A_193 = tpu.memref_squeeze %dma_start3A_192 : memref<1x128xi32, #tpu.memory_space<vmem>> -> memref<128xi32, #tpu.memory_space<vmem>>
    %dma_start3A_194 = arith.constant 0 : i32
    %dma_start3A_195 = arith.constant 0 : i32
    %dma_start3A_196 = tpu.memref_slice %arg9[%dma_start3A_194, %dma_start3A_195] : memref<10240x32xf32, #tpu.memory_space<vmem_shared>> -> memref<10240x32xf32, #tpu.memory_space<vmem_shared>>
    tpu.enqueue_indirect_dma source(%dma_start3A_190 : memref<128x32xf32, #tpu.memory_space<vmem>>) target(%dma_start3A_196 : memref<10240x32xf32, #tpu.memory_space<vmem_shared>>) offsets(%dma_start3A_193 : memref<128xi32, #tpu.memory_space<vmem>>) semaphore(%arg12 : memref<!tpu.dma_semaphore, #tpu.memory_space<semaphore_mem>>) {add = true}
    %dma_start3A_197 = arith.constant 9 : i32
    %dma_start3A_198 = arith.constant 128 : i32
    %dma_start3A_199 = arith.constant 0 : i32
    %dma_start3A_200 = tpu.memref_slice %arg7[%dma_start3A_198, %dma_start3A_199] : memref<1024x32xf32, #tpu.memory_space<vmem>> -> memref<128x32xf32, #tpu.memory_space<vmem>>
    %dma_start3A_201 = arith.constant 0 : i32
    %dma_start3A_202 = tpu.memref_slice %arg8[%dma_start3A_197, %dma_start3A_201] : memref<40x128xi32, #tpu.memory_space<vmem>> -> memref<1x128xi32, #tpu.memory_space<vmem>>
    %dma_start3A_203 = tpu.memref_squeeze %dma_start3A_202 : memref<1x128xi32, #tpu.memory_space<vmem>> -> memref<128xi32, #tpu.memory_space<vmem>>
    %dma_start3A_204 = arith.constant 0 : i32
    %dma_start3A_205 = arith.constant 0 : i32
    %dma_start3A_206 = tpu.memref_slice %arg9[%dma_start3A_204, %dma_start3A_205] : memref<10240x32xf32, #tpu.memory_space<vmem_shared>> -> memref<10240x32xf32, #tpu.memory_space<vmem_shared>>
    tpu.enqueue_indirect_dma source(%dma_start3A_200 : memref<128x32xf32, #tpu.memory_space<vmem>>) target(%dma_start3A_206 : memref<10240x32xf32, #tpu.memory_space<vmem_shared>>) offsets(%dma_start3A_203 : memref<128xi32, #tpu.memory_space<vmem>>) semaphore(%arg12 : memref<!tpu.dma_semaphore, #tpu.memory_space<semaphore_mem>>) {add = true}
    %dma_start3A_207 = arith.constant 10 : i32
    %dma_start3A_208 = arith.constant 256 : i32
    %dma_start3A_209 = arith.constant 0 : i32
    %dma_start3A_210 = tpu.memref_slice %arg7[%dma_start3A_208, %dma_start3A_209] : memref<1024x32xf32, #tpu.memory_space<vmem>> -> memref<128x32xf32, #tpu.memory_space<vmem>>
    %dma_start3A_211 = arith.constant 0 : i32
    %dma_start3A_212 = tpu.memref_slice %arg8[%dma_start3A_207, %dma_start3A_211] : memref<40x128xi32, #tpu.memory_space<vmem>> -> memref<1x128xi32, #tpu.memory_space<vmem>>
    %dma_start3A_213 = tpu.memref_squeeze %dma_start3A_212 : memref<1x128xi32, #tpu.memory_space<vmem>> -> memref<128xi32, #tpu.memory_space<vmem>>
    %dma_start3A_214 = arith.constant 0 : i32
    %dma_start3A_215 = arith.constant 0 : i32
    %dma_start3A_216 = tpu.memref_slice %arg9[%dma_start3A_214, %dma_start3A_215] : memref<10240x32xf32, #tpu.memory_space<vmem_shared>> -> memref<10240x32xf32, #tpu.memory_space<vmem_shared>>
    tpu.enqueue_indirect_dma source(%dma_start3A_210 : memref<128x32xf32, #tpu.memory_space<vmem>>) target(%dma_start3A_216 : memref<10240x32xf32, #tpu.memory_space<vmem_shared>>) offsets(%dma_start3A_213 : memref<128xi32, #tpu.memory_space<vmem>>) semaphore(%arg12 : memref<!tpu.dma_semaphore, #tpu.memory_space<semaphore_mem>>) {add = true}
    %dma_start3A_217 = arith.constant 11 : i32
    %dma_start3A_218 = arith.constant 384 : i32
    %dma_start3A_219 = arith.constant 0 : i32
    %dma_start3A_220 = tpu.memref_slice %arg7[%dma_start3A_218, %dma_start3A_219] : memref<1024x32xf32, #tpu.memory_space<vmem>> -> memref<128x32xf32, #tpu.memory_space<vmem>>
    %dma_start3A_221 = arith.constant 0 : i32
    %dma_start3A_222 = tpu.memref_slice %arg8[%dma_start3A_217, %dma_start3A_221] : memref<40x128xi32, #tpu.memory_space<vmem>> -> memref<1x128xi32, #tpu.memory_space<vmem>>
    %dma_start3A_223 = tpu.memref_squeeze %dma_start3A_222 : memref<1x128xi32, #tpu.memory_space<vmem>> -> memref<128xi32, #tpu.memory_space<vmem>>
    %dma_start3A_224 = arith.constant 0 : i32
    %dma_start3A_225 = arith.constant 0 : i32
    %dma_start3A_226 = tpu.memref_slice %arg9[%dma_start3A_224, %dma_start3A_225] : memref<10240x32xf32, #tpu.memory_space<vmem_shared>> -> memref<10240x32xf32, #tpu.memory_space<vmem_shared>>
    tpu.enqueue_indirect_dma source(%dma_start3A_220 : memref<128x32xf32, #tpu.memory_space<vmem>>) target(%dma_start3A_226 : memref<10240x32xf32, #tpu.memory_space<vmem_shared>>) offsets(%dma_start3A_223 : memref<128xi32, #tpu.memory_space<vmem>>) semaphore(%arg12 : memref<!tpu.dma_semaphore, #tpu.memory_space<semaphore_mem>>) {add = true}
    %dma_start3A_227 = arith.constant 12 : i32
    %dma_start3A_228 = arith.constant 512 : i32
    %dma_start3A_229 = arith.constant 0 : i32
    %dma_start3A_230 = tpu.memref_slice %arg7[%dma_start3A_228, %dma_start3A_229] : memref<1024x32xf32, #tpu.memory_space<vmem>> -> memref<128x32xf32, #tpu.memory_space<vmem>>
    %dma_start3A_231 = arith.constant 0 : i32
    %dma_start3A_232 = tpu.memref_slice %arg8[%dma_start3A_227, %dma_start3A_231] : memref<40x128xi32, #tpu.memory_space<vmem>> -> memref<1x128xi32, #tpu.memory_space<vmem>>
    %dma_start3A_233 = tpu.memref_squeeze %dma_start3A_232 : memref<1x128xi32, #tpu.memory_space<vmem>> -> memref<128xi32, #tpu.memory_space<vmem>>
    %dma_start3A_234 = arith.constant 0 : i32
    %dma_start3A_235 = arith.constant 0 : i32
    %dma_start3A_236 = tpu.memref_slice %arg9[%dma_start3A_234, %dma_start3A_235] : memref<10240x32xf32, #tpu.memory_space<vmem_shared>> -> memref<10240x32xf32, #tpu.memory_space<vmem_shared>>
    tpu.enqueue_indirect_dma source(%dma_start3A_230 : memref<128x32xf32, #tpu.memory_space<vmem>>) target(%dma_start3A_236 : memref<10240x32xf32, #tpu.memory_space<vmem_shared>>) offsets(%dma_start3A_233 : memref<128xi32, #tpu.memory_space<vmem>>) semaphore(%arg12 : memref<!tpu.dma_semaphore, #tpu.memory_space<semaphore_mem>>) {add = true}
    %dma_start3A_237 = arith.constant 13 : i32
    %dma_start3A_238 = arith.constant 640 : i32
    %dma_start3A_239 = arith.constant 0 : i32
    %dma_start3A_240 = tpu.memref_slice %arg7[%dma_start3A_238, %dma_start3A_239] : memref<1024x32xf32, #tpu.memory_space<vmem>> -> memref<128x32xf32, #tpu.memory_space<vmem>>
    %dma_start3A_241 = arith.constant 0 : i32
    %dma_start3A_242 = tpu.memref_slice %arg8[%dma_start3A_237, %dma_start3A_241] : memref<40x128xi32, #tpu.memory_space<vmem>> -> memref<1x128xi32, #tpu.memory_space<vmem>>
    %dma_start3A_243 = tpu.memref_squeeze %dma_start3A_242 : memref<1x128xi32, #tpu.memory_space<vmem>> -> memref<128xi32, #tpu.memory_space<vmem>>
    %dma_start3A_244 = arith.constant 0 : i32
    %dma_start3A_245 = arith.constant 0 : i32
    %dma_start3A_246 = tpu.memref_slice %arg9[%dma_start3A_244, %dma_start3A_245] : memref<10240x32xf32, #tpu.memory_space<vmem_shared>> -> memref<10240x32xf32, #tpu.memory_space<vmem_shared>>
    tpu.enqueue_indirect_dma source(%dma_start3A_240 : memref<128x32xf32, #tpu.memory_space<vmem>>) target(%dma_start3A_246 : memref<10240x32xf32, #tpu.memory_space<vmem_shared>>) offsets(%dma_start3A_243 : memref<128xi32, #tpu.memory_space<vmem>>) semaphore(%arg12 : memref<!tpu.dma_semaphore, #tpu.memory_space<semaphore_mem>>) {add = true}
    %dma_start3A_247 = arith.constant 14 : i32
    %dma_start3A_248 = arith.constant 768 : i32
    %dma_start3A_249 = arith.constant 0 : i32
    %dma_start3A_250 = tpu.memref_slice %arg7[%dma_start3A_248, %dma_start3A_249] : memref<1024x32xf32, #tpu.memory_space<vmem>> -> memref<128x32xf32, #tpu.memory_space<vmem>>
    %dma_start3A_251 = arith.constant 0 : i32
    %dma_start3A_252 = tpu.memref_slice %arg8[%dma_start3A_247, %dma_start3A_251] : memref<40x128xi32, #tpu.memory_space<vmem>> -> memref<1x128xi32, #tpu.memory_space<vmem>>
    %dma_start3A_253 = tpu.memref_squeeze %dma_start3A_252 : memref<1x128xi32, #tpu.memory_space<vmem>> -> memref<128xi32, #tpu.memory_space<vmem>>
    %dma_start3A_254 = arith.constant 0 : i32
    %dma_start3A_255 = arith.constant 0 : i32
    %dma_start3A_256 = tpu.memref_slice %arg9[%dma_start3A_254, %dma_start3A_255] : memref<10240x32xf32, #tpu.memory_space<vmem_shared>> -> memref<10240x32xf32, #tpu.memory_space<vmem_shared>>
    tpu.enqueue_indirect_dma source(%dma_start3A_250 : memref<128x32xf32, #tpu.memory_space<vmem>>) target(%dma_start3A_256 : memref<10240x32xf32, #tpu.memory_space<vmem_shared>>) offsets(%dma_start3A_253 : memref<128xi32, #tpu.memory_space<vmem>>) semaphore(%arg12 : memref<!tpu.dma_semaphore, #tpu.memory_space<semaphore_mem>>) {add = true}
    %dma_start3A_257 = arith.constant 15 : i32
    %dma_start3A_258 = arith.constant 896 : i32
    %dma_start3A_259 = arith.constant 0 : i32
    %dma_start3A_260 = tpu.memref_slice %arg7[%dma_start3A_258, %dma_start3A_259] : memref<1024x32xf32, #tpu.memory_space<vmem>> -> memref<128x32xf32, #tpu.memory_space<vmem>>
    %dma_start3A_261 = arith.constant 0 : i32
    %dma_start3A_262 = tpu.memref_slice %arg8[%dma_start3A_257, %dma_start3A_261] : memref<40x128xi32, #tpu.memory_space<vmem>> -> memref<1x128xi32, #tpu.memory_space<vmem>>
    %dma_start3A_263 = tpu.memref_squeeze %dma_start3A_262 : memref<1x128xi32, #tpu.memory_space<vmem>> -> memref<128xi32, #tpu.memory_space<vmem>>
    %dma_start3A_264 = arith.constant 0 : i32
    %dma_start3A_265 = arith.constant 0 : i32
    %dma_start3A_266 = tpu.memref_slice %arg9[%dma_start3A_264, %dma_start3A_265] : memref<10240x32xf32, #tpu.memory_space<vmem_shared>> -> memref<10240x32xf32, #tpu.memory_space<vmem_shared>>
    tpu.enqueue_indirect_dma source(%dma_start3A_260 : memref<128x32xf32, #tpu.memory_space<vmem>>) target(%dma_start3A_266 : memref<10240x32xf32, #tpu.memory_space<vmem_shared>>) offsets(%dma_start3A_263 : memref<128xi32, #tpu.memory_space<vmem>>) semaphore(%arg12 : memref<!tpu.dma_semaphore, #tpu.memory_space<semaphore_mem>>) {add = true}
    %dma_wait3A_267 = arith.constant 8 : i32
    %dma_wait3A_268 = arith.constant 0 : i32
    %dma_wait3A_269 = arith.constant 0 : i32
    %dma_wait3A_270 = tpu.memref_slice %arg7[%dma_wait3A_268, %dma_wait3A_269] : memref<1024x32xf32, #tpu.memory_space<vmem>> -> memref<128x32xf32, #tpu.memory_space<vmem>>
    %dma_wait3A_271 = arith.constant 0 : i32
    %dma_wait3A_272 = tpu.memref_slice %arg8[%dma_wait3A_267, %dma_wait3A_271] : memref<40x128xi32, #tpu.memory_space<vmem>> -> memref<1x128xi32, #tpu.memory_space<vmem>>
    %dma_wait3A_273 = tpu.memref_squeeze %dma_wait3A_272 : memref<1x128xi32, #tpu.memory_space<vmem>> -> memref<128xi32, #tpu.memory_space<vmem>>
    %dma_wait3A_274 = arith.constant 0 : i32
    %dma_wait3A_275 = arith.constant 0 : i32
    %dma_wait3A_276 = tpu.memref_slice %arg9[%dma_wait3A_274, %dma_wait3A_275] : memref<10240x32xf32, #tpu.memory_space<vmem_shared>> -> memref<10240x32xf32, #tpu.memory_space<vmem_shared>>
    tpu.wait_indirect_dma semaphore(%arg12 : memref<!tpu.dma_semaphore, #tpu.memory_space<semaphore_mem>>) src(%dma_wait3A_270 : memref<128x32xf32, #tpu.memory_space<vmem>>) dst(%dma_wait3A_276 : memref<10240x32xf32, #tpu.memory_space<vmem_shared>>)
    %dma_wait3A_277 = arith.constant 9 : i32
    %dma_wait3A_278 = arith.constant 128 : i32
    %dma_wait3A_279 = arith.constant 0 : i32
    %dma_wait3A_280 = tpu.memref_slice %arg7[%dma_wait3A_278, %dma_wait3A_279] : memref<1024x32xf32, #tpu.memory_space<vmem>> -> memref<128x32xf32, #tpu.memory_space<vmem>>
    %dma_wait3A_281 = arith.constant 0 : i32
    %dma_wait3A_282 = tpu.memref_slice %arg8[%dma_wait3A_277, %dma_wait3A_281] : memref<40x128xi32, #tpu.memory_space<vmem>> -> memref<1x128xi32, #tpu.memory_space<vmem>>
    %dma_wait3A_283 = tpu.memref_squeeze %dma_wait3A_282 : memref<1x128xi32, #tpu.memory_space<vmem>> -> memref<128xi32, #tpu.memory_space<vmem>>
    %dma_wait3A_284 = arith.constant 0 : i32
    %dma_wait3A_285 = arith.constant 0 : i32
    %dma_wait3A_286 = tpu.memref_slice %arg9[%dma_wait3A_284, %dma_wait3A_285] : memref<10240x32xf32, #tpu.memory_space<vmem_shared>> -> memref<10240x32xf32, #tpu.memory_space<vmem_shared>>
    tpu.wait_indirect_dma semaphore(%arg12 : memref<!tpu.dma_semaphore, #tpu.memory_space<semaphore_mem>>) src(%dma_wait3A_280 : memref<128x32xf32, #tpu.memory_space<vmem>>) dst(%dma_wait3A_286 : memref<10240x32xf32, #tpu.memory_space<vmem_shared>>)
    %dma_wait3A_287 = arith.constant 10 : i32
    %dma_wait3A_288 = arith.constant 256 : i32
    %dma_wait3A_289 = arith.constant 0 : i32
    %dma_wait3A_290 = tpu.memref_slice %arg7[%dma_wait3A_288, %dma_wait3A_289] : memref<1024x32xf32, #tpu.memory_space<vmem>> -> memref<128x32xf32, #tpu.memory_space<vmem>>
    %dma_wait3A_291 = arith.constant 0 : i32
    %dma_wait3A_292 = tpu.memref_slice %arg8[%dma_wait3A_287, %dma_wait3A_291] : memref<40x128xi32, #tpu.memory_space<vmem>> -> memref<1x128xi32, #tpu.memory_space<vmem>>
    %dma_wait3A_293 = tpu.memref_squeeze %dma_wait3A_292 : memref<1x128xi32, #tpu.memory_space<vmem>> -> memref<128xi32, #tpu.memory_space<vmem>>
    %dma_wait3A_294 = arith.constant 0 : i32
    %dma_wait3A_295 = arith.constant 0 : i32
    %dma_wait3A_296 = tpu.memref_slice %arg9[%dma_wait3A_294, %dma_wait3A_295] : memref<10240x32xf32, #tpu.memory_space<vmem_shared>> -> memref<10240x32xf32, #tpu.memory_space<vmem_shared>>
    tpu.wait_indirect_dma semaphore(%arg12 : memref<!tpu.dma_semaphore, #tpu.memory_space<semaphore_mem>>) src(%dma_wait3A_290 : memref<128x32xf32, #tpu.memory_space<vmem>>) dst(%dma_wait3A_296 : memref<10240x32xf32, #tpu.memory_space<vmem_shared>>)
    %dma_wait3A_297 = arith.constant 11 : i32
    %dma_wait3A_298 = arith.constant 384 : i32
    %dma_wait3A_299 = arith.constant 0 : i32
    %dma_wait3A_300 = tpu.memref_slice %arg7[%dma_wait3A_298, %dma_wait3A_299] : memref<1024x32xf32, #tpu.memory_space<vmem>> -> memref<128x32xf32, #tpu.memory_space<vmem>>
    %dma_wait3A_301 = arith.constant 0 : i32
    %dma_wait3A_302 = tpu.memref_slice %arg8[%dma_wait3A_297, %dma_wait3A_301] : memref<40x128xi32, #tpu.memory_space<vmem>> -> memref<1x128xi32, #tpu.memory_space<vmem>>
    %dma_wait3A_303 = tpu.memref_squeeze %dma_wait3A_302 : memref<1x128xi32, #tpu.memory_space<vmem>> -> memref<128xi32, #tpu.memory_space<vmem>>
    %dma_wait3A_304 = arith.constant 0 : i32
    %dma_wait3A_305 = arith.constant 0 : i32
    %dma_wait3A_306 = tpu.memref_slice %arg9[%dma_wait3A_304, %dma_wait3A_305] : memref<10240x32xf32, #tpu.memory_space<vmem_shared>> -> memref<10240x32xf32, #tpu.memory_space<vmem_shared>>
    tpu.wait_indirect_dma semaphore(%arg12 : memref<!tpu.dma_semaphore, #tpu.memory_space<semaphore_mem>>) src(%dma_wait3A_300 : memref<128x32xf32, #tpu.memory_space<vmem>>) dst(%dma_wait3A_306 : memref<10240x32xf32, #tpu.memory_space<vmem_shared>>)
    %dma_wait3A_307 = arith.constant 12 : i32
    %dma_wait3A_308 = arith.constant 512 : i32
    %dma_wait3A_309 = arith.constant 0 : i32
    %dma_wait3A_310 = tpu.memref_slice %arg7[%dma_wait3A_308, %dma_wait3A_309] : memref<1024x32xf32, #tpu.memory_space<vmem>> -> memref<128x32xf32, #tpu.memory_space<vmem>>
    %dma_wait3A_311 = arith.constant 0 : i32
    %dma_wait3A_312 = tpu.memref_slice %arg8[%dma_wait3A_307, %dma_wait3A_311] : memref<40x128xi32, #tpu.memory_space<vmem>> -> memref<1x128xi32, #tpu.memory_space<vmem>>
    %dma_wait3A_313 = tpu.memref_squeeze %dma_wait3A_312 : memref<1x128xi32, #tpu.memory_space<vmem>> -> memref<128xi32, #tpu.memory_space<vmem>>
    %dma_wait3A_314 = arith.constant 0 : i32
    %dma_wait3A_315 = arith.constant 0 : i32
    %dma_wait3A_316 = tpu.memref_slice %arg9[%dma_wait3A_314, %dma_wait3A_315] : memref<10240x32xf32, #tpu.memory_space<vmem_shared>> -> memref<10240x32xf32, #tpu.memory_space<vmem_shared>>
    tpu.wait_indirect_dma semaphore(%arg12 : memref<!tpu.dma_semaphore, #tpu.memory_space<semaphore_mem>>) src(%dma_wait3A_310 : memref<128x32xf32, #tpu.memory_space<vmem>>) dst(%dma_wait3A_316 : memref<10240x32xf32, #tpu.memory_space<vmem_shared>>)
    %dma_wait3A_317 = arith.constant 13 : i32
    %dma_wait3A_318 = arith.constant 640 : i32
    %dma_wait3A_319 = arith.constant 0 : i32
    %dma_wait3A_320 = tpu.memref_slice %arg7[%dma_wait3A_318, %dma_wait3A_319] : memref<1024x32xf32, #tpu.memory_space<vmem>> -> memref<128x32xf32, #tpu.memory_space<vmem>>
    %dma_wait3A_321 = arith.constant 0 : i32
    %dma_wait3A_322 = tpu.memref_slice %arg8[%dma_wait3A_317, %dma_wait3A_321] : memref<40x128xi32, #tpu.memory_space<vmem>> -> memref<1x128xi32, #tpu.memory_space<vmem>>
    %dma_wait3A_323 = tpu.memref_squeeze %dma_wait3A_322 : memref<1x128xi32, #tpu.memory_space<vmem>> -> memref<128xi32, #tpu.memory_space<vmem>>
    %dma_wait3A_324 = arith.constant 0 : i32
    %dma_wait3A_325 = arith.constant 0 : i32
    %dma_wait3A_326 = tpu.memref_slice %arg9[%dma_wait3A_324, %dma_wait3A_325] : memref<10240x32xf32, #tpu.memory_space<vmem_shared>> -> memref<10240x32xf32, #tpu.memory_space<vmem_shared>>
    tpu.wait_indirect_dma semaphore(%arg12 : memref<!tpu.dma_semaphore, #tpu.memory_space<semaphore_mem>>) src(%dma_wait3A_320 : memref<128x32xf32, #tpu.memory_space<vmem>>) dst(%dma_wait3A_326 : memref<10240x32xf32, #tpu.memory_space<vmem_shared>>)
    %dma_wait3A_327 = arith.constant 14 : i32
    %dma_wait3A_328 = arith.constant 768 : i32
    %dma_wait3A_329 = arith.constant 0 : i32
    %dma_wait3A_330 = tpu.memref_slice %arg7[%dma_wait3A_328, %dma_wait3A_329] : memref<1024x32xf32, #tpu.memory_space<vmem>> -> memref<128x32xf32, #tpu.memory_space<vmem>>
    %dma_wait3A_331 = arith.constant 0 : i32
    %dma_wait3A_332 = tpu.memref_slice %arg8[%dma_wait3A_327, %dma_wait3A_331] : memref<40x128xi32, #tpu.memory_space<vmem>> -> memref<1x128xi32, #tpu.memory_space<vmem>>
    %dma_wait3A_333 = tpu.memref_squeeze %dma_wait3A_332 : memref<1x128xi32, #tpu.memory_space<vmem>> -> memref<128xi32, #tpu.memory_space<vmem>>
    %dma_wait3A_334 = arith.constant 0 : i32
    %dma_wait3A_335 = arith.constant 0 : i32
    %dma_wait3A_336 = tpu.memref_slice %arg9[%dma_wait3A_334, %dma_wait3A_335] : memref<10240x32xf32, #tpu.memory_space<vmem_shared>> -> memref<10240x32xf32, #tpu.memory_space<vmem_shared>>
    tpu.wait_indirect_dma semaphore(%arg12 : memref<!tpu.dma_semaphore, #tpu.memory_space<semaphore_mem>>) src(%dma_wait3A_330 : memref<128x32xf32, #tpu.memory_space<vmem>>) dst(%dma_wait3A_336 : memref<10240x32xf32, #tpu.memory_space<vmem_shared>>)
    %dma_wait3A_337 = arith.constant 15 : i32
    %dma_wait3A_338 = arith.constant 896 : i32
    %dma_wait3A_339 = arith.constant 0 : i32
    %dma_wait3A_340 = tpu.memref_slice %arg7[%dma_wait3A_338, %dma_wait3A_339] : memref<1024x32xf32, #tpu.memory_space<vmem>> -> memref<128x32xf32, #tpu.memory_space<vmem>>
    %dma_wait3A_341 = arith.constant 0 : i32
    %dma_wait3A_342 = tpu.memref_slice %arg8[%dma_wait3A_337, %dma_wait3A_341] : memref<40x128xi32, #tpu.memory_space<vmem>> -> memref<1x128xi32, #tpu.memory_space<vmem>>
    %dma_wait3A_343 = tpu.memref_squeeze %dma_wait3A_342 : memref<1x128xi32, #tpu.memory_space<vmem>> -> memref<128xi32, #tpu.memory_space<vmem>>
    %dma_wait3A_344 = arith.constant 0 : i32
    %dma_wait3A_345 = arith.constant 0 : i32
    %dma_wait3A_346 = tpu.memref_slice %arg9[%dma_wait3A_344, %dma_wait3A_345] : memref<10240x32xf32, #tpu.memory_space<vmem_shared>> -> memref<10240x32xf32, #tpu.memory_space<vmem_shared>>
    tpu.wait_indirect_dma semaphore(%arg12 : memref<!tpu.dma_semaphore, #tpu.memory_space<semaphore_mem>>) src(%dma_wait3A_340 : memref<128x32xf32, #tpu.memory_space<vmem>>) dst(%dma_wait3A_346 : memref<10240x32xf32, #tpu.memory_space<vmem_shared>>)
    %add3A_347 = arith.constant 3072 : i32
    %add3A_348 = arith.addi %mul3A_2, %add3A_347 : i32
    %dma_start3A_349 = arith.constant 0 : i32
    %dma_start3A_350 = tpu.memref_slice %arg2[%add3A_348, %dma_start3A_349] : memref<163840x32xf32, #tpu.memory_space<hbm>> -> memref<1024x32xf32, #tpu.memory_space<hbm>>
    %dma_start3A_351 = arith.constant 0 : i32
    %dma_start3A_352 = tpu.memref_slice %arg2[%add3A_348, %dma_start3A_351] : memref<163840x32xf32, #tpu.memory_space<hbm>> -> memref<1024x32xf32, #tpu.memory_space<hbm>>
    tpu.enqueue_dma source(%dma_start3A_352 : memref<1024x32xf32, #tpu.memory_space<hbm>>) target(%arg7 : memref<1024x32xf32, #tpu.memory_space<vmem>>) target_semaphore(%arg11 : memref<!tpu.dma_semaphore, #tpu.memory_space<semaphore_mem>>)
    %dma_wait3A_353 = arith.constant 0 : i32
    %dma_wait3A_354 = tpu.memref_slice %arg2[%add3A_178, %dma_wait3A_353] : memref<163840x32xf32, #tpu.memory_space<hbm>> -> memref<1024x32xf32, #tpu.memory_space<hbm>>
    %dma_wait3A_355 = arith.constant 0 : i32
    %dma_wait3A_356 = tpu.memref_slice %arg2[%add3A_178, %dma_wait3A_355] : memref<163840x32xf32, #tpu.memory_space<hbm>> -> memref<1024x32xf32, #tpu.memory_space<hbm>>
    tpu.wait_dma2 semaphore(%arg10 : memref<!tpu.dma_semaphore, #tpu.memory_space<semaphore_mem>>) src(%dma_wait3A_356 : memref<1024x32xf32, #tpu.memory_space<hbm>>) dst(%arg6 : memref<1024x32xf32, #tpu.memory_space<vmem>>)
    %dma_start3A_357 = arith.constant 16 : i32
    %dma_start3A_358 = arith.constant 0 : i32
    %dma_start3A_359 = arith.constant 0 : i32
    %dma_start3A_360 = tpu.memref_slice %arg6[%dma_start3A_358, %dma_start3A_359] : memref<1024x32xf32, #tpu.memory_space<vmem>> -> memref<128x32xf32, #tpu.memory_space<vmem>>
    %dma_start3A_361 = arith.constant 0 : i32
    %dma_start3A_362 = tpu.memref_slice %arg8[%dma_start3A_357, %dma_start3A_361] : memref<40x128xi32, #tpu.memory_space<vmem>> -> memref<1x128xi32, #tpu.memory_space<vmem>>
    %dma_start3A_363 = tpu.memref_squeeze %dma_start3A_362 : memref<1x128xi32, #tpu.memory_space<vmem>> -> memref<128xi32, #tpu.memory_space<vmem>>
    %dma_start3A_364 = arith.constant 0 : i32
    %dma_start3A_365 = arith.constant 0 : i32
    %dma_start3A_366 = tpu.memref_slice %arg9[%dma_start3A_364, %dma_start3A_365] : memref<10240x32xf32, #tpu.memory_space<vmem_shared>> -> memref<10240x32xf32, #tpu.memory_space<vmem_shared>>
    tpu.enqueue_indirect_dma source(%dma_start3A_360 : memref<128x32xf32, #tpu.memory_space<vmem>>) target(%dma_start3A_366 : memref<10240x32xf32, #tpu.memory_space<vmem_shared>>) offsets(%dma_start3A_363 : memref<128xi32, #tpu.memory_space<vmem>>) semaphore(%arg12 : memref<!tpu.dma_semaphore, #tpu.memory_space<semaphore_mem>>) {add = true}
    %dma_start3A_367 = arith.constant 17 : i32
    %dma_start3A_368 = arith.constant 128 : i32
    %dma_start3A_369 = arith.constant 0 : i32
    %dma_start3A_370 = tpu.memref_slice %arg6[%dma_start3A_368, %dma_start3A_369] : memref<1024x32xf32, #tpu.memory_space<vmem>> -> memref<128x32xf32, #tpu.memory_space<vmem>>
    %dma_start3A_371 = arith.constant 0 : i32
    %dma_start3A_372 = tpu.memref_slice %arg8[%dma_start3A_367, %dma_start3A_371] : memref<40x128xi32, #tpu.memory_space<vmem>> -> memref<1x128xi32, #tpu.memory_space<vmem>>
    %dma_start3A_373 = tpu.memref_squeeze %dma_start3A_372 : memref<1x128xi32, #tpu.memory_space<vmem>> -> memref<128xi32, #tpu.memory_space<vmem>>
    %dma_start3A_374 = arith.constant 0 : i32
    %dma_start3A_375 = arith.constant 0 : i32
    %dma_start3A_376 = tpu.memref_slice %arg9[%dma_start3A_374, %dma_start3A_375] : memref<10240x32xf32, #tpu.memory_space<vmem_shared>> -> memref<10240x32xf32, #tpu.memory_space<vmem_shared>>
    tpu.enqueue_indirect_dma source(%dma_start3A_370 : memref<128x32xf32, #tpu.memory_space<vmem>>) target(%dma_start3A_376 : memref<10240x32xf32, #tpu.memory_space<vmem_shared>>) offsets(%dma_start3A_373 : memref<128xi32, #tpu.memory_space<vmem>>) semaphore(%arg12 : memref<!tpu.dma_semaphore, #tpu.memory_space<semaphore_mem>>) {add = true}
    %dma_start3A_377 = arith.constant 18 : i32
    %dma_start3A_378 = arith.constant 256 : i32
    %dma_start3A_379 = arith.constant 0 : i32
    %dma_start3A_380 = tpu.memref_slice %arg6[%dma_start3A_378, %dma_start3A_379] : memref<1024x32xf32, #tpu.memory_space<vmem>> -> memref<128x32xf32, #tpu.memory_space<vmem>>
    %dma_start3A_381 = arith.constant 0 : i32
    %dma_start3A_382 = tpu.memref_slice %arg8[%dma_start3A_377, %dma_start3A_381] : memref<40x128xi32, #tpu.memory_space<vmem>> -> memref<1x128xi32, #tpu.memory_space<vmem>>
    %dma_start3A_383 = tpu.memref_squeeze %dma_start3A_382 : memref<1x128xi32, #tpu.memory_space<vmem>> -> memref<128xi32, #tpu.memory_space<vmem>>
    %dma_start3A_384 = arith.constant 0 : i32
    %dma_start3A_385 = arith.constant 0 : i32
    %dma_start3A_386 = tpu.memref_slice %arg9[%dma_start3A_384, %dma_start3A_385] : memref<10240x32xf32, #tpu.memory_space<vmem_shared>> -> memref<10240x32xf32, #tpu.memory_space<vmem_shared>>
    tpu.enqueue_indirect_dma source(%dma_start3A_380 : memref<128x32xf32, #tpu.memory_space<vmem>>) target(%dma_start3A_386 : memref<10240x32xf32, #tpu.memory_space<vmem_shared>>) offsets(%dma_start3A_383 : memref<128xi32, #tpu.memory_space<vmem>>) semaphore(%arg12 : memref<!tpu.dma_semaphore, #tpu.memory_space<semaphore_mem>>) {add = true}
    %dma_start3A_387 = arith.constant 19 : i32
    %dma_start3A_388 = arith.constant 384 : i32
    %dma_start3A_389 = arith.constant 0 : i32
    %dma_start3A_390 = tpu.memref_slice %arg6[%dma_start3A_388, %dma_start3A_389] : memref<1024x32xf32, #tpu.memory_space<vmem>> -> memref<128x32xf32, #tpu.memory_space<vmem>>
    %dma_start3A_391 = arith.constant 0 : i32
    %dma_start3A_392 = tpu.memref_slice %arg8[%dma_start3A_387, %dma_start3A_391] : memref<40x128xi32, #tpu.memory_space<vmem>> -> memref<1x128xi32, #tpu.memory_space<vmem>>
    %dma_start3A_393 = tpu.memref_squeeze %dma_start3A_392 : memref<1x128xi32, #tpu.memory_space<vmem>> -> memref<128xi32, #tpu.memory_space<vmem>>
    %dma_start3A_394 = arith.constant 0 : i32
    %dma_start3A_395 = arith.constant 0 : i32
    %dma_start3A_396 = tpu.memref_slice %arg9[%dma_start3A_394, %dma_start3A_395] : memref<10240x32xf32, #tpu.memory_space<vmem_shared>> -> memref<10240x32xf32, #tpu.memory_space<vmem_shared>>
    tpu.enqueue_indirect_dma source(%dma_start3A_390 : memref<128x32xf32, #tpu.memory_space<vmem>>) target(%dma_start3A_396 : memref<10240x32xf32, #tpu.memory_space<vmem_shared>>) offsets(%dma_start3A_393 : memref<128xi32, #tpu.memory_space<vmem>>) semaphore(%arg12 : memref<!tpu.dma_semaphore, #tpu.memory_space<semaphore_mem>>) {add = true}
    %dma_start3A_397 = arith.constant 20 : i32
    %dma_start3A_398 = arith.constant 512 : i32
    %dma_start3A_399 = arith.constant 0 : i32
    %dma_start3A_400 = tpu.memref_slice %arg6[%dma_start3A_398, %dma_start3A_399] : memref<1024x32xf32, #tpu.memory_space<vmem>> -> memref<128x32xf32, #tpu.memory_space<vmem>>
    %dma_start3A_401 = arith.constant 0 : i32
    %dma_start3A_402 = tpu.memref_slice %arg8[%dma_start3A_397, %dma_start3A_401] : memref<40x128xi32, #tpu.memory_space<vmem>> -> memref<1x128xi32, #tpu.memory_space<vmem>>
    %dma_start3A_403 = tpu.memref_squeeze %dma_start3A_402 : memref<1x128xi32, #tpu.memory_space<vmem>> -> memref<128xi32, #tpu.memory_space<vmem>>
    %dma_start3A_404 = arith.constant 0 : i32
    %dma_start3A_405 = arith.constant 0 : i32
    %dma_start3A_406 = tpu.memref_slice %arg9[%dma_start3A_404, %dma_start3A_405] : memref<10240x32xf32, #tpu.memory_space<vmem_shared>> -> memref<10240x32xf32, #tpu.memory_space<vmem_shared>>
    tpu.enqueue_indirect_dma source(%dma_start3A_400 : memref<128x32xf32, #tpu.memory_space<vmem>>) target(%dma_start3A_406 : memref<10240x32xf32, #tpu.memory_space<vmem_shared>>) offsets(%dma_start3A_403 : memref<128xi32, #tpu.memory_space<vmem>>) semaphore(%arg12 : memref<!tpu.dma_semaphore, #tpu.memory_space<semaphore_mem>>) {add = true}
    %dma_start3A_407 = arith.constant 21 : i32
    %dma_start3A_408 = arith.constant 640 : i32
    %dma_start3A_409 = arith.constant 0 : i32
    %dma_start3A_410 = tpu.memref_slice %arg6[%dma_start3A_408, %dma_start3A_409] : memref<1024x32xf32, #tpu.memory_space<vmem>> -> memref<128x32xf32, #tpu.memory_space<vmem>>
    %dma_start3A_411 = arith.constant 0 : i32
    %dma_start3A_412 = tpu.memref_slice %arg8[%dma_start3A_407, %dma_start3A_411] : memref<40x128xi32, #tpu.memory_space<vmem>> -> memref<1x128xi32, #tpu.memory_space<vmem>>
    %dma_start3A_413 = tpu.memref_squeeze %dma_start3A_412 : memref<1x128xi32, #tpu.memory_space<vmem>> -> memref<128xi32, #tpu.memory_space<vmem>>
    %dma_start3A_414 = arith.constant 0 : i32
    %dma_start3A_415 = arith.constant 0 : i32
    %dma_start3A_416 = tpu.memref_slice %arg9[%dma_start3A_414, %dma_start3A_415] : memref<10240x32xf32, #tpu.memory_space<vmem_shared>> -> memref<10240x32xf32, #tpu.memory_space<vmem_shared>>
    tpu.enqueue_indirect_dma source(%dma_start3A_410 : memref<128x32xf32, #tpu.memory_space<vmem>>) target(%dma_start3A_416 : memref<10240x32xf32, #tpu.memory_space<vmem_shared>>) offsets(%dma_start3A_413 : memref<128xi32, #tpu.memory_space<vmem>>) semaphore(%arg12 : memref<!tpu.dma_semaphore, #tpu.memory_space<semaphore_mem>>) {add = true}
    %dma_start3A_417 = arith.constant 22 : i32
    %dma_start3A_418 = arith.constant 768 : i32
    %dma_start3A_419 = arith.constant 0 : i32
    %dma_start3A_420 = tpu.memref_slice %arg6[%dma_start3A_418, %dma_start3A_419] : memref<1024x32xf32, #tpu.memory_space<vmem>> -> memref<128x32xf32, #tpu.memory_space<vmem>>
    %dma_start3A_421 = arith.constant 0 : i32
    %dma_start3A_422 = tpu.memref_slice %arg8[%dma_start3A_417, %dma_start3A_421] : memref<40x128xi32, #tpu.memory_space<vmem>> -> memref<1x128xi32, #tpu.memory_space<vmem>>
    %dma_start3A_423 = tpu.memref_squeeze %dma_start3A_422 : memref<1x128xi32, #tpu.memory_space<vmem>> -> memref<128xi32, #tpu.memory_space<vmem>>
    %dma_start3A_424 = arith.constant 0 : i32
    %dma_start3A_425 = arith.constant 0 : i32
    %dma_start3A_426 = tpu.memref_slice %arg9[%dma_start3A_424, %dma_start3A_425] : memref<10240x32xf32, #tpu.memory_space<vmem_shared>> -> memref<10240x32xf32, #tpu.memory_space<vmem_shared>>
    tpu.enqueue_indirect_dma source(%dma_start3A_420 : memref<128x32xf32, #tpu.memory_space<vmem>>) target(%dma_start3A_426 : memref<10240x32xf32, #tpu.memory_space<vmem_shared>>) offsets(%dma_start3A_423 : memref<128xi32, #tpu.memory_space<vmem>>) semaphore(%arg12 : memref<!tpu.dma_semaphore, #tpu.memory_space<semaphore_mem>>) {add = true}
    %dma_start3A_427 = arith.constant 23 : i32
    %dma_start3A_428 = arith.constant 896 : i32
    %dma_start3A_429 = arith.constant 0 : i32
    %dma_start3A_430 = tpu.memref_slice %arg6[%dma_start3A_428, %dma_start3A_429] : memref<1024x32xf32, #tpu.memory_space<vmem>> -> memref<128x32xf32, #tpu.memory_space<vmem>>
    %dma_start3A_431 = arith.constant 0 : i32
    %dma_start3A_432 = tpu.memref_slice %arg8[%dma_start3A_427, %dma_start3A_431] : memref<40x128xi32, #tpu.memory_space<vmem>> -> memref<1x128xi32, #tpu.memory_space<vmem>>
    %dma_start3A_433 = tpu.memref_squeeze %dma_start3A_432 : memref<1x128xi32, #tpu.memory_space<vmem>> -> memref<128xi32, #tpu.memory_space<vmem>>
    %dma_start3A_434 = arith.constant 0 : i32
    %dma_start3A_435 = arith.constant 0 : i32
    %dma_start3A_436 = tpu.memref_slice %arg9[%dma_start3A_434, %dma_start3A_435] : memref<10240x32xf32, #tpu.memory_space<vmem_shared>> -> memref<10240x32xf32, #tpu.memory_space<vmem_shared>>
    tpu.enqueue_indirect_dma source(%dma_start3A_430 : memref<128x32xf32, #tpu.memory_space<vmem>>) target(%dma_start3A_436 : memref<10240x32xf32, #tpu.memory_space<vmem_shared>>) offsets(%dma_start3A_433 : memref<128xi32, #tpu.memory_space<vmem>>) semaphore(%arg12 : memref<!tpu.dma_semaphore, #tpu.memory_space<semaphore_mem>>) {add = true}
    %dma_wait3A_437 = arith.constant 16 : i32
    %dma_wait3A_438 = arith.constant 0 : i32
    %dma_wait3A_439 = arith.constant 0 : i32
    %dma_wait3A_440 = tpu.memref_slice %arg6[%dma_wait3A_438, %dma_wait3A_439] : memref<1024x32xf32, #tpu.memory_space<vmem>> -> memref<128x32xf32, #tpu.memory_space<vmem>>
    %dma_wait3A_441 = arith.constant 0 : i32
    %dma_wait3A_442 = tpu.memref_slice %arg8[%dma_wait3A_437, %dma_wait3A_441] : memref<40x128xi32, #tpu.memory_space<vmem>> -> memref<1x128xi32, #tpu.memory_space<vmem>>
    %dma_wait3A_443 = tpu.memref_squeeze %dma_wait3A_442 : memref<1x128xi32, #tpu.memory_space<vmem>> -> memref<128xi32, #tpu.memory_space<vmem>>
    %dma_wait3A_444 = arith.constant 0 : i32
    %dma_wait3A_445 = arith.constant 0 : i32
    %dma_wait3A_446 = tpu.memref_slice %arg9[%dma_wait3A_444, %dma_wait3A_445] : memref<10240x32xf32, #tpu.memory_space<vmem_shared>> -> memref<10240x32xf32, #tpu.memory_space<vmem_shared>>
    tpu.wait_indirect_dma semaphore(%arg12 : memref<!tpu.dma_semaphore, #tpu.memory_space<semaphore_mem>>) src(%dma_wait3A_440 : memref<128x32xf32, #tpu.memory_space<vmem>>) dst(%dma_wait3A_446 : memref<10240x32xf32, #tpu.memory_space<vmem_shared>>)
    %dma_wait3A_447 = arith.constant 17 : i32
    %dma_wait3A_448 = arith.constant 128 : i32
    %dma_wait3A_449 = arith.constant 0 : i32
    %dma_wait3A_450 = tpu.memref_slice %arg6[%dma_wait3A_448, %dma_wait3A_449] : memref<1024x32xf32, #tpu.memory_space<vmem>> -> memref<128x32xf32, #tpu.memory_space<vmem>>
    %dma_wait3A_451 = arith.constant 0 : i32
    %dma_wait3A_452 = tpu.memref_slice %arg8[%dma_wait3A_447, %dma_wait3A_451] : memref<40x128xi32, #tpu.memory_space<vmem>> -> memref<1x128xi32, #tpu.memory_space<vmem>>
    %dma_wait3A_453 = tpu.memref_squeeze %dma_wait3A_452 : memref<1x128xi32, #tpu.memory_space<vmem>> -> memref<128xi32, #tpu.memory_space<vmem>>
    %dma_wait3A_454 = arith.constant 0 : i32
    %dma_wait3A_455 = arith.constant 0 : i32
    %dma_wait3A_456 = tpu.memref_slice %arg9[%dma_wait3A_454, %dma_wait3A_455] : memref<10240x32xf32, #tpu.memory_space<vmem_shared>> -> memref<10240x32xf32, #tpu.memory_space<vmem_shared>>
    tpu.wait_indirect_dma semaphore(%arg12 : memref<!tpu.dma_semaphore, #tpu.memory_space<semaphore_mem>>) src(%dma_wait3A_450 : memref<128x32xf32, #tpu.memory_space<vmem>>) dst(%dma_wait3A_456 : memref<10240x32xf32, #tpu.memory_space<vmem_shared>>)
    %dma_wait3A_457 = arith.constant 18 : i32
    %dma_wait3A_458 = arith.constant 256 : i32
    %dma_wait3A_459 = arith.constant 0 : i32
    %dma_wait3A_460 = tpu.memref_slice %arg6[%dma_wait3A_458, %dma_wait3A_459] : memref<1024x32xf32, #tpu.memory_space<vmem>> -> memref<128x32xf32, #tpu.memory_space<vmem>>
    %dma_wait3A_461 = arith.constant 0 : i32
    %dma_wait3A_462 = tpu.memref_slice %arg8[%dma_wait3A_457, %dma_wait3A_461] : memref<40x128xi32, #tpu.memory_space<vmem>> -> memref<1x128xi32, #tpu.memory_space<vmem>>
    %dma_wait3A_463 = tpu.memref_squeeze %dma_wait3A_462 : memref<1x128xi32, #tpu.memory_space<vmem>> -> memref<128xi32, #tpu.memory_space<vmem>>
    %dma_wait3A_464 = arith.constant 0 : i32
    %dma_wait3A_465 = arith.constant 0 : i32
    %dma_wait3A_466 = tpu.memref_slice %arg9[%dma_wait3A_464, %dma_wait3A_465] : memref<10240x32xf32, #tpu.memory_space<vmem_shared>> -> memref<10240x32xf32, #tpu.memory_space<vmem_shared>>
    tpu.wait_indirect_dma semaphore(%arg12 : memref<!tpu.dma_semaphore, #tpu.memory_space<semaphore_mem>>) src(%dma_wait3A_460 : memref<128x32xf32, #tpu.memory_space<vmem>>) dst(%dma_wait3A_466 : memref<10240x32xf32, #tpu.memory_space<vmem_shared>>)
    %dma_wait3A_467 = arith.constant 19 : i32
    %dma_wait3A_468 = arith.constant 384 : i32
    %dma_wait3A_469 = arith.constant 0 : i32
    %dma_wait3A_470 = tpu.memref_slice %arg6[%dma_wait3A_468, %dma_wait3A_469] : memref<1024x32xf32, #tpu.memory_space<vmem>> -> memref<128x32xf32, #tpu.memory_space<vmem>>
    %dma_wait3A_471 = arith.constant 0 : i32
    %dma_wait3A_472 = tpu.memref_slice %arg8[%dma_wait3A_467, %dma_wait3A_471] : memref<40x128xi32, #tpu.memory_space<vmem>> -> memref<1x128xi32, #tpu.memory_space<vmem>>
    %dma_wait3A_473 = tpu.memref_squeeze %dma_wait3A_472 : memref<1x128xi32, #tpu.memory_space<vmem>> -> memref<128xi32, #tpu.memory_space<vmem>>
    %dma_wait3A_474 = arith.constant 0 : i32
    %dma_wait3A_475 = arith.constant 0 : i32
    %dma_wait3A_476 = tpu.memref_slice %arg9[%dma_wait3A_474, %dma_wait3A_475] : memref<10240x32xf32, #tpu.memory_space<vmem_shared>> -> memref<10240x32xf32, #tpu.memory_space<vmem_shared>>
    tpu.wait_indirect_dma semaphore(%arg12 : memref<!tpu.dma_semaphore, #tpu.memory_space<semaphore_mem>>) src(%dma_wait3A_470 : memref<128x32xf32, #tpu.memory_space<vmem>>) dst(%dma_wait3A_476 : memref<10240x32xf32, #tpu.memory_space<vmem_shared>>)
    %dma_wait3A_477 = arith.constant 20 : i32
    %dma_wait3A_478 = arith.constant 512 : i32
    %dma_wait3A_479 = arith.constant 0 : i32
    %dma_wait3A_480 = tpu.memref_slice %arg6[%dma_wait3A_478, %dma_wait3A_479] : memref<1024x32xf32, #tpu.memory_space<vmem>> -> memref<128x32xf32, #tpu.memory_space<vmem>>
    %dma_wait3A_481 = arith.constant 0 : i32
    %dma_wait3A_482 = tpu.memref_slice %arg8[%dma_wait3A_477, %dma_wait3A_481] : memref<40x128xi32, #tpu.memory_space<vmem>> -> memref<1x128xi32, #tpu.memory_space<vmem>>
    %dma_wait3A_483 = tpu.memref_squeeze %dma_wait3A_482 : memref<1x128xi32, #tpu.memory_space<vmem>> -> memref<128xi32, #tpu.memory_space<vmem>>
    %dma_wait3A_484 = arith.constant 0 : i32
    %dma_wait3A_485 = arith.constant 0 : i32
    %dma_wait3A_486 = tpu.memref_slice %arg9[%dma_wait3A_484, %dma_wait3A_485] : memref<10240x32xf32, #tpu.memory_space<vmem_shared>> -> memref<10240x32xf32, #tpu.memory_space<vmem_shared>>
    tpu.wait_indirect_dma semaphore(%arg12 : memref<!tpu.dma_semaphore, #tpu.memory_space<semaphore_mem>>) src(%dma_wait3A_480 : memref<128x32xf32, #tpu.memory_space<vmem>>) dst(%dma_wait3A_486 : memref<10240x32xf32, #tpu.memory_space<vmem_shared>>)
    %dma_wait3A_487 = arith.constant 21 : i32
    %dma_wait3A_488 = arith.constant 640 : i32
    %dma_wait3A_489 = arith.constant 0 : i32
    %dma_wait3A_490 = tpu.memref_slice %arg6[%dma_wait3A_488, %dma_wait3A_489] : memref<1024x32xf32, #tpu.memory_space<vmem>> -> memref<128x32xf32, #tpu.memory_space<vmem>>
    %dma_wait3A_491 = arith.constant 0 : i32
    %dma_wait3A_492 = tpu.memref_slice %arg8[%dma_wait3A_487, %dma_wait3A_491] : memref<40x128xi32, #tpu.memory_space<vmem>> -> memref<1x128xi32, #tpu.memory_space<vmem>>
    %dma_wait3A_493 = tpu.memref_squeeze %dma_wait3A_492 : memref<1x128xi32, #tpu.memory_space<vmem>> -> memref<128xi32, #tpu.memory_space<vmem>>
    %dma_wait3A_494 = arith.constant 0 : i32
    %dma_wait3A_495 = arith.constant 0 : i32
    %dma_wait3A_496 = tpu.memref_slice %arg9[%dma_wait3A_494, %dma_wait3A_495] : memref<10240x32xf32, #tpu.memory_space<vmem_shared>> -> memref<10240x32xf32, #tpu.memory_space<vmem_shared>>
    tpu.wait_indirect_dma semaphore(%arg12 : memref<!tpu.dma_semaphore, #tpu.memory_space<semaphore_mem>>) src(%dma_wait3A_490 : memref<128x32xf32, #tpu.memory_space<vmem>>) dst(%dma_wait3A_496 : memref<10240x32xf32, #tpu.memory_space<vmem_shared>>)
    %dma_wait3A_497 = arith.constant 22 : i32
    %dma_wait3A_498 = arith.constant 768 : i32
    %dma_wait3A_499 = arith.constant 0 : i32
    %dma_wait3A_500 = tpu.memref_slice %arg6[%dma_wait3A_498, %dma_wait3A_499] : memref<1024x32xf32, #tpu.memory_space<vmem>> -> memref<128x32xf32, #tpu.memory_space<vmem>>
    %dma_wait3A_501 = arith.constant 0 : i32
    %dma_wait3A_502 = tpu.memref_slice %arg8[%dma_wait3A_497, %dma_wait3A_501] : memref<40x128xi32, #tpu.memory_space<vmem>> -> memref<1x128xi32, #tpu.memory_space<vmem>>
    %dma_wait3A_503 = tpu.memref_squeeze %dma_wait3A_502 : memref<1x128xi32, #tpu.memory_space<vmem>> -> memref<128xi32, #tpu.memory_space<vmem>>
    %dma_wait3A_504 = arith.constant 0 : i32
    %dma_wait3A_505 = arith.constant 0 : i32
    %dma_wait3A_506 = tpu.memref_slice %arg9[%dma_wait3A_504, %dma_wait3A_505] : memref<10240x32xf32, #tpu.memory_space<vmem_shared>> -> memref<10240x32xf32, #tpu.memory_space<vmem_shared>>
    tpu.wait_indirect_dma semaphore(%arg12 : memref<!tpu.dma_semaphore, #tpu.memory_space<semaphore_mem>>) src(%dma_wait3A_500 : memref<128x32xf32, #tpu.memory_space<vmem>>) dst(%dma_wait3A_506 : memref<10240x32xf32, #tpu.memory_space<vmem_shared>>)
    %dma_wait3A_507 = arith.constant 23 : i32
    %dma_wait3A_508 = arith.constant 896 : i32
    %dma_wait3A_509 = arith.constant 0 : i32
    %dma_wait3A_510 = tpu.memref_slice %arg6[%dma_wait3A_508, %dma_wait3A_509] : memref<1024x32xf32, #tpu.memory_space<vmem>> -> memref<128x32xf32, #tpu.memory_space<vmem>>
    %dma_wait3A_511 = arith.constant 0 : i32
    %dma_wait3A_512 = tpu.memref_slice %arg8[%dma_wait3A_507, %dma_wait3A_511] : memref<40x128xi32, #tpu.memory_space<vmem>> -> memref<1x128xi32, #tpu.memory_space<vmem>>
    %dma_wait3A_513 = tpu.memref_squeeze %dma_wait3A_512 : memref<1x128xi32, #tpu.memory_space<vmem>> -> memref<128xi32, #tpu.memory_space<vmem>>
    %dma_wait3A_514 = arith.constant 0 : i32
    %dma_wait3A_515 = arith.constant 0 : i32
    %dma_wait3A_516 = tpu.memref_slice %arg9[%dma_wait3A_514, %dma_wait3A_515] : memref<10240x32xf32, #tpu.memory_space<vmem_shared>> -> memref<10240x32xf32, #tpu.memory_space<vmem_shared>>
    tpu.wait_indirect_dma semaphore(%arg12 : memref<!tpu.dma_semaphore, #tpu.memory_space<semaphore_mem>>) src(%dma_wait3A_510 : memref<128x32xf32, #tpu.memory_space<vmem>>) dst(%dma_wait3A_516 : memref<10240x32xf32, #tpu.memory_space<vmem_shared>>)
    %add3A_517 = arith.constant 4096 : i32
    %add3A_518 = arith.addi %mul3A_2, %add3A_517 : i32
    %dma_start3A_519 = arith.constant 0 : i32
    %dma_start3A_520 = tpu.memref_slice %arg2[%add3A_518, %dma_start3A_519] : memref<163840x32xf32, #tpu.memory_space<hbm>> -> memref<1024x32xf32, #tpu.memory_space<hbm>>
    %dma_start3A_521 = arith.constant 0 : i32
    %dma_start3A_522 = tpu.memref_slice %arg2[%add3A_518, %dma_start3A_521] : memref<163840x32xf32, #tpu.memory_space<hbm>> -> memref<1024x32xf32, #tpu.memory_space<hbm>>
    tpu.enqueue_dma source(%dma_start3A_522 : memref<1024x32xf32, #tpu.memory_space<hbm>>) target(%arg6 : memref<1024x32xf32, #tpu.memory_space<vmem>>) target_semaphore(%arg10 : memref<!tpu.dma_semaphore, #tpu.memory_space<semaphore_mem>>)
    %dma_wait3A_523 = arith.constant 0 : i32
    %dma_wait3A_524 = tpu.memref_slice %arg2[%add3A_348, %dma_wait3A_523] : memref<163840x32xf32, #tpu.memory_space<hbm>> -> memref<1024x32xf32, #tpu.memory_space<hbm>>
    %dma_wait3A_525 = arith.constant 0 : i32
    %dma_wait3A_526 = tpu.memref_slice %arg2[%add3A_348, %dma_wait3A_525] : memref<163840x32xf32, #tpu.memory_space<hbm>> -> memref<1024x32xf32, #tpu.memory_space<hbm>>
    tpu.wait_dma2 semaphore(%arg11 : memref<!tpu.dma_semaphore, #tpu.memory_space<semaphore_mem>>) src(%dma_wait3A_526 : memref<1024x32xf32, #tpu.memory_space<hbm>>) dst(%arg7 : memref<1024x32xf32, #tpu.memory_space<vmem>>)
    %dma_start3A_527 = arith.constant 24 : i32
    %dma_start3A_528 = arith.constant 0 : i32
    %dma_start3A_529 = arith.constant 0 : i32
    %dma_start3A_530 = tpu.memref_slice %arg7[%dma_start3A_528, %dma_start3A_529] : memref<1024x32xf32, #tpu.memory_space<vmem>> -> memref<128x32xf32, #tpu.memory_space<vmem>>
    %dma_start3A_531 = arith.constant 0 : i32
    %dma_start3A_532 = tpu.memref_slice %arg8[%dma_start3A_527, %dma_start3A_531] : memref<40x128xi32, #tpu.memory_space<vmem>> -> memref<1x128xi32, #tpu.memory_space<vmem>>
    %dma_start3A_533 = tpu.memref_squeeze %dma_start3A_532 : memref<1x128xi32, #tpu.memory_space<vmem>> -> memref<128xi32, #tpu.memory_space<vmem>>
    %dma_start3A_534 = arith.constant 0 : i32
    %dma_start3A_535 = arith.constant 0 : i32
    %dma_start3A_536 = tpu.memref_slice %arg9[%dma_start3A_534, %dma_start3A_535] : memref<10240x32xf32, #tpu.memory_space<vmem_shared>> -> memref<10240x32xf32, #tpu.memory_space<vmem_shared>>
    tpu.enqueue_indirect_dma source(%dma_start3A_530 : memref<128x32xf32, #tpu.memory_space<vmem>>) target(%dma_start3A_536 : memref<10240x32xf32, #tpu.memory_space<vmem_shared>>) offsets(%dma_start3A_533 : memref<128xi32, #tpu.memory_space<vmem>>) semaphore(%arg12 : memref<!tpu.dma_semaphore, #tpu.memory_space<semaphore_mem>>) {add = true}
    %dma_start3A_537 = arith.constant 25 : i32
    %dma_start3A_538 = arith.constant 128 : i32
    %dma_start3A_539 = arith.constant 0 : i32
    %dma_start3A_540 = tpu.memref_slice %arg7[%dma_start3A_538, %dma_start3A_539] : memref<1024x32xf32, #tpu.memory_space<vmem>> -> memref<128x32xf32, #tpu.memory_space<vmem>>
    %dma_start3A_541 = arith.constant 0 : i32
    %dma_start3A_542 = tpu.memref_slice %arg8[%dma_start3A_537, %dma_start3A_541] : memref<40x128xi32, #tpu.memory_space<vmem>> -> memref<1x128xi32, #tpu.memory_space<vmem>>
    %dma_start3A_543 = tpu.memref_squeeze %dma_start3A_542 : memref<1x128xi32, #tpu.memory_space<vmem>> -> memref<128xi32, #tpu.memory_space<vmem>>
    %dma_start3A_544 = arith.constant 0 : i32
    %dma_start3A_545 = arith.constant 0 : i32
    %dma_start3A_546 = tpu.memref_slice %arg9[%dma_start3A_544, %dma_start3A_545] : memref<10240x32xf32, #tpu.memory_space<vmem_shared>> -> memref<10240x32xf32, #tpu.memory_space<vmem_shared>>
    tpu.enqueue_indirect_dma source(%dma_start3A_540 : memref<128x32xf32, #tpu.memory_space<vmem>>) target(%dma_start3A_546 : memref<10240x32xf32, #tpu.memory_space<vmem_shared>>) offsets(%dma_start3A_543 : memref<128xi32, #tpu.memory_space<vmem>>) semaphore(%arg12 : memref<!tpu.dma_semaphore, #tpu.memory_space<semaphore_mem>>) {add = true}
    %dma_start3A_547 = arith.constant 26 : i32
    %dma_start3A_548 = arith.constant 256 : i32
    %dma_start3A_549 = arith.constant 0 : i32
    %dma_start3A_550 = tpu.memref_slice %arg7[%dma_start3A_548, %dma_start3A_549] : memref<1024x32xf32, #tpu.memory_space<vmem>> -> memref<128x32xf32, #tpu.memory_space<vmem>>
    %dma_start3A_551 = arith.constant 0 : i32
    %dma_start3A_552 = tpu.memref_slice %arg8[%dma_start3A_547, %dma_start3A_551] : memref<40x128xi32, #tpu.memory_space<vmem>> -> memref<1x128xi32, #tpu.memory_space<vmem>>
    %dma_start3A_553 = tpu.memref_squeeze %dma_start3A_552 : memref<1x128xi32, #tpu.memory_space<vmem>> -> memref<128xi32, #tpu.memory_space<vmem>>
    %dma_start3A_554 = arith.constant 0 : i32
    %dma_start3A_555 = arith.constant 0 : i32
    %dma_start3A_556 = tpu.memref_slice %arg9[%dma_start3A_554, %dma_start3A_555] : memref<10240x32xf32, #tpu.memory_space<vmem_shared>> -> memref<10240x32xf32, #tpu.memory_space<vmem_shared>>
    tpu.enqueue_indirect_dma source(%dma_start3A_550 : memref<128x32xf32, #tpu.memory_space<vmem>>) target(%dma_start3A_556 : memref<10240x32xf32, #tpu.memory_space<vmem_shared>>) offsets(%dma_start3A_553 : memref<128xi32, #tpu.memory_space<vmem>>) semaphore(%arg12 : memref<!tpu.dma_semaphore, #tpu.memory_space<semaphore_mem>>) {add = true}
    %dma_start3A_557 = arith.constant 27 : i32
    %dma_start3A_558 = arith.constant 384 : i32
    %dma_start3A_559 = arith.constant 0 : i32
    %dma_start3A_560 = tpu.memref_slice %arg7[%dma_start3A_558, %dma_start3A_559] : memref<1024x32xf32, #tpu.memory_space<vmem>> -> memref<128x32xf32, #tpu.memory_space<vmem>>
    %dma_start3A_561 = arith.constant 0 : i32
    %dma_start3A_562 = tpu.memref_slice %arg8[%dma_start3A_557, %dma_start3A_561] : memref<40x128xi32, #tpu.memory_space<vmem>> -> memref<1x128xi32, #tpu.memory_space<vmem>>
    %dma_start3A_563 = tpu.memref_squeeze %dma_start3A_562 : memref<1x128xi32, #tpu.memory_space<vmem>> -> memref<128xi32, #tpu.memory_space<vmem>>
    %dma_start3A_564 = arith.constant 0 : i32
    %dma_start3A_565 = arith.constant 0 : i32
    %dma_start3A_566 = tpu.memref_slice %arg9[%dma_start3A_564, %dma_start3A_565] : memref<10240x32xf32, #tpu.memory_space<vmem_shared>> -> memref<10240x32xf32, #tpu.memory_space<vmem_shared>>
    tpu.enqueue_indirect_dma source(%dma_start3A_560 : memref<128x32xf32, #tpu.memory_space<vmem>>) target(%dma_start3A_566 : memref<10240x32xf32, #tpu.memory_space<vmem_shared>>) offsets(%dma_start3A_563 : memref<128xi32, #tpu.memory_space<vmem>>) semaphore(%arg12 : memref<!tpu.dma_semaphore, #tpu.memory_space<semaphore_mem>>) {add = true}
    %dma_start3A_567 = arith.constant 28 : i32
    %dma_start3A_568 = arith.constant 512 : i32
    %dma_start3A_569 = arith.constant 0 : i32
    %dma_start3A_570 = tpu.memref_slice %arg7[%dma_start3A_568, %dma_start3A_569] : memref<1024x32xf32, #tpu.memory_space<vmem>> -> memref<128x32xf32, #tpu.memory_space<vmem>>
    %dma_start3A_571 = arith.constant 0 : i32
    %dma_start3A_572 = tpu.memref_slice %arg8[%dma_start3A_567, %dma_start3A_571] : memref<40x128xi32, #tpu.memory_space<vmem>> -> memref<1x128xi32, #tpu.memory_space<vmem>>
    %dma_start3A_573 = tpu.memref_squeeze %dma_start3A_572 : memref<1x128xi32, #tpu.memory_space<vmem>> -> memref<128xi32, #tpu.memory_space<vmem>>
    %dma_start3A_574 = arith.constant 0 : i32
    %dma_start3A_575 = arith.constant 0 : i32
    %dma_start3A_576 = tpu.memref_slice %arg9[%dma_start3A_574, %dma_start3A_575] : memref<10240x32xf32, #tpu.memory_space<vmem_shared>> -> memref<10240x32xf32, #tpu.memory_space<vmem_shared>>
    tpu.enqueue_indirect_dma source(%dma_start3A_570 : memref<128x32xf32, #tpu.memory_space<vmem>>) target(%dma_start3A_576 : memref<10240x32xf32, #tpu.memory_space<vmem_shared>>) offsets(%dma_start3A_573 : memref<128xi32, #tpu.memory_space<vmem>>) semaphore(%arg12 : memref<!tpu.dma_semaphore, #tpu.memory_space<semaphore_mem>>) {add = true}
    %dma_start3A_577 = arith.constant 29 : i32
    %dma_start3A_578 = arith.constant 640 : i32
    %dma_start3A_579 = arith.constant 0 : i32
    %dma_start3A_580 = tpu.memref_slice %arg7[%dma_start3A_578, %dma_start3A_579] : memref<1024x32xf32, #tpu.memory_space<vmem>> -> memref<128x32xf32, #tpu.memory_space<vmem>>
    %dma_start3A_581 = arith.constant 0 : i32
    %dma_start3A_582 = tpu.memref_slice %arg8[%dma_start3A_577, %dma_start3A_581] : memref<40x128xi32, #tpu.memory_space<vmem>> -> memref<1x128xi32, #tpu.memory_space<vmem>>
    %dma_start3A_583 = tpu.memref_squeeze %dma_start3A_582 : memref<1x128xi32, #tpu.memory_space<vmem>> -> memref<128xi32, #tpu.memory_space<vmem>>
    %dma_start3A_584 = arith.constant 0 : i32
    %dma_start3A_585 = arith.constant 0 : i32
    %dma_start3A_586 = tpu.memref_slice %arg9[%dma_start3A_584, %dma_start3A_585] : memref<10240x32xf32, #tpu.memory_space<vmem_shared>> -> memref<10240x32xf32, #tpu.memory_space<vmem_shared>>
    tpu.enqueue_indirect_dma source(%dma_start3A_580 : memref<128x32xf32, #tpu.memory_space<vmem>>) target(%dma_start3A_586 : memref<10240x32xf32, #tpu.memory_space<vmem_shared>>) offsets(%dma_start3A_583 : memref<128xi32, #tpu.memory_space<vmem>>) semaphore(%arg12 : memref<!tpu.dma_semaphore, #tpu.memory_space<semaphore_mem>>) {add = true}
    %dma_start3A_587 = arith.constant 30 : i32
    %dma_start3A_588 = arith.constant 768 : i32
    %dma_start3A_589 = arith.constant 0 : i32
    %dma_start3A_590 = tpu.memref_slice %arg7[%dma_start3A_588, %dma_start3A_589] : memref<1024x32xf32, #tpu.memory_space<vmem>> -> memref<128x32xf32, #tpu.memory_space<vmem>>
    %dma_start3A_591 = arith.constant 0 : i32
    %dma_start3A_592 = tpu.memref_slice %arg8[%dma_start3A_587, %dma_start3A_591] : memref<40x128xi32, #tpu.memory_space<vmem>> -> memref<1x128xi32, #tpu.memory_space<vmem>>
    %dma_start3A_593 = tpu.memref_squeeze %dma_start3A_592 : memref<1x128xi32, #tpu.memory_space<vmem>> -> memref<128xi32, #tpu.memory_space<vmem>>
    %dma_start3A_594 = arith.constant 0 : i32
    %dma_start3A_595 = arith.constant 0 : i32
    %dma_start3A_596 = tpu.memref_slice %arg9[%dma_start3A_594, %dma_start3A_595] : memref<10240x32xf32, #tpu.memory_space<vmem_shared>> -> memref<10240x32xf32, #tpu.memory_space<vmem_shared>>
    tpu.enqueue_indirect_dma source(%dma_start3A_590 : memref<128x32xf32, #tpu.memory_space<vmem>>) target(%dma_start3A_596 : memref<10240x32xf32, #tpu.memory_space<vmem_shared>>) offsets(%dma_start3A_593 : memref<128xi32, #tpu.memory_space<vmem>>) semaphore(%arg12 : memref<!tpu.dma_semaphore, #tpu.memory_space<semaphore_mem>>) {add = true}
    %dma_start3A_597 = arith.constant 31 : i32
    %dma_start3A_598 = arith.constant 896 : i32
    %dma_start3A_599 = arith.constant 0 : i32
    %dma_start3A_600 = tpu.memref_slice %arg7[%dma_start3A_598, %dma_start3A_599] : memref<1024x32xf32, #tpu.memory_space<vmem>> -> memref<128x32xf32, #tpu.memory_space<vmem>>
    %dma_start3A_601 = arith.constant 0 : i32
    %dma_start3A_602 = tpu.memref_slice %arg8[%dma_start3A_597, %dma_start3A_601] : memref<40x128xi32, #tpu.memory_space<vmem>> -> memref<1x128xi32, #tpu.memory_space<vmem>>
    %dma_start3A_603 = tpu.memref_squeeze %dma_start3A_602 : memref<1x128xi32, #tpu.memory_space<vmem>> -> memref<128xi32, #tpu.memory_space<vmem>>
    %dma_start3A_604 = arith.constant 0 : i32
    %dma_start3A_605 = arith.constant 0 : i32
    %dma_start3A_606 = tpu.memref_slice %arg9[%dma_start3A_604, %dma_start3A_605] : memref<10240x32xf32, #tpu.memory_space<vmem_shared>> -> memref<10240x32xf32, #tpu.memory_space<vmem_shared>>
    tpu.enqueue_indirect_dma source(%dma_start3A_600 : memref<128x32xf32, #tpu.memory_space<vmem>>) target(%dma_start3A_606 : memref<10240x32xf32, #tpu.memory_space<vmem_shared>>) offsets(%dma_start3A_603 : memref<128xi32, #tpu.memory_space<vmem>>) semaphore(%arg12 : memref<!tpu.dma_semaphore, #tpu.memory_space<semaphore_mem>>) {add = true}
    %dma_wait3A_607 = arith.constant 24 : i32
    %dma_wait3A_608 = arith.constant 0 : i32
    %dma_wait3A_609 = arith.constant 0 : i32
    %dma_wait3A_610 = tpu.memref_slice %arg7[%dma_wait3A_608, %dma_wait3A_609] : memref<1024x32xf32, #tpu.memory_space<vmem>> -> memref<128x32xf32, #tpu.memory_space<vmem>>
    %dma_wait3A_611 = arith.constant 0 : i32
    %dma_wait3A_612 = tpu.memref_slice %arg8[%dma_wait3A_607, %dma_wait3A_611] : memref<40x128xi32, #tpu.memory_space<vmem>> -> memref<1x128xi32, #tpu.memory_space<vmem>>
    %dma_wait3A_613 = tpu.memref_squeeze %dma_wait3A_612 : memref<1x128xi32, #tpu.memory_space<vmem>> -> memref<128xi32, #tpu.memory_space<vmem>>
    %dma_wait3A_614 = arith.constant 0 : i32
    %dma_wait3A_615 = arith.constant 0 : i32
    %dma_wait3A_616 = tpu.memref_slice %arg9[%dma_wait3A_614, %dma_wait3A_615] : memref<10240x32xf32, #tpu.memory_space<vmem_shared>> -> memref<10240x32xf32, #tpu.memory_space<vmem_shared>>
    tpu.wait_indirect_dma semaphore(%arg12 : memref<!tpu.dma_semaphore, #tpu.memory_space<semaphore_mem>>) src(%dma_wait3A_610 : memref<128x32xf32, #tpu.memory_space<vmem>>) dst(%dma_wait3A_616 : memref<10240x32xf32, #tpu.memory_space<vmem_shared>>)
    %dma_wait3A_617 = arith.constant 25 : i32
    %dma_wait3A_618 = arith.constant 128 : i32
    %dma_wait3A_619 = arith.constant 0 : i32
    %dma_wait3A_620 = tpu.memref_slice %arg7[%dma_wait3A_618, %dma_wait3A_619] : memref<1024x32xf32, #tpu.memory_space<vmem>> -> memref<128x32xf32, #tpu.memory_space<vmem>>
    %dma_wait3A_621 = arith.constant 0 : i32
    %dma_wait3A_622 = tpu.memref_slice %arg8[%dma_wait3A_617, %dma_wait3A_621] : memref<40x128xi32, #tpu.memory_space<vmem>> -> memref<1x128xi32, #tpu.memory_space<vmem>>
    %dma_wait3A_623 = tpu.memref_squeeze %dma_wait3A_622 : memref<1x128xi32, #tpu.memory_space<vmem>> -> memref<128xi32, #tpu.memory_space<vmem>>
    %dma_wait3A_624 = arith.constant 0 : i32
    %dma_wait3A_625 = arith.constant 0 : i32
    %dma_wait3A_626 = tpu.memref_slice %arg9[%dma_wait3A_624, %dma_wait3A_625] : memref<10240x32xf32, #tpu.memory_space<vmem_shared>> -> memref<10240x32xf32, #tpu.memory_space<vmem_shared>>
    tpu.wait_indirect_dma semaphore(%arg12 : memref<!tpu.dma_semaphore, #tpu.memory_space<semaphore_mem>>) src(%dma_wait3A_620 : memref<128x32xf32, #tpu.memory_space<vmem>>) dst(%dma_wait3A_626 : memref<10240x32xf32, #tpu.memory_space<vmem_shared>>)
    %dma_wait3A_627 = arith.constant 26 : i32
    %dma_wait3A_628 = arith.constant 256 : i32
    %dma_wait3A_629 = arith.constant 0 : i32
    %dma_wait3A_630 = tpu.memref_slice %arg7[%dma_wait3A_628, %dma_wait3A_629] : memref<1024x32xf32, #tpu.memory_space<vmem>> -> memref<128x32xf32, #tpu.memory_space<vmem>>
    %dma_wait3A_631 = arith.constant 0 : i32
    %dma_wait3A_632 = tpu.memref_slice %arg8[%dma_wait3A_627, %dma_wait3A_631] : memref<40x128xi32, #tpu.memory_space<vmem>> -> memref<1x128xi32, #tpu.memory_space<vmem>>
    %dma_wait3A_633 = tpu.memref_squeeze %dma_wait3A_632 : memref<1x128xi32, #tpu.memory_space<vmem>> -> memref<128xi32, #tpu.memory_space<vmem>>
    %dma_wait3A_634 = arith.constant 0 : i32
    %dma_wait3A_635 = arith.constant 0 : i32
    %dma_wait3A_636 = tpu.memref_slice %arg9[%dma_wait3A_634, %dma_wait3A_635] : memref<10240x32xf32, #tpu.memory_space<vmem_shared>> -> memref<10240x32xf32, #tpu.memory_space<vmem_shared>>
    tpu.wait_indirect_dma semaphore(%arg12 : memref<!tpu.dma_semaphore, #tpu.memory_space<semaphore_mem>>) src(%dma_wait3A_630 : memref<128x32xf32, #tpu.memory_space<vmem>>) dst(%dma_wait3A_636 : memref<10240x32xf32, #tpu.memory_space<vmem_shared>>)
    %dma_wait3A_637 = arith.constant 27 : i32
    %dma_wait3A_638 = arith.constant 384 : i32
    %dma_wait3A_639 = arith.constant 0 : i32
    %dma_wait3A_640 = tpu.memref_slice %arg7[%dma_wait3A_638, %dma_wait3A_639] : memref<1024x32xf32, #tpu.memory_space<vmem>> -> memref<128x32xf32, #tpu.memory_space<vmem>>
    %dma_wait3A_641 = arith.constant 0 : i32
    %dma_wait3A_642 = tpu.memref_slice %arg8[%dma_wait3A_637, %dma_wait3A_641] : memref<40x128xi32, #tpu.memory_space<vmem>> -> memref<1x128xi32, #tpu.memory_space<vmem>>
    %dma_wait3A_643 = tpu.memref_squeeze %dma_wait3A_642 : memref<1x128xi32, #tpu.memory_space<vmem>> -> memref<128xi32, #tpu.memory_space<vmem>>
    %dma_wait3A_644 = arith.constant 0 : i32
    %dma_wait3A_645 = arith.constant 0 : i32
    %dma_wait3A_646 = tpu.memref_slice %arg9[%dma_wait3A_644, %dma_wait3A_645] : memref<10240x32xf32, #tpu.memory_space<vmem_shared>> -> memref<10240x32xf32, #tpu.memory_space<vmem_shared>>
    tpu.wait_indirect_dma semaphore(%arg12 : memref<!tpu.dma_semaphore, #tpu.memory_space<semaphore_mem>>) src(%dma_wait3A_640 : memref<128x32xf32, #tpu.memory_space<vmem>>) dst(%dma_wait3A_646 : memref<10240x32xf32, #tpu.memory_space<vmem_shared>>)
    %dma_wait3A_647 = arith.constant 28 : i32
    %dma_wait3A_648 = arith.constant 512 : i32
    %dma_wait3A_649 = arith.constant 0 : i32
    %dma_wait3A_650 = tpu.memref_slice %arg7[%dma_wait3A_648, %dma_wait3A_649] : memref<1024x32xf32, #tpu.memory_space<vmem>> -> memref<128x32xf32, #tpu.memory_space<vmem>>
    %dma_wait3A_651 = arith.constant 0 : i32
    %dma_wait3A_652 = tpu.memref_slice %arg8[%dma_wait3A_647, %dma_wait3A_651] : memref<40x128xi32, #tpu.memory_space<vmem>> -> memref<1x128xi32, #tpu.memory_space<vmem>>
    %dma_wait3A_653 = tpu.memref_squeeze %dma_wait3A_652 : memref<1x128xi32, #tpu.memory_space<vmem>> -> memref<128xi32, #tpu.memory_space<vmem>>
    %dma_wait3A_654 = arith.constant 0 : i32
    %dma_wait3A_655 = arith.constant 0 : i32
    %dma_wait3A_656 = tpu.memref_slice %arg9[%dma_wait3A_654, %dma_wait3A_655] : memref<10240x32xf32, #tpu.memory_space<vmem_shared>> -> memref<10240x32xf32, #tpu.memory_space<vmem_shared>>
    tpu.wait_indirect_dma semaphore(%arg12 : memref<!tpu.dma_semaphore, #tpu.memory_space<semaphore_mem>>) src(%dma_wait3A_650 : memref<128x32xf32, #tpu.memory_space<vmem>>) dst(%dma_wait3A_656 : memref<10240x32xf32, #tpu.memory_space<vmem_shared>>)
    %dma_wait3A_657 = arith.constant 29 : i32
    %dma_wait3A_658 = arith.constant 640 : i32
    %dma_wait3A_659 = arith.constant 0 : i32
    %dma_wait3A_660 = tpu.memref_slice %arg7[%dma_wait3A_658, %dma_wait3A_659] : memref<1024x32xf32, #tpu.memory_space<vmem>> -> memref<128x32xf32, #tpu.memory_space<vmem>>
    %dma_wait3A_661 = arith.constant 0 : i32
    %dma_wait3A_662 = tpu.memref_slice %arg8[%dma_wait3A_657, %dma_wait3A_661] : memref<40x128xi32, #tpu.memory_space<vmem>> -> memref<1x128xi32, #tpu.memory_space<vmem>>
    %dma_wait3A_663 = tpu.memref_squeeze %dma_wait3A_662 : memref<1x128xi32, #tpu.memory_space<vmem>> -> memref<128xi32, #tpu.memory_space<vmem>>
    %dma_wait3A_664 = arith.constant 0 : i32
    %dma_wait3A_665 = arith.constant 0 : i32
    %dma_wait3A_666 = tpu.memref_slice %arg9[%dma_wait3A_664, %dma_wait3A_665] : memref<10240x32xf32, #tpu.memory_space<vmem_shared>> -> memref<10240x32xf32, #tpu.memory_space<vmem_shared>>
    tpu.wait_indirect_dma semaphore(%arg12 : memref<!tpu.dma_semaphore, #tpu.memory_space<semaphore_mem>>) src(%dma_wait3A_660 : memref<128x32xf32, #tpu.memory_space<vmem>>) dst(%dma_wait3A_666 : memref<10240x32xf32, #tpu.memory_space<vmem_shared>>)
    %dma_wait3A_667 = arith.constant 30 : i32
    %dma_wait3A_668 = arith.constant 768 : i32
    %dma_wait3A_669 = arith.constant 0 : i32
    %dma_wait3A_670 = tpu.memref_slice %arg7[%dma_wait3A_668, %dma_wait3A_669] : memref<1024x32xf32, #tpu.memory_space<vmem>> -> memref<128x32xf32, #tpu.memory_space<vmem>>
    %dma_wait3A_671 = arith.constant 0 : i32
    %dma_wait3A_672 = tpu.memref_slice %arg8[%dma_wait3A_667, %dma_wait3A_671] : memref<40x128xi32, #tpu.memory_space<vmem>> -> memref<1x128xi32, #tpu.memory_space<vmem>>
    %dma_wait3A_673 = tpu.memref_squeeze %dma_wait3A_672 : memref<1x128xi32, #tpu.memory_space<vmem>> -> memref<128xi32, #tpu.memory_space<vmem>>
    %dma_wait3A_674 = arith.constant 0 : i32
    %dma_wait3A_675 = arith.constant 0 : i32
    %dma_wait3A_676 = tpu.memref_slice %arg9[%dma_wait3A_674, %dma_wait3A_675] : memref<10240x32xf32, #tpu.memory_space<vmem_shared>> -> memref<10240x32xf32, #tpu.memory_space<vmem_shared>>
    tpu.wait_indirect_dma semaphore(%arg12 : memref<!tpu.dma_semaphore, #tpu.memory_space<semaphore_mem>>) src(%dma_wait3A_670 : memref<128x32xf32, #tpu.memory_space<vmem>>) dst(%dma_wait3A_676 : memref<10240x32xf32, #tpu.memory_space<vmem_shared>>)
    %dma_wait3A_677 = arith.constant 31 : i32
    %dma_wait3A_678 = arith.constant 896 : i32
    %dma_wait3A_679 = arith.constant 0 : i32
    %dma_wait3A_680 = tpu.memref_slice %arg7[%dma_wait3A_678, %dma_wait3A_679] : memref<1024x32xf32, #tpu.memory_space<vmem>> -> memref<128x32xf32, #tpu.memory_space<vmem>>
    %dma_wait3A_681 = arith.constant 0 : i32
    %dma_wait3A_682 = tpu.memref_slice %arg8[%dma_wait3A_677, %dma_wait3A_681] : memref<40x128xi32, #tpu.memory_space<vmem>> -> memref<1x128xi32, #tpu.memory_space<vmem>>
    %dma_wait3A_683 = tpu.memref_squeeze %dma_wait3A_682 : memref<1x128xi32, #tpu.memory_space<vmem>> -> memref<128xi32, #tpu.memory_space<vmem>>
    %dma_wait3A_684 = arith.constant 0 : i32
    %dma_wait3A_685 = arith.constant 0 : i32
    %dma_wait3A_686 = tpu.memref_slice %arg9[%dma_wait3A_684, %dma_wait3A_685] : memref<10240x32xf32, #tpu.memory_space<vmem_shared>> -> memref<10240x32xf32, #tpu.memory_space<vmem_shared>>
    tpu.wait_indirect_dma semaphore(%arg12 : memref<!tpu.dma_semaphore, #tpu.memory_space<semaphore_mem>>) src(%dma_wait3A_680 : memref<128x32xf32, #tpu.memory_space<vmem>>) dst(%dma_wait3A_686 : memref<10240x32xf32, #tpu.memory_space<vmem_shared>>)
    %dma_wait3A_687 = arith.constant 0 : i32
    %dma_wait3A_688 = tpu.memref_slice %arg2[%add3A_518, %dma_wait3A_687] : memref<163840x32xf32, #tpu.memory_space<hbm>> -> memref<1024x32xf32, #tpu.memory_space<hbm>>
    %dma_wait3A_689 = arith.constant 0 : i32
    %dma_wait3A_690 = tpu.memref_slice %arg2[%add3A_518, %dma_wait3A_689] : memref<163840x32xf32, #tpu.memory_space<hbm>> -> memref<1024x32xf32, #tpu.memory_space<hbm>>
    tpu.wait_dma2 semaphore(%arg10 : memref<!tpu.dma_semaphore, #tpu.memory_space<semaphore_mem>>) src(%dma_wait3A_690 : memref<1024x32xf32, #tpu.memory_space<hbm>>) dst(%arg6 : memref<1024x32xf32, #tpu.memory_space<vmem>>)
    %dma_start3A_691 = arith.constant 32 : i32
    %dma_start3A_692 = arith.constant 0 : i32
    %dma_start3A_693 = arith.constant 0 : i32
    %dma_start3A_694 = tpu.memref_slice %arg6[%dma_start3A_692, %dma_start3A_693] : memref<1024x32xf32, #tpu.memory_space<vmem>> -> memref<128x32xf32, #tpu.memory_space<vmem>>
    %dma_start3A_695 = arith.constant 0 : i32
    %dma_start3A_696 = tpu.memref_slice %arg8[%dma_start3A_691, %dma_start3A_695] : memref<40x128xi32, #tpu.memory_space<vmem>> -> memref<1x128xi32, #tpu.memory_space<vmem>>
    %dma_start3A_697 = tpu.memref_squeeze %dma_start3A_696 : memref<1x128xi32, #tpu.memory_space<vmem>> -> memref<128xi32, #tpu.memory_space<vmem>>
    %dma_start3A_698 = arith.constant 0 : i32
    %dma_start3A_699 = arith.constant 0 : i32
    %dma_start3A_700 = tpu.memref_slice %arg9[%dma_start3A_698, %dma_start3A_699] : memref<10240x32xf32, #tpu.memory_space<vmem_shared>> -> memref<10240x32xf32, #tpu.memory_space<vmem_shared>>
    tpu.enqueue_indirect_dma source(%dma_start3A_694 : memref<128x32xf32, #tpu.memory_space<vmem>>) target(%dma_start3A_700 : memref<10240x32xf32, #tpu.memory_space<vmem_shared>>) offsets(%dma_start3A_697 : memref<128xi32, #tpu.memory_space<vmem>>) semaphore(%arg12 : memref<!tpu.dma_semaphore, #tpu.memory_space<semaphore_mem>>) {add = true}
    %dma_start3A_701 = arith.constant 33 : i32
    %dma_start3A_702 = arith.constant 128 : i32
    %dma_start3A_703 = arith.constant 0 : i32
    %dma_start3A_704 = tpu.memref_slice %arg6[%dma_start3A_702, %dma_start3A_703] : memref<1024x32xf32, #tpu.memory_space<vmem>> -> memref<128x32xf32, #tpu.memory_space<vmem>>
    %dma_start3A_705 = arith.constant 0 : i32
    %dma_start3A_706 = tpu.memref_slice %arg8[%dma_start3A_701, %dma_start3A_705] : memref<40x128xi32, #tpu.memory_space<vmem>> -> memref<1x128xi32, #tpu.memory_space<vmem>>
    %dma_start3A_707 = tpu.memref_squeeze %dma_start3A_706 : memref<1x128xi32, #tpu.memory_space<vmem>> -> memref<128xi32, #tpu.memory_space<vmem>>
    %dma_start3A_708 = arith.constant 0 : i32
    %dma_start3A_709 = arith.constant 0 : i32
    %dma_start3A_710 = tpu.memref_slice %arg9[%dma_start3A_708, %dma_start3A_709] : memref<10240x32xf32, #tpu.memory_space<vmem_shared>> -> memref<10240x32xf32, #tpu.memory_space<vmem_shared>>
    tpu.enqueue_indirect_dma source(%dma_start3A_704 : memref<128x32xf32, #tpu.memory_space<vmem>>) target(%dma_start3A_710 : memref<10240x32xf32, #tpu.memory_space<vmem_shared>>) offsets(%dma_start3A_707 : memref<128xi32, #tpu.memory_space<vmem>>) semaphore(%arg12 : memref<!tpu.dma_semaphore, #tpu.memory_space<semaphore_mem>>) {add = true}
    %dma_start3A_711 = arith.constant 34 : i32
    %dma_start3A_712 = arith.constant 256 : i32
    %dma_start3A_713 = arith.constant 0 : i32
    %dma_start3A_714 = tpu.memref_slice %arg6[%dma_start3A_712, %dma_start3A_713] : memref<1024x32xf32, #tpu.memory_space<vmem>> -> memref<128x32xf32, #tpu.memory_space<vmem>>
    %dma_start3A_715 = arith.constant 0 : i32
    %dma_start3A_716 = tpu.memref_slice %arg8[%dma_start3A_711, %dma_start3A_715] : memref<40x128xi32, #tpu.memory_space<vmem>> -> memref<1x128xi32, #tpu.memory_space<vmem>>
    %dma_start3A_717 = tpu.memref_squeeze %dma_start3A_716 : memref<1x128xi32, #tpu.memory_space<vmem>> -> memref<128xi32, #tpu.memory_space<vmem>>
    %dma_start3A_718 = arith.constant 0 : i32
    %dma_start3A_719 = arith.constant 0 : i32
    %dma_start3A_720 = tpu.memref_slice %arg9[%dma_start3A_718, %dma_start3A_719] : memref<10240x32xf32, #tpu.memory_space<vmem_shared>> -> memref<10240x32xf32, #tpu.memory_space<vmem_shared>>
    tpu.enqueue_indirect_dma source(%dma_start3A_714 : memref<128x32xf32, #tpu.memory_space<vmem>>) target(%dma_start3A_720 : memref<10240x32xf32, #tpu.memory_space<vmem_shared>>) offsets(%dma_start3A_717 : memref<128xi32, #tpu.memory_space<vmem>>) semaphore(%arg12 : memref<!tpu.dma_semaphore, #tpu.memory_space<semaphore_mem>>) {add = true}
    %dma_start3A_721 = arith.constant 35 : i32
    %dma_start3A_722 = arith.constant 384 : i32
    %dma_start3A_723 = arith.constant 0 : i32
    %dma_start3A_724 = tpu.memref_slice %arg6[%dma_start3A_722, %dma_start3A_723] : memref<1024x32xf32, #tpu.memory_space<vmem>> -> memref<128x32xf32, #tpu.memory_space<vmem>>
    %dma_start3A_725 = arith.constant 0 : i32
    %dma_start3A_726 = tpu.memref_slice %arg8[%dma_start3A_721, %dma_start3A_725] : memref<40x128xi32, #tpu.memory_space<vmem>> -> memref<1x128xi32, #tpu.memory_space<vmem>>
    %dma_start3A_727 = tpu.memref_squeeze %dma_start3A_726 : memref<1x128xi32, #tpu.memory_space<vmem>> -> memref<128xi32, #tpu.memory_space<vmem>>
    %dma_start3A_728 = arith.constant 0 : i32
    %dma_start3A_729 = arith.constant 0 : i32
    %dma_start3A_730 = tpu.memref_slice %arg9[%dma_start3A_728, %dma_start3A_729] : memref<10240x32xf32, #tpu.memory_space<vmem_shared>> -> memref<10240x32xf32, #tpu.memory_space<vmem_shared>>
    tpu.enqueue_indirect_dma source(%dma_start3A_724 : memref<128x32xf32, #tpu.memory_space<vmem>>) target(%dma_start3A_730 : memref<10240x32xf32, #tpu.memory_space<vmem_shared>>) offsets(%dma_start3A_727 : memref<128xi32, #tpu.memory_space<vmem>>) semaphore(%arg12 : memref<!tpu.dma_semaphore, #tpu.memory_space<semaphore_mem>>) {add = true}
    %dma_start3A_731 = arith.constant 36 : i32
    %dma_start3A_732 = arith.constant 512 : i32
    %dma_start3A_733 = arith.constant 0 : i32
    %dma_start3A_734 = tpu.memref_slice %arg6[%dma_start3A_732, %dma_start3A_733] : memref<1024x32xf32, #tpu.memory_space<vmem>> -> memref<128x32xf32, #tpu.memory_space<vmem>>
    %dma_start3A_735 = arith.constant 0 : i32
    %dma_start3A_736 = tpu.memref_slice %arg8[%dma_start3A_731, %dma_start3A_735] : memref<40x128xi32, #tpu.memory_space<vmem>> -> memref<1x128xi32, #tpu.memory_space<vmem>>
    %dma_start3A_737 = tpu.memref_squeeze %dma_start3A_736 : memref<1x128xi32, #tpu.memory_space<vmem>> -> memref<128xi32, #tpu.memory_space<vmem>>
    %dma_start3A_738 = arith.constant 0 : i32
    %dma_start3A_739 = arith.constant 0 : i32
    %dma_start3A_740 = tpu.memref_slice %arg9[%dma_start3A_738, %dma_start3A_739] : memref<10240x32xf32, #tpu.memory_space<vmem_shared>> -> memref<10240x32xf32, #tpu.memory_space<vmem_shared>>
    tpu.enqueue_indirect_dma source(%dma_start3A_734 : memref<128x32xf32, #tpu.memory_space<vmem>>) target(%dma_start3A_740 : memref<10240x32xf32, #tpu.memory_space<vmem_shared>>) offsets(%dma_start3A_737 : memref<128xi32, #tpu.memory_space<vmem>>) semaphore(%arg12 : memref<!tpu.dma_semaphore, #tpu.memory_space<semaphore_mem>>) {add = true}
    %dma_start3A_741 = arith.constant 37 : i32
    %dma_start3A_742 = arith.constant 640 : i32
    %dma_start3A_743 = arith.constant 0 : i32
    %dma_start3A_744 = tpu.memref_slice %arg6[%dma_start3A_742, %dma_start3A_743] : memref<1024x32xf32, #tpu.memory_space<vmem>> -> memref<128x32xf32, #tpu.memory_space<vmem>>
    %dma_start3A_745 = arith.constant 0 : i32
    %dma_start3A_746 = tpu.memref_slice %arg8[%dma_start3A_741, %dma_start3A_745] : memref<40x128xi32, #tpu.memory_space<vmem>> -> memref<1x128xi32, #tpu.memory_space<vmem>>
    %dma_start3A_747 = tpu.memref_squeeze %dma_start3A_746 : memref<1x128xi32, #tpu.memory_space<vmem>> -> memref<128xi32, #tpu.memory_space<vmem>>
    %dma_start3A_748 = arith.constant 0 : i32
    %dma_start3A_749 = arith.constant 0 : i32
    %dma_start3A_750 = tpu.memref_slice %arg9[%dma_start3A_748, %dma_start3A_749] : memref<10240x32xf32, #tpu.memory_space<vmem_shared>> -> memref<10240x32xf32, #tpu.memory_space<vmem_shared>>
    tpu.enqueue_indirect_dma source(%dma_start3A_744 : memref<128x32xf32, #tpu.memory_space<vmem>>) target(%dma_start3A_750 : memref<10240x32xf32, #tpu.memory_space<vmem_shared>>) offsets(%dma_start3A_747 : memref<128xi32, #tpu.memory_space<vmem>>) semaphore(%arg12 : memref<!tpu.dma_semaphore, #tpu.memory_space<semaphore_mem>>) {add = true}
    %dma_start3A_751 = arith.constant 38 : i32
    %dma_start3A_752 = arith.constant 768 : i32
    %dma_start3A_753 = arith.constant 0 : i32
    %dma_start3A_754 = tpu.memref_slice %arg6[%dma_start3A_752, %dma_start3A_753] : memref<1024x32xf32, #tpu.memory_space<vmem>> -> memref<128x32xf32, #tpu.memory_space<vmem>>
    %dma_start3A_755 = arith.constant 0 : i32
    %dma_start3A_756 = tpu.memref_slice %arg8[%dma_start3A_751, %dma_start3A_755] : memref<40x128xi32, #tpu.memory_space<vmem>> -> memref<1x128xi32, #tpu.memory_space<vmem>>
    %dma_start3A_757 = tpu.memref_squeeze %dma_start3A_756 : memref<1x128xi32, #tpu.memory_space<vmem>> -> memref<128xi32, #tpu.memory_space<vmem>>
    %dma_start3A_758 = arith.constant 0 : i32
    %dma_start3A_759 = arith.constant 0 : i32
    %dma_start3A_760 = tpu.memref_slice %arg9[%dma_start3A_758, %dma_start3A_759] : memref<10240x32xf32, #tpu.memory_space<vmem_shared>> -> memref<10240x32xf32, #tpu.memory_space<vmem_shared>>
    tpu.enqueue_indirect_dma source(%dma_start3A_754 : memref<128x32xf32, #tpu.memory_space<vmem>>) target(%dma_start3A_760 : memref<10240x32xf32, #tpu.memory_space<vmem_shared>>) offsets(%dma_start3A_757 : memref<128xi32, #tpu.memory_space<vmem>>) semaphore(%arg12 : memref<!tpu.dma_semaphore, #tpu.memory_space<semaphore_mem>>) {add = true}
    %dma_start3A_761 = arith.constant 39 : i32
    %dma_start3A_762 = arith.constant 896 : i32
    %dma_start3A_763 = arith.constant 0 : i32
    %dma_start3A_764 = tpu.memref_slice %arg6[%dma_start3A_762, %dma_start3A_763] : memref<1024x32xf32, #tpu.memory_space<vmem>> -> memref<128x32xf32, #tpu.memory_space<vmem>>
    %dma_start3A_765 = arith.constant 0 : i32
    %dma_start3A_766 = tpu.memref_slice %arg8[%dma_start3A_761, %dma_start3A_765] : memref<40x128xi32, #tpu.memory_space<vmem>> -> memref<1x128xi32, #tpu.memory_space<vmem>>
    %dma_start3A_767 = tpu.memref_squeeze %dma_start3A_766 : memref<1x128xi32, #tpu.memory_space<vmem>> -> memref<128xi32, #tpu.memory_space<vmem>>
    %dma_start3A_768 = arith.constant 0 : i32
    %dma_start3A_769 = arith.constant 0 : i32
    %dma_start3A_770 = tpu.memref_slice %arg9[%dma_start3A_768, %dma_start3A_769] : memref<10240x32xf32, #tpu.memory_space<vmem_shared>> -> memref<10240x32xf32, #tpu.memory_space<vmem_shared>>
    tpu.enqueue_indirect_dma source(%dma_start3A_764 : memref<128x32xf32, #tpu.memory_space<vmem>>) target(%dma_start3A_770 : memref<10240x32xf32, #tpu.memory_space<vmem_shared>>) offsets(%dma_start3A_767 : memref<128xi32, #tpu.memory_space<vmem>>) semaphore(%arg12 : memref<!tpu.dma_semaphore, #tpu.memory_space<semaphore_mem>>) {add = true}
    %dma_wait3A_771 = arith.constant 32 : i32
    %dma_wait3A_772 = arith.constant 0 : i32
    %dma_wait3A_773 = arith.constant 0 : i32
    %dma_wait3A_774 = tpu.memref_slice %arg6[%dma_wait3A_772, %dma_wait3A_773] : memref<1024x32xf32, #tpu.memory_space<vmem>> -> memref<128x32xf32, #tpu.memory_space<vmem>>
    %dma_wait3A_775 = arith.constant 0 : i32
    %dma_wait3A_776 = tpu.memref_slice %arg8[%dma_wait3A_771, %dma_wait3A_775] : memref<40x128xi32, #tpu.memory_space<vmem>> -> memref<1x128xi32, #tpu.memory_space<vmem>>
    %dma_wait3A_777 = tpu.memref_squeeze %dma_wait3A_776 : memref<1x128xi32, #tpu.memory_space<vmem>> -> memref<128xi32, #tpu.memory_space<vmem>>
    %dma_wait3A_778 = arith.constant 0 : i32
    %dma_wait3A_779 = arith.constant 0 : i32
    %dma_wait3A_780 = tpu.memref_slice %arg9[%dma_wait3A_778, %dma_wait3A_779] : memref<10240x32xf32, #tpu.memory_space<vmem_shared>> -> memref<10240x32xf32, #tpu.memory_space<vmem_shared>>
    tpu.wait_indirect_dma semaphore(%arg12 : memref<!tpu.dma_semaphore, #tpu.memory_space<semaphore_mem>>) src(%dma_wait3A_774 : memref<128x32xf32, #tpu.memory_space<vmem>>) dst(%dma_wait3A_780 : memref<10240x32xf32, #tpu.memory_space<vmem_shared>>)
    %dma_wait3A_781 = arith.constant 33 : i32
    %dma_wait3A_782 = arith.constant 128 : i32
    %dma_wait3A_783 = arith.constant 0 : i32
    %dma_wait3A_784 = tpu.memref_slice %arg6[%dma_wait3A_782, %dma_wait3A_783] : memref<1024x32xf32, #tpu.memory_space<vmem>> -> memref<128x32xf32, #tpu.memory_space<vmem>>
    %dma_wait3A_785 = arith.constant 0 : i32
    %dma_wait3A_786 = tpu.memref_slice %arg8[%dma_wait3A_781, %dma_wait3A_785] : memref<40x128xi32, #tpu.memory_space<vmem>> -> memref<1x128xi32, #tpu.memory_space<vmem>>
    %dma_wait3A_787 = tpu.memref_squeeze %dma_wait3A_786 : memref<1x128xi32, #tpu.memory_space<vmem>> -> memref<128xi32, #tpu.memory_space<vmem>>
    %dma_wait3A_788 = arith.constant 0 : i32
    %dma_wait3A_789 = arith.constant 0 : i32
    %dma_wait3A_790 = tpu.memref_slice %arg9[%dma_wait3A_788, %dma_wait3A_789] : memref<10240x32xf32, #tpu.memory_space<vmem_shared>> -> memref<10240x32xf32, #tpu.memory_space<vmem_shared>>
    tpu.wait_indirect_dma semaphore(%arg12 : memref<!tpu.dma_semaphore, #tpu.memory_space<semaphore_mem>>) src(%dma_wait3A_784 : memref<128x32xf32, #tpu.memory_space<vmem>>) dst(%dma_wait3A_790 : memref<10240x32xf32, #tpu.memory_space<vmem_shared>>)
    %dma_wait3A_791 = arith.constant 34 : i32
    %dma_wait3A_792 = arith.constant 256 : i32
    %dma_wait3A_793 = arith.constant 0 : i32
    %dma_wait3A_794 = tpu.memref_slice %arg6[%dma_wait3A_792, %dma_wait3A_793] : memref<1024x32xf32, #tpu.memory_space<vmem>> -> memref<128x32xf32, #tpu.memory_space<vmem>>
    %dma_wait3A_795 = arith.constant 0 : i32
    %dma_wait3A_796 = tpu.memref_slice %arg8[%dma_wait3A_791, %dma_wait3A_795] : memref<40x128xi32, #tpu.memory_space<vmem>> -> memref<1x128xi32, #tpu.memory_space<vmem>>
    %dma_wait3A_797 = tpu.memref_squeeze %dma_wait3A_796 : memref<1x128xi32, #tpu.memory_space<vmem>> -> memref<128xi32, #tpu.memory_space<vmem>>
    %dma_wait3A_798 = arith.constant 0 : i32
    %dma_wait3A_799 = arith.constant 0 : i32
    %dma_wait3A_800 = tpu.memref_slice %arg9[%dma_wait3A_798, %dma_wait3A_799] : memref<10240x32xf32, #tpu.memory_space<vmem_shared>> -> memref<10240x32xf32, #tpu.memory_space<vmem_shared>>
    tpu.wait_indirect_dma semaphore(%arg12 : memref<!tpu.dma_semaphore, #tpu.memory_space<semaphore_mem>>) src(%dma_wait3A_794 : memref<128x32xf32, #tpu.memory_space<vmem>>) dst(%dma_wait3A_800 : memref<10240x32xf32, #tpu.memory_space<vmem_shared>>)
    %dma_wait3A_801 = arith.constant 35 : i32
    %dma_wait3A_802 = arith.constant 384 : i32
    %dma_wait3A_803 = arith.constant 0 : i32
    %dma_wait3A_804 = tpu.memref_slice %arg6[%dma_wait3A_802, %dma_wait3A_803] : memref<1024x32xf32, #tpu.memory_space<vmem>> -> memref<128x32xf32, #tpu.memory_space<vmem>>
    %dma_wait3A_805 = arith.constant 0 : i32
    %dma_wait3A_806 = tpu.memref_slice %arg8[%dma_wait3A_801, %dma_wait3A_805] : memref<40x128xi32, #tpu.memory_space<vmem>> -> memref<1x128xi32, #tpu.memory_space<vmem>>
    %dma_wait3A_807 = tpu.memref_squeeze %dma_wait3A_806 : memref<1x128xi32, #tpu.memory_space<vmem>> -> memref<128xi32, #tpu.memory_space<vmem>>
    %dma_wait3A_808 = arith.constant 0 : i32
    %dma_wait3A_809 = arith.constant 0 : i32
    %dma_wait3A_810 = tpu.memref_slice %arg9[%dma_wait3A_808, %dma_wait3A_809] : memref<10240x32xf32, #tpu.memory_space<vmem_shared>> -> memref<10240x32xf32, #tpu.memory_space<vmem_shared>>
    tpu.wait_indirect_dma semaphore(%arg12 : memref<!tpu.dma_semaphore, #tpu.memory_space<semaphore_mem>>) src(%dma_wait3A_804 : memref<128x32xf32, #tpu.memory_space<vmem>>) dst(%dma_wait3A_810 : memref<10240x32xf32, #tpu.memory_space<vmem_shared>>)
    %dma_wait3A_811 = arith.constant 36 : i32
    %dma_wait3A_812 = arith.constant 512 : i32
    %dma_wait3A_813 = arith.constant 0 : i32
    %dma_wait3A_814 = tpu.memref_slice %arg6[%dma_wait3A_812, %dma_wait3A_813] : memref<1024x32xf32, #tpu.memory_space<vmem>> -> memref<128x32xf32, #tpu.memory_space<vmem>>
    %dma_wait3A_815 = arith.constant 0 : i32
    %dma_wait3A_816 = tpu.memref_slice %arg8[%dma_wait3A_811, %dma_wait3A_815] : memref<40x128xi32, #tpu.memory_space<vmem>> -> memref<1x128xi32, #tpu.memory_space<vmem>>
    %dma_wait3A_817 = tpu.memref_squeeze %dma_wait3A_816 : memref<1x128xi32, #tpu.memory_space<vmem>> -> memref<128xi32, #tpu.memory_space<vmem>>
    %dma_wait3A_818 = arith.constant 0 : i32
    %dma_wait3A_819 = arith.constant 0 : i32
    %dma_wait3A_820 = tpu.memref_slice %arg9[%dma_wait3A_818, %dma_wait3A_819] : memref<10240x32xf32, #tpu.memory_space<vmem_shared>> -> memref<10240x32xf32, #tpu.memory_space<vmem_shared>>
    tpu.wait_indirect_dma semaphore(%arg12 : memref<!tpu.dma_semaphore, #tpu.memory_space<semaphore_mem>>) src(%dma_wait3A_814 : memref<128x32xf32, #tpu.memory_space<vmem>>) dst(%dma_wait3A_820 : memref<10240x32xf32, #tpu.memory_space<vmem_shared>>)
    %dma_wait3A_821 = arith.constant 37 : i32
    %dma_wait3A_822 = arith.constant 640 : i32
    %dma_wait3A_823 = arith.constant 0 : i32
    %dma_wait3A_824 = tpu.memref_slice %arg6[%dma_wait3A_822, %dma_wait3A_823] : memref<1024x32xf32, #tpu.memory_space<vmem>> -> memref<128x32xf32, #tpu.memory_space<vmem>>
    %dma_wait3A_825 = arith.constant 0 : i32
    %dma_wait3A_826 = tpu.memref_slice %arg8[%dma_wait3A_821, %dma_wait3A_825] : memref<40x128xi32, #tpu.memory_space<vmem>> -> memref<1x128xi32, #tpu.memory_space<vmem>>
    %dma_wait3A_827 = tpu.memref_squeeze %dma_wait3A_826 : memref<1x128xi32, #tpu.memory_space<vmem>> -> memref<128xi32, #tpu.memory_space<vmem>>
    %dma_wait3A_828 = arith.constant 0 : i32
    %dma_wait3A_829 = arith.constant 0 : i32
    %dma_wait3A_830 = tpu.memref_slice %arg9[%dma_wait3A_828, %dma_wait3A_829] : memref<10240x32xf32, #tpu.memory_space<vmem_shared>> -> memref<10240x32xf32, #tpu.memory_space<vmem_shared>>
    tpu.wait_indirect_dma semaphore(%arg12 : memref<!tpu.dma_semaphore, #tpu.memory_space<semaphore_mem>>) src(%dma_wait3A_824 : memref<128x32xf32, #tpu.memory_space<vmem>>) dst(%dma_wait3A_830 : memref<10240x32xf32, #tpu.memory_space<vmem_shared>>)
    %dma_wait3A_831 = arith.constant 38 : i32
    %dma_wait3A_832 = arith.constant 768 : i32
    %dma_wait3A_833 = arith.constant 0 : i32
    %dma_wait3A_834 = tpu.memref_slice %arg6[%dma_wait3A_832, %dma_wait3A_833] : memref<1024x32xf32, #tpu.memory_space<vmem>> -> memref<128x32xf32, #tpu.memory_space<vmem>>
    %dma_wait3A_835 = arith.constant 0 : i32
    %dma_wait3A_836 = tpu.memref_slice %arg8[%dma_wait3A_831, %dma_wait3A_835] : memref<40x128xi32, #tpu.memory_space<vmem>> -> memref<1x128xi32, #tpu.memory_space<vmem>>
    %dma_wait3A_837 = tpu.memref_squeeze %dma_wait3A_836 : memref<1x128xi32, #tpu.memory_space<vmem>> -> memref<128xi32, #tpu.memory_space<vmem>>
    %dma_wait3A_838 = arith.constant 0 : i32
    %dma_wait3A_839 = arith.constant 0 : i32
    %dma_wait3A_840 = tpu.memref_slice %arg9[%dma_wait3A_838, %dma_wait3A_839] : memref<10240x32xf32, #tpu.memory_space<vmem_shared>> -> memref<10240x32xf32, #tpu.memory_space<vmem_shared>>
    tpu.wait_indirect_dma semaphore(%arg12 : memref<!tpu.dma_semaphore, #tpu.memory_space<semaphore_mem>>) src(%dma_wait3A_834 : memref<128x32xf32, #tpu.memory_space<vmem>>) dst(%dma_wait3A_840 : memref<10240x32xf32, #tpu.memory_space<vmem_shared>>)
    %dma_wait3A_841 = arith.constant 39 : i32
    %dma_wait3A_842 = arith.constant 896 : i32
    %dma_wait3A_843 = arith.constant 0 : i32
    %dma_wait3A_844 = tpu.memref_slice %arg6[%dma_wait3A_842, %dma_wait3A_843] : memref<1024x32xf32, #tpu.memory_space<vmem>> -> memref<128x32xf32, #tpu.memory_space<vmem>>
    %dma_wait3A_845 = arith.constant 0 : i32
    %dma_wait3A_846 = tpu.memref_slice %arg8[%dma_wait3A_841, %dma_wait3A_845] : memref<40x128xi32, #tpu.memory_space<vmem>> -> memref<1x128xi32, #tpu.memory_space<vmem>>
    %dma_wait3A_847 = tpu.memref_squeeze %dma_wait3A_846 : memref<1x128xi32, #tpu.memory_space<vmem>> -> memref<128xi32, #tpu.memory_space<vmem>>
    %dma_wait3A_848 = arith.constant 0 : i32
    %dma_wait3A_849 = arith.constant 0 : i32
    %dma_wait3A_850 = tpu.memref_slice %arg9[%dma_wait3A_848, %dma_wait3A_849] : memref<10240x32xf32, #tpu.memory_space<vmem_shared>> -> memref<10240x32xf32, #tpu.memory_space<vmem_shared>>
    tpu.wait_indirect_dma semaphore(%arg12 : memref<!tpu.dma_semaphore, #tpu.memory_space<semaphore_mem>>) src(%dma_wait3A_844 : memref<128x32xf32, #tpu.memory_space<vmem>>) dst(%dma_wait3A_850 : memref<10240x32xf32, #tpu.memory_space<vmem_shared>>)
    %barrier3A_851 = arith.constant 0 : index
    tpu.barrier barrier_id(%barrier3A_851)
    %mul3A_852 = arith.constant 640 : i32
    %mul3A_853 = arith.muli %arg1, %mul3A_852 : i32
    %mul3A_854 = arith.constant 640 : i32
    %mul3A_855 = arith.muli %arg1, %mul3A_854 : i32
    "tpu.region"() ({
      %run_scoped3A = tpu.sem_alloc : memref<!tpu.dma_semaphore, #tpu.memory_space<semaphore_mem>>
      %dma_start3A_856 = arith.constant 0 : i32
      %dma_start3A_857 = tpu.memref_slice %arg5[%arg0, %mul3A_855, %dma_start3A_856] : memref<2x10240x32xf32, #tpu.memory_space<hbm>> -> memref<1x640x32xf32, #tpu.memory_space<hbm>>
      %dma_start3A_858 = tpu.memref_squeeze %dma_start3A_857 : memref<1x640x32xf32, #tpu.memory_space<hbm>> -> memref<640x32xf32, #tpu.memory_space<hbm>>
      %dma_start3A_859 = arith.constant 0 : i32
      %dma_start3A_860 = tpu.memref_slice %arg9[%mul3A_853, %dma_start3A_859] : memref<10240x32xf32, #tpu.memory_space<vmem_shared>> -> memref<640x32xf32, #tpu.memory_space<vmem_shared>>
      tpu.enqueue_dma source(%dma_start3A_860 : memref<640x32xf32, #tpu.memory_space<vmem_shared>>) target(%dma_start3A_858 : memref<640x32xf32, #tpu.memory_space<hbm>>) target_semaphore(%run_scoped3A : memref<!tpu.dma_semaphore, #tpu.memory_space<semaphore_mem>>)
      %dma_wait3A_861 = arith.constant 0 : i32
      %dma_wait3A_862 = tpu.memref_slice %arg5[%arg0, %mul3A_855, %dma_wait3A_861] : memref<2x10240x32xf32, #tpu.memory_space<hbm>> -> memref<1x640x32xf32, #tpu.memory_space<hbm>>
      %dma_wait3A_863 = tpu.memref_squeeze %dma_wait3A_862 : memref<1x640x32xf32, #tpu.memory_space<hbm>> -> memref<640x32xf32, #tpu.memory_space<hbm>>
      %dma_wait3A_864 = arith.constant 0 : i32
      %dma_wait3A_865 = tpu.memref_slice %arg9[%mul3A_853, %dma_wait3A_864] : memref<10240x32xf32, #tpu.memory_space<vmem_shared>> -> memref<640x32xf32, #tpu.memory_space<vmem_shared>>
      tpu.wait_dma2 semaphore(%run_scoped3A : memref<!tpu.dma_semaphore, #tpu.memory_space<semaphore_mem>>) src(%dma_wait3A_865 : memref<640x32xf32, #tpu.memory_space<vmem_shared>>) dst(%dma_wait3A_863 : memref<640x32xf32, #tpu.memory_space<hbm>>)
      tpu.yield
    }) : () -> ()
    return
  }
}

module attributes {stable_mosaic.version = 14 : i64} {
  func.func @_msg_body(%arg0: i32, %arg1: memref<2000x16xf32, #tpu.memory_space<vmem>>, %arg2: memref<2000x32xf32, #tpu.memory_space<vmem>>, %arg3: memref<16x32xf32, #tpu.memory_space<vmem>>, %arg4: memref<1x32xf32, #tpu.memory_space<vmem>>, %arg5: memref<32x64xf32, #tpu.memory_space<vmem>>, %arg6: memref<1x64xf32, #tpu.memory_space<vmem>>, %arg7: memref<64x1024xf32, #tpu.memory_space<vmem>>, %arg8: memref<1x1024xf32, #tpu.memory_space<vmem>>, %arg9: memref<1024x32xf32, #tpu.memory_space<vmem>>, %arg10: memref<2000x32xf32, #tpu.memory_space<vmem>>) attributes {dimension_semantics = [#tpu.dimension_semantics<arbitrary>], iteration_bounds = array<i64: 80>, scalar_prefetch = 0 : i64, scratch_operands = 0 : i64, tpu.core_type = #tpu.core_type<tc>, window_params = [{transform_indices = @transform_0, window_bounds = array<i64: 2000, 16>}, {transform_indices = @transform_1, window_bounds = array<i64: 2000, 32>}, {pipeline_mode = #tpu.pipeline_mode<synchronous>, transform_indices = @transform_2, window_bounds = array<i64: 16, 32>}, {pipeline_mode = #tpu.pipeline_mode<synchronous>, transform_indices = @transform_3, window_bounds = array<i64: 1, 32>}, {pipeline_mode = #tpu.pipeline_mode<synchronous>, transform_indices = @transform_4, window_bounds = array<i64: 32, 64>}, {pipeline_mode = #tpu.pipeline_mode<synchronous>, transform_indices = @transform_5, window_bounds = array<i64: 1, 64>}, {pipeline_mode = #tpu.pipeline_mode<synchronous>, transform_indices = @transform_6, window_bounds = array<i64: 64, 1024>}, {pipeline_mode = #tpu.pipeline_mode<synchronous>, transform_indices = @transform_7, window_bounds = array<i64: 1, 1024>}, {pipeline_mode = #tpu.pipeline_mode<synchronous>, transform_indices = @transform_8, window_bounds = array<i64: 1024, 32>}, {transform_indices = @transform_9, window_bounds = array<i64: 2000, 32>}]} {
    %get3A = arith.constant 0 : index
    %get3A_0 = arith.constant 0 : index
    %get3A_1 = vector.load %arg1[%get3A, %get3A_0] : memref<2000x16xf32, #tpu.memory_space<vmem>>, vector<2000x16xf32>
    %get3A_2 = arith.constant 0 : index
    %get3A_3 = arith.constant 0 : index
    %get3A_4 = vector.load %arg2[%get3A_2, %get3A_3] : memref<2000x32xf32, #tpu.memory_space<vmem>>, vector<2000x32xf32>
    %get3A_5 = arith.constant 0 : index
    %get3A_6 = arith.constant 0 : index
    %get3A_7 = vector.load %arg3[%get3A_5, %get3A_6] : memref<16x32xf32, #tpu.memory_space<vmem>>, vector<16x32xf32>
    %dot_general3A = arith.constant dense<0.000000e+00> : vector<2000x32xf32>
    %dot_general3A_8 = tpu.matmul %get3A_1, %get3A_7, %dot_general3A {dimension_numbers = #tpu.dot_dimension_numbers<[1], [0], [0], [1], [0, 0, 1, 1], [], []>, transpose_lhs_hint = false} : vector<2000x16xf32>, vector<16x32xf32>, vector<2000x32xf32> -> vector<2000x32xf32>
    %get3A_9 = arith.constant 0 : index
    %get3A_10 = arith.constant 0 : index
    %get3A_11 = vector.load %arg4[%get3A_9, %get3A_10] : memref<1x32xf32, #tpu.memory_space<vmem>>, vector<1x32xf32>
    %add3A = vector.broadcast %get3A_11 : vector<1x32xf32> to vector<2000x32xf32>
    %add3A_12 = arith.addf %dot_general3A_8, %add3A : vector<2000x32xf32>
    %neg3A = arith.constant 0.000000e+00 : f32
    %neg3A_13 = vector.broadcast %neg3A : f32 to vector<2000x32xf32>
    %neg3A_14 = arith.subf %neg3A_13, %add3A_12 : vector<2000x32xf32>
    %exp3A = math.exp %neg3A_14 : vector<2000x32xf32>
    %add3A_15 = arith.constant 1.000000e+00 : f32
    %add3A_16 = vector.broadcast %add3A_15 : f32 to vector<2000x32xf32>
    %add3A_17 = arith.addf %add3A_16, %exp3A : vector<2000x32xf32>
    %div3A = arith.constant 1.000000e+00 : f32
    %div3A_18 = vector.broadcast %div3A : f32 to vector<2000x32xf32>
    %div3A_19 = arith.divf %div3A_18, %add3A_17 : vector<2000x32xf32>
    %get3A_20 = arith.constant 0 : index
    %get3A_21 = arith.constant 0 : index
    %get3A_22 = vector.load %arg5[%get3A_20, %get3A_21] : memref<32x64xf32, #tpu.memory_space<vmem>>, vector<32x64xf32>
    %dot_general3A_23 = arith.constant dense<0.000000e+00> : vector<2000x64xf32>
    %dot_general3A_24 = tpu.matmul %div3A_19, %get3A_22, %dot_general3A_23 {dimension_numbers = #tpu.dot_dimension_numbers<[1], [0], [0], [1], [0, 0, 1, 1], [], []>, transpose_lhs_hint = false} : vector<2000x32xf32>, vector<32x64xf32>, vector<2000x64xf32> -> vector<2000x64xf32>
    %get3A_25 = arith.constant 0 : index
    %get3A_26 = arith.constant 0 : index
    %get3A_27 = vector.load %arg6[%get3A_25, %get3A_26] : memref<1x64xf32, #tpu.memory_space<vmem>>, vector<1x64xf32>
    %add3A_28 = vector.broadcast %get3A_27 : vector<1x64xf32> to vector<2000x64xf32>
    %add3A_29 = arith.addf %dot_general3A_24, %add3A_28 : vector<2000x64xf32>
    %neg3A_30 = arith.constant 0.000000e+00 : f32
    %neg3A_31 = vector.broadcast %neg3A_30 : f32 to vector<2000x64xf32>
    %neg3A_32 = arith.subf %neg3A_31, %add3A_29 : vector<2000x64xf32>
    %exp3A_33 = math.exp %neg3A_32 : vector<2000x64xf32>
    %add3A_34 = arith.constant 1.000000e+00 : f32
    %add3A_35 = vector.broadcast %add3A_34 : f32 to vector<2000x64xf32>
    %add3A_36 = arith.addf %add3A_35, %exp3A_33 : vector<2000x64xf32>
    %div3A_37 = arith.constant 1.000000e+00 : f32
    %div3A_38 = vector.broadcast %div3A_37 : f32 to vector<2000x64xf32>
    %div3A_39 = arith.divf %div3A_38, %add3A_36 : vector<2000x64xf32>
    %get3A_40 = arith.constant 0 : index
    %get3A_41 = arith.constant 0 : index
    %get3A_42 = vector.load %arg7[%get3A_40, %get3A_41] : memref<64x1024xf32, #tpu.memory_space<vmem>>, vector<64x1024xf32>
    %dot_general3A_43 = arith.constant dense<0.000000e+00> : vector<2000x1024xf32>
    %dot_general3A_44 = tpu.matmul %div3A_39, %get3A_42, %dot_general3A_43 {dimension_numbers = #tpu.dot_dimension_numbers<[1], [0], [0], [1], [0, 0, 1, 1], [], []>, transpose_lhs_hint = false} : vector<2000x64xf32>, vector<64x1024xf32>, vector<2000x1024xf32> -> vector<2000x1024xf32>
    %get3A_45 = arith.constant 0 : index
    %get3A_46 = arith.constant 0 : index
    %get3A_47 = vector.load %arg8[%get3A_45, %get3A_46] : memref<1x1024xf32, #tpu.memory_space<vmem>>, vector<1x1024xf32>
    %add3A_48 = vector.broadcast %get3A_47 : vector<1x1024xf32> to vector<2000x1024xf32>
    %add3A_49 = arith.addf %dot_general3A_44, %add3A_48 : vector<2000x1024xf32>
    %tile3A = tpu.concatenate %get3A_4, %get3A_4, %get3A_4, %get3A_4, %get3A_4, %get3A_4, %get3A_4, %get3A_4, %get3A_4, %get3A_4, %get3A_4, %get3A_4, %get3A_4, %get3A_4, %get3A_4, %get3A_4, %get3A_4, %get3A_4, %get3A_4, %get3A_4, %get3A_4, %get3A_4, %get3A_4, %get3A_4, %get3A_4, %get3A_4, %get3A_4, %get3A_4, %get3A_4, %get3A_4, %get3A_4, %get3A_4 in 1 : vector<2000x32xf32>, vector<2000x32xf32>, vector<2000x32xf32>, vector<2000x32xf32>, vector<2000x32xf32>, vector<2000x32xf32>, vector<2000x32xf32>, vector<2000x32xf32>, vector<2000x32xf32>, vector<2000x32xf32>, vector<2000x32xf32>, vector<2000x32xf32>, vector<2000x32xf32>, vector<2000x32xf32>, vector<2000x32xf32>, vector<2000x32xf32>, vector<2000x32xf32>, vector<2000x32xf32>, vector<2000x32xf32>, vector<2000x32xf32>, vector<2000x32xf32>, vector<2000x32xf32>, vector<2000x32xf32>, vector<2000x32xf32>, vector<2000x32xf32>, vector<2000x32xf32>, vector<2000x32xf32>, vector<2000x32xf32>, vector<2000x32xf32>, vector<2000x32xf32>, vector<2000x32xf32>, vector<2000x32xf32> -> vector<2000x1024xf32>
    %mul3A = arith.mulf %add3A_49, %tile3A : vector<2000x1024xf32>
    %get3A_50 = arith.constant 0 : index
    %get3A_51 = arith.constant 0 : index
    %get3A_52 = vector.load %arg9[%get3A_50, %get3A_51] : memref<1024x32xf32, #tpu.memory_space<vmem>>, vector<1024x32xf32>
    %dot_general3A_53 = arith.constant dense<0.000000e+00> : vector<2000x32xf32>
    %dot_general3A_54 = tpu.matmul %mul3A, %get3A_52, %dot_general3A_53 {dimension_numbers = #tpu.dot_dimension_numbers<[1], [0], [0], [1], [0, 0, 1, 1], [], []>, transpose_lhs_hint = false} : vector<2000x1024xf32>, vector<1024x32xf32>, vector<2000x32xf32> -> vector<2000x32xf32>
    %swap3A = arith.constant 0 : index
    %swap3A_55 = arith.constant 0 : index
    %swap3A_56 = vector.load %arg10[%swap3A, %swap3A_55] : memref<2000x32xf32, #tpu.memory_space<vmem>>, vector<2000x32xf32>
    tpu.vector_store %arg10[%swap3A, %swap3A_55], %dot_general3A_54 {strides = array<i32>} : memref<2000x32xf32, #tpu.memory_space<vmem>>, vector<2000x32xf32>,
    return
  }
  func.func @transform_0(%arg0: i32) -> (i32, i32) {
    %c0_i32 = arith.constant 0 : i32
    %c0_i32_0 = arith.constant 0 : i32
    return %arg0, %c0_i32 : i32, i32
  }
  func.func @transform_1(%arg0: i32) -> (i32, i32) {
    %c0_i32 = arith.constant 0 : i32
    %c0_i32_0 = arith.constant 0 : i32
    return %arg0, %c0_i32 : i32, i32
  }
  func.func @transform_2(%arg0: i32) -> (i32, i32) {
    %c0_i32 = arith.constant 0 : i32
    %c0_i32_0 = arith.constant 0 : i32
    %c0_i32_1 = arith.constant 0 : i32
    return %c0_i32, %c0_i32_0 : i32, i32
  }
  func.func @transform_3(%arg0: i32) -> (i32, i32) {
    %c0_i32 = arith.constant 0 : i32
    %c0_i32_0 = arith.constant 0 : i32
    %c0_i32_1 = arith.constant 0 : i32
    return %c0_i32, %c0_i32_0 : i32, i32
  }
  func.func @transform_4(%arg0: i32) -> (i32, i32) {
    %c0_i32 = arith.constant 0 : i32
    %c0_i32_0 = arith.constant 0 : i32
    %c0_i32_1 = arith.constant 0 : i32
    return %c0_i32, %c0_i32_0 : i32, i32
  }
  func.func @transform_5(%arg0: i32) -> (i32, i32) {
    %c0_i32 = arith.constant 0 : i32
    %c0_i32_0 = arith.constant 0 : i32
    %c0_i32_1 = arith.constant 0 : i32
    return %c0_i32, %c0_i32_0 : i32, i32
  }
  func.func @transform_6(%arg0: i32) -> (i32, i32) {
    %c0_i32 = arith.constant 0 : i32
    %c0_i32_0 = arith.constant 0 : i32
    %c0_i32_1 = arith.constant 0 : i32
    return %c0_i32, %c0_i32_0 : i32, i32
  }
  func.func @transform_7(%arg0: i32) -> (i32, i32) {
    %c0_i32 = arith.constant 0 : i32
    %c0_i32_0 = arith.constant 0 : i32
    %c0_i32_1 = arith.constant 0 : i32
    return %c0_i32, %c0_i32_0 : i32, i32
  }
  func.func @transform_8(%arg0: i32) -> (i32, i32) {
    %c0_i32 = arith.constant 0 : i32
    %c0_i32_0 = arith.constant 0 : i32
    %c0_i32_1 = arith.constant 0 : i32
    return %c0_i32, %c0_i32_0 : i32, i32
  }
  func.func @transform_9(%arg0: i32) -> (i32, i32) {
    %c0_i32 = arith.constant 0 : i32
    %c0_i32_0 = arith.constant 0 : i32
    return %arg0, %c0_i32 : i32, i32
  }
}

module attributes {stable_mosaic.version = 14 : i64} {
  func.func @_final_body(%arg0: i32, %arg1: memref<2x10000x32xf32, #tpu.memory_space<vmem>>, %arg2: memref<2x10000x16xf32, #tpu.memory_space<vmem>>, %arg3: memref<10000x32xf32, #tpu.memory_space<vmem>>, %arg4: memref<32x32xf32, #tpu.memory_space<vmem>>, %arg5: memref<1x32xf32, #tpu.memory_space<vmem>>, %arg6: memref<1x32xf32, #tpu.memory_space<vmem>>, %arg7: memref<1x32xf32, #tpu.memory_space<vmem>>, %arg8: memref<10000x32xf32, #tpu.memory_space<vmem>>) attributes {dimension_semantics = [#tpu.dimension_semantics<arbitrary>], iteration_bounds = array<i64: 1>, scalar_prefetch = 0 : i64, scratch_operands = 0 : i64, tpu.core_type = #tpu.core_type<tc>, window_params = [{transform_indices = @transform_0, window_bounds = array<i64: 2, 10000, 32>}, {transform_indices = @transform_1, window_bounds = array<i64: 2, 10000, 16>}, {pipeline_mode = #tpu.pipeline_mode<synchronous>, transform_indices = @transform_2, window_bounds = array<i64: 10000, 32>}, {pipeline_mode = #tpu.pipeline_mode<synchronous>, transform_indices = @transform_3, window_bounds = array<i64: 32, 32>}, {pipeline_mode = #tpu.pipeline_mode<synchronous>, transform_indices = @transform_4, window_bounds = array<i64: 1, 32>}, {pipeline_mode = #tpu.pipeline_mode<synchronous>, transform_indices = @transform_5, window_bounds = array<i64: 1, 32>}, {pipeline_mode = #tpu.pipeline_mode<synchronous>, transform_indices = @transform_6, window_bounds = array<i64: 1, 32>}, {pipeline_mode = #tpu.pipeline_mode<synchronous>, transform_indices = @transform_7, window_bounds = array<i64: 10000, 32>}]} {
    %get3A = arith.constant 0 : index
    %get3A_0 = arith.constant 0 : index
    %get3A_1 = arith.constant 0 : index
    %get3A_2 = vector.load %arg1[%get3A, %get3A_0, %get3A_1] : memref<2x10000x32xf32, #tpu.memory_space<vmem>>, vector<1x10000x32xf32>
    %get3A_3 = vector.shape_cast %get3A_2 : vector<1x10000x32xf32> to vector<10000x32xf32>
    %get3A_4 = arith.constant 1 : index
    %get3A_5 = arith.constant 0 : index
    %get3A_6 = arith.constant 0 : index
    %get3A_7 = vector.load %arg1[%get3A_4, %get3A_5, %get3A_6] : memref<2x10000x32xf32, #tpu.memory_space<vmem>>, vector<1x10000x32xf32>
    %get3A_8 = vector.shape_cast %get3A_7 : vector<1x10000x32xf32> to vector<10000x32xf32>
    %add3A = arith.addf %get3A_3, %get3A_8 : vector<10000x32xf32>
    %get3A_9 = arith.constant 0 : index
    %get3A_10 = arith.constant 0 : index
    %get3A_11 = arith.constant 0 : index
    %get3A_12 = vector.load %arg2[%get3A_9, %get3A_10, %get3A_11] : memref<2x10000x16xf32, #tpu.memory_space<vmem>>, vector<1x10000x1xf32>
    %get3A_13 = vector.shape_cast %get3A_12 : vector<1x10000x1xf32> to vector<10000x1xf32>
    %get3A_14 = arith.constant 1 : index
    %get3A_15 = arith.constant 0 : index
    %get3A_16 = arith.constant 0 : index
    %get3A_17 = vector.load %arg2[%get3A_14, %get3A_15, %get3A_16] : memref<2x10000x16xf32, #tpu.memory_space<vmem>>, vector<1x10000x1xf32>
    %get3A_18 = vector.shape_cast %get3A_17 : vector<1x10000x1xf32> to vector<10000x1xf32>
    %add3A_19 = arith.addf %get3A_13, %get3A_18 : vector<10000x1xf32>
    %max3A = arith.constant 1.000000e+00 : f32
    %max3A_20 = vector.broadcast %max3A : f32 to vector<10000x1xf32>
    %max3A_21 = arith.maximumf %add3A_19, %max3A_20 : vector<10000x1xf32>
    %div3A = vector.broadcast %max3A_21 : vector<10000x1xf32> to vector<10000x32xf32>
    %div3A_22 = arith.divf %add3A, %div3A : vector<10000x32xf32>
    %get3A_23 = arith.constant 0 : index
    %get3A_24 = arith.constant 0 : index
    %get3A_25 = vector.load %arg3[%get3A_23, %get3A_24] : memref<10000x32xf32, #tpu.memory_space<vmem>>, vector<10000x32xf32>
    %get3A_26 = arith.constant 0 : index
    %get3A_27 = arith.constant 0 : index
    %get3A_28 = vector.load %arg4[%get3A_26, %get3A_27] : memref<32x32xf32, #tpu.memory_space<vmem>>, vector<32x32xf32>
    %dot_general3A = arith.constant dense<0.000000e+00> : vector<10000x32xf32>
    %dot_general3A_29 = tpu.matmul %get3A_25, %get3A_28, %dot_general3A {dimension_numbers = #tpu.dot_dimension_numbers<[1], [0], [0], [1], [0, 0, 1, 1], [], []>, transpose_lhs_hint = false} : vector<10000x32xf32>, vector<32x32xf32>, vector<10000x32xf32> -> vector<10000x32xf32>
    %add3A_30 = arith.addf %div3A_22, %dot_general3A_29 : vector<10000x32xf32>
    %get3A_31 = arith.constant 0 : index
    %get3A_32 = arith.constant 0 : index
    %get3A_33 = vector.load %arg5[%get3A_31, %get3A_32] : memref<1x32xf32, #tpu.memory_space<vmem>>, vector<1x32xf32>
    %add3A_34 = vector.broadcast %get3A_33 : vector<1x32xf32> to vector<10000x32xf32>
    %add3A_35 = arith.addf %add3A_30, %add3A_34 : vector<10000x32xf32>
    %ge3A = arith.constant 0.000000e+00 : f32
    %ge3A_36 = vector.broadcast %ge3A : f32 to vector<10000x32xf32>
    %ge3A_37 = arith.cmpf oge, %add3A_35, %ge3A_36 : vector<10000x32xf32>
    %mul3A = arith.constant 0.00999999977 : f32
    %mul3A_38 = vector.broadcast %mul3A : f32 to vector<10000x32xf32>
    %mul3A_39 = arith.mulf %mul3A_38, %add3A_35 : vector<10000x32xf32>
    %select_n3A = arith.select %ge3A_37, %add3A_35, %mul3A_39 : vector<10000x32xi1>, vector<10000x32xf32>
    %reduce_sum3A = arith.constant dense<0.000000e+00> : vector<32xf32>
    %reduce_sum3A_40 = vector.multi_reduction <add>, %select_n3A, %reduce_sum3A [0] : vector<10000x32xf32> to vector<32xf32>
    %broadcast_in_dim3A = vector.shape_cast %reduce_sum3A_40 : vector<32xf32> to vector<1x32xf32>
    %div3A_41 = arith.constant 1.000000e+04 : f32
    %div3A_42 = vector.broadcast %div3A_41 : f32 to vector<1x32xf32>
    %div3A_43 = arith.divf %broadcast_in_dim3A, %div3A_42 : vector<1x32xf32>
    %sub3A = vector.broadcast %div3A_43 : vector<1x32xf32> to vector<10000x32xf32>
    %sub3A_44 = arith.subf %select_n3A, %sub3A : vector<10000x32xf32>
    %mul3A_45 = arith.mulf %sub3A_44, %sub3A_44 : vector<10000x32xf32>
    %reduce_sum3A_46 = arith.constant dense<0.000000e+00> : vector<32xf32>
    %reduce_sum3A_47 = vector.multi_reduction <add>, %mul3A_45, %reduce_sum3A_46 [0] : vector<10000x32xf32> to vector<32xf32>
    %broadcast_in_dim3A_48 = vector.shape_cast %reduce_sum3A_47 : vector<32xf32> to vector<1x32xf32>
    %div3A_49 = arith.constant 1.000000e+04 : f32
    %div3A_50 = vector.broadcast %div3A_49 : f32 to vector<1x32xf32>
    %div3A_51 = arith.divf %broadcast_in_dim3A_48, %div3A_50 : vector<1x32xf32>
    %get3A_52 = arith.constant 0 : index
    %get3A_53 = arith.constant 0 : index
    %get3A_54 = vector.load %arg6[%get3A_52, %get3A_53] : memref<1x32xf32, #tpu.memory_space<vmem>>, vector<1x32xf32>
    %mul3A_55 = vector.broadcast %get3A_54 : vector<1x32xf32> to vector<10000x32xf32>
    %mul3A_56 = arith.mulf %mul3A_55, %sub3A_44 : vector<10000x32xf32>
    %add3A_57 = arith.constant 9.99999974E-6 : f32
    %add3A_58 = vector.broadcast %add3A_57 : f32 to vector<1x32xf32>
    %add3A_59 = arith.addf %div3A_51, %add3A_58 : vector<1x32xf32>
    %rsqrt3A = math.rsqrt %add3A_59 : vector<1x32xf32>
    %mul3A_60 = vector.broadcast %rsqrt3A : vector<1x32xf32> to vector<10000x32xf32>
    %mul3A_61 = arith.mulf %mul3A_56, %mul3A_60 : vector<10000x32xf32>
    %get3A_62 = arith.constant 0 : index
    %get3A_63 = arith.constant 0 : index
    %get3A_64 = vector.load %arg7[%get3A_62, %get3A_63] : memref<1x32xf32, #tpu.memory_space<vmem>>, vector<1x32xf32>
    %add3A_65 = vector.broadcast %get3A_64 : vector<1x32xf32> to vector<10000x32xf32>
    %add3A_66 = arith.addf %mul3A_61, %add3A_65 : vector<10000x32xf32>
    %swap3A = arith.constant 0 : index
    %swap3A_67 = arith.constant 0 : index
    %swap3A_68 = vector.load %arg8[%swap3A, %swap3A_67] : memref<10000x32xf32, #tpu.memory_space<vmem>>, vector<10000x32xf32>
    tpu.vector_store %arg8[%swap3A, %swap3A_67], %add3A_66 {strides = array<i32>} : memref<10000x32xf32, #tpu.memory_space<vmem>>, vector<10000x32xf32>,
    return
  }
  func.func @transform_0(%arg0: i32) -> (i32, i32, i32) {
    %c0_i32 = arith.constant 0 : i32
    %c0_i32_0 = arith.constant 0 : i32
    %c0_i32_1 = arith.constant 0 : i32
    %c0_i32_2 = arith.constant 0 : i32
    return %c0_i32, %c0_i32_0, %c0_i32_1 : i32, i32, i32
  }
  func.func @transform_1(%arg0: i32) -> (i32, i32, i32) {
    %c0_i32 = arith.constant 0 : i32
    %c0_i32_0 = arith.constant 0 : i32
    %c0_i32_1 = arith.constant 0 : i32
    %c0_i32_2 = arith.constant 0 : i32
    return %c0_i32, %c0_i32_0, %c0_i32_1 : i32, i32, i32
  }
  func.func @transform_2(%arg0: i32) -> (i32, i32) {
    %c0_i32 = arith.constant 0 : i32
    %c0_i32_0 = arith.constant 0 : i32
    %c0_i32_1 = arith.constant 0 : i32
    return %c0_i32, %c0_i32_0 : i32, i32
  }
  func.func @transform_3(%arg0: i32) -> (i32, i32) {
    %c0_i32 = arith.constant 0 : i32
    %c0_i32_0 = arith.constant 0 : i32
    %c0_i32_1 = arith.constant 0 : i32
    return %c0_i32, %c0_i32_0 : i32, i32
  }
  func.func @transform_4(%arg0: i32) -> (i32, i32) {
    %c0_i32 = arith.constant 0 : i32
    %c0_i32_0 = arith.constant 0 : i32
    %c0_i32_1 = arith.constant 0 : i32
    return %c0_i32, %c0_i32_0 : i32, i32
  }
  func.func @transform_5(%arg0: i32) -> (i32, i32) {
    %c0_i32 = arith.constant 0 : i32
    %c0_i32_0 = arith.constant 0 : i32
    %c0_i32_1 = arith.constant 0 : i32
    return %c0_i32, %c0_i32_0 : i32, i32
  }
  func.func @transform_6(%arg0: i32) -> (i32, i32) {
    %c0_i32 = arith.constant 0 : i32
    %c0_i32_0 = arith.constant 0 : i32
    %c0_i32_1 = arith.constant 0 : i32
    return %c0_i32, %c0_i32_0 : i32, i32
  }
  func.func @transform_7(%arg0: i32) -> (i32, i32) {
    %c0_i32 = arith.constant 0 : i32
    %c0_i32_0 = arith.constant 0 : i32
    %c0_i32_1 = arith.constant 0 : i32
    return %c0_i32, %c0_i32_0 : i32, i32
  }
}

</mosaic_0001>

<sc_bundles>
// kernel: kernel.6.cloned.1.call-start
scs
__scs_entry_jumppad:
0x0: {  	(pc) =	sbr.rel $0x88, $3  }
0x1: {  	(tag) =	ssettag $0x0;
	lr =	simm.s32 $0x1  }
0x2: {  	[smem:$0x3F94] =	sst lr;
	_ =	strace $0xD0000000  }
0x3: {  	_ = 	snop  }
0x4: {  	_ = 	snop  }
0x5: {  	_ = 	snop  }
0x6: {  	_ = 	snop  }
0x7: {  	_ = 	snop  }
__scs_overlays_trampoline_lowered:
0x8: {  	[smem:$0x3FA3] =	sst s0  }
0x9: {  	[smem:$0x3FA4] =	sst s1  }
0xa: {  	[smem:$0x3FA5] =	sst s2  }
0xb: {  	[smem:$0x3FA6] =	sst s3  }
0xc: {  	[smem:$0x3FA7] =	sst s4  }
0xd: {  	[smem:$0x3FA8] =	sst s5  }
0xe: {  	[smem:$0x3FA9] =	sst s6  }
0xf: {  	[smem:$0x3FAA] =	sst s7  }
0x10: {  	[smem:$0x3FAB] =	sst s8  }
0x11: {  	[smem:$0x3FAC] =	sst s9;
	s0 =	simm.s32 @!p0 $0x0  }
0x12: {  	s1 =	sld [smem:$0x3F92];
	s0 =	simm.s32 @p0 $0x1  }
0x13: {  	[smem:$0x3FAD] =	sst s0;
	s0 =	simm.s32 @!p1 $0x0  }
0x14: {  	s2 =	sld [smem:$0x3F91];
	s0 =	simm.s32 @p1 $0x1  }
0x15: {  	[smem:$0x3FAE] =	sst s0;
	s0 =	simm.s32 @!p2 $0x0  }
0x16: {  	s3 =	sld [smem:$0x3FDB];
	s0 =	simm.s32 @p2 $0x1  }
0x17: {  	s4 =	simm.s32 $0x1BF5;
	[smem:$0x3FB0] =	sst s0  }
0x18: {  	s0 =	sld [smem:$0x3F93];
	_ =	swait.ge [sflag:s4], $0x0  }
0x19: {  	s7 =	sld [smem:$0x3F94]  }
0x1a: {  	s8 =	sadd.s32 $0xFFFFE003, lr  }
0x1b: {  	s9 =	sadd.s32 $0xFFFFFEF7, lr;
	s5 =	simm.s32 $0xFFFFFFFF;
	p2 =	slt.u32 s8, $0xFFFFF086  }
0x1c: {  	p1 =	slt.u32 s9, $0xF7A;
	s5 =	simm.s32 @!p2 $0x0  }
0x1d: {  	s5 =	simm.s32 @p1 $0x1;
	p0 =	seq.s32 s7, s2  }
0x1e: {  	s7 =	smul.u32 @!p0 $0xF7A, s2;
	p2 =	seq.s32 @!p0 s5, $0x0  }
0x1f: {  	s9 =	smul.u32 $0xF7A, s1;
	s8 =	simm.s32 @!p0 $0x1BF5;
	p2 =	por !p2, p0  }
0x20: {  	[sflag:s8] =	ssyncset.s32 @!p0 $0xFFFFF086;
	s6 =	sadd.s32 @!p0 s3, s7;
	s7 =	simm.s32 @!p0 $0x108  }
0x21: {  	s3 =	sadd.s32 s3, s9;
	s6 =	sadd.s32 @!p0 $0x88, s6;
	s7 =	simm.s32 @p2 $0x1082  }
0x22: {  	[simem:s7], [sflag:s8] =	dma.local @!p0 [hbm:s6], $0xF7A  }
0x23: {  	s9 =	sor.u32 $0xD0000000, s2;
	s6 =	simm.s32 $0x108;
	_ =	swait.ge @!p0 [sflag:s8], $0x0  }
0x24: {  	s3 =	sadd.s32 $0x88, s3;
	s6 =	simm.s32 @!p1 $0x1082;
	[sflag:s4] =	ssyncset.s32 $0xFFFFF086  }
0x25: {  	[simem:s6], [sflag:s4] =	dma.local [hbm:s3], $0xF7A  }
0x26: {  	[smem:$0x3F94] =	sst s1;
	(tag) =	ssettag s2;
	_ =	strace s9  }
0x27: {  	s1 =	sld [smem:$0x3FA4]  }
0x28: {  	s2 =	sld [smem:$0x3FA5]  }
0x29: {  	s4 =	sld [smem:$0x3FA7]  }
0x2a: {  	p0 =	seq.s32 s5, $0x0;
	s5 =	sld [smem:$0x3FA8]  }
0x2b: {  	s6 =	sld [smem:$0x3FA9]  }
0x2c: {  	s7 =	sld [smem:$0x3FAA]  }
0x2d: {  	s3 =	simm.s32 $0x108;
	s8 =	sld [smem:$0x3FAB]  }
0x2e: {  	s3 =	simm.s32 @!p0 $0x1082;
	s9 =	sld [smem:$0x3FAC]  }
0x2f: {  	lr =	sadd.s32 s0, s3;
	s0 =	sld [smem:$0x3FA3]  }
0x30: {  	s3 =	sld [smem:$0x3FA6]  }
0x31: {  	[smem:$0x3FAF] =	sst s10  }
0x32: {  	s10 =	sld [smem:$0x3FAD];
	_ =	sdelay $0x3  }
0x33: {  	p0 =	seq.s32 s10, $0x1;
	s10 =	sld [smem:$0x3FAF];
	_ =	sdelay $0x3  }
0x34: {  	[smem:$0x3FAF] =	sst s10  }
0x35: {  	s10 =	sld [smem:$0x3FAE];
	_ =	sdelay $0x3  }
0x36: {  	p1 =	seq.s32 s10, $0x1;
	s10 =	sld [smem:$0x3FAF];
	_ =	sdelay $0x3  }
0x37: {  	[smem:$0x3FAF] =	sst s10  }
0x38: {  	s10 =	sld [smem:$0x3FB0]  }
0x39: {  	_ = 	snop;
	(pc) =	sbr.ind lr, $3  }
0x3a: {  	_ = 	snop  }
0x3b: {  	_ = 	snop  }
0x3c: {  	p2 =	seq.s32 s10, $0x1;
	s10 =	sld [smem:$0x3FAF]  }
0x3d: {  	_ =	shalt  }
0x3e: {  	_ =	shalt  }
0x3f: {  	_ =	shalt  }
0x40: {  	_ =	shalt  }
0x41: {  	_ =	shalt  }
0x42: {  	_ =	shalt  }
0x43: {  	_ =	shalt  }
0x44: {  	_ =	shalt  }
0x45: {  	_ =	shalt  }
0x46: {  	_ =	shalt  }
0x47: {  	_ =	shalt  }
0x48: {  	_ =	shalt  }
0x49: {  	_ =	shalt  }
0x4a: {  	_ =	shalt  }
0x4b: {  	_ =	shalt  }
0x4c: {  	_ =	shalt  }
0x4d: {  	_ =	shalt  }
0x4e: {  	_ =	shalt  }
0x4f: {  	_ =	shalt  }
0x50: {  	_ =	shalt  }
0x51: {  	_ =	shalt  }
0x52: {  	_ =	shalt  }
0x53: {  	_ =	shalt  }
0x54: {  	_ =	shalt  }
0x55: {  	_ =	shalt  }
0x56: {  	_ =	shalt  }
0x57: {  	_ =	shalt  }
0x58: {  	_ =	shalt  }
0x59: {  	_ =	shalt  }
0x5a: {  	_ =	shalt  }
0x5b: {  	_ =	shalt  }
0x5c: {  	_ =	shalt  }
0x5d: {  	_ =	shalt  }
0x5e: {  	_ =	shalt  }
0x5f: {  	_ =	shalt  }
0x60: {  	_ =	shalt  }
0x61: {  	_ =	shalt  }
0x62: {  	_ =	shalt  }
0x63: {  	_ =	shalt  }
0x64: {  	_ =	shalt  }
0x65: {  	_ =	shalt  }
0x66: {  	_ =	shalt  }
0x67: {  	_ =	shalt  }
0x68: {  	_ =	shalt  }
0x69: {  	_ =	shalt  }
0x6a: {  	_ =	shalt  }
0x6b: {  	_ =	shalt  }
0x6c: {  	_ =	shalt  }
0x6d: {  	_ =	shalt  }
0x6e: {  	_ =	shalt  }
0x6f: {  	_ =	shalt  }
0x70: {  	_ =	shalt  }
0x71: {  	_ =	shalt  }
0x72: {  	_ =	shalt  }
0x73: {  	_ =	shalt  }
0x74: {  	_ =	shalt  }
0x75: {  	_ =	shalt  }
0x76: {  	_ =	shalt  }
0x77: {  	_ =	shalt  }
0x78: {  	_ =	shalt  }
0x79: {  	_ =	shalt  }
0x7a: {  	_ =	shalt  }
0x7b: {  	_ =	shalt  }
0x7c: {  	_ =	shalt  }
0x7d: {  	_ =	shalt  }
0x7e: {  	_ =	shalt  }
0x7f: {  	_ =	shalt  }
0x80: {  	_ =	shalt  }
0x81: {  	_ =	shalt  }
0x82: {  	_ =	shalt  }
0x83: {  	_ =	shalt  }
0x84: {  	_ =	shalt  }
0x85: {  	_ =	shalt  }
0x86: {  	_ =	shalt  }
0x87: {  	_ =	shalt  }
.Lfunc_end0:
.L_simem_size_0:
called_computation_lowered:
.L_overlay_start_0:
0x88: {  	s2 =	sld [smem:$0x3FD9]  }
0x89: {  	s3 =	sld [smem:$0x3FFE];
	_ =	sdelay $0x1  }
0x8a: {  	s1 =	srdreg.scid  }
0x8b: {  	s0 =	sand.u32 $0x1, s1  }
0x8c: {  	s14 =	sshll.u32 s0, $0xA;
	s2 =	sadd.s32 s3, s2  }
0x8d: {  	s2 =	sadd.s32 s2, s14  }
0x8e: {  	[smem:$0x3FBB] =	sst s2  }
0x8f: {  	_ = 	snop  }
0x90: {  	s2 =	sld [smem:$0x3FD0];
	_ =	sdelay $0x2  }
0x91: {  	s15 =	simm.s32 $0xA;
	s4 =	simm.s32 $0x10  }
0x92: {  	[smem:s4], [sflag:s15] =	dma.local [hbm:s2], $0x1  }
0x93: {  	_ =	swait.eq [sflag:s15], $0x1  }
0x94: {  	[sflag:s15] =	ssyncset.done $0x0  }
0x95: {  	s16 =	sld [smem:$0x10];
	[sflag:s15] =	ssyncadd.s32 $0xFFFFFFFF  }
0x96: {  	s17 =	sld [smem:$0x11];
	(tm) =	ssettm $0x1  }
0x97: {  	s18 =	sld [smem:$0x3FFB];
	_ =	sdelay $0x3  }
0x98: {  	_ =	strace s18  }
0x99: {  	s4 =	sld [smem:$0x3FFC];
	_ =	sdelay $0x3  }
0x9a: {  	_ =	strace s4  }
0x9b: {  	s4 =	sld [smem:$0x3FFD];
	_ =	sdelay $0x3  }
0x9c: {  	_ =	strace s4  }
0x9d: {  	_ =	strace $0x8FFFFFFF  }
0x9e: {  	s19 =	sld [smem:$0x3FDB];
	_ =	sdelay $0x1  }
0x9f: {  	s5 =	simm.s32 $_scs_section_size  }
0xa0: {  	s6 =	simm.s32 $_size__tile_overlayer_lowered;
	s7 =	simm.s32 $_tile_overlayer_lowered  }
0xa1: {  	s22 =	simm.s32 $0x1BFF;
	s21 =	sshll.u32 s7, $0x1;
	s4 =	sadd.s32 s5, s19  }
0xa2: {  	s8 =	simm.s32 $0x0;
	s20 =	sshll.u32 s6, $0x1;
	s6 =	sadd.s32 s21, s4  }
0xa3: {  	[timem:s8], [sflag:s22] =	dma.local [hbm:s6], s20  }
0xa4: {  	_ =	swait.ge [sflag:s22], s20  }
0xa5: {  	s5 =	ssub.s32 $0x0, s20;
	[sflag:s22] =	ssyncset.done $0x0  }
0xa6: {  	[sflag:s22] =	ssyncadd.s32 s5;
	_ =	sdelay $0x1  }
0xa7: {  	s23 =	simm.s32 $0x1B8B  }
0xa8: {  	_ =	swait.ge [sflag:s23], $0x1  }
0xa9: {  	[sflag:s23] =	ssyncset.done $0x0  }
0xaa: {  	s25 =	simm.s32 $0x1B8E;
	s24 =	sld [smem:$0x3FFE];
	[sflag:s23] =	ssyncadd.s32 $0xFFFFFFFF  }
0xab: {  	s26 =	simm.s32 $execute0_lowered;
	[smem:$0x3FD2] =	sst s25  }
0xac: {  	s6 =	sshll.u32 s26, $0x1;
	_ =	strace $0x80000046;
	[dreg:$0x1] =	wrdreg $0xFFFFFFFF  }
0xad: {  	s28 =	simm.s32 $_size_execute0_lowered;
	s4 =	sadd.s32 s4, s6;
	[dreg:$0x0] =	wrdreg $0x0  }
0xae: {  	s6 =	sshll.u32 s28, $0x1;
	[dreg:$0x2] =	wrdreg s4  }
0xaf: {  	[dreg:$0x3] =	wrdreg s6  }
0xb0: {  	[dreg:$0x4] =	wrdreg $0xC0  }
0xb1: {  	_ =	task [dreg:s8], $0x5FFFF  }
0xb2: {  	[dreg:$0x1] =	wrdreg $0xFFFFFFFF  }
0xb3: {  	[dreg:$0x0] =	wrdreg $0x60  }
0xb4: {  	[dreg:$0x2] =	wrdreg s16  }
0xb5: {  	[dreg:$0x3] =	wrdreg s17  }
0xb6: {  	[dreg:$0x4] =	wrdreg s24  }
0xb7: {  	[dreg:$0x5] =	wrdreg $0x130000  }
0xb8: {  	[dreg:$0x6] =	wrdreg $0x9  }
0xb9: {  	_ =	task.clear_ibuf [dreg:s8], $0x7FFFF;
	_ =	strace $0x90000046  }
0xba: {  	s29 =	simm.s32 $0x9;
	_ =	strace $0x80000048  }
0xbb: {  	_ =	swait.ge [sflag:s29], $0x1  }
0xbc: {  	[sflag:s29] =	ssyncadd.s32 $0xFFFFFFFF  }
0xbd: {  	_ =	strace $0x90000048  }
0xbe: {  	_ =	sfence  }
0xbf: {  	s30 =	sld [smem:$0x0];
	_ =	sdelay $0x2  }
0xc0: {  	s31 =	sshll.u32 s1, $0xD;
	s1 =	sshrl.u32 s1, $0x2  }
0xc1: {  	s3 =	sand.u32 $0x4000, s31;
	s1 =	sadd.s32 s1, s30  }
0xc2: {  	s0 =	sor.u32 s3, s0;
	s1 =	sshll.u32 s1, $0x11  }
0xc3: {  	s0 =	sor.u32 s1, s0  }
0xc4: {  	s0 =	sadd.s32 $0x8F2B, s0  }
0xc5: {  	[sflag:s0] =	ssyncadd.remote.s32 $0x1  }
0xc6: {  	_ =	sfence.sel $0xFFFF  }
0xc7: {  	[dreg:$0x0] =	wrdreg $0xFFFFFFFF;
	(pc) =	sbr.abs _section_cstart, $3  }
0xc8: {  	[dreg:$0x1] =	wrdreg $0xFFFFFFFF  }
0xc9: {  	_ =	task.clear_ibuf [dreg:s8], $0x2FFFF;
	_ =	strace $0x9FFFFFFF  }
0xca: {  	(tm) =	ssettm $0x7FFFFFFF  }
0xcb: {  	_ =	shalt  }
tec
execute0_lowered:
.L_overlay_start_1:
0x0: {  	(tag) =	ssettag $0x1  }
0x1: {  	s11 =	rddreg [dreg:$0x0]  }
0x2: {  	s0 =	rddreg [dreg:$0x1]  }
0x3: {  	s4 =	rddreg [dreg:$0x2]  }
0x4: {  	s2 =	rddreg [dreg:$0x3];
	s8 =	simm.s32 $0x0  }
0x5: {  	[smem:$0x7FF] =	sst s8;
	s7 =	sadd.s32 $0x3800, s4  }
0x6: {  	s19 =	sadd.s32 $0x8A00, s4;
	_ =	strace $0x80000047;
	[dreg:$0x5] =	wrdreg s7  }
0x7: {  	s14 =	simm.s32 $0x180;
	[dreg:$0x6] =	wrdreg s19  }
0x8: {  	s15 =	simm.s32 $0x200;
	[dreg:$0x10] =	wrdreg s14  }
0x9: {  	s16 =	simm.s32 $0x280;
	[dreg:$0x11] =	wrdreg s15  }
0xa: {  	s17 =	simm.s32 $0x300;
	[dreg:$0x12] =	wrdreg s16  }
0xb: {  	s18 =	simm.s32 $0x380;
	[dreg:$0x13] =	wrdreg s17  }
0xc: {  	[dreg:$0x14] =	wrdreg s18;
	s19 =	simm.s32 $0x400  }
0xd: {  	s14 =	simm.s32 $0xB80;
	[dreg:$0x15] =	wrdreg s19  }
0xe: {  	s15 =	simm.s32 $0xC00;
	[smem:$0x7C7] =	sst s14  }
0xf: {  	s16 =	simm.s32 $0xC80;
	[smem:$0x7C8] =	sst s15  }
0x10: {  	s17 =	simm.s32 $0xD00;
	[smem:$0x7C9] =	sst s16  }
0x11: {  	s18 =	simm.s32 $0xD80;
	[smem:$0x7CA] =	sst s17  }
0x12: {  	[smem:$0x7CB] =	sst s18;
	s19 =	simm.s32 $0xE00  }
0x13: {  	s1 =	srdreg.scid;
	s14 =	simm.s32 $0x11600;
	[smem:$0x7CC] =	sst s19  }
0x14: {  	s13 =	stileid.u32;
	s15 =	simm.s32 $0x11680;
	[smem:$0x7DB] =	sst s14  }
0x15: {  	s1 =	sand.u32 $0x1, s1;
	s16 =	simm.s32 $0x11700;
	[smem:$0x7DC] =	sst s15  }
0x16: {  	s3 =	sshll.u32 s13, $0x1;
	s17 =	simm.s32 $0x11780;
	[smem:$0x7DD] =	sst s16  }
0x17: {  	s12 =	sadd.s32 $0x9000, s4;
	s18 =	simm.s32 $0x11800;
	[smem:$0x7DE] =	sst s17  }
0x18: {  	s5 =	sor.u32 s1, s3;
	[smem:$0x7DF] =	sst s18;
	s19 =	simm.s32 $0x11880  }
0x19: {  	s3 =	smul.u32 $0x2800, s13;
	s14 =	simm.s32 $0x11F00;
	[smem:$0x7E0] =	sst s19  }
0x1a: {  	s9 =	smul.u32 $0x28000, s1;
	s15 =	simm.s32 $0x11F80;
	[smem:$0x7ED] =	sst s14  }
0x1b: {  	s6 =	smul.u32 $0x280, s5;
	s16 =	simm.s32 $0x12000;
	[smem:$0x7EE] =	sst s15  }
0x1c: {  	s20 =	smul.u32 $0x28000, s5;
	s17 =	simm.s32 $0x12080;
	[smem:$0x7EF] =	sst s16  }
0x1d: {  	s5 =	smul.u32 $0x5000, s5;
	s18 =	simm.s32 $0x12100;
	[smem:$0x7F0] =	sst s17  }
0x1e: {  	s25 =	sadd.s32 s3, s9;
	s0 =	sadd.s32 s0, s6;
	[smem:$0x7F1] =	sst s18  }
0x1f: {  	s10 =	sadd.s32 s6, s4;
	s22 =	sadd.s32 s12, s5;
	[dreg:$0x8] =	wrdreg s0  }
0x20: {  	s21 =	sshrl.u32 s20, $0x3;
	s20 =	simm.s32 $0x480;
	[dreg:$0x9] =	wrdreg s22  }
0x21: {  	s6 =	sshrl.u32 s25, $0x3;
	s25 =	simm.s32 $0x700;
	[dreg:$0x16] =	wrdreg s20  }
0x22: {  	s5 =	simm.s32 $0x880;
	[dreg:$0x1b] =	wrdreg s25  }
0x23: {  	s19 =	simm.s32 $0x12180;
	[dreg:$0x1e] =	wrdreg s5  }
0x24: {  	s14 =	simm.s32 $0x12680;
	[smem:$0x7F2] =	sst s19  }
0x25: {  	[smem:$0x7FC] =	sst s14  }
0x26: {  	s10 =	sadd.s32 $0x3A00, s10;
	s0 =	rddreg [dreg:$0x6]  }
0x27: {  	s23 =	sadd.s32 s12, s21;
	s12 =	simm.s32 $0x100;
	[dreg:$0x7] =	wrdreg s10  }
0x28: {  	s21 =	simm.s32 $0x500;
	[dreg:$0xf] =	wrdreg s12  }
0x29: {  	s22 =	simm.s32 $0x580;
	[dreg:$0x17] =	wrdreg s21  }
0x2a: {  	s4 =	sadd.s32 s6, s4;
	s6 =	simm.s32 $0x900;
	[dreg:$0x18] =	wrdreg s22  }
0x2b: {  	s20 =	simm.s32 $0xE80;
	[dreg:$0x1f] =	wrdreg s6  }
0x2c: {  	s25 =	simm.s32 $0x1100;
	[smem:$0x7CD] =	sst s20  }
0x2d: {  	s5 =	simm.s32 $0x1280;
	[smem:$0x7D2] =	sst s25  }
0x2e: {  	s24 =	sadd.s32 $0x1000, s23;
	[smem:$0x7D5] =	sst s5  }
0x2f: {  	s26 =	sadd.s32 $0x2000, s23;
	[dreg:$0xa] =	wrdreg s24  }
0x30: {  	s7 =	sadd.s32 $0x3000, s23;
	[dreg:$0xb] =	wrdreg s26  }
0x31: {  	s9 =	sadd.s32 $0x4000, s23;
	[dreg:$0xc] =	wrdreg s7  }
0x32: {  	s10 =	sadd.s32 $0xA9000, s4;
	[dreg:$0xd] =	wrdreg s9  }
0x33: {  	s23 =	simm.s32 $0x600;
	[dreg:$0xe] =	wrdreg s10  }
0x34: {  	s4 =	simm.s32 $0x800;
	[dreg:$0x19] =	wrdreg s23  }
0x35: {  	s12 =	simm.s32 $0xB00;
	[dreg:$0x1d] =	wrdreg s4  }
0x36: {  	s21 =	simm.s32 $0xF00;
	[smem:$0x7C6] =	sst s12  }
0x37: {  	s22 =	simm.s32 $0xF80;
	[smem:$0x7CE] =	sst s21  }
0x38: {  	s6 =	simm.s32 $0x1300;
	[smem:$0x7CF] =	sst s22  }
0x39: {  	s20 =	simm.s32 $0x11900;
	[smem:$0x7D6] =	sst s6  }
0x3a: {  	s24 =	simm.s32 $0x680;
	[smem:$0x7E1] =	sst s20  }
0x3b: {  	s26 =	simm.s32 $0x780;
	[dreg:$0x1a] =	wrdreg s24  }
0x3c: {  	s7 =	simm.s32 $0x980;
	[dreg:$0x1c] =	wrdreg s26  }
0x3d: {  	s28 =	simm.s32 $0xD400;
	s9 =	simm.s32 $0xA00;
	[smem:$0x7C3] =	sst s7  }
0x3e: {  	s29 =	simm.s32 $0xE400;
	s10 =	simm.s32 $0xA80;
	[smem:$0x7C4] =	sst s9  }
0x3f: {  	p0 =	por $0x0, $0x0;
	s23 =	simm.s32 $0x1000;
	[smem:$0x7C5] =	sst s10  }
0x40: {  	s30 =	simm.s32 $0xF400;
	s4 =	simm.s32 $0x1200;
	[smem:$0x7D0] =	sst s23  }
0x41: {  	s31 =	simm.s32 $0x10400;
	s12 =	simm.s32 $0x11580;
	[smem:$0x7D4] =	sst s4  }
0x42: {  	s1 =	ssub.s32 $0x2, s1;
	s21 =	simm.s32 $0x11980;
	[smem:$0x7DA] =	sst s12  }
0x43: {  	s16 =	simm.s32 $0x2400;
	s22 =	simm.s32 $0x11A00;
	[smem:$0x7E2] =	sst s21  }
0x44: {  	s17 =	simm.s32 $0x3400;
	s6 =	simm.s32 $0x11C80;
	[smem:$0x7E3] =	sst s22  }
0x45: {  	s25 =	sshrl.u32 s1, $0x1;
	s20 =	simm.s32 $0x12200;
	[smem:$0x7E8] =	sst s6  }
0x46: {  	s1 =	ssub.s32 s1, s25;
	s25 =	simm.s32 $0x12480;
	[smem:$0x7F3] =	sst s20  }
0x47: {  	s18 =	simm.s32 $0x4400;
	s24 =	simm.s32 $0x1080;
	[smem:$0x7F8] =	sst s25  }
0x48: {  	s15 =	simm.s32 $0x9400;
	s26 =	simm.s32 $0x1180;
	[smem:$0x7D1] =	sst s24  }
0x49: {  	s19 =	simm.s32 $0x5400;
	s7 =	simm.s32 $0x1380;
	[smem:$0x7D3] =	sst s26  }
0x4a: {  	s14 =	simm.s32 $0x1;
	s9 =	simm.s32 $0x11480;
	[smem:$0x7D7] =	sst s7  }
0x4b: {  	s5 =	sadd.s32 s3, s2;
	s10 =	simm.s32 $0x11500;
	[smem:$0x7D8] =	sst s9  }
0x4c: {  	s23 =	simm.s32 $0x11A80;
	s4 =	simm.s32 $0x11C00;
	[smem:$0x7D9] =	sst s10  }
0x4d: {  	s1 =	smax.u32 s1, $0x1;
	s12 =	simm.s32 $0x11E00;
	[smem:$0x7E4] =	sst s23  }
0x4e: {  	s6 =	simm.s32 $0x12800;
	s21 =	simm.s32 $0x12280;
	[smem:$0x7E7] =	sst s4  }
0x4f: {  	s22 =	simm.s32 $0x12300;
	s20 =	simm.s32 $0x6400;
	[smem:$0x7EB] =	sst s12  }
0x50: {  	s25 =	simm.s32 $0xB400;
	s24 =	simm.s32 $0x11B00;
	[smem:$0x7F4] =	sst s21  }
0x51: {  	s26 =	simm.s32 $0x11B80;
	s7 =	sshll.u32 s13, $0x6;
	[smem:$0x7F5] =	sst s22  }
0x52: {  	s9 =	simm.s32 $0x11D00;
	s10 =	simm.s32 $0x11D80;
	[smem:$0x7E5] =	sst s24  }
0x53: {  	s4 =	sshrl.u32 s5, $0x3;
	s13 =	simm.s32 $0x11E80;
	[smem:$0x7E6] =	sst s26  }
0x54: {  	s5 =	simm.s32 $0x4;
	s12 =	simm.s32 $0x11400;
	[smem:$0x7E9] =	sst s9  }
0x55: {  	s23 =	simm.s32 $0x12380;
	s21 =	simm.s32 $0x7400;
	[smem:$0x7EA] =	sst s10  }
0x56: {  	s22 =	simm.s32 $0x8400;
	p1 =	sne.s32 s1, $0x1;
	[smem:$0x7EC] =	sst s13  }
0x57: {  	s1 =	sadd.s32 $0xFFFFFFFF, s1;
	[smem:$0x7F6] =	sst s23;
	s24 =	simm.s32 $0x12400  }
0x58: {  	s3 =	sor.u32 $0x1C04, s7;
	s26 =	simm.s32 $0x12500;
	[smem:$0x7F7] =	sst s24  }
.Ltmp0:
0x59: {  	s9 =	simm.s32 $0x12580;
	[smem:$0x7F9] =	sst s26;
	(pc) =	sbr.rel @!p1 .LBB2_3-.Ltmp0, $4  }
0x5a: {  	s7 =	simm.s32 $0x80;
	s10 =	simm.s32 $0x12600;
	[smem:$0x7FA] =	sst s9  }
0x5b: {  	s13 =	simm.s32 $0x1400;
	s23 =	simm.s32 $0x12700;
	[smem:$0x7FB] =	sst s10  }
0x5c: {  	s24 =	simm.s32 $0xA400;
	s26 =	simm.s32 $0xC400;
	[smem:$0x7FD] =	sst s23  }
0x5d: {  	s23 =	simm.s32 $0x2;
	s9 =	simm.s32 $0x3;
	s10 =	simm.s32 $0x12780  }
0x5e: {  	[spmem:s4], [sflag:s3] =	dma.local [hbm:s0], $0x500  }
0x5f: {  	_ =	swait.ge [sflag:s5], $0x500  }
0x60: {  	[sflag:s5] =	ssyncset.done $0x0  }
0x61: {  	s0 =	rddreg [dreg:$0x5];
	[sflag:s5] =	ssyncadd.s32 $0xFFFFFB00  }
0x62: {  	[tilespmem:s6], [sflag:$0x4] =	stream.linear.gather [hbm4b:s0+s8], $0x800, $0x38;
	[tilespmem:$0x15800] =	vst v63  }
0x63: {  	_ =	swait.ge [sflag:s5], $0x800  }
0x64: {  	[sflag:s5] =	ssyncset.done $0x0  }
0x65: {  	s0 =	rddreg [dreg:$0x7];
	[sflag:s5] =	ssyncadd.s32 $0xFFFFF800  }
0x66: {  	[tilespmem:s12], [sflag:$0x4] =	stream.linear.gather [hbm4b:s0+s8], $0x1400, $0x38;
	[tilespmem:$0x15800] =	vst v63  }
0x67: {  	_ =	swait.ge [sflag:s5], $0x1400  }
0x68: {  	[sflag:s5] =	ssyncset.done $0x0  }
0x69: {  	s0 =	rddreg [dreg:$0x8];
	[sflag:s5] =	ssyncadd.s32 $0xFFFFEC00  }
0x6a: {  	[tilespmem:s8], [sflag:$0x4] =	stream.linear.gather [hbm4b:s0+s8], $0x1400, $0x38;
	[tilespmem:$0x15800] =	vst v63  }
0x6b: {  	_ =	swait.ge [sflag:s5], $0x1400  }
0x6c: {  	[sflag:s5] =	ssyncset.done $0x0  }
0x6d: {  	[sflag:s5] =	ssyncadd.s32 $0xFFFFEC00  }
0x6e: {  	[tilespmem:s13], [sflag:$0x1] =	stream.indirect.gather [hbm4b:s11+s7], $0x20, s8, s7, $0xb8;
	[tilespmem:$0x15800] =	vst v63  }
0x6f: {  	s0 =	rddreg [dreg:$0xf]  }
0x70: {  	[tilespmem:s16], [sflag:$0x1] =	stream.indirect.gather [hbm4b:s11+s7], $0x20, s7, s7, $0xb8;
	[tilespmem:$0x15800] =	vst v63  }
0x71: {  	[smem:$0x7C2] =	sst s1  }
0x72: {  	[tilespmem:s17], [sflag:$0x1] =	stream.indirect.gather [hbm4b:s11+s7], $0x20, s0, s7, $0xb8;
	[tilespmem:$0x15800] =	vst v63  }
0x73: {  	s1 =	rddreg [dreg:$0x10]  }
0x74: {  	[tilespmem:s18], [sflag:$0x1] =	stream.indirect.gather [hbm4b:s11+s7], $0x20, s1, s7, $0xb8;
	[tilespmem:$0x15800] =	vst v63  }
0x75: {  	s0 =	rddreg [dreg:$0x11]  }
0x76: {  	[tilespmem:s19], [sflag:$0x1] =	stream.indirect.gather [hbm4b:s11+s7], $0x20, s0, s7, $0xb8;
	[tilespmem:$0x15800] =	vst v63  }
0x77: {  	s1 =	rddreg [dreg:$0x12]  }
0x78: {  	[tilespmem:s20], [sflag:$0x1] =	stream.indirect.gather [hbm4b:s11+s7], $0x20, s1, s7, $0xb8;
	[tilespmem:$0x15800] =	vst v63  }
0x79: {  	s0 =	rddreg [dreg:$0x13]  }
0x7a: {  	[tilespmem:s21], [sflag:$0x1] =	stream.indirect.gather [hbm4b:s11+s7], $0x20, s0, s7, $0xb8;
	[tilespmem:$0x15800] =	vst v63  }
0x7b: {  	s1 =	rddreg [dreg:$0x14]  }
0x7c: {  	[tilespmem:s22], [sflag:$0x1] =	stream.indirect.gather [hbm4b:s11+s7], $0x20, s1, s7, $0xb8;
	[tilespmem:$0x15800] =	vst v63  }
0x7d: {  	s0 =	rddreg [dreg:$0x15]  }
0x7e: {  	[tilespmem:s15], [sflag:$0x2] =	stream.indirect.gather [hbm4b:s11+s7], $0x20, s0, s7, $0xb8;
	[tilespmem:$0x15800] =	vst v63  }
0x7f: {  	s1 =	rddreg [dreg:$0x16]  }
0x80: {  	[tilespmem:s24], [sflag:$0x2] =	stream.indirect.gather [hbm4b:s11+s7], $0x20, s1, s7, $0xb8;
	[tilespmem:$0x15800] =	vst v63  }
0x81: {  	s0 =	rddreg [dreg:$0x17]  }
0x82: {  	[tilespmem:s25], [sflag:$0x2] =	stream.indirect.gather [hbm4b:s11+s7], $0x20, s0, s7, $0xb8;
	[tilespmem:$0x15800] =	vst v63  }
0x83: {  	s1 =	rddreg [dreg:$0x18]  }
0x84: {  	[tilespmem:s26], [sflag:$0x2] =	stream.indirect.gather [hbm4b:s11+s7], $0x20, s1, s7, $0xb8;
	[tilespmem:$0x15800] =	vst v63  }
0x85: {  	s0 =	rddreg [dreg:$0x19]  }
0x86: {  	[tilespmem:s28], [sflag:$0x2] =	stream.indirect.gather [hbm4b:s11+s7], $0x20, s0, s7, $0xb8;
	[tilespmem:$0x15800] =	vst v63  }
0x87: {  	s1 =	rddreg [dreg:$0x1a]  }
0x88: {  	[tilespmem:s29], [sflag:$0x2] =	stream.indirect.gather [hbm4b:s11+s7], $0x20, s1, s7, $0xb8;
	[tilespmem:$0x15800] =	vst v63  }
0x89: {  	s0 =	rddreg [dreg:$0x1b]  }
0x8a: {  	[tilespmem:s30], [sflag:$0x2] =	stream.indirect.gather [hbm4b:s11+s7], $0x20, s0, s7, $0xb8;
	[tilespmem:$0x15800] =	vst v63  }
0x8b: {  	s1 =	rddreg [dreg:$0x1c]  }
0x8c: {  	[tilespmem:s31], [sflag:$0x2] =	stream.indirect.gather [hbm4b:s11+s7], $0x20, s1, s7, $0xb8;
	[tilespmem:$0x15800] =	vst v63  }
0x8d: {  	_ =	swait.ge [sflag:s14], $0x1000  }
0x8e: {  	[sflag:s14] =	ssyncset.done $0x0  }
0x8f: {  	[sflag:s14] =	ssyncadd.s32 $0xFFFFF000  }
0x90: {  	_ =	swait.ge [sflag:s14], $0x1000  }
0x91: {  	[sflag:s14] =	ssyncset.done $0x0  }
0x92: {  	[sflag:s14] =	ssyncadd.s32 $0xFFFFF000  }
0x93: {  	_ =	swait.ge [sflag:s14], $0x1000  }
0x94: {  	[sflag:s14] =	ssyncset.done $0x0  }
0x95: {  	[sflag:s14] =	ssyncadd.s32 $0xFFFFF000  }
0x96: {  	_ =	swait.ge [sflag:s14], $0x1000  }
0x97: {  	[sflag:s14] =	ssyncset.done $0x0  }
0x98: {  	[sflag:s14] =	ssyncadd.s32 $0xFFFFF000  }
0x99: {  	_ =	swait.ge [sflag:s14], $0x1000  }
0x9a: {  	[sflag:s14] =	ssyncset.done $0x0  }
0x9b: {  	[sflag:s14] =	ssyncadd.s32 $0xFFFFF000  }
0x9c: {  	_ =	swait.ge [sflag:s14], $0x1000  }
0x9d: {  	[sflag:s14] =	ssyncset.done $0x0  }
0x9e: {  	[sflag:s14] =	ssyncadd.s32 $0xFFFFF000  }
0x9f: {  	_ =	swait.ge [sflag:s14], $0x1000  }
0xa0: {  	[sflag:s14] =	ssyncset.done $0x0  }
0xa1: {  	[sflag:s14] =	ssyncadd.s32 $0xFFFFF000  }
0xa2: {  	_ =	swait.ge [sflag:s14], $0x1000  }
0xa3: {  	[sflag:s14] =	ssyncset.done $0x0  }
0xa4: {  	s1 =	rddreg [dreg:$0x9];
	[sflag:s14] =	ssyncadd.s32 $0xFFFFF000  }
0xa5: {  	[hbm4b:s1+s8] =	stream.linear.scatter [tilespmem:s13], [sflag:$0x4], $0x8000, $0x38;
	[tilespmem:$0x15800] =	vst v63  }
0xa6: {  	_ =	swait.ge [sflag:s5], $0x8000  }
0xa7: {  	s0 =	rddreg [dreg:$0x1d];
	[sflag:s5] =	ssyncset.done $0x0  }
0xa8: {  	s1 =	rddreg [dreg:$0x1e];
	[sflag:s5] =	ssyncadd.s32 $0xFFFF8000  }
0xa9: {  	[tilespmem:s13], [sflag:$0x1] =	stream.indirect.gather [hbm4b:s11+s7], $0x20, s0, s7, $0xb8;
	[tilespmem:$0x15800] =	vst v63  }
0xaa: {  	s0 =	rddreg [dreg:$0x1f]  }
0xab: {  	[tilespmem:s16], [sflag:$0x1] =	stream.indirect.gather [hbm4b:s11+s7], $0x20, s1, s7, $0xb8;
	[tilespmem:$0x15800] =	vst v63  }
0xac: {  	s1 =	sld [smem:$0x7C3]  }
0xad: {  	[tilespmem:s17], [sflag:$0x1] =	stream.indirect.gather [hbm4b:s11+s7], $0x20, s0, s7, $0xb8;
	[tilespmem:$0x15800] =	vst v63  }
0xae: {  	s0 =	sld [smem:$0x7C4]  }
0xaf: {  	[tilespmem:s18], [sflag:$0x1] =	stream.indirect.gather [hbm4b:s11+s7], $0x20, s1, s7, $0xb8;
	[tilespmem:$0x15800] =	vst v63  }
0xb0: {  	s1 =	sld [smem:$0x7C5]  }
0xb1: {  	[tilespmem:s19], [sflag:$0x1] =	stream.indirect.gather [hbm4b:s11+s7], $0x20, s0, s7, $0xb8;
	[tilespmem:$0x15800] =	vst v63  }
0xb2: {  	s0 =	sld [smem:$0x7C6]  }
0xb3: {  	[tilespmem:s20], [sflag:$0x1] =	stream.indirect.gather [hbm4b:s11+s7], $0x20, s1, s7, $0xb8;
	[tilespmem:$0x15800] =	vst v63  }
0xb4: {  	s1 =	sld [smem:$0x7C7]  }
0xb5: {  	[tilespmem:s21], [sflag:$0x1] =	stream.indirect.gather [hbm4b:s11+s7], $0x20, s0, s7, $0xb8;
	[tilespmem:$0x15800] =	vst v63  }
0xb6: {  	_ = 	snop  }
0xb7: {  	[tilespmem:s22], [sflag:$0x1] =	stream.indirect.gather [hbm4b:s11+s7], $0x20, s1, s7, $0xb8;
	[tilespmem:$0x15800] =	vst v63  }
0xb8: {  	_ =	swait.ge [sflag:s23], $0x1000  }
0xb9: {  	[sflag:s23] =	ssyncset.done $0x0  }
0xba: {  	[sflag:s23] =	ssyncadd.s32 $0xFFFFF000  }
0xbb: {  	_ =	swait.ge [sflag:s23], $0x1000  }
0xbc: {  	[sflag:s23] =	ssyncset.done $0x0  }
0xbd: {  	[sflag:s23] =	ssyncadd.s32 $0xFFFFF000  }
0xbe: {  	_ =	swait.ge [sflag:s23], $0x1000  }
0xbf: {  	[sflag:s23] =	ssyncset.done $0x0  }
0xc0: {  	[sflag:s23] =	ssyncadd.s32 $0xFFFFF000  }
0xc1: {  	_ =	swait.ge [sflag:s23], $0x1000  }
0xc2: {  	[sflag:s23] =	ssyncset.done $0x0  }
0xc3: {  	[sflag:s23] =	ssyncadd.s32 $0xFFFFF000  }
0xc4: {  	_ =	swait.ge [sflag:s23], $0x1000  }
0xc5: {  	[sflag:s23] =	ssyncset.done $0x0  }
0xc6: {  	[sflag:s23] =	ssyncadd.s32 $0xFFFFF000  }
0xc7: {  	_ =	swait.ge [sflag:s23], $0x1000  }
0xc8: {  	[sflag:s23] =	ssyncset.done $0x0  }
0xc9: {  	[sflag:s23] =	ssyncadd.s32 $0xFFFFF000  }
0xca: {  	_ =	swait.ge [sflag:s23], $0x1000  }
0xcb: {  	[sflag:s23] =	ssyncset.done $0x0  }
0xcc: {  	[sflag:s23] =	ssyncadd.s32 $0xFFFFF000  }
0xcd: {  	_ =	swait.ge [sflag:s23], $0x1000  }
0xce: {  	[sflag:s23] =	ssyncset.done $0x0  }
0xcf: {  	s1 =	rddreg [dreg:$0xa];
	[sflag:s23] =	ssyncadd.s32 $0xFFFFF000  }
0xd0: {  	[hbm4b:s1+s8] =	stream.linear.scatter [tilespmem:s15], [sflag:$0x4], $0x8000, $0x38;
	[tilespmem:$0x15800] =	vst v63  }
0xd1: {  	_ =	swait.ge [sflag:s5], $0x8000  }
0xd2: {  	s0 =	sld [smem:$0x7C8]  }
0xd3: {  	[sflag:s5] =	ssyncset.done $0x0  }
0xd4: {  	s1 =	sld [smem:$0x7C9];
	[sflag:s5] =	ssyncadd.s32 $0xFFFF8000  }
0xd5: {  	[tilespmem:s15], [sflag:$0x2] =	stream.indirect.gather [hbm4b:s11+s7], $0x20, s0, s7, $0xb8;
	[tilespmem:$0x15800] =	vst v63  }
0xd6: {  	s0 =	sld [smem:$0x7CA]  }
0xd7: {  	[tilespmem:s24], [sflag:$0x2] =	stream.indirect.gather [hbm4b:s11+s7], $0x20, s1, s7, $0xb8;
	[tilespmem:$0x15800] =	vst v63  }
0xd8: {  	s1 =	sld [smem:$0x7CB]  }
0xd9: {  	[tilespmem:s25], [sflag:$0x2] =	stream.indirect.gather [hbm4b:s11+s7], $0x20, s0, s7, $0xb8;
	[tilespmem:$0x15800] =	vst v63  }
0xda: {  	s0 =	sld [smem:$0x7CC]  }
0xdb: {  	[tilespmem:s26], [sflag:$0x2] =	stream.indirect.gather [hbm4b:s11+s7], $0x20, s1, s7, $0xb8;
	[tilespmem:$0x15800] =	vst v63  }
0xdc: {  	s1 =	sld [smem:$0x7CD]  }
0xdd: {  	[tilespmem:s28], [sflag:$0x2] =	stream.indirect.gather [hbm4b:s11+s7], $0x20, s0, s7, $0xb8;
	[tilespmem:$0x15800] =	vst v63  }
0xde: {  	s0 =	sld [smem:$0x7CE]  }
0xdf: {  	[tilespmem:s29], [sflag:$0x2] =	stream.indirect.gather [hbm4b:s11+s7], $0x20, s1, s7, $0xb8;
	[tilespmem:$0x15800] =	vst v63  }
0xe0: {  	s1 =	sld [smem:$0x7CF]  }
0xe1: {  	[tilespmem:s30], [sflag:$0x2] =	stream.indirect.gather [hbm4b:s11+s7], $0x20, s0, s7, $0xb8;
	[tilespmem:$0x15800] =	vst v63  }
0xe2: {  	_ = 	snop  }
0xe3: {  	[tilespmem:s31], [sflag:$0x2] =	stream.indirect.gather [hbm4b:s11+s7], $0x20, s1, s7, $0xb8;
	[tilespmem:$0x15800] =	vst v63  }
0xe4: {  	_ =	swait.ge [sflag:s14], $0x1000  }
0xe5: {  	[sflag:s14] =	ssyncset.done $0x0  }
0xe6: {  	[sflag:s14] =	ssyncadd.s32 $0xFFFFF000  }
0xe7: {  	_ =	swait.ge [sflag:s14], $0x1000  }
0xe8: {  	[sflag:s14] =	ssyncset.done $0x0  }
0xe9: {  	[sflag:s14] =	ssyncadd.s32 $0xFFFFF000  }
0xea: {  	_ =	swait.ge [sflag:s14], $0x1000  }
0xeb: {  	[sflag:s14] =	ssyncset.done $0x0  }
0xec: {  	[sflag:s14] =	ssyncadd.s32 $0xFFFFF000  }
0xed: {  	_ =	swait.ge [sflag:s14], $0x1000  }
0xee: {  	[sflag:s14] =	ssyncset.done $0x0  }
0xef: {  	[sflag:s14] =	ssyncadd.s32 $0xFFFFF000  }
0xf0: {  	_ =	swait.ge [sflag:s14], $0x1000  }
0xf1: {  	[sflag:s14] =	ssyncset.done $0x0  }
0xf2: {  	[sflag:s14] =	ssyncadd.s32 $0xFFFFF000  }
0xf3: {  	_ =	swait.ge [sflag:s14], $0x1000  }
0xf4: {  	[sflag:s14] =	ssyncset.done $0x0  }
0xf5: {  	[sflag:s14] =	ssyncadd.s32 $0xFFFFF000  }
0xf6: {  	_ =	swait.ge [sflag:s14], $0x1000  }
0xf7: {  	[sflag:s14] =	ssyncset.done $0x0  }
0xf8: {  	[sflag:s14] =	ssyncadd.s32 $0xFFFFF000  }
0xf9: {  	_ =	swait.ge [sflag:s14], $0x1000  }
0xfa: {  	[sflag:s14] =	ssyncset.done $0x0  }
0xfb: {  	s1 =	rddreg [dreg:$0xb];
	[sflag:s14] =	ssyncadd.s32 $0xFFFFF000  }
0xfc: {  	[hbm4b:s1+s8] =	stream.linear.scatter [tilespmem:s13], [sflag:$0x4], $0x8000, $0x38;
	[tilespmem:$0x15800] =	vst v63  }
0xfd: {  	_ =	swait.ge [sflag:s5], $0x8000  }
0xfe: {  	s0 =	sld [smem:$0x7D0]  }
0xff: {  	[sflag:s5] =	ssyncset.done $0x0  }
0x100: {  	s1 =	sld [smem:$0x7D1];
	[sflag:s5] =	ssyncadd.s32 $0xFFFF8000  }
0x101: {  	[tilespmem:s13], [sflag:$0x1] =	stream.indirect.gather [hbm4b:s11+s7], $0x20, s0, s7, $0xb8;
	[tilespmem:$0x15800] =	vst v63  }
0x102: {  	s0 =	sld [smem:$0x7D2]  }
0x103: {  	[tilespmem:s16], [sflag:$0x1] =	stream.indirect.gather [hbm4b:s11+s7], $0x20, s1, s7, $0xb8;
	[tilespmem:$0x15800] =	vst v63  }
0x104: {  	s1 =	sld [smem:$0x7D3]  }
0x105: {  	[tilespmem:s17], [sflag:$0x1] =	stream.indirect.gather [hbm4b:s11+s7], $0x20, s0, s7, $0xb8;
	[tilespmem:$0x15800] =	vst v63  }
0x106: {  	s0 =	sld [smem:$0x7D4]  }
0x107: {  	[tilespmem:s18], [sflag:$0x1] =	stream.indirect.gather [hbm4b:s11+s7], $0x20, s1, s7, $0xb8;
	[tilespmem:$0x15800] =	vst v63  }
0x108: {  	s1 =	sld [smem:$0x7D5]  }
0x109: {  	[tilespmem:s19], [sflag:$0x1] =	stream.indirect.gather [hbm4b:s11+s7], $0x20, s0, s7, $0xb8;
	[tilespmem:$0x15800] =	vst v63  }
0x10a: {  	s0 =	sld [smem:$0x7D6]  }
0x10b: {  	[tilespmem:s20], [sflag:$0x1] =	stream.indirect.gather [hbm4b:s11+s7], $0x20, s1, s7, $0xb8;
	[tilespmem:$0x15800] =	vst v63  }
0x10c: {  	s1 =	sld [smem:$0x7D7]  }
0x10d: {  	[tilespmem:s21], [sflag:$0x1] =	stream.indirect.gather [hbm4b:s11+s7], $0x20, s0, s7, $0xb8;
	[tilespmem:$0x15800] =	vst v63  }
0x10e: {  	_ = 	snop  }
0x10f: {  	[tilespmem:s22], [sflag:$0x1] =	stream.indirect.gather [hbm4b:s11+s7], $0x20, s1, s7, $0xb8;
	[tilespmem:$0x15800] =	vst v63  }
0x110: {  	_ =	swait.ge [sflag:s23], $0x1000  }
0x111: {  	[sflag:s23] =	ssyncset.done $0x0  }
0x112: {  	[sflag:s23] =	ssyncadd.s32 $0xFFFFF000  }
0x113: {  	_ =	swait.ge [sflag:s23], $0x1000  }
0x114: {  	[sflag:s23] =	ssyncset.done $0x0  }
0x115: {  	[sflag:s23] =	ssyncadd.s32 $0xFFFFF000  }
0x116: {  	_ =	swait.ge [sflag:s23], $0x1000  }
0x117: {  	[sflag:s23] =	ssyncset.done $0x0  }
0x118: {  	[sflag:s23] =	ssyncadd.s32 $0xFFFFF000  }
0x119: {  	_ =	swait.ge [sflag:s23], $0x1000  }
0x11a: {  	[sflag:s23] =	ssyncset.done $0x0  }
0x11b: {  	[sflag:s23] =	ssyncadd.s32 $0xFFFFF000  }
0x11c: {  	_ =	swait.ge [sflag:s23], $0x1000  }
0x11d: {  	[sflag:s23] =	ssyncset.done $0x0  }
0x11e: {  	[sflag:s23] =	ssyncadd.s32 $0xFFFFF000  }
0x11f: {  	_ =	swait.ge [sflag:s23], $0x1000  }
0x120: {  	[sflag:s23] =	ssyncset.done $0x0  }
0x121: {  	[sflag:s23] =	ssyncadd.s32 $0xFFFFF000  }
0x122: {  	_ =	swait.ge [sflag:s23], $0x1000  }
0x123: {  	[sflag:s23] =	ssyncset.done $0x0  }
0x124: {  	[sflag:s23] =	ssyncadd.s32 $0xFFFFF000  }
0x125: {  	_ =	swait.ge [sflag:s23], $0x1000  }
0x126: {  	[sflag:s23] =	ssyncset.done $0x0  }
0x127: {  	s1 =	rddreg [dreg:$0xc];
	[sflag:s23] =	ssyncadd.s32 $0xFFFFF000  }
0x128: {  	[hbm4b:s1+s8] =	stream.linear.scatter [tilespmem:s15], [sflag:$0x4], $0x8000, $0x38;
	[tilespmem:$0x15800] =	vst v63  }
0x129: {  	_ =	swait.ge [sflag:s5], $0x8000  }
0x12a: {  	[sflag:s5] =	ssyncset.done $0x0  }
0x12b: {  	[sflag:s5] =	ssyncadd.s32 $0xFFFF8000  }
0x12c: {  	_ =	swait.ge [sflag:s14], $0x1000  }
0x12d: {  	[sflag:s14] =	ssyncset.done $0x0  }
0x12e: {  	[sflag:s14] =	ssyncadd.s32 $0xFFFFF000  }
0x12f: {  	_ =	swait.ge [sflag:s14], $0x1000  }
0x130: {  	[sflag:s14] =	ssyncset.done $0x0  }
0x131: {  	[sflag:s14] =	ssyncadd.s32 $0xFFFFF000  }
0x132: {  	_ =	swait.ge [sflag:s14], $0x1000  }
0x133: {  	[sflag:s14] =	ssyncset.done $0x0  }
0x134: {  	[sflag:s14] =	ssyncadd.s32 $0xFFFFF000  }
0x135: {  	_ =	swait.ge [sflag:s14], $0x1000  }
0x136: {  	[sflag:s14] =	ssyncset.done $0x0  }
0x137: {  	[sflag:s14] =	ssyncadd.s32 $0xFFFFF000  }
0x138: {  	_ =	swait.ge [sflag:s14], $0x1000  }
0x139: {  	[sflag:s14] =	ssyncset.done $0x0  }
0x13a: {  	[sflag:s14] =	ssyncadd.s32 $0xFFFFF000  }
0x13b: {  	_ =	swait.ge [sflag:s14], $0x1000  }
0x13c: {  	[sflag:s14] =	ssyncset.done $0x0  }
0x13d: {  	[sflag:s14] =	ssyncadd.s32 $0xFFFFF000  }
0x13e: {  	_ =	swait.ge [sflag:s14], $0x1000  }
0x13f: {  	[sflag:s14] =	ssyncset.done $0x0  }
0x140: {  	[sflag:s14] =	ssyncadd.s32 $0xFFFFF000  }
0x141: {  	_ =	swait.ge [sflag:s14], $0x1000  }
0x142: {  	[sflag:s14] =	ssyncset.done $0x0  }
0x143: {  	s1 =	rddreg [dreg:$0xd];
	[sflag:s14] =	ssyncadd.s32 $0xFFFFF000  }
0x144: {  	[hbm4b:s1+s8] =	stream.linear.scatter [tilespmem:s13], [sflag:$0x4], $0x8000, $0x38;
	[tilespmem:$0x15800] =	vst v63  }
0x145: {  	_ =	swait.ge [sflag:s5], $0x8000  }
0x146: {  	[sflag:s5] =	ssyncset.done $0x0  }
0x147: {  	[sflag:s5] =	ssyncadd.s32 $0xFFFF8000  }
0x148: {  	[bflag:$0x0] =	sbarrier.arrive $0xFFFF  }
0x149: {  	s0 =	sld [smem:$0x7D8]  }
0x14a: {  	[spmem:s2] =	stream.indirect.scatter.add.f32 [tilespmem:s6], [sflag:$0x3], $0x10, s12, s7, $0xb8;
	[tilespmem:$0x15800] =	vst v63  }
0x14b: {  	s1 =	sld [smem:$0x7D9]  }
0x14c: {  	[spmem:s2] =	stream.indirect.scatter.add.f32 [tilespmem:s6], [sflag:$0x3], $0x10, s0, s7, $0xb8;
	[tilespmem:$0x15800] =	vst v63  }
0x14d: {  	s0 =	sld [smem:$0x7DA]  }
0x14e: {  	[spmem:s2] =	stream.indirect.scatter.add.f32 [tilespmem:s6], [sflag:$0x3], $0x10, s1, s7, $0xb8;
	[tilespmem:$0x15800] =	vst v63  }
0x14f: {  	s1 =	sld [smem:$0x7DB]  }
0x150: {  	[spmem:s2] =	stream.indirect.scatter.add.f32 [tilespmem:s6], [sflag:$0x3], $0x10, s0, s7, $0xb8;
	[tilespmem:$0x15800] =	vst v63  }
0x151: {  	s0 =	sld [smem:$0x7DC]  }
0x152: {  	[spmem:s2] =	stream.indirect.scatter.add.f32 [tilespmem:s6], [sflag:$0x3], $0x10, s1, s7, $0xb8;
	[tilespmem:$0x15800] =	vst v63  }
0x153: {  	s1 =	sld [smem:$0x7DD]  }
0x154: {  	[spmem:s2] =	stream.indirect.scatter.add.f32 [tilespmem:s6], [sflag:$0x3], $0x10, s0, s7, $0xb8;
	[tilespmem:$0x15800] =	vst v63  }
0x155: {  	s0 =	sld [smem:$0x7DE]  }
0x156: {  	[spmem:s2] =	stream.indirect.scatter.add.f32 [tilespmem:s6], [sflag:$0x3], $0x10, s1, s7, $0xb8;
	[tilespmem:$0x15800] =	vst v63  }
0x157: {  	_ = 	snop  }
0x158: {  	[spmem:s2] =	stream.indirect.scatter.add.f32 [tilespmem:s6], [sflag:$0x3], $0x10, s0, s7, $0xb8;
	[tilespmem:$0x15800] =	vst v63  }
0x159: {  	_ =	swait.ge [sflag:s9], $0x800  }
0x15a: {  	[sflag:s9] =	ssyncset.done $0x0  }
0x15b: {  	[sflag:s9] =	ssyncadd.s32 $0xFFFFF800  }
0x15c: {  	_ =	swait.ge [sflag:s9], $0x800  }
0x15d: {  	[sflag:s9] =	ssyncset.done $0x0  }
0x15e: {  	[sflag:s9] =	ssyncadd.s32 $0xFFFFF800  }
0x15f: {  	_ =	swait.ge [sflag:s9], $0x800  }
0x160: {  	[sflag:s9] =	ssyncset.done $0x0  }
0x161: {  	[sflag:s9] =	ssyncadd.s32 $0xFFFFF800  }
0x162: {  	_ =	swait.ge [sflag:s9], $0x800  }
0x163: {  	[sflag:s9] =	ssyncset.done $0x0  }
0x164: {  	[sflag:s9] =	ssyncadd.s32 $0xFFFFF800  }
0x165: {  	_ =	swait.ge [sflag:s9], $0x800  }
0x166: {  	[sflag:s9] =	ssyncset.done $0x0  }
0x167: {  	[sflag:s9] =	ssyncadd.s32 $0xFFFFF800  }
0x168: {  	_ =	swait.ge [sflag:s9], $0x800  }
0x169: {  	[sflag:s9] =	ssyncset.done $0x0  }
0x16a: {  	[sflag:s9] =	ssyncadd.s32 $0xFFFFF800  }
0x16b: {  	_ =	swait.ge [sflag:s9], $0x800  }
0x16c: {  	[sflag:s9] =	ssyncset.done $0x0  }
0x16d: {  	[sflag:s9] =	ssyncadd.s32 $0xFFFFF800  }
0x16e: {  	_ =	swait.ge [sflag:s9], $0x800  }
0x16f: {  	s0 =	sld [smem:$0x7DF]  }
0x170: {  	[sflag:s9] =	ssyncset.done $0x0  }
0x171: {  	s1 =	sld [smem:$0x7E0];
	[sflag:s9] =	ssyncadd.s32 $0xFFFFF800  }
0x172: {  	[spmem:s2] =	stream.indirect.scatter.add.f32 [tilespmem:s6], [sflag:$0x3], $0x10, s0, s7, $0xb8;
	[tilespmem:$0x15800] =	vst v63  }
0x173: {  	s0 =	sld [smem:$0x7E1]  }
0x174: {  	[spmem:s2] =	stream.indirect.scatter.add.f32 [tilespmem:s6], [sflag:$0x3], $0x10, s1, s7, $0xb8;
	[tilespmem:$0x15800] =	vst v63  }
0x175: {  	s1 =	sld [smem:$0x7E2]  }
0x176: {  	[spmem:s2] =	stream.indirect.scatter.add.f32 [tilespmem:s6], [sflag:$0x3], $0x10, s0, s7, $0xb8;
	[tilespmem:$0x15800] =	vst v63  }
0x177: {  	s0 =	sld [smem:$0x7E3]  }
0x178: {  	[spmem:s2] =	stream.indirect.scatter.add.f32 [tilespmem:s6], [sflag:$0x3], $0x10, s1, s7, $0xb8;
	[tilespmem:$0x15800] =	vst v63  }
0x179: {  	s1 =	sld [smem:$0x7E4]  }
0x17a: {  	[spmem:s2] =	stream.indirect.scatter.add.f32 [tilespmem:s6], [sflag:$0x3], $0x10, s0, s7, $0xb8;
	[tilespmem:$0x15800] =	vst v63  }
0x17b: {  	s0 =	sld [smem:$0x7E5]  }
0x17c: {  	[spmem:s2] =	stream.indirect.scatter.add.f32 [tilespmem:s6], [sflag:$0x3], $0x10, s1, s7, $0xb8;
	[tilespmem:$0x15800] =	vst v63  }
0x17d: {  	s1 =	sld [smem:$0x7E6]  }
0x17e: {  	[spmem:s2] =	stream.indirect.scatter.add.f32 [tilespmem:s6], [sflag:$0x3], $0x10, s0, s7, $0xb8;
	[tilespmem:$0x15800] =	vst v63  }
0x17f: {  	_ = 	snop  }
0x180: {  	[spmem:s2] =	stream.indirect.scatter.add.f32 [tilespmem:s6], [sflag:$0x3], $0x10, s1, s7, $0xb8;
	[tilespmem:$0x15800] =	vst v63  }
0x181: {  	_ =	swait.ge [sflag:s9], $0x800  }
0x182: {  	[sflag:s9] =	ssyncset.done $0x0  }
0x183: {  	[sflag:s9] =	ssyncadd.s32 $0xFFFFF800  }
0x184: {  	_ =	swait.ge [sflag:s9], $0x800  }
0x185: {  	[sflag:s9] =	ssyncset.done $0x0  }
0x186: {  	[sflag:s9] =	ssyncadd.s32 $0xFFFFF800  }
0x187: {  	_ =	swait.ge [sflag:s9], $0x800  }
0x188: {  	[sflag:s9] =	ssyncset.done $0x0  }
0x189: {  	[sflag:s9] =	ssyncadd.s32 $0xFFFFF800  }
0x18a: {  	_ =	swait.ge [sflag:s9], $0x800  }
0x18b: {  	[sflag:s9] =	ssyncset.done $0x0  }
0x18c: {  	[sflag:s9] =	ssyncadd.s32 $0xFFFFF800  }
0x18d: {  	_ =	swait.ge [sflag:s9], $0x800  }
0x18e: {  	[sflag:s9] =	ssyncset.done $0x0  }
0x18f: {  	[sflag:s9] =	ssyncadd.s32 $0xFFFFF800  }
0x190: {  	_ =	swait.ge [sflag:s9], $0x800  }
0x191: {  	[sflag:s9] =	ssyncset.done $0x0  }
0x192: {  	[sflag:s9] =	ssyncadd.s32 $0xFFFFF800  }
0x193: {  	_ =	swait.ge [sflag:s9], $0x800  }
0x194: {  	[sflag:s9] =	ssyncset.done $0x0  }
0x195: {  	[sflag:s9] =	ssyncadd.s32 $0xFFFFF800  }
0x196: {  	_ =	swait.ge [sflag:s9], $0x800  }
0x197: {  	s0 =	sld [smem:$0x7E7]  }
0x198: {  	[sflag:s9] =	ssyncset.done $0x0  }
0x199: {  	s1 =	sld [smem:$0x7E8];
	[sflag:s9] =	ssyncadd.s32 $0xFFFFF800  }
0x19a: {  	[spmem:s2] =	stream.indirect.scatter.add.f32 [tilespmem:s6], [sflag:$0x3], $0x10, s0, s7, $0xb8;
	[tilespmem:$0x15800] =	vst v63  }
0x19b: {  	s0 =	sld [smem:$0x7E9]  }
0x19c: {  	[spmem:s2] =	stream.indirect.scatter.add.f32 [tilespmem:s6], [sflag:$0x3], $0x10, s1, s7, $0xb8;
	[tilespmem:$0x15800] =	vst v63  }
0x19d: {  	s1 =	sld [smem:$0x7EA]  }
0x19e: {  	[spmem:s2] =	stream.indirect.scatter.add.f32 [tilespmem:s6], [sflag:$0x3], $0x10, s0, s7, $0xb8;
	[tilespmem:$0x15800] =	vst v63  }
0x19f: {  	s0 =	sld [smem:$0x7EB]  }
0x1a0: {  	[spmem:s2] =	stream.indirect.scatter.add.f32 [tilespmem:s6], [sflag:$0x3], $0x10, s1, s7, $0xb8;
	[tilespmem:$0x15800] =	vst v63  }
0x1a1: {  	s1 =	sld [smem:$0x7EC]  }
0x1a2: {  	[spmem:s2] =	stream.indirect.scatter.add.f32 [tilespmem:s6], [sflag:$0x3], $0x10, s0, s7, $0xb8;
	[tilespmem:$0x15800] =	vst v63  }
0x1a3: {  	s0 =	sld [smem:$0x7ED]  }
0x1a4: {  	[spmem:s2] =	stream.indirect.scatter.add.f32 [tilespmem:s6], [sflag:$0x3], $0x10, s1, s7, $0xb8;
	[tilespmem:$0x15800] =	vst v63  }
0x1a5: {  	s1 =	sld [smem:$0x7EE]  }
0x1a6: {  	[spmem:s2] =	stream.indirect.scatter.add.f32 [tilespmem:s6], [sflag:$0x3], $0x10, s0, s7, $0xb8;
	[tilespmem:$0x15800] =	vst v63  }
0x1a7: {  	_ = 	snop  }
0x1a8: {  	[spmem:s2] =	stream.indirect.scatter.add.f32 [tilespmem:s6], [sflag:$0x3], $0x10, s1, s7, $0xb8;
	[tilespmem:$0x15800] =	vst v63  }
0x1a9: {  	_ =	swait.ge [sflag:s9], $0x800  }
0x1aa: {  	[sflag:s9] =	ssyncset.done $0x0  }
0x1ab: {  	[sflag:s9] =	ssyncadd.s32 $0xFFFFF800  }
0x1ac: {  	_ =	swait.ge [sflag:s9], $0x800  }
0x1ad: {  	[sflag:s9] =	ssyncset.done $0x0  }
0x1ae: {  	[sflag:s9] =	ssyncadd.s32 $0xFFFFF800  }
0x1af: {  	_ =	swait.ge [sflag:s9], $0x800  }
0x1b0: {  	[sflag:s9] =	ssyncset.done $0x0  }
0x1b1: {  	[sflag:s9] =	ssyncadd.s32 $0xFFFFF800  }
0x1b2: {  	_ =	swait.ge [sflag:s9], $0x800  }
0x1b3: {  	[sflag:s9] =	ssyncset.done $0x0  }
0x1b4: {  	[sflag:s9] =	ssyncadd.s32 $0xFFFFF800  }
0x1b5: {  	_ =	swait.ge [sflag:s9], $0x800  }
0x1b6: {  	[sflag:s9] =	ssyncset.done $0x0  }
0x1b7: {  	[sflag:s9] =	ssyncadd.s32 $0xFFFFF800  }
0x1b8: {  	_ =	swait.ge [sflag:s9], $0x800  }
0x1b9: {  	[sflag:s9] =	ssyncset.done $0x0  }
0x1ba: {  	[sflag:s9] =	ssyncadd.s32 $0xFFFFF800  }
0x1bb: {  	_ =	swait.ge [sflag:s9], $0x800  }
0x1bc: {  	[sflag:s9] =	ssyncset.done $0x0  }
0x1bd: {  	[sflag:s9] =	ssyncadd.s32 $0xFFFFF800  }
0x1be: {  	_ =	swait.ge [sflag:s9], $0x800  }
0x1bf: {  	s0 =	sld [smem:$0x7EF]  }
0x1c0: {  	[sflag:s9] =	ssyncset.done $0x0  }
0x1c1: {  	s1 =	sld [smem:$0x7F0];
	[sflag:s9] =	ssyncadd.s32 $0xFFFFF800  }
0x1c2: {  	[spmem:s2] =	stream.indirect.scatter.add.f32 [tilespmem:s6], [sflag:$0x3], $0x10, s0, s7, $0xb8;
	[tilespmem:$0x15800] =	vst v63  }
0x1c3: {  	s0 =	sld [smem:$0x7F1]  }
0x1c4: {  	[spmem:s2] =	stream.indirect.scatter.add.f32 [tilespmem:s6], [sflag:$0x3], $0x10, s1, s7, $0xb8;
	[tilespmem:$0x15800] =	vst v63  }
0x1c5: {  	s1 =	sld [smem:$0x7F2]  }
0x1c6: {  	[spmem:s2] =	stream.indirect.scatter.add.f32 [tilespmem:s6], [sflag:$0x3], $0x10, s0, s7, $0xb8;
	[tilespmem:$0x15800] =	vst v63  }
0x1c7: {  	s0 =	sld [smem:$0x7F3]  }
0x1c8: {  	[spmem:s2] =	stream.indirect.scatter.add.f32 [tilespmem:s6], [sflag:$0x3], $0x10, s1, s7, $0xb8;
	[tilespmem:$0x15800] =	vst v63  }
0x1c9: {  	s1 =	sld [smem:$0x7F4]  }
0x1ca: {  	[spmem:s2] =	stream.indirect.scatter.add.f32 [tilespmem:s6], [sflag:$0x3], $0x10, s0, s7, $0xb8;
	[tilespmem:$0x15800] =	vst v63  }
0x1cb: {  	s0 =	sld [smem:$0x7F5]  }
0x1cc: {  	[spmem:s2] =	stream.indirect.scatter.add.f32 [tilespmem:s6], [sflag:$0x3], $0x10, s1, s7, $0xb8;
	[tilespmem:$0x15800] =	vst v63  }
0x1cd: {  	s1 =	sld [smem:$0x7F6]  }
0x1ce: {  	[spmem:s2] =	stream.indirect.scatter.add.f32 [tilespmem:s6], [sflag:$0x3], $0x10, s0, s7, $0xb8;
	[tilespmem:$0x15800] =	vst v63  }
0x1cf: {  	_ = 	snop  }
0x1d0: {  	[spmem:s2] =	stream.indirect.scatter.add.f32 [tilespmem:s6], [sflag:$0x3], $0x10, s1, s7, $0xb8;
	[tilespmem:$0x15800] =	vst v63  }
0x1d1: {  	_ =	swait.ge [sflag:s9], $0x800  }
0x1d2: {  	[sflag:s9] =	ssyncset.done $0x0  }
0x1d3: {  	[sflag:s9] =	ssyncadd.s32 $0xFFFFF800  }
0x1d4: {  	_ =	swait.ge [sflag:s9], $0x800  }
0x1d5: {  	[sflag:s9] =	ssyncset.done $0x0  }
0x1d6: {  	[sflag:s9] =	ssyncadd.s32 $0xFFFFF800  }
0x1d7: {  	_ =	swait.ge [sflag:s9], $0x800  }
0x1d8: {  	[sflag:s9] =	ssyncset.done $0x0  }
0x1d9: {  	[sflag:s9] =	ssyncadd.s32 $0xFFFFF800  }
0x1da: {  	_ =	swait.ge [sflag:s9], $0x800  }
0x1db: {  	[sflag:s9] =	ssyncset.done $0x0  }
0x1dc: {  	[sflag:s9] =	ssyncadd.s32 $0xFFFFF800  }
0x1dd: {  	_ =	swait.ge [sflag:s9], $0x800  }
0x1de: {  	[sflag:s9] =	ssyncset.done $0x0  }
0x1df: {  	[sflag:s9] =	ssyncadd.s32 $0xFFFFF800  }
0x1e0: {  	_ =	swait.ge [sflag:s9], $0x800  }
0x1e1: {  	[sflag:s9] =	ssyncset.done $0x0  }
0x1e2: {  	[sflag:s9] =	ssyncadd.s32 $0xFFFFF800  }
0x1e3: {  	_ =	swait.ge [sflag:s9], $0x800  }
0x1e4: {  	[sflag:s9] =	ssyncset.done $0x0  }
0x1e5: {  	[sflag:s9] =	ssyncadd.s32 $0xFFFFF800  }
0x1e6: {  	_ =	swait.ge [sflag:s9], $0x800  }
0x1e7: {  	s0 =	sld [smem:$0x7F7]  }
0x1e8: {  	[sflag:s9] =	ssyncset.done $0x0  }
0x1e9: {  	s1 =	sld [smem:$0x7F8];
	[sflag:s9] =	ssyncadd.s32 $0xFFFFF800  }
0x1ea: {  	[spmem:s2] =	stream.indirect.scatter.add.f32 [tilespmem:s6], [sflag:$0x3], $0x10, s0, s7, $0xb8;
	[tilespmem:$0x15800] =	vst v63  }
0x1eb: {  	s0 =	sld [smem:$0x7F9]  }
0x1ec: {  	[spmem:s2] =	stream.indirect.scatter.add.f32 [tilespmem:s6], [sflag:$0x3], $0x10, s1, s7, $0xb8;
	[tilespmem:$0x15800] =	vst v63  }
0x1ed: {  	s1 =	sld [smem:$0x7FA]  }
0x1ee: {  	[spmem:s2] =	stream.indirect.scatter.add.f32 [tilespmem:s6], [sflag:$0x3], $0x10, s0, s7, $0xb8;
	[tilespmem:$0x15800] =	vst v63  }
0x1ef: {  	s0 =	sld [smem:$0x7FB]  }
0x1f0: {  	[spmem:s2] =	stream.indirect.scatter.add.f32 [tilespmem:s6], [sflag:$0x3], $0x10, s1, s7, $0xb8;
	[tilespmem:$0x15800] =	vst v63  }
0x1f1: {  	s1 =	sld [smem:$0x7FC]  }
0x1f2: {  	[spmem:s2] =	stream.indirect.scatter.add.f32 [tilespmem:s6], [sflag:$0x3], $0x10, s0, s7, $0xb8;
	[tilespmem:$0x15800] =	vst v63  }
0x1f3: {  	s0 =	sld [smem:$0x7FD]  }
0x1f4: {  	[spmem:s2] =	stream.indirect.scatter.add.f32 [tilespmem:s6], [sflag:$0x3], $0x10, s1, s7, $0xb8;
	[tilespmem:$0x15800] =	vst v63  }
0x1f5: {  	_ = 	snop  }
0x1f6: {  	[spmem:s2] =	stream.indirect.scatter.add.f32 [tilespmem:s6], [sflag:$0x3], $0x10, s0, s7, $0xb8;
	[tilespmem:$0x15800] =	vst v63  }
0x1f7: {  	_ = 	snop  }
0x1f8: {  	[spmem:s2] =	stream.indirect.scatter.add.f32 [tilespmem:s6], [sflag:$0x3], $0x10, s10, s7, $0xb8;
	[tilespmem:$0x15800] =	vst v63  }
0x1f9: {  	_ =	swait.ge [sflag:s9], $0x800  }
0x1fa: {  	[sflag:s9] =	ssyncset.done $0x0  }
0x1fb: {  	[sflag:s9] =	ssyncadd.s32 $0xFFFFF800  }
0x1fc: {  	_ =	swait.ge [sflag:s9], $0x800  }
0x1fd: {  	[sflag:s9] =	ssyncset.done $0x0  }
0x1fe: {  	[sflag:s9] =	ssyncadd.s32 $0xFFFFF800  }
0x1ff: {  	_ =	swait.ge [sflag:s9], $0x800  }
0x200: {  	[sflag:s9] =	ssyncset.done $0x0  }
0x201: {  	[sflag:s9] =	ssyncadd.s32 $0xFFFFF800  }
0x202: {  	_ =	swait.ge [sflag:s9], $0x800  }
0x203: {  	[sflag:s9] =	ssyncset.done $0x0  }
0x204: {  	[sflag:s9] =	ssyncadd.s32 $0xFFFFF800  }
0x205: {  	_ =	swait.ge [sflag:s9], $0x800  }
0x206: {  	[sflag:s9] =	ssyncset.done $0x0  }
0x207: {  	[sflag:s9] =	ssyncadd.s32 $0xFFFFF800  }
0x208: {  	_ =	swait.ge [sflag:s9], $0x800  }
0x209: {  	[sflag:s9] =	ssyncset.done $0x0  }
0x20a: {  	[sflag:s9] =	ssyncadd.s32 $0xFFFFF800  }
0x20b: {  	_ =	swait.ge [sflag:s9], $0x800  }
0x20c: {  	[sflag:s9] =	ssyncset.done $0x0  }
0x20d: {  	[sflag:s9] =	ssyncadd.s32 $0xFFFFF800  }
0x20e: {  	_ =	swait.ge [sflag:s9], $0x800  }
0x20f: {  	[sflag:s9] =	ssyncset.done $0x0  }
0x210: {  	[sflag:s9] =	ssyncadd.s32 $0xFFFFF800  }
0x211: {  	[bflag:$0x0] =	sbarrier.arrive $0xFFFF  }
0x212: {  	s1 =	rddreg [dreg:$0xe]  }
0x213: {  	[hbm:s1], [sflag:s3] =	dma.local [spmem:s4], $0x500  }
0x214: {  	s0 =	sld [smem:$0x7C2];
	_ =	sdelay $0x2  }
0x215: {  	p1 =	sne.s32 s0, $0x1  }
.Ltmp1:
0x216: {  	_ = 	snop;
	(pc) =	sbr.rel @!p1 .LBB2_3-.Ltmp1, $3  }
0x217: {  	_ =	sdelay $0x1  }
0x218: {  	p0 =	por $0x1, $0x1;
	_ =	swait.ge [sflag:s5], $0x500  }
0x219: {  	[sflag:s5] =	ssyncset.done $0x0;
	s1 =	sadd.s32 $0xFFFFFFFF, s0;
	s0 =	rddreg [dreg:$0x6]  }
.LBB2_2:
0x21a: {  	[sflag:s5] =	ssyncadd.s32 $0xFFFFFB00  }
0x21b: {  	[spmem:s4], [sflag:s3] =	dma.local [hbm:s0], $0x500  }
0x21c: {  	_ =	swait.ge [sflag:s5], $0x500  }
0x21d: {  	[sflag:s5] =	ssyncset.done $0x0  }
0x21e: {  	s10 =	rddreg [dreg:$0x5];
	[sflag:s5] =	ssyncadd.s32 $0xFFFFFB00  }
0x21f: {  	[tilespmem:s6], [sflag:$0x4] =	stream.linear.gather [hbm4b:s10+s8], $0x800, $0x38;
	[tilespmem:$0x15800] =	vst v63  }
0x220: {  	_ =	swait.ge [sflag:s5], $0x800  }
0x221: {  	[sflag:s5] =	ssyncset.done $0x0  }
0x222: {  	s10 =	rddreg [dreg:$0x7];
	[sflag:s5] =	ssyncadd.s32 $0xFFFFF800  }
0x223: {  	[tilespmem:s12], [sflag:$0x4] =	stream.linear.gather [hbm4b:s10+s8], $0x1400, $0x38;
	[tilespmem:$0x15800] =	vst v63  }
0x224: {  	_ =	swait.ge [sflag:s5], $0x1400  }
0x225: {  	[sflag:s5] =	ssyncset.done $0x0  }
0x226: {  	s10 =	rddreg [dreg:$0x8];
	[sflag:s5] =	ssyncadd.s32 $0xFFFFEC00  }
0x227: {  	[tilespmem:s8], [sflag:$0x4] =	stream.linear.gather [hbm4b:s10+s8], $0x1400, $0x38;
	[tilespmem:$0x15800] =	vst v63  }
0x228: {  	_ =	swait.ge [sflag:s5], $0x1400  }
0x229: {  	[sflag:s5] =	ssyncset.done $0x0  }
0x22a: {  	[sflag:s5] =	ssyncadd.s32 $0xFFFFEC00  }
0x22b: {  	[tilespmem:s13], [sflag:$0x1] =	stream.indirect.gather [hbm4b:s11+s7], $0x20, s8, s7, $0xb8;
	[tilespmem:$0x15800] =	vst v63  }
0x22c: {  	_ = 	snop  }
0x22d: {  	[tilespmem:s16], [sflag:$0x1] =	stream.indirect.gather [hbm4b:s11+s7], $0x20, s7, s7, $0xb8;
	[tilespmem:$0x15800] =	vst v63  }
0x22e: {  	s0 =	rddreg [dreg:$0xf]  }
0x22f: {  	[tilespmem:s17], [sflag:$0x1] =	stream.indirect.gather [hbm4b:s11+s7], $0x20, s0, s7, $0xb8;
	[tilespmem:$0x15800] =	vst v63  }
0x230: {  	s10 =	rddreg [dreg:$0x10]  }
0x231: {  	[tilespmem:s18], [sflag:$0x1] =	stream.indirect.gather [hbm4b:s11+s7], $0x20, s10, s7, $0xb8;
	[tilespmem:$0x15800] =	vst v63  }
0x232: {  	s0 =	rddreg [dreg:$0x11]  }
0x233: {  	[tilespmem:s19], [sflag:$0x1] =	stream.indirect.gather [hbm4b:s11+s7], $0x20, s0, s7, $0xb8;
	[tilespmem:$0x15800] =	vst v63  }
0x234: {  	s10 =	rddreg [dreg:$0x12]  }
0x235: {  	[tilespmem:s20], [sflag:$0x1] =	stream.indirect.gather [hbm4b:s11+s7], $0x20, s10, s7, $0xb8;
	[tilespmem:$0x15800] =	vst v63  }
0x236: {  	s0 =	rddreg [dreg:$0x13]  }
0x237: {  	[tilespmem:s21], [sflag:$0x1] =	stream.indirect.gather [hbm4b:s11+s7], $0x20, s0, s7, $0xb8;
	[tilespmem:$0x15800] =	vst v63  }
0x238: {  	s10 =	rddreg [dreg:$0x14]  }
0x239: {  	[tilespmem:s22], [sflag:$0x1] =	stream.indirect.gather [hbm4b:s11+s7], $0x20, s10, s7, $0xb8;
	[tilespmem:$0x15800] =	vst v63  }
0x23a: {  	s0 =	rddreg [dreg:$0x15]  }
0x23b: {  	[tilespmem:s15], [sflag:$0x2] =	stream.indirect.gather [hbm4b:s11+s7], $0x20, s0, s7, $0xb8;
	[tilespmem:$0x15800] =	vst v63  }
0x23c: {  	s10 =	rddreg [dreg:$0x16]  }
0x23d: {  	[tilespmem:s24], [sflag:$0x2] =	stream.indirect.gather [hbm4b:s11+s7], $0x20, s10, s7, $0xb8;
	[tilespmem:$0x15800] =	vst v63  }
0x23e: {  	s0 =	rddreg [dreg:$0x17]  }
0x23f: {  	[tilespmem:s25], [sflag:$0x2] =	stream.indirect.gather [hbm4b:s11+s7], $0x20, s0, s7, $0xb8;
	[tilespmem:$0x15800] =	vst v63  }
0x240: {  	s10 =	rddreg [dreg:$0x18]  }
0x241: {  	[tilespmem:s26], [sflag:$0x2] =	stream.indirect.gather [hbm4b:s11+s7], $0x20, s10, s7, $0xb8;
	[tilespmem:$0x15800] =	vst v63  }
0x242: {  	s0 =	rddreg [dreg:$0x19]  }
0x243: {  	[tilespmem:s28], [sflag:$0x2] =	stream.indirect.gather [hbm4b:s11+s7], $0x20, s0, s7, $0xb8;
	[tilespmem:$0x15800] =	vst v63  }
0x244: {  	s10 =	rddreg [dreg:$0x1a]  }
0x245: {  	[tilespmem:s29], [sflag:$0x2] =	stream.indirect.gather [hbm4b:s11+s7], $0x20, s10, s7, $0xb8;
	[tilespmem:$0x15800] =	vst v63  }
0x246: {  	s0 =	rddreg [dreg:$0x1b]  }
0x247: {  	[tilespmem:s30], [sflag:$0x2] =	stream.indirect.gather [hbm4b:s11+s7], $0x20, s0, s7, $0xb8;
	[tilespmem:$0x15800] =	vst v63  }
0x248: {  	s10 =	rddreg [dreg:$0x1c]  }
0x249: {  	[tilespmem:s31], [sflag:$0x2] =	stream.indirect.gather [hbm4b:s11+s7], $0x20, s10, s7, $0xb8;
	[tilespmem:$0x15800] =	vst v63  }
0x24a: {  	_ =	swait.ge [sflag:s14], $0x1000  }
0x24b: {  	[sflag:s14] =	ssyncset.done $0x0  }
0x24c: {  	[sflag:s14] =	ssyncadd.s32 $0xFFFFF000  }
0x24d: {  	_ =	swait.ge [sflag:s14], $0x1000  }
0x24e: {  	[sflag:s14] =	ssyncset.done $0x0  }
0x24f: {  	[sflag:s14] =	ssyncadd.s32 $0xFFFFF000  }
0x250: {  	_ =	swait.ge [sflag:s14], $0x1000  }
0x251: {  	[sflag:s14] =	ssyncset.done $0x0  }
0x252: {  	[sflag:s14] =	ssyncadd.s32 $0xFFFFF000  }
0x253: {  	_ =	swait.ge [sflag:s14], $0x1000  }
0x254: {  	[sflag:s14] =	ssyncset.done $0x0  }
0x255: {  	[sflag:s14] =	ssyncadd.s32 $0xFFFFF000  }
0x256: {  	_ =	swait.ge [sflag:s14], $0x1000  }
0x257: {  	[sflag:s14] =	ssyncset.done $0x0  }
0x258: {  	[sflag:s14] =	ssyncadd.s32 $0xFFFFF000  }
0x259: {  	_ =	swait.ge [sflag:s14], $0x1000  }
0x25a: {  	[sflag:s14] =	ssyncset.done $0x0  }
0x25b: {  	[sflag:s14] =	ssyncadd.s32 $0xFFFFF000  }
0x25c: {  	_ =	swait.ge [sflag:s14], $0x1000  }
0x25d: {  	[sflag:s14] =	ssyncset.done $0x0  }
0x25e: {  	[sflag:s14] =	ssyncadd.s32 $0xFFFFF000  }
0x25f: {  	_ =	swait.ge [sflag:s14], $0x1000  }
0x260: {  	[sflag:s14] =	ssyncset.done $0x0  }
0x261: {  	s10 =	rddreg [dreg:$0x9];
	[sflag:s14] =	ssyncadd.s32 $0xFFFFF000  }
0x262: {  	[hbm4b:s10+s8] =	stream.linear.scatter [tilespmem:s13], [sflag:$0x4], $0x8000, $0x38;
	[tilespmem:$0x15800] =	vst v63  }
0x263: {  	_ =	swait.ge [sflag:s5], $0x8000  }
0x264: {  	s0 =	rddreg [dreg:$0x1d];
	[sflag:s5] =	ssyncset.done $0x0  }
0x265: {  	s10 =	rddreg [dreg:$0x1e];
	[sflag:s5] =	ssyncadd.s32 $0xFFFF8000  }
0x266: {  	[tilespmem:s13], [sflag:$0x1] =	stream.indirect.gather [hbm4b:s11+s7], $0x20, s0, s7, $0xb8;
	[tilespmem:$0x15800] =	vst v63  }
0x267: {  	s0 =	rddreg [dreg:$0x1f]  }
0x268: {  	[tilespmem:s16], [sflag:$0x1] =	stream.indirect.gather [hbm4b:s11+s7], $0x20, s10, s7, $0xb8;
	[tilespmem:$0x15800] =	vst v63  }
0x269: {  	s10 =	sld [smem:$0x7C3]  }
0x26a: {  	[tilespmem:s17], [sflag:$0x1] =	stream.indirect.gather [hbm4b:s11+s7], $0x20, s0, s7, $0xb8;
	[tilespmem:$0x15800] =	vst v63  }
0x26b: {  	s0 =	sld [smem:$0x7C4]  }
0x26c: {  	[tilespmem:s18], [sflag:$0x1] =	stream.indirect.gather [hbm4b:s11+s7], $0x20, s10, s7, $0xb8;
	[tilespmem:$0x15800] =	vst v63  }
0x26d: {  	s10 =	sld [smem:$0x7C5]  }
0x26e: {  	[tilespmem:s19], [sflag:$0x1] =	stream.indirect.gather [hbm4b:s11+s7], $0x20, s0, s7, $0xb8;
	[tilespmem:$0x15800] =	vst v63  }
0x26f: {  	s0 =	sld [smem:$0x7C6]  }
0x270: {  	[tilespmem:s20], [sflag:$0x1] =	stream.indirect.gather [hbm4b:s11+s7], $0x20, s10, s7, $0xb8;
	[tilespmem:$0x15800] =	vst v63  }
0x271: {  	s10 =	sld [smem:$0x7C7]  }
0x272: {  	[tilespmem:s21], [sflag:$0x1] =	stream.indirect.gather [hbm4b:s11+s7], $0x20, s0, s7, $0xb8;
	[tilespmem:$0x15800] =	vst v63  }
0x273: {  	_ = 	snop  }
0x274: {  	[tilespmem:s22], [sflag:$0x1] =	stream.indirect.gather [hbm4b:s11+s7], $0x20, s10, s7, $0xb8;
	[tilespmem:$0x15800] =	vst v63  }
0x275: {  	_ =	swait.ge [sflag:s23], $0x1000  }
0x276: {  	[sflag:s23] =	ssyncset.done $0x0  }
0x277: {  	[sflag:s23] =	ssyncadd.s32 $0xFFFFF000  }
0x278: {  	_ =	swait.ge [sflag:s23], $0x1000  }
0x279: {  	[sflag:s23] =	ssyncset.done $0x0  }
0x27a: {  	[sflag:s23] =	ssyncadd.s32 $0xFFFFF000  }
0x27b: {  	_ =	swait.ge [sflag:s23], $0x1000  }
0x27c: {  	[sflag:s23] =	ssyncset.done $0x0  }
0x27d: {  	[sflag:s23] =	ssyncadd.s32 $0xFFFFF000  }
0x27e: {  	_ =	swait.ge [sflag:s23], $0x1000  }
0x27f: {  	[sflag:s23] =	ssyncset.done $0x0  }
0x280: {  	[sflag:s23] =	ssyncadd.s32 $0xFFFFF000  }
0x281: {  	_ =	swait.ge [sflag:s23], $0x1000  }
0x282: {  	[sflag:s23] =	ssyncset.done $0x0  }
0x283: {  	[sflag:s23] =	ssyncadd.s32 $0xFFFFF000  }
0x284: {  	_ =	swait.ge [sflag:s23], $0x1000  }
0x285: {  	[sflag:s23] =	ssyncset.done $0x0  }
0x286: {  	[sflag:s23] =	ssyncadd.s32 $0xFFFFF000  }
0x287: {  	_ =	swait.ge [sflag:s23], $0x1000  }
0x288: {  	[sflag:s23] =	ssyncset.done $0x0  }
0x289: {  	[sflag:s23] =	ssyncadd.s32 $0xFFFFF000  }
0x28a: {  	_ =	swait.ge [sflag:s23], $0x1000  }
0x28b: {  	[sflag:s23] =	ssyncset.done $0x0  }
0x28c: {  	s10 =	rddreg [dreg:$0xa];
	[sflag:s23] =	ssyncadd.s32 $0xFFFFF000  }
0x28d: {  	[hbm4b:s10+s8] =	stream.linear.scatter [tilespmem:s15], [sflag:$0x4], $0x8000, $0x38;
	[tilespmem:$0x15800] =	vst v63  }
0x28e: {  	_ =	swait.ge [sflag:s5], $0x8000  }
0x28f: {  	s0 =	sld [smem:$0x7C8]  }
0x290: {  	[sflag:s5] =	ssyncset.done $0x0  }
0x291: {  	s10 =	sld [smem:$0x7C9];
	[sflag:s5] =	ssyncadd.s32 $0xFFFF8000  }
0x292: {  	[tilespmem:s15], [sflag:$0x2] =	stream.indirect.gather [hbm4b:s11+s7], $0x20, s0, s7, $0xb8;
	[tilespmem:$0x15800] =	vst v63  }
0x293: {  	s0 =	sld [smem:$0x7CA]  }
0x294: {  	[tilespmem:s24], [sflag:$0x2] =	stream.indirect.gather [hbm4b:s11+s7], $0x20, s10, s7, $0xb8;
	[tilespmem:$0x15800] =	vst v63  }
0x295: {  	s10 =	sld [smem:$0x7CB]  }
0x296: {  	[tilespmem:s25], [sflag:$0x2] =	stream.indirect.gather [hbm4b:s11+s7], $0x20, s0, s7, $0xb8;
	[tilespmem:$0x15800] =	vst v63  }
0x297: {  	s0 =	sld [smem:$0x7CC]  }
0x298: {  	[tilespmem:s26], [sflag:$0x2] =	stream.indirect.gather [hbm4b:s11+s7], $0x20, s10, s7, $0xb8;
	[tilespmem:$0x15800] =	vst v63  }
0x299: {  	s10 =	sld [smem:$0x7CD]  }
0x29a: {  	[tilespmem:s28], [sflag:$0x2] =	stream.indirect.gather [hbm4b:s11+s7], $0x20, s0, s7, $0xb8;
	[tilespmem:$0x15800] =	vst v63  }
0x29b: {  	s0 =	sld [smem:$0x7CE]  }
0x29c: {  	[tilespmem:s29], [sflag:$0x2] =	stream.indirect.gather [hbm4b:s11+s7], $0x20, s10, s7, $0xb8;
	[tilespmem:$0x15800] =	vst v63  }
0x29d: {  	s10 =	sld [smem:$0x7CF]  }
0x29e: {  	[tilespmem:s30], [sflag:$0x2] =	stream.indirect.gather [hbm4b:s11+s7], $0x20, s0, s7, $0xb8;
	[tilespmem:$0x15800] =	vst v63  }
0x29f: {  	_ = 	snop  }
0x2a0: {  	[tilespmem:s31], [sflag:$0x2] =	stream.indirect.gather [hbm4b:s11+s7], $0x20, s10, s7, $0xb8;
	[tilespmem:$0x15800] =	vst v63  }
0x2a1: {  	_ =	swait.ge [sflag:s14], $0x1000  }
0x2a2: {  	[sflag:s14] =	ssyncset.done $0x0  }
0x2a3: {  	[sflag:s14] =	ssyncadd.s32 $0xFFFFF000  }
0x2a4: {  	_ =	swait.ge [sflag:s14], $0x1000  }
0x2a5: {  	[sflag:s14] =	ssyncset.done $0x0  }
0x2a6: {  	[sflag:s14] =	ssyncadd.s32 $0xFFFFF000  }
0x2a7: {  	_ =	swait.ge [sflag:s14], $0x1000  }
0x2a8: {  	[sflag:s14] =	ssyncset.done $0x0  }
0x2a9: {  	[sflag:s14] =	ssyncadd.s32 $0xFFFFF000  }
0x2aa: {  	_ =	swait.ge [sflag:s14], $0x1000  }
0x2ab: {  	[sflag:s14] =	ssyncset.done $0x0  }
0x2ac: {  	[sflag:s14] =	ssyncadd.s32 $0xFFFFF000  }
0x2ad: {  	_ =	swait.ge [sflag:s14], $0x1000  }
0x2ae: {  	[sflag:s14] =	ssyncset.done $0x0  }
0x2af: {  	[sflag:s14] =	ssyncadd.s32 $0xFFFFF000  }
0x2b0: {  	_ =	swait.ge [sflag:s14], $0x1000  }
0x2b1: {  	[sflag:s14] =	ssyncset.done $0x0  }
0x2b2: {  	[sflag:s14] =	ssyncadd.s32 $0xFFFFF000  }
0x2b3: {  	_ =	swait.ge [sflag:s14], $0x1000  }
0x2b4: {  	[sflag:s14] =	ssyncset.done $0x0  }
0x2b5: {  	[sflag:s14] =	ssyncadd.s32 $0xFFFFF000  }
0x2b6: {  	_ =	swait.ge [sflag:s14], $0x1000  }
0x2b7: {  	[sflag:s14] =	ssyncset.done $0x0  }
0x2b8: {  	s10 =	rddreg [dreg:$0xb];
	[sflag:s14] =	ssyncadd.s32 $0xFFFFF000  }
0x2b9: {  	[hbm4b:s10+s8] =	stream.linear.scatter [tilespmem:s13], [sflag:$0x4], $0x8000, $0x38;
	[tilespmem:$0x15800] =	vst v63  }
0x2ba: {  	_ =	swait.ge [sflag:s5], $0x8000  }
0x2bb: {  	s0 =	sld [smem:$0x7D0]  }
0x2bc: {  	[sflag:s5] =	ssyncset.done $0x0  }
0x2bd: {  	s10 =	sld [smem:$0x7D1];
	[sflag:s5] =	ssyncadd.s32 $0xFFFF8000  }
0x2be: {  	[tilespmem:s13], [sflag:$0x1] =	stream.indirect.gather [hbm4b:s11+s7], $0x20, s0, s7, $0xb8;
	[tilespmem:$0x15800] =	vst v63  }
0x2bf: {  	s0 =	sld [smem:$0x7D2]  }
0x2c0: {  	[tilespmem:s16], [sflag:$0x1] =	stream.indirect.gather [hbm4b:s11+s7], $0x20, s10, s7, $0xb8;
	[tilespmem:$0x15800] =	vst v63  }
0x2c1: {  	s10 =	sld [smem:$0x7D3]  }
0x2c2: {  	[tilespmem:s17], [sflag:$0x1] =	stream.indirect.gather [hbm4b:s11+s7], $0x20, s0, s7, $0xb8;
	[tilespmem:$0x15800] =	vst v63  }
0x2c3: {  	s0 =	sld [smem:$0x7D4]  }
0x2c4: {  	[tilespmem:s18], [sflag:$0x1] =	stream.indirect.gather [hbm4b:s11+s7], $0x20, s10, s7, $0xb8;
	[tilespmem:$0x15800] =	vst v63  }
0x2c5: {  	s10 =	sld [smem:$0x7D5]  }
0x2c6: {  	[tilespmem:s19], [sflag:$0x1] =	stream.indirect.gather [hbm4b:s11+s7], $0x20, s0, s7, $0xb8;
	[tilespmem:$0x15800] =	vst v63  }
0x2c7: {  	s0 =	sld [smem:$0x7D6]  }
0x2c8: {  	[tilespmem:s20], [sflag:$0x1] =	stream.indirect.gather [hbm4b:s11+s7], $0x20, s10, s7, $0xb8;
	[tilespmem:$0x15800] =	vst v63  }
0x2c9: {  	s10 =	sld [smem:$0x7D7]  }
0x2ca: {  	[tilespmem:s21], [sflag:$0x1] =	stream.indirect.gather [hbm4b:s11+s7], $0x20, s0, s7, $0xb8;
	[tilespmem:$0x15800] =	vst v63  }
0x2cb: {  	_ = 	snop  }
0x2cc: {  	[tilespmem:s22], [sflag:$0x1] =	stream.indirect.gather [hbm4b:s11+s7], $0x20, s10, s7, $0xb8;
	[tilespmem:$0x15800] =	vst v63  }
0x2cd: {  	_ =	swait.ge [sflag:s23], $0x1000  }
0x2ce: {  	[sflag:s23] =	ssyncset.done $0x0  }
0x2cf: {  	[sflag:s23] =	ssyncadd.s32 $0xFFFFF000  }
0x2d0: {  	_ =	swait.ge [sflag:s23], $0x1000  }
0x2d1: {  	[sflag:s23] =	ssyncset.done $0x0  }
0x2d2: {  	[sflag:s23] =	ssyncadd.s32 $0xFFFFF000  }
0x2d3: {  	_ =	swait.ge [sflag:s23], $0x1000  }
0x2d4: {  	[sflag:s23] =	ssyncset.done $0x0  }
0x2d5: {  	[sflag:s23] =	ssyncadd.s32 $0xFFFFF000  }
0x2d6: {  	_ =	swait.ge [sflag:s23], $0x1000  }
0x2d7: {  	[sflag:s23] =	ssyncset.done $0x0  }
0x2d8: {  	[sflag:s23] =	ssyncadd.s32 $0xFFFFF000  }
0x2d9: {  	_ =	swait.ge [sflag:s23], $0x1000  }
0x2da: {  	[sflag:s23] =	ssyncset.done $0x0  }
0x2db: {  	[sflag:s23] =	ssyncadd.s32 $0xFFFFF000  }
0x2dc: {  	_ =	swait.ge [sflag:s23], $0x1000  }
0x2dd: {  	[sflag:s23] =	ssyncset.done $0x0  }
0x2de: {  	[sflag:s23] =	ssyncadd.s32 $0xFFFFF000  }
0x2df: {  	_ =	swait.ge [sflag:s23], $0x1000  }
0x2e0: {  	[sflag:s23] =	ssyncset.done $0x0  }
0x2e1: {  	[sflag:s23] =	ssyncadd.s32 $0xFFFFF000  }
0x2e2: {  	_ =	swait.ge [sflag:s23], $0x1000  }
0x2e3: {  	[sflag:s23] =	ssyncset.done $0x0  }
0x2e4: {  	s10 =	rddreg [dreg:$0xc];
	[sflag:s23] =	ssyncadd.s32 $0xFFFFF000  }
0x2e5: {  	[hbm4b:s10+s8] =	stream.linear.scatter [tilespmem:s15], [sflag:$0x4], $0x8000, $0x38;
	[tilespmem:$0x15800] =	vst v63  }
0x2e6: {  	_ =	swait.ge [sflag:s5], $0x8000  }
0x2e7: {  	[sflag:s5] =	ssyncset.done $0x0  }
0x2e8: {  	[sflag:s5] =	ssyncadd.s32 $0xFFFF8000  }
0x2e9: {  	_ =	swait.ge [sflag:s14], $0x1000  }
0x2ea: {  	[sflag:s14] =	ssyncset.done $0x0  }
0x2eb: {  	[sflag:s14] =	ssyncadd.s32 $0xFFFFF000  }
0x2ec: {  	_ =	swait.ge [sflag:s14], $0x1000  }
0x2ed: {  	[sflag:s14] =	ssyncset.done $0x0  }
0x2ee: {  	[sflag:s14] =	ssyncadd.s32 $0xFFFFF000  }
0x2ef: {  	_ =	swait.ge [sflag:s14], $0x1000  }
0x2f0: {  	[sflag:s14] =	ssyncset.done $0x0  }
0x2f1: {  	[sflag:s14] =	ssyncadd.s32 $0xFFFFF000  }
0x2f2: {  	_ =	swait.ge [sflag:s14], $0x1000  }
0x2f3: {  	[sflag:s14] =	ssyncset.done $0x0  }
0x2f4: {  	[sflag:s14] =	ssyncadd.s32 $0xFFFFF000  }
0x2f5: {  	_ =	swait.ge [sflag:s14], $0x1000  }
0x2f6: {  	[sflag:s14] =	ssyncset.done $0x0  }
0x2f7: {  	[sflag:s14] =	ssyncadd.s32 $0xFFFFF000  }
0x2f8: {  	_ =	swait.ge [sflag:s14], $0x1000  }
0x2f9: {  	[sflag:s14] =	ssyncset.done $0x0  }
0x2fa: {  	[sflag:s14] =	ssyncadd.s32 $0xFFFFF000  }
0x2fb: {  	_ =	swait.ge [sflag:s14], $0x1000  }
0x2fc: {  	[sflag:s14] =	ssyncset.done $0x0  }
0x2fd: {  	[sflag:s14] =	ssyncadd.s32 $0xFFFFF000  }
0x2fe: {  	_ =	swait.ge [sflag:s14], $0x1000  }
0x2ff: {  	[sflag:s14] =	ssyncset.done $0x0  }
0x300: {  	s10 =	rddreg [dreg:$0xd];
	[sflag:s14] =	ssyncadd.s32 $0xFFFFF000  }
0x301: {  	[hbm4b:s10+s8] =	stream.linear.scatter [tilespmem:s13], [sflag:$0x4], $0x8000, $0x38;
	[tilespmem:$0x15800] =	vst v63  }
0x302: {  	_ =	swait.ge [sflag:s5], $0x8000  }
0x303: {  	[sflag:s5] =	ssyncset.done $0x0  }
0x304: {  	[sflag:s5] =	ssyncadd.s32 $0xFFFF8000  }
0x305: {  	[bflag:$0x0] =	sbarrier.arrive $0xFFFF  }
0x306: {  	s0 =	sld [smem:$0x7D8]  }
0x307: {  	[spmem:s2] =	stream.indirect.scatter.add.f32 [tilespmem:s6], [sflag:$0x3], $0x10, s12, s7, $0xb8;
	[tilespmem:$0x15800] =	vst v63  }
0x308: {  	s10 =	sld [smem:$0x7D9]  }
0x309: {  	[spmem:s2] =	stream.indirect.scatter.add.f32 [tilespmem:s6], [sflag:$0x3], $0x10, s0, s7, $0xb8;
	[tilespmem:$0x15800] =	vst v63  }
0x30a: {  	s0 =	sld [smem:$0x7DA]  }
0x30b: {  	[spmem:s2] =	stream.indirect.scatter.add.f32 [tilespmem:s6], [sflag:$0x3], $0x10, s10, s7, $0xb8;
	[tilespmem:$0x15800] =	vst v63  }
0x30c: {  	s10 =	sld [smem:$0x7DB]  }
0x30d: {  	[spmem:s2] =	stream.indirect.scatter.add.f32 [tilespmem:s6], [sflag:$0x3], $0x10, s0, s7, $0xb8;
	[tilespmem:$0x15800] =	vst v63  }
0x30e: {  	s0 =	sld [smem:$0x7DC]  }
0x30f: {  	[spmem:s2] =	stream.indirect.scatter.add.f32 [tilespmem:s6], [sflag:$0x3], $0x10, s10, s7, $0xb8;
	[tilespmem:$0x15800] =	vst v63  }
0x310: {  	s10 =	sld [smem:$0x7DD]  }
0x311: {  	[spmem:s2] =	stream.indirect.scatter.add.f32 [tilespmem:s6], [sflag:$0x3], $0x10, s0, s7, $0xb8;
	[tilespmem:$0x15800] =	vst v63  }
0x312: {  	s0 =	sld [smem:$0x7DE]  }
0x313: {  	[spmem:s2] =	stream.indirect.scatter.add.f32 [tilespmem:s6], [sflag:$0x3], $0x10, s10, s7, $0xb8;
	[tilespmem:$0x15800] =	vst v63  }
0x314: {  	_ = 	snop  }
0x315: {  	[spmem:s2] =	stream.indirect.scatter.add.f32 [tilespmem:s6], [sflag:$0x3], $0x10, s0, s7, $0xb8;
	[tilespmem:$0x15800] =	vst v63  }
0x316: {  	_ =	swait.ge [sflag:s9], $0x800  }
0x317: {  	[sflag:s9] =	ssyncset.done $0x0  }
0x318: {  	[sflag:s9] =	ssyncadd.s32 $0xFFFFF800  }
0x319: {  	_ =	swait.ge [sflag:s9], $0x800  }
0x31a: {  	[sflag:s9] =	ssyncset.done $0x0  }
0x31b: {  	[sflag:s9] =	ssyncadd.s32 $0xFFFFF800  }
0x31c: {  	_ =	swait.ge [sflag:s9], $0x800  }
0x31d: {  	[sflag:s9] =	ssyncset.done $0x0  }
0x31e: {  	[sflag:s9] =	ssyncadd.s32 $0xFFFFF800  }
0x31f: {  	_ =	swait.ge [sflag:s9], $0x800  }
0x320: {  	[sflag:s9] =	ssyncset.done $0x0  }
0x321: {  	[sflag:s9] =	ssyncadd.s32 $0xFFFFF800  }
0x322: {  	_ =	swait.ge [sflag:s9], $0x800  }
0x323: {  	[sflag:s9] =	ssyncset.done $0x0  }
0x324: {  	[sflag:s9] =	ssyncadd.s32 $0xFFFFF800  }
0x325: {  	_ =	swait.ge [sflag:s9], $0x800  }
0x326: {  	[sflag:s9] =	ssyncset.done $0x0  }
0x327: {  	[sflag:s9] =	ssyncadd.s32 $0xFFFFF800  }
0x328: {  	_ =	swait.ge [sflag:s9], $0x800  }
0x329: {  	[sflag:s9] =	ssyncset.done $0x0  }
0x32a: {  	[sflag:s9] =	ssyncadd.s32 $0xFFFFF800  }
0x32b: {  	_ =	swait.ge [sflag:s9], $0x800  }
0x32c: {  	s0 =	sld [smem:$0x7DF]  }
0x32d: {  	[sflag:s9] =	ssyncset.done $0x0  }
0x32e: {  	s10 =	sld [smem:$0x7E0];
	[sflag:s9] =	ssyncadd.s32 $0xFFFFF800  }
0x32f: {  	[spmem:s2] =	stream.indirect.scatter.add.f32 [tilespmem:s6], [sflag:$0x3], $0x10, s0, s7, $0xb8;
	[tilespmem:$0x15800] =	vst v63  }
0x330: {  	s0 =	sld [smem:$0x7E1]  }
0x331: {  	[spmem:s2] =	stream.indirect.scatter.add.f32 [tilespmem:s6], [sflag:$0x3], $0x10, s10, s7, $0xb8;
	[tilespmem:$0x15800] =	vst v63  }
0x332: {  	s10 =	sld [smem:$0x7E2]  }
0x333: {  	[spmem:s2] =	stream.indirect.scatter.add.f32 [tilespmem:s6], [sflag:$0x3], $0x10, s0, s7, $0xb8;
	[tilespmem:$0x15800] =	vst v63  }
0x334: {  	s0 =	sld [smem:$0x7E3]  }
0x335: {  	[spmem:s2] =	stream.indirect.scatter.add.f32 [tilespmem:s6], [sflag:$0x3], $0x10, s10, s7, $0xb8;
	[tilespmem:$0x15800] =	vst v63  }
0x336: {  	s10 =	sld [smem:$0x7E4]  }
0x337: {  	[spmem:s2] =	stream.indirect.scatter.add.f32 [tilespmem:s6], [sflag:$0x3], $0x10, s0, s7, $0xb8;
	[tilespmem:$0x15800] =	vst v63  }
0x338: {  	s0 =	sld [smem:$0x7E5]  }
0x339: {  	[spmem:s2] =	stream.indirect.scatter.add.f32 [tilespmem:s6], [sflag:$0x3], $0x10, s10, s7, $0xb8;
	[tilespmem:$0x15800] =	vst v63  }
0x33a: {  	s10 =	sld [smem:$0x7E6]  }
0x33b: {  	[spmem:s2] =	stream.indirect.scatter.add.f32 [tilespmem:s6], [sflag:$0x3], $0x10, s0, s7, $0xb8;
	[tilespmem:$0x15800] =	vst v63  }
0x33c: {  	_ = 	snop  }
0x33d: {  	[spmem:s2] =	stream.indirect.scatter.add.f32 [tilespmem:s6], [sflag:$0x3], $0x10, s10, s7, $0xb8;
	[tilespmem:$0x15800] =	vst v63  }
0x33e: {  	_ =	swait.ge [sflag:s9], $0x800  }
0x33f: {  	[sflag:s9] =	ssyncset.done $0x0  }
0x340: {  	[sflag:s9] =	ssyncadd.s32 $0xFFFFF800  }
0x341: {  	_ =	swait.ge [sflag:s9], $0x800  }
0x342: {  	[sflag:s9] =	ssyncset.done $0x0  }
0x343: {  	[sflag:s9] =	ssyncadd.s32 $0xFFFFF800  }
0x344: {  	_ =	swait.ge [sflag:s9], $0x800  }
0x345: {  	[sflag:s9] =	ssyncset.done $0x0  }
0x346: {  	[sflag:s9] =	ssyncadd.s32 $0xFFFFF800  }
0x347: {  	_ =	swait.ge [sflag:s9], $0x800  }
0x348: {  	[sflag:s9] =	ssyncset.done $0x0  }
0x349: {  	[sflag:s9] =	ssyncadd.s32 $0xFFFFF800  }
0x34a: {  	_ =	swait.ge [sflag:s9], $0x800  }
0x34b: {  	[sflag:s9] =	ssyncset.done $0x0  }
0x34c: {  	[sflag:s9] =	ssyncadd.s32 $0xFFFFF800  }
0x34d: {  	_ =	swait.ge [sflag:s9], $0x800  }
0x34e: {  	[sflag:s9] =	ssyncset.done $0x0  }
0x34f: {  	[sflag:s9] =	ssyncadd.s32 $0xFFFFF800  }
0x350: {  	_ =	swait.ge [sflag:s9], $0x800  }
0x351: {  	[sflag:s9] =	ssyncset.done $0x0  }
0x352: {  	[sflag:s9] =	ssyncadd.s32 $0xFFFFF800  }
0x353: {  	_ =	swait.ge [sflag:s9], $0x800  }
0x354: {  	s0 =	sld [smem:$0x7E7]  }
0x355: {  	[sflag:s9] =	ssyncset.done $0x0  }
0x356: {  	s10 =	sld [smem:$0x7E8];
	[sflag:s9] =	ssyncadd.s32 $0xFFFFF800  }
0x357: {  	[spmem:s2] =	stream.indirect.scatter.add.f32 [tilespmem:s6], [sflag:$0x3], $0x10, s0, s7, $0xb8;
	[tilespmem:$0x15800] =	vst v63  }
0x358: {  	s0 =	sld [smem:$0x7E9]  }
0x359: {  	[spmem:s2] =	stream.indirect.scatter.add.f32 [tilespmem:s6], [sflag:$0x3], $0x10, s10, s7, $0xb8;
	[tilespmem:$0x15800] =	vst v63  }
0x35a: {  	s10 =	sld [smem:$0x7EA]  }
0x35b: {  	[spmem:s2] =	stream.indirect.scatter.add.f32 [tilespmem:s6], [sflag:$0x3], $0x10, s0, s7, $0xb8;
	[tilespmem:$0x15800] =	vst v63  }
0x35c: {  	s0 =	sld [smem:$0x7EB]  }
0x35d: {  	[spmem:s2] =	stream.indirect.scatter.add.f32 [tilespmem:s6], [sflag:$0x3], $0x10, s10, s7, $0xb8;
	[tilespmem:$0x15800] =	vst v63  }
0x35e: {  	s10 =	sld [smem:$0x7EC]  }
0x35f: {  	[spmem:s2] =	stream.indirect.scatter.add.f32 [tilespmem:s6], [sflag:$0x3], $0x10, s0, s7, $0xb8;
	[tilespmem:$0x15800] =	vst v63  }
0x360: {  	s0 =	sld [smem:$0x7ED]  }
0x361: {  	[spmem:s2] =	stream.indirect.scatter.add.f32 [tilespmem:s6], [sflag:$0x3], $0x10, s10, s7, $0xb8;
	[tilespmem:$0x15800] =	vst v63  }
0x362: {  	s10 =	sld [smem:$0x7EE]  }
0x363: {  	[spmem:s2] =	stream.indirect.scatter.add.f32 [tilespmem:s6], [sflag:$0x3], $0x10, s0, s7, $0xb8;
	[tilespmem:$0x15800] =	vst v63  }
0x364: {  	_ = 	snop  }
0x365: {  	[spmem:s2] =	stream.indirect.scatter.add.f32 [tilespmem:s6], [sflag:$0x3], $0x10, s10, s7, $0xb8;
	[tilespmem:$0x15800] =	vst v63  }
0x366: {  	_ =	swait.ge [sflag:s9], $0x800  }
0x367: {  	[sflag:s9] =	ssyncset.done $0x0  }
0x368: {  	[sflag:s9] =	ssyncadd.s32 $0xFFFFF800  }
0x369: {  	_ =	swait.ge [sflag:s9], $0x800  }
0x36a: {  	[sflag:s9] =	ssyncset.done $0x0  }
0x36b: {  	[sflag:s9] =	ssyncadd.s32 $0xFFFFF800  }
0x36c: {  	_ =	swait.ge [sflag:s9], $0x800  }
0x36d: {  	[sflag:s9] =	ssyncset.done $0x0  }
0x36e: {  	[sflag:s9] =	ssyncadd.s32 $0xFFFFF800  }
0x36f: {  	_ =	swait.ge [sflag:s9], $0x800  }
0x370: {  	[sflag:s9] =	ssyncset.done $0x0  }
0x371: {  	[sflag:s9] =	ssyncadd.s32 $0xFFFFF800  }
0x372: {  	_ =	swait.ge [sflag:s9], $0x800  }
0x373: {  	[sflag:s9] =	ssyncset.done $0x0  }
0x374: {  	[sflag:s9] =	ssyncadd.s32 $0xFFFFF800  }
0x375: {  	_ =	swait.ge [sflag:s9], $0x800  }
0x376: {  	[sflag:s9] =	ssyncset.done $0x0  }
0x377: {  	[sflag:s9] =	ssyncadd.s32 $0xFFFFF800  }
0x378: {  	_ =	swait.ge [sflag:s9], $0x800  }
0x379: {  	[sflag:s9] =	ssyncset.done $0x0  }
0x37a: {  	[sflag:s9] =	ssyncadd.s32 $0xFFFFF800  }
0x37b: {  	_ =	swait.ge [sflag:s9], $0x800  }
0x37c: {  	s0 =	sld [smem:$0x7EF]  }
0x37d: {  	[sflag:s9] =	ssyncset.done $0x0  }
0x37e: {  	s10 =	sld [smem:$0x7F0];
	[sflag:s9] =	ssyncadd.s32 $0xFFFFF800  }
0x37f: {  	[spmem:s2] =	stream.indirect.scatter.add.f32 [tilespmem:s6], [sflag:$0x3], $0x10, s0, s7, $0xb8;
	[tilespmem:$0x15800] =	vst v63  }
0x380: {  	s0 =	sld [smem:$0x7F1]  }
0x381: {  	[spmem:s2] =	stream.indirect.scatter.add.f32 [tilespmem:s6], [sflag:$0x3], $0x10, s10, s7, $0xb8;
	[tilespmem:$0x15800] =	vst v63  }
0x382: {  	s10 =	sld [smem:$0x7F2]  }
0x383: {  	[spmem:s2] =	stream.indirect.scatter.add.f32 [tilespmem:s6], [sflag:$0x3], $0x10, s0, s7, $0xb8;
	[tilespmem:$0x15800] =	vst v63  }
0x384: {  	s0 =	sld [smem:$0x7F3]  }
0x385: {  	[spmem:s2] =	stream.indirect.scatter.add.f32 [tilespmem:s6], [sflag:$0x3], $0x10, s10, s7, $0xb8;
	[tilespmem:$0x15800] =	vst v63  }
0x386: {  	s10 =	sld [smem:$0x7F4]  }
0x387: {  	[spmem:s2] =	stream.indirect.scatter.add.f32 [tilespmem:s6], [sflag:$0x3], $0x10, s0, s7, $0xb8;
	[tilespmem:$0x15800] =	vst v63  }
0x388: {  	s0 =	sld [smem:$0x7F5]  }
0x389: {  	[spmem:s2] =	stream.indirect.scatter.add.f32 [tilespmem:s6], [sflag:$0x3], $0x10, s10, s7, $0xb8;
	[tilespmem:$0x15800] =	vst v63  }
0x38a: {  	s10 =	sld [smem:$0x7F6]  }
0x38b: {  	[spmem:s2] =	stream.indirect.scatter.add.f32 [tilespmem:s6], [sflag:$0x3], $0x10, s0, s7, $0xb8;
	[tilespmem:$0x15800] =	vst v63  }
0x38c: {  	_ = 	snop  }
0x38d: {  	[spmem:s2] =	stream.indirect.scatter.add.f32 [tilespmem:s6], [sflag:$0x3], $0x10, s10, s7, $0xb8;
	[tilespmem:$0x15800] =	vst v63  }
0x38e: {  	_ =	swait.ge [sflag:s9], $0x800  }
0x38f: {  	[sflag:s9] =	ssyncset.done $0x0  }
0x390: {  	[sflag:s9] =	ssyncadd.s32 $0xFFFFF800  }
0x391: {  	_ =	swait.ge [sflag:s9], $0x800  }
0x392: {  	[sflag:s9] =	ssyncset.done $0x0  }
0x393: {  	[sflag:s9] =	ssyncadd.s32 $0xFFFFF800  }
0x394: {  	_ =	swait.ge [sflag:s9], $0x800  }
0x395: {  	[sflag:s9] =	ssyncset.done $0x0  }
0x396: {  	[sflag:s9] =	ssyncadd.s32 $0xFFFFF800  }
0x397: {  	_ =	swait.ge [sflag:s9], $0x800  }
0x398: {  	[sflag:s9] =	ssyncset.done $0x0  }
0x399: {  	[sflag:s9] =	ssyncadd.s32 $0xFFFFF800  }
0x39a: {  	_ =	swait.ge [sflag:s9], $0x800  }
0x39b: {  	[sflag:s9] =	ssyncset.done $0x0  }
0x39c: {  	[sflag:s9] =	ssyncadd.s32 $0xFFFFF800  }
0x39d: {  	_ =	swait.ge [sflag:s9], $0x800  }
0x39e: {  	[sflag:s9] =	ssyncset.done $0x0  }
0x39f: {  	[sflag:s9] =	ssyncadd.s32 $0xFFFFF800  }
0x3a0: {  	_ =	swait.ge [sflag:s9], $0x800  }
0x3a1: {  	[sflag:s9] =	ssyncset.done $0x0  }
0x3a2: {  	[sflag:s9] =	ssyncadd.s32 $0xFFFFF800  }
0x3a3: {  	_ =	swait.ge [sflag:s9], $0x800  }
0x3a4: {  	s0 =	sld [smem:$0x7F7]  }
0x3a5: {  	[sflag:s9] =	ssyncset.done $0x0  }
0x3a6: {  	s10 =	sld [smem:$0x7F8];
	[sflag:s9] =	ssyncadd.s32 $0xFFFFF800  }
0x3a7: {  	[spmem:s2] =	stream.indirect.scatter.add.f32 [tilespmem:s6], [sflag:$0x3], $0x10, s0, s7, $0xb8;
	[tilespmem:$0x15800] =	vst v63  }
0x3a8: {  	s0 =	sld [smem:$0x7F9]  }
0x3a9: {  	[spmem:s2] =	stream.indirect.scatter.add.f32 [tilespmem:s6], [sflag:$0x3], $0x10, s10, s7, $0xb8;
	[tilespmem:$0x15800] =	vst v63  }
0x3aa: {  	s10 =	sld [smem:$0x7FA]  }
0x3ab: {  	[spmem:s2] =	stream.indirect.scatter.add.f32 [tilespmem:s6], [sflag:$0x3], $0x10, s0, s7, $0xb8;
	[tilespmem:$0x15800] =	vst v63  }
0x3ac: {  	s0 =	sld [smem:$0x7FB]  }
0x3ad: {  	[spmem:s2] =	stream.indirect.scatter.add.f32 [tilespmem:s6], [sflag:$0x3], $0x10, s10, s7, $0xb8;
	[tilespmem:$0x15800] =	vst v63  }
0x3ae: {  	s10 =	sld [smem:$0x7FC]  }
0x3af: {  	[spmem:s2] =	stream.indirect.scatter.add.f32 [tilespmem:s6], [sflag:$0x3], $0x10, s0, s7, $0xb8;
	[tilespmem:$0x15800] =	vst v63  }
0x3b0: {  	s0 =	sld [smem:$0x7FD]  }
0x3b1: {  	[spmem:s2] =	stream.indirect.scatter.add.f32 [tilespmem:s6], [sflag:$0x3], $0x10, s10, s7, $0xb8;
	[tilespmem:$0x15800] =	vst v63  }
0x3b2: {  	_ = 	snop  }
0x3b3: {  	[spmem:s2] =	stream.indirect.scatter.add.f32 [tilespmem:s6], [sflag:$0x3], $0x10, s0, s7, $0xb8;
	[tilespmem:$0x15800] =	vst v63  }
0x3b4: {  	s10 =	simm.s32 $0x12780  }
0x3b5: {  	[spmem:s2] =	stream.indirect.scatter.add.f32 [tilespmem:s6], [sflag:$0x3], $0x10, s10, s7, $0xb8;
	[tilespmem:$0x15800] =	vst v63  }
0x3b6: {  	_ =	swait.ge [sflag:s9], $0x800  }
0x3b7: {  	[sflag:s9] =	ssyncset.done $0x0  }
0x3b8: {  	[sflag:s9] =	ssyncadd.s32 $0xFFFFF800  }
0x3b9: {  	_ =	swait.ge [sflag:s9], $0x800  }
0x3ba: {  	[sflag:s9] =	ssyncset.done $0x0  }
0x3bb: {  	[sflag:s9] =	ssyncadd.s32 $0xFFFFF800  }
0x3bc: {  	_ =	swait.ge [sflag:s9], $0x800  }
0x3bd: {  	[sflag:s9] =	ssyncset.done $0x0  }
0x3be: {  	[sflag:s9] =	ssyncadd.s32 $0xFFFFF800  }
0x3bf: {  	_ =	swait.ge [sflag:s9], $0x800  }
0x3c0: {  	[sflag:s9] =	ssyncset.done $0x0  }
0x3c1: {  	[sflag:s9] =	ssyncadd.s32 $0xFFFFF800  }
0x3c2: {  	_ =	swait.ge [sflag:s9], $0x800  }
0x3c3: {  	[sflag:s9] =	ssyncset.done $0x0  }
0x3c4: {  	[sflag:s9] =	ssyncadd.s32 $0xFFFFF800  }
0x3c5: {  	_ =	swait.ge [sflag:s9], $0x800  }
0x3c6: {  	[sflag:s9] =	ssyncset.done $0x0  }
0x3c7: {  	[sflag:s9] =	ssyncadd.s32 $0xFFFFF800  }
0x3c8: {  	_ =	swait.ge [sflag:s9], $0x800  }
0x3c9: {  	[sflag:s9] =	ssyncset.done $0x0  }
0x3ca: {  	[sflag:s9] =	ssyncadd.s32 $0xFFFFF800  }
0x3cb: {  	_ =	swait.ge [sflag:s9], $0x800  }
0x3cc: {  	[sflag:s9] =	ssyncset.done $0x0  }
0x3cd: {  	p1 =	sne.s32 s1, $0x1;
	[sflag:s9] =	ssyncadd.s32 $0xFFFFF800  }
.Ltmp2:
0x3ce: {  	[bflag:$0x0] =	sbarrier.arrive $0xFFFF;
	(pc) =	sbr.rel @p1 .LBB2_2-.Ltmp2, $4  }
0x3cf: {  	s0 =	rddreg [dreg:$0xe]  }
0x3d0: {  	[hbm:s0], [sflag:s3] =	dma.local [spmem:s4], $0x500  }
0x3d1: {  	_ =	swait.ge [sflag:s5], $0x500  }
0x3d2: {  	s1 =	sadd.s32 $0xFFFFFFFF, s1;
	s0 =	rddreg [dreg:$0x6];
	[sflag:s5] =	ssyncset.done $0x0  }
.LBB2_3:
0x3d3: {  	[sflag:s5] =	ssyncadd.s32 @p0 $0xFFFFFB00  }
0x3d4: {  	[spmem:s4], [sflag:s3] =	dma.local [hbm:s0], $0x500  }
0x3d5: {  	_ =	swait.ge [sflag:s5], $0x500  }
0x3d6: {  	[sflag:s5] =	ssyncset.done $0x0  }
0x3d7: {  	s1 =	rddreg [dreg:$0x5];
	[sflag:s5] =	ssyncadd.s32 $0xFFFFFB00  }
0x3d8: {  	[tilespmem:s6], [sflag:$0x4] =	stream.linear.gather [hbm4b:s1+s8], $0x800, $0x38;
	[tilespmem:$0x15800] =	vst v63  }
0x3d9: {  	_ =	swait.ge [sflag:s5], $0x800  }
0x3da: {  	[sflag:s5] =	ssyncset.done $0x0  }
0x3db: {  	s1 =	rddreg [dreg:$0x7];
	[sflag:s5] =	ssyncadd.s32 $0xFFFFF800  }
0x3dc: {  	[tilespmem:s12], [sflag:$0x4] =	stream.linear.gather [hbm4b:s1+s8], $0x1400, $0x38;
	[tilespmem:$0x15800] =	vst v63  }
0x3dd: {  	_ =	swait.ge [sflag:s5], $0x1400  }
0x3de: {  	[sflag:s5] =	ssyncset.done $0x0  }
0x3df: {  	s1 =	rddreg [dreg:$0x8];
	[sflag:s5] =	ssyncadd.s32 $0xFFFFEC00  }
0x3e0: {  	[tilespmem:s8], [sflag:$0x4] =	stream.linear.gather [hbm4b:s1+s8], $0x1400, $0x38;
	[tilespmem:$0x15800] =	vst v63  }
0x3e1: {  	_ =	swait.ge [sflag:s5], $0x1400  }
0x3e2: {  	[sflag:s5] =	ssyncset.done $0x0  }
0x3e3: {  	[sflag:s5] =	ssyncadd.s32 $0xFFFFEC00  }
0x3e4: {  	[tilespmem:s13], [sflag:$0x1] =	stream.indirect.gather [hbm4b:s11+s7], $0x20, s8, s7, $0xb8;
	[tilespmem:$0x15800] =	vst v63  }
0x3e5: {  	_ = 	snop  }
0x3e6: {  	[tilespmem:s16], [sflag:$0x1] =	stream.indirect.gather [hbm4b:s11+s7], $0x20, s7, s7, $0xb8;
	[tilespmem:$0x15800] =	vst v63  }
0x3e7: {  	s0 =	rddreg [dreg:$0xf]  }
0x3e8: {  	[tilespmem:s17], [sflag:$0x1] =	stream.indirect.gather [hbm4b:s11+s7], $0x20, s0, s7, $0xb8;
	[tilespmem:$0x15800] =	vst v63  }
0x3e9: {  	s1 =	rddreg [dreg:$0x10]  }
0x3ea: {  	[tilespmem:s18], [sflag:$0x1] =	stream.indirect.gather [hbm4b:s11+s7], $0x20, s1, s7, $0xb8;
	[tilespmem:$0x15800] =	vst v63  }
0x3eb: {  	s0 =	rddreg [dreg:$0x11]  }
0x3ec: {  	[tilespmem:s19], [sflag:$0x1] =	stream.indirect.gather [hbm4b:s11+s7], $0x20, s0, s7, $0xb8;
	[tilespmem:$0x15800] =	vst v63  }
0x3ed: {  	s1 =	rddreg [dreg:$0x12]  }
0x3ee: {  	[tilespmem:s20], [sflag:$0x1] =	stream.indirect.gather [hbm4b:s11+s7], $0x20, s1, s7, $0xb8;
	[tilespmem:$0x15800] =	vst v63  }
0x3ef: {  	s0 =	rddreg [dreg:$0x13]  }
0x3f0: {  	[tilespmem:s21], [sflag:$0x1] =	stream.indirect.gather [hbm4b:s11+s7], $0x20, s0, s7, $0xb8;
	[tilespmem:$0x15800] =	vst v63  }
0x3f1: {  	s1 =	rddreg [dreg:$0x14]  }
0x3f2: {  	[tilespmem:s22], [sflag:$0x1] =	stream.indirect.gather [hbm4b:s11+s7], $0x20, s1, s7, $0xb8;
	[tilespmem:$0x15800] =	vst v63  }
0x3f3: {  	s0 =	rddreg [dreg:$0x15]  }
0x3f4: {  	[tilespmem:s15], [sflag:$0x2] =	stream.indirect.gather [hbm4b:s11+s7], $0x20, s0, s7, $0xb8;
	[tilespmem:$0x15800] =	vst v63  }
0x3f5: {  	s1 =	rddreg [dreg:$0x16]  }
0x3f6: {  	[tilespmem:s24], [sflag:$0x2] =	stream.indirect.gather [hbm4b:s11+s7], $0x20, s1, s7, $0xb8;
	[tilespmem:$0x15800] =	vst v63  }
0x3f7: {  	s0 =	rddreg [dreg:$0x17]  }
0x3f8: {  	[tilespmem:s25], [sflag:$0x2] =	stream.indirect.gather [hbm4b:s11+s7], $0x20, s0, s7, $0xb8;
	[tilespmem:$0x15800] =	vst v63  }
0x3f9: {  	s1 =	rddreg [dreg:$0x18]  }
0x3fa: {  	[tilespmem:s26], [sflag:$0x2] =	stream.indirect.gather [hbm4b:s11+s7], $0x20, s1, s7, $0xb8;
	[tilespmem:$0x15800] =	vst v63  }
0x3fb: {  	s0 =	rddreg [dreg:$0x19]  }
0x3fc: {  	[tilespmem:s28], [sflag:$0x2] =	stream.indirect.gather [hbm4b:s11+s7], $0x20, s0, s7, $0xb8;
	[tilespmem:$0x15800] =	vst v63  }
0x3fd: {  	s1 =	rddreg [dreg:$0x1a]  }
0x3fe: {  	[tilespmem:s29], [sflag:$0x2] =	stream.indirect.gather [hbm4b:s11+s7], $0x20, s1, s7, $0xb8;
	[tilespmem:$0x15800] =	vst v63  }
0x3ff: {  	s0 =	rddreg [dreg:$0x1b]  }
0x400: {  	[tilespmem:s30], [sflag:$0x2] =	stream.indirect.gather [hbm4b:s11+s7], $0x20, s0, s7, $0xb8;
	[tilespmem:$0x15800] =	vst v63  }
0x401: {  	s1 =	rddreg [dreg:$0x1c]  }
0x402: {  	[tilespmem:s31], [sflag:$0x2] =	stream.indirect.gather [hbm4b:s11+s7], $0x20, s1, s7, $0xb8;
	[tilespmem:$0x15800] =	vst v63  }
0x403: {  	_ =	swait.ge [sflag:s14], $0x1000  }
0x404: {  	[sflag:s14] =	ssyncset.done $0x0  }
0x405: {  	[sflag:s14] =	ssyncadd.s32 $0xFFFFF000  }
0x406: {  	_ =	swait.ge [sflag:s14], $0x1000  }
0x407: {  	[sflag:s14] =	ssyncset.done $0x0  }
0x408: {  	[sflag:s14] =	ssyncadd.s32 $0xFFFFF000  }
0x409: {  	_ =	swait.ge [sflag:s14], $0x1000  }
0x40a: {  	[sflag:s14] =	ssyncset.done $0x0  }
0x40b: {  	[sflag:s14] =	ssyncadd.s32 $0xFFFFF000  }
0x40c: {  	_ =	swait.ge [sflag:s14], $0x1000  }
0x40d: {  	[sflag:s14] =	ssyncset.done $0x0  }
0x40e: {  	[sflag:s14] =	ssyncadd.s32 $0xFFFFF000  }
0x40f: {  	_ =	swait.ge [sflag:s14], $0x1000  }
0x410: {  	[sflag:s14] =	ssyncset.done $0x0  }
0x411: {  	[sflag:s14] =	ssyncadd.s32 $0xFFFFF000  }
0x412: {  	_ =	swait.ge [sflag:s14], $0x1000  }
0x413: {  	[sflag:s14] =	ssyncset.done $0x0  }
0x414: {  	[sflag:s14] =	ssyncadd.s32 $0xFFFFF000  }
0x415: {  	_ =	swait.ge [sflag:s14], $0x1000  }
0x416: {  	[sflag:s14] =	ssyncset.done $0x0  }
0x417: {  	[sflag:s14] =	ssyncadd.s32 $0xFFFFF000  }
0x418: {  	_ =	swait.ge [sflag:s14], $0x1000  }
0x419: {  	[sflag:s14] =	ssyncset.done $0x0  }
0x41a: {  	s1 =	rddreg [dreg:$0x9];
	[sflag:s14] =	ssyncadd.s32 $0xFFFFF000  }
0x41b: {  	[hbm4b:s1+s8] =	stream.linear.scatter [tilespmem:s13], [sflag:$0x4], $0x8000, $0x38;
	[tilespmem:$0x15800] =	vst v63  }
0x41c: {  	_ =	swait.ge [sflag:s5], $0x8000  }
0x41d: {  	s0 =	rddreg [dreg:$0x1d];
	[sflag:s5] =	ssyncset.done $0x0  }
0x41e: {  	s1 =	rddreg [dreg:$0x1e];
	[sflag:s5] =	ssyncadd.s32 $0xFFFF8000  }
0x41f: {  	[tilespmem:s13], [sflag:$0x1] =	stream.indirect.gather [hbm4b:s11+s7], $0x20, s0, s7, $0xb8;
	[tilespmem:$0x15800] =	vst v63  }
0x420: {  	s0 =	rddreg [dreg:$0x1f]  }
0x421: {  	[tilespmem:s16], [sflag:$0x1] =	stream.indirect.gather [hbm4b:s11+s7], $0x20, s1, s7, $0xb8;
	[tilespmem:$0x15800] =	vst v63  }
0x422: {  	s1 =	sld [smem:$0x7C3]  }
0x423: {  	[tilespmem:s17], [sflag:$0x1] =	stream.indirect.gather [hbm4b:s11+s7], $0x20, s0, s7, $0xb8;
	[tilespmem:$0x15800] =	vst v63  }
0x424: {  	s0 =	sld [smem:$0x7C4]  }
0x425: {  	[tilespmem:s18], [sflag:$0x1] =	stream.indirect.gather [hbm4b:s11+s7], $0x20, s1, s7, $0xb8;
	[tilespmem:$0x15800] =	vst v63  }
0x426: {  	s1 =	sld [smem:$0x7C5]  }
0x427: {  	[tilespmem:s19], [sflag:$0x1] =	stream.indirect.gather [hbm4b:s11+s7], $0x20, s0, s7, $0xb8;
	[tilespmem:$0x15800] =	vst v63  }
0x428: {  	s0 =	sld [smem:$0x7C6]  }
0x429: {  	[tilespmem:s20], [sflag:$0x1] =	stream.indirect.gather [hbm4b:s11+s7], $0x20, s1, s7, $0xb8;
	[tilespmem:$0x15800] =	vst v63  }
0x42a: {  	s1 =	sld [smem:$0x7C7]  }
0x42b: {  	[tilespmem:s21], [sflag:$0x1] =	stream.indirect.gather [hbm4b:s11+s7], $0x20, s0, s7, $0xb8;
	[tilespmem:$0x15800] =	vst v63  }
0x42c: {  	_ = 	snop  }
0x42d: {  	[tilespmem:s22], [sflag:$0x1] =	stream.indirect.gather [hbm4b:s11+s7], $0x20, s1, s7, $0xb8;
	[tilespmem:$0x15800] =	vst v63  }
0x42e: {  	_ =	swait.ge [sflag:s23], $0x1000  }
0x42f: {  	[sflag:s23] =	ssyncset.done $0x0  }
0x430: {  	[sflag:s23] =	ssyncadd.s32 $0xFFFFF000  }
0x431: {  	_ =	swait.ge [sflag:s23], $0x1000  }
0x432: {  	[sflag:s23] =	ssyncset.done $0x0  }
0x433: {  	[sflag:s23] =	ssyncadd.s32 $0xFFFFF000  }
0x434: {  	_ =	swait.ge [sflag:s23], $0x1000  }
0x435: {  	[sflag:s23] =	ssyncset.done $0x0  }
0x436: {  	[sflag:s23] =	ssyncadd.s32 $0xFFFFF000  }
0x437: {  	_ =	swait.ge [sflag:s23], $0x1000  }
0x438: {  	[sflag:s23] =	ssyncset.done $0x0  }
0x439: {  	[sflag:s23] =	ssyncadd.s32 $0xFFFFF000  }
0x43a: {  	_ =	swait.ge [sflag:s23], $0x1000  }
0x43b: {  	[sflag:s23] =	ssyncset.done $0x0  }
0x43c: {  	[sflag:s23] =	ssyncadd.s32 $0xFFFFF000  }
0x43d: {  	_ =	swait.ge [sflag:s23], $0x1000  }
0x43e: {  	[sflag:s23] =	ssyncset.done $0x0  }
0x43f: {  	[sflag:s23] =	ssyncadd.s32 $0xFFFFF000  }
0x440: {  	_ =	swait.ge [sflag:s23], $0x1000  }
0x441: {  	[sflag:s23] =	ssyncset.done $0x0  }
0x442: {  	[sflag:s23] =	ssyncadd.s32 $0xFFFFF000  }
0x443: {  	_ =	swait.ge [sflag:s23], $0x1000  }
0x444: {  	[sflag:s23] =	ssyncset.done $0x0  }
0x445: {  	s1 =	rddreg [dreg:$0xa];
	[sflag:s23] =	ssyncadd.s32 $0xFFFFF000  }
0x446: {  	[hbm4b:s1+s8] =	stream.linear.scatter [tilespmem:s15], [sflag:$0x4], $0x8000, $0x38;
	[tilespmem:$0x15800] =	vst v63  }
0x447: {  	_ =	swait.ge [sflag:s5], $0x8000  }
0x448: {  	s0 =	sld [smem:$0x7C8]  }
0x449: {  	[sflag:s5] =	ssyncset.done $0x0  }
0x44a: {  	s1 =	sld [smem:$0x7C9];
	[sflag:s5] =	ssyncadd.s32 $0xFFFF8000  }
0x44b: {  	[tilespmem:s15], [sflag:$0x2] =	stream.indirect.gather [hbm4b:s11+s7], $0x20, s0, s7, $0xb8;
	[tilespmem:$0x15800] =	vst v63  }
0x44c: {  	s0 =	sld [smem:$0x7CA]  }
0x44d: {  	[tilespmem:s24], [sflag:$0x2] =	stream.indirect.gather [hbm4b:s11+s7], $0x20, s1, s7, $0xb8;
	[tilespmem:$0x15800] =	vst v63  }
0x44e: {  	s1 =	sld [smem:$0x7CB]  }
0x44f: {  	[tilespmem:s25], [sflag:$0x2] =	stream.indirect.gather [hbm4b:s11+s7], $0x20, s0, s7, $0xb8;
	[tilespmem:$0x15800] =	vst v63  }
0x450: {  	s24 =	sld [smem:$0x7CC]  }
0x451: {  	[tilespmem:s26], [sflag:$0x2] =	stream.indirect.gather [hbm4b:s11+s7], $0x20, s1, s7, $0xb8;
	[tilespmem:$0x15800] =	vst v63  }
0x452: {  	s25 =	sld [smem:$0x7CD]  }
0x453: {  	[tilespmem:s28], [sflag:$0x2] =	stream.indirect.gather [hbm4b:s11+s7], $0x20, s24, s7, $0xb8;
	[tilespmem:$0x15800] =	vst v63  }
0x454: {  	s26 =	sld [smem:$0x7CE]  }
0x455: {  	[tilespmem:s29], [sflag:$0x2] =	stream.indirect.gather [hbm4b:s11+s7], $0x20, s25, s7, $0xb8;
	[tilespmem:$0x15800] =	vst v63  }
0x456: {  	s28 =	sld [smem:$0x7CF]  }
0x457: {  	[tilespmem:s30], [sflag:$0x2] =	stream.indirect.gather [hbm4b:s11+s7], $0x20, s26, s7, $0xb8;
	[tilespmem:$0x15800] =	vst v63  }
0x458: {  	_ = 	snop  }
0x459: {  	[tilespmem:s31], [sflag:$0x2] =	stream.indirect.gather [hbm4b:s11+s7], $0x20, s28, s7, $0xb8;
	[tilespmem:$0x15800] =	vst v63  }
0x45a: {  	_ =	swait.ge [sflag:s14], $0x1000  }
0x45b: {  	[sflag:s14] =	ssyncset.done $0x0  }
0x45c: {  	[sflag:s14] =	ssyncadd.s32 $0xFFFFF000  }
0x45d: {  	_ =	swait.ge [sflag:s14], $0x1000  }
0x45e: {  	[sflag:s14] =	ssyncset.done $0x0  }
0x45f: {  	[sflag:s14] =	ssyncadd.s32 $0xFFFFF000  }
0x460: {  	_ =	swait.ge [sflag:s14], $0x1000  }
0x461: {  	[sflag:s14] =	ssyncset.done $0x0  }
0x462: {  	[sflag:s14] =	ssyncadd.s32 $0xFFFFF000  }
0x463: {  	_ =	swait.ge [sflag:s14], $0x1000  }
0x464: {  	[sflag:s14] =	ssyncset.done $0x0  }
0x465: {  	[sflag:s14] =	ssyncadd.s32 $0xFFFFF000  }
0x466: {  	_ =	swait.ge [sflag:s14], $0x1000  }
0x467: {  	[sflag:s14] =	ssyncset.done $0x0  }
0x468: {  	[sflag:s14] =	ssyncadd.s32 $0xFFFFF000  }
0x469: {  	_ =	swait.ge [sflag:s14], $0x1000  }
0x46a: {  	[sflag:s14] =	ssyncset.done $0x0  }
0x46b: {  	[sflag:s14] =	ssyncadd.s32 $0xFFFFF000  }
0x46c: {  	_ =	swait.ge [sflag:s14], $0x1000  }
0x46d: {  	[sflag:s14] =	ssyncset.done $0x0  }
0x46e: {  	[sflag:s14] =	ssyncadd.s32 $0xFFFFF000  }
0x46f: {  	_ =	swait.ge [sflag:s14], $0x1000  }
0x470: {  	[sflag:s14] =	ssyncset.done $0x0  }
0x471: {  	s29 =	rddreg [dreg:$0xb];
	[sflag:s14] =	ssyncadd.s32 $0xFFFFF000  }
0x472: {  	[hbm4b:s29+s8] =	stream.linear.scatter [tilespmem:s13], [sflag:$0x4], $0x8000, $0x38;
	[tilespmem:$0x15800] =	vst v63  }
0x473: {  	_ =	swait.ge [sflag:s5], $0x8000  }
0x474: {  	s30 =	sld [smem:$0x7D0]  }
0x475: {  	[sflag:s5] =	ssyncset.done $0x0  }
0x476: {  	s31 =	sld [smem:$0x7D1];
	[sflag:s5] =	ssyncadd.s32 $0xFFFF8000  }
0x477: {  	[tilespmem:s13], [sflag:$0x1] =	stream.indirect.gather [hbm4b:s11+s7], $0x20, s30, s7, $0xb8;
	[tilespmem:$0x15800] =	vst v63  }
0x478: {  	s24 =	sld [smem:$0x7D2]  }
0x479: {  	[tilespmem:s16], [sflag:$0x1] =	stream.indirect.gather [hbm4b:s11+s7], $0x20, s31, s7, $0xb8;
	[tilespmem:$0x15800] =	vst v63  }
0x47a: {  	s25 =	sld [smem:$0x7D3]  }
0x47b: {  	[tilespmem:s17], [sflag:$0x1] =	stream.indirect.gather [hbm4b:s11+s7], $0x20, s24, s7, $0xb8;
	[tilespmem:$0x15800] =	vst v63  }
0x47c: {  	s26 =	sld [smem:$0x7D4]  }
0x47d: {  	[tilespmem:s18], [sflag:$0x1] =	stream.indirect.gather [hbm4b:s11+s7], $0x20, s25, s7, $0xb8;
	[tilespmem:$0x15800] =	vst v63  }
0x47e: {  	s28 =	sld [smem:$0x7D5]  }
0x47f: {  	[tilespmem:s19], [sflag:$0x1] =	stream.indirect.gather [hbm4b:s11+s7], $0x20, s26, s7, $0xb8;
	[tilespmem:$0x15800] =	vst v63  }
0x480: {  	s29 =	sld [smem:$0x7D6]  }
0x481: {  	[tilespmem:s20], [sflag:$0x1] =	stream.indirect.gather [hbm4b:s11+s7], $0x20, s28, s7, $0xb8;
	[tilespmem:$0x15800] =	vst v63  }
0x482: {  	s30 =	sld [smem:$0x7D7]  }
0x483: {  	[tilespmem:s21], [sflag:$0x1] =	stream.indirect.gather [hbm4b:s11+s7], $0x20, s29, s7, $0xb8;
	[tilespmem:$0x15800] =	vst v63  }
0x484: {  	_ = 	snop  }
0x485: {  	[tilespmem:s22], [sflag:$0x1] =	stream.indirect.gather [hbm4b:s11+s7], $0x20, s30, s7, $0xb8;
	[tilespmem:$0x15800] =	vst v63  }
0x486: {  	_ =	swait.ge [sflag:s23], $0x1000  }
0x487: {  	[sflag:s23] =	ssyncset.done $0x0  }
0x488: {  	[sflag:s23] =	ssyncadd.s32 $0xFFFFF000  }
0x489: {  	_ =	swait.ge [sflag:s23], $0x1000  }
0x48a: {  	[sflag:s23] =	ssyncset.done $0x0  }
0x48b: {  	[sflag:s23] =	ssyncadd.s32 $0xFFFFF000  }
0x48c: {  	_ =	swait.ge [sflag:s23], $0x1000  }
0x48d: {  	[sflag:s23] =	ssyncset.done $0x0  }
0x48e: {  	[sflag:s23] =	ssyncadd.s32 $0xFFFFF000  }
0x48f: {  	_ =	swait.ge [sflag:s23], $0x1000  }
0x490: {  	[sflag:s23] =	ssyncset.done $0x0  }
0x491: {  	[sflag:s23] =	ssyncadd.s32 $0xFFFFF000  }
0x492: {  	_ =	swait.ge [sflag:s23], $0x1000  }
0x493: {  	[sflag:s23] =	ssyncset.done $0x0  }
0x494: {  	[sflag:s23] =	ssyncadd.s32 $0xFFFFF000  }
0x495: {  	_ =	swait.ge [sflag:s23], $0x1000  }
0x496: {  	[sflag:s23] =	ssyncset.done $0x0  }
0x497: {  	[sflag:s23] =	ssyncadd.s32 $0xFFFFF000  }
0x498: {  	_ =	swait.ge [sflag:s23], $0x1000  }
0x499: {  	[sflag:s23] =	ssyncset.done $0x0  }
0x49a: {  	[sflag:s23] =	ssyncadd.s32 $0xFFFFF000  }
0x49b: {  	_ =	swait.ge [sflag:s23], $0x1000  }
0x49c: {  	[sflag:s23] =	ssyncset.done $0x0  }
0x49d: {  	s31 =	rddreg [dreg:$0xc];
	[sflag:s23] =	ssyncadd.s32 $0xFFFFF000  }
0x49e: {  	[hbm4b:s31+s8] =	stream.linear.scatter [tilespmem:s15], [sflag:$0x4], $0x8000, $0x38;
	[tilespmem:$0x15800] =	vst v63  }
0x49f: {  	_ =	swait.ge [sflag:s5], $0x8000  }
0x4a0: {  	[sflag:s5] =	ssyncset.done $0x0  }
0x4a1: {  	[sflag:s5] =	ssyncadd.s32 $0xFFFF8000  }
0x4a2: {  	_ =	swait.ge [sflag:s14], $0x1000  }
0x4a3: {  	[sflag:s14] =	ssyncset.done $0x0  }
0x4a4: {  	[sflag:s14] =	ssyncadd.s32 $0xFFFFF000  }
0x4a5: {  	_ =	swait.ge [sflag:s14], $0x1000  }
0x4a6: {  	[sflag:s14] =	ssyncset.done $0x0  }
0x4a7: {  	[sflag:s14] =	ssyncadd.s32 $0xFFFFF000  }
0x4a8: {  	_ =	swait.ge [sflag:s14], $0x1000  }
0x4a9: {  	[sflag:s14] =	ssyncset.done $0x0  }
0x4aa: {  	[sflag:s14] =	ssyncadd.s32 $0xFFFFF000  }
0x4ab: {  	_ =	swait.ge [sflag:s14], $0x1000  }
0x4ac: {  	[sflag:s14] =	ssyncset.done $0x0  }
0x4ad: {  	[sflag:s14] =	ssyncadd.s32 $0xFFFFF000  }
0x4ae: {  	_ =	swait.ge [sflag:s14], $0x1000  }
0x4af: {  	[sflag:s14] =	ssyncset.done $0x0  }
0x4b0: {  	[sflag:s14] =	ssyncadd.s32 $0xFFFFF000  }
0x4b1: {  	_ =	swait.ge [sflag:s14], $0x1000  }
0x4b2: {  	[sflag:s14] =	ssyncset.done $0x0  }
0x4b3: {  	[sflag:s14] =	ssyncadd.s32 $0xFFFFF000  }
0x4b4: {  	_ =	swait.ge [sflag:s14], $0x1000  }
0x4b5: {  	[sflag:s14] =	ssyncset.done $0x0  }
0x4b6: {  	[sflag:s14] =	ssyncadd.s32 $0xFFFFF000  }
0x4b7: {  	_ =	swait.ge [sflag:s14], $0x1000  }
0x4b8: {  	[sflag:s14] =	ssyncset.done $0x0  }
0x4b9: {  	s1 =	rddreg [dreg:$0xd];
	[sflag:s14] =	ssyncadd.s32 $0xFFFFF000  }
0x4ba: {  	[hbm4b:s1+s8] =	stream.linear.scatter [tilespmem:s13], [sflag:$0x4], $0x8000, $0x38;
	[tilespmem:$0x15800] =	vst v63  }
0x4bb: {  	_ =	swait.ge [sflag:s5], $0x8000  }
0x4bc: {  	[sflag:s5] =	ssyncset.done $0x0  }
0x4bd: {  	[sflag:s5] =	ssyncadd.s32 $0xFFFF8000  }
0x4be: {  	[bflag:$0x0] =	sbarrier.arrive $0xFFFF  }
0x4bf: {  	s11 =	sld [smem:$0x7D8]  }
0x4c0: {  	[spmem:s2] =	stream.indirect.scatter.add.f32 [tilespmem:s6], [sflag:$0x3], $0x10, s12, s7, $0xb8;
	[tilespmem:$0x15800] =	vst v63  }
0x4c1: {  	s13 =	sld [smem:$0x7D9]  }
0x4c2: {  	[spmem:s2] =	stream.indirect.scatter.add.f32 [tilespmem:s6], [sflag:$0x3], $0x10, s11, s7, $0xb8;
	[tilespmem:$0x15800] =	vst v63  }
0x4c3: {  	s14 =	sld [smem:$0x7DA]  }
0x4c4: {  	[spmem:s2] =	stream.indirect.scatter.add.f32 [tilespmem:s6], [sflag:$0x3], $0x10, s13, s7, $0xb8;
	[tilespmem:$0x15800] =	vst v63  }
0x4c5: {  	s15 =	sld [smem:$0x7DB]  }
0x4c6: {  	[spmem:s2] =	stream.indirect.scatter.add.f32 [tilespmem:s6], [sflag:$0x3], $0x10, s14, s7, $0xb8;
	[tilespmem:$0x15800] =	vst v63  }
0x4c7: {  	s16 =	sld [smem:$0x7DC]  }
0x4c8: {  	[spmem:s2] =	stream.indirect.scatter.add.f32 [tilespmem:s6], [sflag:$0x3], $0x10, s15, s7, $0xb8;
	[tilespmem:$0x15800] =	vst v63  }
0x4c9: {  	s17 =	sld [smem:$0x7DD]  }
0x4ca: {  	[spmem:s2] =	stream.indirect.scatter.add.f32 [tilespmem:s6], [sflag:$0x3], $0x10, s16, s7, $0xb8;
	[tilespmem:$0x15800] =	vst v63  }
0x4cb: {  	s18 =	sld [smem:$0x7DE]  }
0x4cc: {  	[spmem:s2] =	stream.indirect.scatter.add.f32 [tilespmem:s6], [sflag:$0x3], $0x10, s17, s7, $0xb8;
	[tilespmem:$0x15800] =	vst v63  }
0x4cd: {  	_ = 	snop  }
0x4ce: {  	[spmem:s2] =	stream.indirect.scatter.add.f32 [tilespmem:s6], [sflag:$0x3], $0x10, s18, s7, $0xb8;
	[tilespmem:$0x15800] =	vst v63  }
0x4cf: {  	_ =	swait.ge [sflag:s9], $0x800  }
0x4d0: {  	[sflag:s9] =	ssyncset.done $0x0  }
0x4d1: {  	[sflag:s9] =	ssyncadd.s32 $0xFFFFF800  }
0x4d2: {  	_ =	swait.ge [sflag:s9], $0x800  }
0x4d3: {  	[sflag:s9] =	ssyncset.done $0x0  }
0x4d4: {  	[sflag:s9] =	ssyncadd.s32 $0xFFFFF800  }
0x4d5: {  	_ =	swait.ge [sflag:s9], $0x800  }
0x4d6: {  	[sflag:s9] =	ssyncset.done $0x0  }
0x4d7: {  	[sflag:s9] =	ssyncadd.s32 $0xFFFFF800  }
0x4d8: {  	_ =	swait.ge [sflag:s9], $0x800  }
0x4d9: {  	[sflag:s9] =	ssyncset.done $0x0  }
0x4da: {  	[sflag:s9] =	ssyncadd.s32 $0xFFFFF800  }
0x4db: {  	_ =	swait.ge [sflag:s9], $0x800  }
0x4dc: {  	[sflag:s9] =	ssyncset.done $0x0  }
0x4dd: {  	[sflag:s9] =	ssyncadd.s32 $0xFFFFF800  }
0x4de: {  	_ =	swait.ge [sflag:s9], $0x800  }
0x4df: {  	[sflag:s9] =	ssyncset.done $0x0  }
0x4e0: {  	[sflag:s9] =	ssyncadd.s32 $0xFFFFF800  }
0x4e1: {  	_ =	swait.ge [sflag:s9], $0x800  }
0x4e2: {  	[sflag:s9] =	ssyncset.done $0x0  }
0x4e3: {  	[sflag:s9] =	ssyncadd.s32 $0xFFFFF800  }
0x4e4: {  	_ =	swait.ge [sflag:s9], $0x800  }
0x4e5: {  	s19 =	sld [smem:$0x7DF]  }
0x4e6: {  	[sflag:s9] =	ssyncset.done $0x0  }
0x4e7: {  	s20 =	sld [smem:$0x7E0];
	[sflag:s9] =	ssyncadd.s32 $0xFFFFF800  }
0x4e8: {  	[spmem:s2] =	stream.indirect.scatter.add.f32 [tilespmem:s6], [sflag:$0x3], $0x10, s19, s7, $0xb8;
	[tilespmem:$0x15800] =	vst v63  }
0x4e9: {  	s21 =	sld [smem:$0x7E1]  }
0x4ea: {  	[spmem:s2] =	stream.indirect.scatter.add.f32 [tilespmem:s6], [sflag:$0x3], $0x10, s20, s7, $0xb8;
	[tilespmem:$0x15800] =	vst v63  }
0x4eb: {  	s22 =	sld [smem:$0x7E2]  }
0x4ec: {  	[spmem:s2] =	stream.indirect.scatter.add.f32 [tilespmem:s6], [sflag:$0x3], $0x10, s21, s7, $0xb8;
	[tilespmem:$0x15800] =	vst v63  }
0x4ed: {  	s23 =	sld [smem:$0x7E3]  }
0x4ee: {  	[spmem:s2] =	stream.indirect.scatter.add.f32 [tilespmem:s6], [sflag:$0x3], $0x10, s22, s7, $0xb8;
	[tilespmem:$0x15800] =	vst v63  }
0x4ef: {  	s24 =	sld [smem:$0x7E4]  }
0x4f0: {  	[spmem:s2] =	stream.indirect.scatter.add.f32 [tilespmem:s6], [sflag:$0x3], $0x10, s23, s7, $0xb8;
	[tilespmem:$0x15800] =	vst v63  }
0x4f1: {  	s25 =	sld [smem:$0x7E5]  }
0x4f2: {  	[spmem:s2] =	stream.indirect.scatter.add.f32 [tilespmem:s6], [sflag:$0x3], $0x10, s24, s7, $0xb8;
	[tilespmem:$0x15800] =	vst v63  }
0x4f3: {  	s26 =	sld [smem:$0x7E6]  }
0x4f4: {  	[spmem:s2] =	stream.indirect.scatter.add.f32 [tilespmem:s6], [sflag:$0x3], $0x10, s25, s7, $0xb8;
	[tilespmem:$0x15800] =	vst v63  }
0x4f5: {  	_ = 	snop  }
0x4f6: {  	[spmem:s2] =	stream.indirect.scatter.add.f32 [tilespmem:s6], [sflag:$0x3], $0x10, s26, s7, $0xb8;
	[tilespmem:$0x15800] =	vst v63  }
0x4f7: {  	_ =	swait.ge [sflag:s9], $0x800  }
0x4f8: {  	[sflag:s9] =	ssyncset.done $0x0  }
0x4f9: {  	[sflag:s9] =	ssyncadd.s32 $0xFFFFF800  }
0x4fa: {  	_ =	swait.ge [sflag:s9], $0x800  }
0x4fb: {  	[sflag:s9] =	ssyncset.done $0x0  }
0x4fc: {  	[sflag:s9] =	ssyncadd.s32 $0xFFFFF800  }
0x4fd: {  	_ =	swait.ge [sflag:s9], $0x800  }
0x4fe: {  	[sflag:s9] =	ssyncset.done $0x0  }
0x4ff: {  	[sflag:s9] =	ssyncadd.s32 $0xFFFFF800  }
0x500: {  	_ =	swait.ge [sflag:s9], $0x800  }
0x501: {  	[sflag:s9] =	ssyncset.done $0x0  }
0x502: {  	[sflag:s9] =	ssyncadd.s32 $0xFFFFF800  }
0x503: {  	_ =	swait.ge [sflag:s9], $0x800  }
0x504: {  	[sflag:s9] =	ssyncset.done $0x0  }
0x505: {  	[sflag:s9] =	ssyncadd.s32 $0xFFFFF800  }
0x506: {  	_ =	swait.ge [sflag:s9], $0x800  }
0x507: {  	[sflag:s9] =	ssyncset.done $0x0  }
0x508: {  	[sflag:s9] =	ssyncadd.s32 $0xFFFFF800  }
0x509: {  	_ =	swait.ge [sflag:s9], $0x800  }
0x50a: {  	[sflag:s9] =	ssyncset.done $0x0  }
0x50b: {  	[sflag:s9] =	ssyncadd.s32 $0xFFFFF800  }
0x50c: {  	_ =	swait.ge [sflag:s9], $0x800  }
0x50d: {  	s28 =	sld [smem:$0x7E7]  }
0x50e: {  	[sflag:s9] =	ssyncset.done $0x0  }
0x50f: {  	s29 =	sld [smem:$0x7E8];
	[sflag:s9] =	ssyncadd.s32 $0xFFFFF800  }
0x510: {  	[spmem:s2] =	stream.indirect.scatter.add.f32 [tilespmem:s6], [sflag:$0x3], $0x10, s28, s7, $0xb8;
	[tilespmem:$0x15800] =	vst v63  }
0x511: {  	s30 =	sld [smem:$0x7E9]  }
0x512: {  	[spmem:s2] =	stream.indirect.scatter.add.f32 [tilespmem:s6], [sflag:$0x3], $0x10, s29, s7, $0xb8;
	[tilespmem:$0x15800] =	vst v63  }
0x513: {  	s31 =	sld [smem:$0x7EA]  }
0x514: {  	[spmem:s2] =	stream.indirect.scatter.add.f32 [tilespmem:s6], [sflag:$0x3], $0x10, s30, s7, $0xb8;
	[tilespmem:$0x15800] =	vst v63  }
0x515: {  	s8 =	sld [smem:$0x7EB]  }
0x516: {  	[spmem:s2] =	stream.indirect.scatter.add.f32 [tilespmem:s6], [sflag:$0x3], $0x10, s31, s7, $0xb8;
	[tilespmem:$0x15800] =	vst v63  }
0x517: {  	s11 =	sld [smem:$0x7EC]  }
0x518: {  	[spmem:s2] =	stream.indirect.scatter.add.f32 [tilespmem:s6], [sflag:$0x3], $0x10, s8, s7, $0xb8;
	[tilespmem:$0x15800] =	vst v63  }
0x519: {  	s12 =	sld [smem:$0x7ED]  }
0x51a: {  	[spmem:s2] =	stream.indirect.scatter.add.f32 [tilespmem:s6], [sflag:$0x3], $0x10, s11, s7, $0xb8;
	[tilespmem:$0x15800] =	vst v63  }
0x51b: {  	s13 =	sld [smem:$0x7EE]  }
0x51c: {  	[spmem:s2] =	stream.indirect.scatter.add.f32 [tilespmem:s6], [sflag:$0x3], $0x10, s12, s7, $0xb8;
	[tilespmem:$0x15800] =	vst v63  }
0x51d: {  	_ = 	snop  }
0x51e: {  	[spmem:s2] =	stream.indirect.scatter.add.f32 [tilespmem:s6], [sflag:$0x3], $0x10, s13, s7, $0xb8;
	[tilespmem:$0x15800] =	vst v63  }
0x51f: {  	_ =	swait.ge [sflag:s9], $0x800  }
0x520: {  	[sflag:s9] =	ssyncset.done $0x0  }
0x521: {  	[sflag:s9] =	ssyncadd.s32 $0xFFFFF800  }
0x522: {  	_ =	swait.ge [sflag:s9], $0x800  }
0x523: {  	[sflag:s9] =	ssyncset.done $0x0  }
0x524: {  	[sflag:s9] =	ssyncadd.s32 $0xFFFFF800  }
0x525: {  	_ =	swait.ge [sflag:s9], $0x800  }
0x526: {  	[sflag:s9] =	ssyncset.done $0x0  }
0x527: {  	[sflag:s9] =	ssyncadd.s32 $0xFFFFF800  }
0x528: {  	_ =	swait.ge [sflag:s9], $0x800  }
0x529: {  	[sflag:s9] =	ssyncset.done $0x0  }
0x52a: {  	[sflag:s9] =	ssyncadd.s32 $0xFFFFF800  }
0x52b: {  	_ =	swait.ge [sflag:s9], $0x800  }
0x52c: {  	[sflag:s9] =	ssyncset.done $0x0  }
0x52d: {  	[sflag:s9] =	ssyncadd.s32 $0xFFFFF800  }
0x52e: {  	_ =	swait.ge [sflag:s9], $0x800  }
0x52f: {  	[sflag:s9] =	ssyncset.done $0x0  }
0x530: {  	[sflag:s9] =	ssyncadd.s32 $0xFFFFF800  }
0x531: {  	_ =	swait.ge [sflag:s9], $0x800  }
0x532: {  	[sflag:s9] =	ssyncset.done $0x0  }
0x533: {  	[sflag:s9] =	ssyncadd.s32 $0xFFFFF800  }
0x534: {  	_ =	swait.ge [sflag:s9], $0x800  }
0x535: {  	s14 =	sld [smem:$0x7EF]  }
0x536: {  	[sflag:s9] =	ssyncset.done $0x0  }
0x537: {  	s15 =	sld [smem:$0x7F0];
	[sflag:s9] =	ssyncadd.s32 $0xFFFFF800  }
0x538: {  	[spmem:s2] =	stream.indirect.scatter.add.f32 [tilespmem:s6], [sflag:$0x3], $0x10, s14, s7, $0xb8;
	[tilespmem:$0x15800] =	vst v63  }
0x539: {  	s16 =	sld [smem:$0x7F1]  }
0x53a: {  	[spmem:s2] =	stream.indirect.scatter.add.f32 [tilespmem:s6], [sflag:$0x3], $0x10, s15, s7, $0xb8;
	[tilespmem:$0x15800] =	vst v63  }
0x53b: {  	s17 =	sld [smem:$0x7F2]  }
0x53c: {  	[spmem:s2] =	stream.indirect.scatter.add.f32 [tilespmem:s6], [sflag:$0x3], $0x10, s16, s7, $0xb8;
	[tilespmem:$0x15800] =	vst v63  }
0x53d: {  	s18 =	sld [smem:$0x7F3]  }
0x53e: {  	[spmem:s2] =	stream.indirect.scatter.add.f32 [tilespmem:s6], [sflag:$0x3], $0x10, s17, s7, $0xb8;
	[tilespmem:$0x15800] =	vst v63  }
0x53f: {  	s19 =	sld [smem:$0x7F4]  }
0x540: {  	[spmem:s2] =	stream.indirect.scatter.add.f32 [tilespmem:s6], [sflag:$0x3], $0x10, s18, s7, $0xb8;
	[tilespmem:$0x15800] =	vst v63  }
0x541: {  	s20 =	sld [smem:$0x7F5]  }
0x542: {  	[spmem:s2] =	stream.indirect.scatter.add.f32 [tilespmem:s6], [sflag:$0x3], $0x10, s19, s7, $0xb8;
	[tilespmem:$0x15800] =	vst v63  }
0x543: {  	s21 =	sld [smem:$0x7F6]  }
0x544: {  	[spmem:s2] =	stream.indirect.scatter.add.f32 [tilespmem:s6], [sflag:$0x3], $0x10, s20, s7, $0xb8;
	[tilespmem:$0x15800] =	vst v63  }
0x545: {  	_ = 	snop  }
0x546: {  	[spmem:s2] =	stream.indirect.scatter.add.f32 [tilespmem:s6], [sflag:$0x3], $0x10, s21, s7, $0xb8;
	[tilespmem:$0x15800] =	vst v63  }
0x547: {  	_ =	swait.ge [sflag:s9], $0x800  }
0x548: {  	[sflag:s9] =	ssyncset.done $0x0  }
0x549: {  	[sflag:s9] =	ssyncadd.s32 $0xFFFFF800  }
0x54a: {  	_ =	swait.ge [sflag:s9], $0x800  }
0x54b: {  	[sflag:s9] =	ssyncset.done $0x0  }
0x54c: {  	[sflag:s9] =	ssyncadd.s32 $0xFFFFF800  }
0x54d: {  	_ =	swait.ge [sflag:s9], $0x800  }
0x54e: {  	[sflag:s9] =	ssyncset.done $0x0  }
0x54f: {  	[sflag:s9] =	ssyncadd.s32 $0xFFFFF800  }
0x550: {  	_ =	swait.ge [sflag:s9], $0x800  }
0x551: {  	[sflag:s9] =	ssyncset.done $0x0  }
0x552: {  	[sflag:s9] =	ssyncadd.s32 $0xFFFFF800  }
0x553: {  	_ =	swait.ge [sflag:s9], $0x800  }
0x554: {  	[sflag:s9] =	ssyncset.done $0x0  }
0x555: {  	[sflag:s9] =	ssyncadd.s32 $0xFFFFF800  }
0x556: {  	_ =	swait.ge [sflag:s9], $0x800  }
0x557: {  	[sflag:s9] =	ssyncset.done $0x0  }
0x558: {  	[sflag:s9] =	ssyncadd.s32 $0xFFFFF800  }
0x559: {  	_ =	swait.ge [sflag:s9], $0x800  }
0x55a: {  	[sflag:s9] =	ssyncset.done $0x0  }
0x55b: {  	[sflag:s9] =	ssyncadd.s32 $0xFFFFF800  }
0x55c: {  	_ =	swait.ge [sflag:s9], $0x800  }
0x55d: {  	s22 =	sld [smem:$0x7F7]  }
0x55e: {  	[sflag:s9] =	ssyncset.done $0x0  }
0x55f: {  	s23 =	sld [smem:$0x7F8];
	[sflag:s9] =	ssyncadd.s32 $0xFFFFF800  }
0x560: {  	[spmem:s2] =	stream.indirect.scatter.add.f32 [tilespmem:s6], [sflag:$0x3], $0x10, s22, s7, $0xb8;
	[tilespmem:$0x15800] =	vst v63  }
0x561: {  	s24 =	sld [smem:$0x7F9]  }
0x562: {  	[spmem:s2] =	stream.indirect.scatter.add.f32 [tilespmem:s6], [sflag:$0x3], $0x10, s23, s7, $0xb8;
	[tilespmem:$0x15800] =	vst v63  }
0x563: {  	s25 =	sld [smem:$0x7FA]  }
0x564: {  	[spmem:s2] =	stream.indirect.scatter.add.f32 [tilespmem:s6], [sflag:$0x3], $0x10, s24, s7, $0xb8;
	[tilespmem:$0x15800] =	vst v63  }
0x565: {  	s26 =	sld [smem:$0x7FB]  }
0x566: {  	[spmem:s2] =	stream.indirect.scatter.add.f32 [tilespmem:s6], [sflag:$0x3], $0x10, s25, s7, $0xb8;
	[tilespmem:$0x15800] =	vst v63  }
0x567: {  	s28 =	sld [smem:$0x7FC]  }
0x568: {  	[spmem:s2] =	stream.indirect.scatter.add.f32 [tilespmem:s6], [sflag:$0x3], $0x10, s26, s7, $0xb8;
	[tilespmem:$0x15800] =	vst v63  }
0x569: {  	s29 =	sld [smem:$0x7FD]  }
0x56a: {  	[spmem:s2] =	stream.indirect.scatter.add.f32 [tilespmem:s6], [sflag:$0x3], $0x10, s28, s7, $0xb8;
	[tilespmem:$0x15800] =	vst v63  }
0x56b: {  	_ = 	snop  }
0x56c: {  	[spmem:s2] =	stream.indirect.scatter.add.f32 [tilespmem:s6], [sflag:$0x3], $0x10, s29, s7, $0xb8;
	[tilespmem:$0x15800] =	vst v63  }
0x56d: {  	_ = 	snop  }
0x56e: {  	[spmem:s2] =	stream.indirect.scatter.add.f32 [tilespmem:s6], [sflag:$0x3], $0x10, s10, s7, $0xb8;
	[tilespmem:$0x15800] =	vst v63  }
0x56f: {  	_ =	swait.ge [sflag:s9], $0x800  }
0x570: {  	[sflag:s9] =	ssyncset.done $0x0  }
0x571: {  	[sflag:s9] =	ssyncadd.s32 $0xFFFFF800  }
0x572: {  	_ =	swait.ge [sflag:s9], $0x800  }
0x573: {  	[sflag:s9] =	ssyncset.done $0x0  }
0x574: {  	[sflag:s9] =	ssyncadd.s32 $0xFFFFF800  }
0x575: {  	_ =	swait.ge [sflag:s9], $0x800  }
0x576: {  	[sflag:s9] =	ssyncset.done $0x0  }
0x577: {  	[sflag:s9] =	ssyncadd.s32 $0xFFFFF800  }
0x578: {  	_ =	swait.ge [sflag:s9], $0x800  }
0x579: {  	[sflag:s9] =	ssyncset.done $0x0  }
0x57a: {  	[sflag:s9] =	ssyncadd.s32 $0xFFFFF800  }
0x57b: {  	_ =	swait.ge [sflag:s9], $0x800  }
0x57c: {  	[sflag:s9] =	ssyncset.done $0x0  }
0x57d: {  	[sflag:s9] =	ssyncadd.s32 $0xFFFFF800  }
0x57e: {  	_ =	swait.ge [sflag:s9], $0x800  }
0x57f: {  	[sflag:s9] =	ssyncset.done $0x0  }
0x580: {  	[sflag:s9] =	ssyncadd.s32 $0xFFFFF800  }
0x581: {  	_ =	swait.ge [sflag:s9], $0x800  }
0x582: {  	[sflag:s9] =	ssyncset.done $0x0  }
0x583: {  	[sflag:s9] =	ssyncadd.s32 $0xFFFFF800  }
0x584: {  	_ =	swait.ge [sflag:s9], $0x800  }
0x585: {  	[sflag:s9] =	ssyncset.done $0x0  }
0x586: {  	[sflag:s9] =	ssyncadd.s32 $0xFFFFF800  }
0x587: {  	[bflag:$0x0] =	sbarrier.arrive $0xFFFF  }
0x588: {  	s30 =	rddreg [dreg:$0xe]  }
0x589: {  	[hbm:s30], [sflag:s3] =	dma.local [spmem:s4], $0x500  }
0x58a: {  	_ =	swait.ge [sflag:s5], $0x500  }
0x58b: {  	[sflag:s5] =	ssyncset.done $0x0  }
0x58c: {  	[sflag:s5] =	ssyncadd.s32 $0xFFFFFB00  }
0x58d: {  	_ =	sfence.sel $0x180000  }
0x58e: {  	[bflag:$0x0] =	sbarrier.arrive $0xFFFF  }
0x58f: {  	_ =	strace $0x90000047  }
0x590: {  	s31 =	stileid.u32;
	[bflag:$0x2] =	sbarrier.arrive $0xFFFF  }
0x591: {  	p0 =	sne.s32 s31, $0x0;
	s0 =	rddreg [dreg:$0x4]  }
0x592: {  	s0 =	sadd.s32 @!p0 $0x100000, s0  }
0x593: {  	[sflag:s0] =	ssyncadd.tile.s32 @!p0 $0x1;
	_ =	shalt  }
.Lfunc_end2:
_tile_overlayer_lowered:
.L_overlay_start_2:
0x594: {  	(tag) =	ssettag $0x2  }
0x595: {  	s0 =	rddreg [dreg:$0x0];
	s2 =	stileid.u32  }
0x596: {  	s1 =	rddreg [dreg:$0x1];
	p0 =	sne.s32 s2, $0x0  }
0x597: {  	s3 =	rddreg [dreg:$0x2];
	[bflag:$0x3] =	sbarrier.arrive $0xFFFF;
	s2 =	simm.s32 @!p0 $0x1C04  }
0x598: {  	[timem:s3], [sflag:s2] =	dma.local @!p0 [hbm:s0], s1  }
0x599: {  	s0 =	simm.s32 @!p0 $0x4  }
0x59a: {  	_ =	swait.ge @!p0 [sflag:s0], s1  }
0x59b: {  	s1 =	ssub.s32 @!p0 $0x0, s1;
	[sflag:s0] =	ssyncset.done @!p0 $0x0  }
0x59c: {  	[sflag:s0] =	ssyncadd.s32 @!p0 s1  }
0x59d: {  	[bflag:$0x3] =	sbarrier.arrive $0xFFFF  }
0x59e: {  	_ =	shalt  }

// kernel: kernel.9.cloned.1.call-start
scs
__scs_entry_jumppad:
0x0: {  	(pc) =	sbr.rel $0x88, $3  }
0x1: {  	(tag) =	ssettag $0x0;
	lr =	simm.s32 $0x1  }
0x2: {  	[smem:$0x3F94] =	sst lr;
	_ =	strace $0xD0000000  }
0x3: {  	_ = 	snop  }
0x4: {  	_ = 	snop  }
0x5: {  	_ = 	snop  }
0x6: {  	_ = 	snop  }
0x7: {  	_ = 	snop  }
__scs_overlays_trampoline_lowered:
0x8: {  	[smem:$0x3FA3] =	sst s0  }
0x9: {  	[smem:$0x3FA4] =	sst s1  }
0xa: {  	[smem:$0x3FA5] =	sst s2  }
0xb: {  	[smem:$0x3FA6] =	sst s3  }
0xc: {  	[smem:$0x3FA7] =	sst s4  }
0xd: {  	[smem:$0x3FA8] =	sst s5  }
0xe: {  	[smem:$0x3FA9] =	sst s6  }
0xf: {  	[smem:$0x3FAA] =	sst s7  }
0x10: {  	[smem:$0x3FAB] =	sst s8  }
0x11: {  	[smem:$0x3FAC] =	sst s9;
	s0 =	simm.s32 @!p0 $0x0  }
0x12: {  	s1 =	sld [smem:$0x3F92];
	s0 =	simm.s32 @p0 $0x1  }
0x13: {  	[smem:$0x3FAD] =	sst s0;
	s0 =	simm.s32 @!p1 $0x0  }
0x14: {  	s2 =	sld [smem:$0x3F91];
	s0 =	simm.s32 @p1 $0x1  }
0x15: {  	[smem:$0x3FAE] =	sst s0;
	s0 =	simm.s32 @!p2 $0x0  }
0x16: {  	s3 =	sld [smem:$0x3FDB];
	s0 =	simm.s32 @p2 $0x1  }
0x17: {  	s4 =	simm.s32 $0x1BF5;
	[smem:$0x3FB0] =	sst s0  }
0x18: {  	s0 =	sld [smem:$0x3F93];
	_ =	swait.ge [sflag:s4], $0x0  }
0x19: {  	s7 =	sld [smem:$0x3F94]  }
0x1a: {  	s8 =	sadd.s32 $0xFFFFE003, lr  }
0x1b: {  	s9 =	sadd.s32 $0xFFFFFEF7, lr;
	s5 =	simm.s32 $0xFFFFFFFF;
	p2 =	slt.u32 s8, $0xFFFFF086  }
0x1c: {  	p1 =	slt.u32 s9, $0xF7A;
	s5 =	simm.s32 @!p2 $0x0  }
0x1d: {  	s5 =	simm.s32 @p1 $0x1;
	p0 =	seq.s32 s7, s2  }
0x1e: {  	s7 =	smul.u32 @!p0 $0xF7A, s2;
	p2 =	seq.s32 @!p0 s5, $0x0  }
0x1f: {  	s9 =	smul.u32 $0xF7A, s1;
	s8 =	simm.s32 @!p0 $0x1BF5;
	p2 =	por !p2, p0  }
0x20: {  	[sflag:s8] =	ssyncset.s32 @!p0 $0xFFFFF086;
	s6 =	sadd.s32 @!p0 s3, s7;
	s7 =	simm.s32 @!p0 $0x108  }
0x21: {  	s3 =	sadd.s32 s3, s9;
	s6 =	sadd.s32 @!p0 $0x88, s6;
	s7 =	simm.s32 @p2 $0x1082  }
0x22: {  	[simem:s7], [sflag:s8] =	dma.local @!p0 [hbm:s6], $0xF7A  }
0x23: {  	s9 =	sor.u32 $0xD0000000, s2;
	s6 =	simm.s32 $0x108;
	_ =	swait.ge @!p0 [sflag:s8], $0x0  }
0x24: {  	s3 =	sadd.s32 $0x88, s3;
	s6 =	simm.s32 @!p1 $0x1082;
	[sflag:s4] =	ssyncset.s32 $0xFFFFF086  }
0x25: {  	[simem:s6], [sflag:s4] =	dma.local [hbm:s3], $0xF7A  }
0x26: {  	[smem:$0x3F94] =	sst s1;
	(tag) =	ssettag s2;
	_ =	strace s9  }
0x27: {  	s1 =	sld [smem:$0x3FA4]  }
0x28: {  	s2 =	sld [smem:$0x3FA5]  }
0x29: {  	s4 =	sld [smem:$0x3FA7]  }
0x2a: {  	p0 =	seq.s32 s5, $0x0;
	s5 =	sld [smem:$0x3FA8]  }
0x2b: {  	s6 =	sld [smem:$0x3FA9]  }
0x2c: {  	s7 =	sld [smem:$0x3FAA]  }
0x2d: {  	s3 =	simm.s32 $0x108;
	s8 =	sld [smem:$0x3FAB]  }
0x2e: {  	s3 =	simm.s32 @!p0 $0x1082;
	s9 =	sld [smem:$0x3FAC]  }
0x2f: {  	lr =	sadd.s32 s0, s3;
	s0 =	sld [smem:$0x3FA3]  }
0x30: {  	s3 =	sld [smem:$0x3FA6]  }
0x31: {  	[smem:$0x3FAF] =	sst s10  }
0x32: {  	s10 =	sld [smem:$0x3FAD];
	_ =	sdelay $0x3  }
0x33: {  	p0 =	seq.s32 s10, $0x1;
	s10 =	sld [smem:$0x3FAF];
	_ =	sdelay $0x3  }
0x34: {  	[smem:$0x3FAF] =	sst s10  }
0x35: {  	s10 =	sld [smem:$0x3FAE];
	_ =	sdelay $0x3  }
0x36: {  	p1 =	seq.s32 s10, $0x1;
	s10 =	sld [smem:$0x3FAF];
	_ =	sdelay $0x3  }
0x37: {  	[smem:$0x3FAF] =	sst s10  }
0x38: {  	s10 =	sld [smem:$0x3FB0]  }
0x39: {  	_ = 	snop;
	(pc) =	sbr.ind lr, $3  }
0x3a: {  	_ = 	snop  }
0x3b: {  	_ = 	snop  }
0x3c: {  	p2 =	seq.s32 s10, $0x1;
	s10 =	sld [smem:$0x3FAF]  }
0x3d: {  	_ =	shalt  }
0x3e: {  	_ =	shalt  }
0x3f: {  	_ =	shalt  }
0x40: {  	_ =	shalt  }
0x41: {  	_ =	shalt  }
0x42: {  	_ =	shalt  }
0x43: {  	_ =	shalt  }
0x44: {  	_ =	shalt  }
0x45: {  	_ =	shalt  }
0x46: {  	_ =	shalt  }
0x47: {  	_ =	shalt  }
0x48: {  	_ =	shalt  }
0x49: {  	_ =	shalt  }
0x4a: {  	_ =	shalt  }
0x4b: {  	_ =	shalt  }
0x4c: {  	_ =	shalt  }
0x4d: {  	_ =	shalt  }
0x4e: {  	_ =	shalt  }
0x4f: {  	_ =	shalt  }
0x50: {  	_ =	shalt  }
0x51: {  	_ =	shalt  }
0x52: {  	_ =	shalt  }
0x53: {  	_ =	shalt  }
0x54: {  	_ =	shalt  }
0x55: {  	_ =	shalt  }
0x56: {  	_ =	shalt  }
0x57: {  	_ =	shalt  }
0x58: {  	_ =	shalt  }
0x59: {  	_ =	shalt  }
0x5a: {  	_ =	shalt  }
0x5b: {  	_ =	shalt  }
0x5c: {  	_ =	shalt  }
0x5d: {  	_ =	shalt  }
0x5e: {  	_ =	shalt  }
0x5f: {  	_ =	shalt  }
0x60: {  	_ =	shalt  }
0x61: {  	_ =	shalt  }
0x62: {  	_ =	shalt  }
0x63: {  	_ =	shalt  }
0x64: {  	_ =	shalt  }
0x65: {  	_ =	shalt  }
0x66: {  	_ =	shalt  }
0x67: {  	_ =	shalt  }
0x68: {  	_ =	shalt  }
0x69: {  	_ =	shalt  }
0x6a: {  	_ =	shalt  }
0x6b: {  	_ =	shalt  }
0x6c: {  	_ =	shalt  }
0x6d: {  	_ =	shalt  }
0x6e: {  	_ =	shalt  }
0x6f: {  	_ =	shalt  }
0x70: {  	_ =	shalt  }
0x71: {  	_ =	shalt  }
0x72: {  	_ =	shalt  }
0x73: {  	_ =	shalt  }
0x74: {  	_ =	shalt  }
0x75: {  	_ =	shalt  }
0x76: {  	_ =	shalt  }
0x77: {  	_ =	shalt  }
0x78: {  	_ =	shalt  }
0x79: {  	_ =	shalt  }
0x7a: {  	_ =	shalt  }
0x7b: {  	_ =	shalt  }
0x7c: {  	_ =	shalt  }
0x7d: {  	_ =	shalt  }
0x7e: {  	_ =	shalt  }
0x7f: {  	_ =	shalt  }
0x80: {  	_ =	shalt  }
0x81: {  	_ =	shalt  }
0x82: {  	_ =	shalt  }
0x83: {  	_ =	shalt  }
0x84: {  	_ =	shalt  }
0x85: {  	_ =	shalt  }
0x86: {  	_ =	shalt  }
0x87: {  	_ =	shalt  }
.Lfunc_end0:
.L_simem_size_0:
called_computation.1_lowered:
.L_overlay_start_0:
0x88: {  	s2 =	sld [smem:$0x3FD9]  }
0x89: {  	s3 =	sld [smem:$0x3FFE];
	_ =	sdelay $0x1  }
0x8a: {  	s1 =	srdreg.scid  }
0x8b: {  	s0 =	sand.u32 $0x1, s1  }
0x8c: {  	s14 =	sshll.u32 s0, $0xA;
	s2 =	sadd.s32 s3, s2  }
0x8d: {  	s2 =	sadd.s32 s2, s14  }
0x8e: {  	[smem:$0x3FBB] =	sst s2  }
0x8f: {  	_ = 	snop  }
0x90: {  	s2 =	sld [smem:$0x3FD0];
	_ =	sdelay $0x2  }
0x91: {  	s15 =	simm.s32 $0xA;
	s4 =	simm.s32 $0x10  }
0x92: {  	[smem:s4], [sflag:s15] =	dma.local [hbm:s2], $0x1  }
0x93: {  	_ =	swait.eq [sflag:s15], $0x1  }
0x94: {  	[sflag:s15] =	ssyncset.done $0x0  }
0x95: {  	[sflag:s15] =	ssyncadd.s32 $0xFFFFFFFF  }
0x96: {  	s16 =	sld [smem:$0x11];
	(tm) =	ssettm $0x1  }
0x97: {  	s17 =	sld [smem:$0x3FFB];
	_ =	sdelay $0x3  }
0x98: {  	_ =	strace s17  }
0x99: {  	s3 =	sld [smem:$0x3FFC];
	_ =	sdelay $0x3  }
0x9a: {  	_ =	strace s3  }
0x9b: {  	s3 =	sld [smem:$0x3FFD];
	_ =	sdelay $0x3  }
0x9c: {  	_ =	strace s3  }
0x9d: {  	_ =	strace $0x8FFFFFFF  }
0x9e: {  	s18 =	sld [smem:$0x3FDB];
	_ =	sdelay $0x1  }
0x9f: {  	s19 =	simm.s32 $_scs_section_size  }
0xa0: {  	s5 =	simm.s32 $_size__tile_overlayer_lowered;
	s6 =	simm.s32 $_tile_overlayer_lowered  }
0xa1: {  	s22 =	simm.s32 $0x1BFF;
	s21 =	sshll.u32 s6, $0x1;
	s3 =	sadd.s32 s19, s18  }
0xa2: {  	s7 =	simm.s32 $0x0;
	s20 =	sshll.u32 s5, $0x1;
	s5 =	sadd.s32 s21, s3  }
0xa3: {  	[timem:s7], [sflag:s22] =	dma.local [hbm:s5], s20  }
0xa4: {  	_ =	swait.ge [sflag:s22], s20  }
0xa5: {  	s4 =	ssub.s32 $0x0, s20;
	[sflag:s22] =	ssyncset.done $0x0  }
0xa6: {  	[sflag:s22] =	ssyncadd.s32 s4;
	_ =	sdelay $0x1  }
0xa7: {  	s23 =	simm.s32 $0x1B8B  }
0xa8: {  	_ =	swait.ge [sflag:s23], $0x1  }
0xa9: {  	[sflag:s23] =	ssyncset.done $0x0  }
0xaa: {  	s25 =	simm.s32 $0x1B8E;
	s24 =	sld [smem:$0x3FFE];
	[sflag:s23] =	ssyncadd.s32 $0xFFFFFFFF  }
0xab: {  	s26 =	simm.s32 $execute0_lowered;
	[smem:$0x3FD2] =	sst s25  }
0xac: {  	s5 =	sshll.u32 s26, $0x1;
	_ =	strace $0x80000049;
	[dreg:$0x1] =	wrdreg $0xFFFFFFFF  }
0xad: {  	s28 =	simm.s32 $_size_execute0_lowered;
	s3 =	sadd.s32 s3, s5;
	[dreg:$0x0] =	wrdreg $0x0  }
0xae: {  	s5 =	sshll.u32 s28, $0x1;
	[dreg:$0x2] =	wrdreg s3  }
0xaf: {  	[dreg:$0x3] =	wrdreg s5  }
0xb0: {  	[dreg:$0x4] =	wrdreg $0xC0  }
0xb1: {  	_ =	task [dreg:s7], $0x5FFFF  }
0xb2: {  	[dreg:$0x1] =	wrdreg $0xFFFFFFFF  }
0xb3: {  	[dreg:$0x0] =	wrdreg $0x60  }
0xb4: {  	[dreg:$0x2] =	wrdreg s24  }
0xb5: {  	[dreg:$0x3] =	wrdreg s16  }
0xb6: {  	[dreg:$0x4] =	wrdreg $0x114000  }
0xb7: {  	[dreg:$0x5] =	wrdreg $0x9  }
0xb8: {  	_ =	task.clear_ibuf [dreg:s7], $0x6FFFF;
	_ =	strace $0x90000049  }
0xb9: {  	s29 =	simm.s32 $0x9;
	_ =	strace $0x8000004B  }
0xba: {  	_ =	swait.ge [sflag:s29], $0x1  }
0xbb: {  	[sflag:s29] =	ssyncadd.s32 $0xFFFFFFFF  }
0xbc: {  	_ =	strace $0x9000004B  }
0xbd: {  	_ =	sfence  }
0xbe: {  	s30 =	sld [smem:$0x0];
	_ =	sdelay $0x2  }
0xbf: {  	s31 =	sshll.u32 s1, $0xD;
	s1 =	sshrl.u32 s1, $0x2  }
0xc0: {  	s3 =	sand.u32 $0x4000, s31;
	s1 =	sadd.s32 s1, s30  }
0xc1: {  	s0 =	sor.u32 s3, s0;
	s1 =	sshll.u32 s1, $0x11  }
0xc2: {  	s0 =	sor.u32 s1, s0  }
0xc3: {  	s0 =	sadd.s32 $0x8F2B, s0  }
0xc4: {  	[sflag:s0] =	ssyncadd.remote.s32 $0x1  }
0xc5: {  	_ =	sfence.sel $0xFFFF  }
0xc6: {  	[dreg:$0x0] =	wrdreg $0xFFFFFFFF;
	(pc) =	sbr.abs _section_cstart, $3  }
0xc7: {  	[dreg:$0x1] =	wrdreg $0xFFFFFFFF  }
0xc8: {  	_ =	task.clear_ibuf [dreg:s7], $0x2FFFF;
	_ =	strace $0x9FFFFFFF  }
0xc9: {  	(tm) =	ssettm $0x7FFFFFFF  }
tec
execute0_lowered:
.L_overlay_start_1:
0x0: {  	(tag) =	ssettag $0x1  }
0x1: {  	s0 =	rddreg [dreg:$0x0]  }
0x2: {  	s1 =	rddreg [dreg:$0x1]  }
0x3: {  	s2 =	srdreg.scid;
	s18 =	stileid.u32  }
0x4: {  	s10 =	simm.s32 $0x10080;
	s11 =	simm.s32 $0x10100;
	s12 =	simm.s32 $0x10180  }
0x5: {  	[dreg:$0x4] =	wrdreg s1;
	s22 =	sand.u32 $0x1, s2;
	s3 =	sshll.u32 s18, $0x1  }
0x6: {  	s2 =	rddreg [dreg:$0x2];
	s4 =	sor.u32 s22, s3;
	s3 =	simm.s32 $0x0  }
0x7: {  	s13 =	simm.s32 $0x10200;
	s14 =	simm.s32 $0x10280;
	[smem:$0x7FF] =	sst s3  }
0x8: {  	s15 =	simm.s32 $0x10300;
	_ =	strace $0x8000004A;
	[dreg:$0xc] =	wrdreg s10  }
0x9: {  	s16 =	simm.s32 $0x10380;
	s17 =	simm.s32 $0x10400;
	[dreg:$0xd] =	wrdreg s11  }
0xa: {  	s19 =	simm.s32 $0x10480;
	s20 =	simm.s32 $0x10500;
	[dreg:$0xe] =	wrdreg s12  }
0xb: {  	s31 =	simm.s32 $0x10000;
	s28 =	simm.s32 $0xD000;
	[dreg:$0xf] =	wrdreg s13  }
0xc: {  	p0 =	por $0x0, $0x0;
	s29 =	simm.s32 $0xE000;
	[dreg:$0x10] =	wrdreg s14  }
0xd: {  	s30 =	simm.s32 $0xF000;
	s6 =	smul.u32 $0x5000, s18;
	[dreg:$0x11] =	wrdreg s15  }
0xe: {  	s8 =	sadd.s32 $0x8A00, s0;
	s9 =	smul.u32 $0x50000, s22;
	[dreg:$0x12] =	wrdreg s16  }
0xf: {  	s1 =	ssub.s32 $0x2, s22;
	s5 =	smul.u32 $0x280, s4;
	[dreg:$0x13] =	wrdreg s17  }
0x10: {  	s22 =	simm.s32 $0x10580;
	s7 =	smul.u32 $0x28000, s4;
	[dreg:$0x14] =	wrdreg s19  }
0x11: {  	s4 =	smul.u32 $0x5000, s4;
	s21 =	sshrl.u32 s1, $0x1;
	[dreg:$0x15] =	wrdreg s20  }
0x12: {  	s25 =	sadd.s32 s6, s9;
	[dreg:$0x16] =	wrdreg s22;
	s10 =	simm.s32 $0x10900  }
0x13: {  	s1 =	ssub.s32 s1, s21;
	s11 =	simm.s32 $0x10980;
	[dreg:$0x1d] =	wrdreg s10  }
0x14: {  	s17 =	simm.s32 $0x8000;
	s12 =	simm.s32 $0x10A00;
	[dreg:$0x1e] =	wrdreg s11  }
0x15: {  	s13 =	simm.s32 $0x10A80;
	s14 =	simm.s32 $0x10B00;
	[dreg:$0x1f] =	wrdreg s12  }
0x16: {  	s15 =	simm.s32 $0x10B80;
	s16 =	simm.s32 $0x10C00;
	[smem:$0x7EF] =	sst s13  }
0x17: {  	s19 =	simm.s32 $0x10C80;
	s20 =	simm.s32 $0x10D00;
	[smem:$0x7F0] =	sst s14  }
0x18: {  	s21 =	simm.s32 $0x10D80;
	s22 =	simm.s32 $0x10E00;
	[smem:$0x7F1] =	sst s15  }
0x19: {  	s5 =	sadd.s32 s5, s0;
	s7 =	sshrl.u32 s7, $0x3;
	[smem:$0x7F2] =	sst s16  }
0x1a: {  	s4 =	sadd.s32 s8, s4;
	s1 =	smax.u32 s1, $0x1;
	[smem:$0x7F3] =	sst s19  }
0x1b: {  	s10 =	simm.s32 $0x1000;
	s11 =	simm.s32 $0x2000;
	[smem:$0x7F4] =	sst s20  }
0x1c: {  	s12 =	simm.s32 $0x3000;
	s13 =	simm.s32 $0x4000;
	[smem:$0x7F5] =	sst s21  }
0x1d: {  	s14 =	simm.s32 $0x5000;
	s15 =	simm.s32 $0x6000;
	[smem:$0x7F6] =	sst s22  }
0x1e: {  	s16 =	simm.s32 $0x7000;
	s19 =	simm.s32 $0x11080;
	[dreg:$0x6] =	wrdreg s4  }
0x1f: {  	s22 =	simm.s32 $0x9000;
	s20 =	simm.s32 $0x11100;
	[smem:$0x7FB] =	sst s19  }
0x20: {  	s21 =	simm.s32 $0x11180;
	s5 =	sadd.s32 $0x3A00, s5;
	[smem:$0x7FC] =	sst s20  }
0x21: {  	s23 =	sadd.s32 s8, s7;
	s7 =	sshrl.u32 s25, $0x3;
	[smem:$0x7FD] =	sst s21  }
0x22: {  	s25 =	simm.s32 $0x10680;
	p1 =	sne.s32 s1, $0x1;
	[dreg:$0x5] =	wrdreg s5  }
0x23: {  	s1 =	sadd.s32 $0xFFFFFFFF, s1;
	s24 =	sadd.s32 $0x1000, s23;
	[dreg:$0x18] =	wrdreg s25  }
0x24: {  	s20 =	simm.s32 $0x11280;
	s26 =	sadd.s32 $0x2000, s23;
	[dreg:$0x7] =	wrdreg s24  }
0x25: {  	s21 =	simm.s32 $0x11300;
	s8 =	sadd.s32 $0x3000, s23;
	[dreg:$0x8] =	wrdreg s26  }
0x26: {  	s19 =	simm.s32 $0x11380;
	s9 =	sadd.s32 $0x4000, s23;
	[dreg:$0x9] =	wrdreg s8  }
0x27: {  	s0 =	sadd.s32 s7, s0;
	s23 =	simm.s32 $0x10600;
	[dreg:$0xa] =	wrdreg s9  }
0x28: {  	s7 =	simm.s32 $0x10780;
	s25 =	simm.s32 $0x10F80;
	[dreg:$0x17] =	wrdreg s23  }
0x29: {  	s0 =	sadd.s32 $0xB3000, s0;
	s24 =	sadd.s32 s6, s2;
	[dreg:$0x1a] =	wrdreg s7  }
0x2a: {  	s26 =	sshll.u32 s18, $0x6;
	s6 =	simm.s32 $0x10700;
	[smem:$0x7F9] =	sst s25  }
0x2b: {  	s8 =	simm.s32 $0x10800;
	s9 =	simm.s32 $0x10880;
	[dreg:$0xb] =	wrdreg s0  }
0x2c: {  	s7 =	simm.s32 $0x80;
	s23 =	simm.s32 $0x10E80;
	[dreg:$0x19] =	wrdreg s6  }
0x2d: {  	s25 =	simm.s32 $0xB000;
	s4 =	sor.u32 $0x1C04, s26;
	[dreg:$0x1b] =	wrdreg s8  }
.Ltmp0:
0x2e: {  	s5 =	sshrl.u32 s24, $0x3;
	[dreg:$0x1c] =	wrdreg s9;
	(pc) =	sbr.rel @!p1 .LBB2_1-.Ltmp0, $4  }
0x2f: {  	s6 =	simm.s32 $0x4;
	s9 =	simm.s32 $0x1;
	[smem:$0x7F7] =	sst s23  }
0x30: {  	s8 =	simm.s32 $0x3;
	s24 =	simm.s32 $0x10F00;
	s0 =	rddreg [dreg:$0x4]  }
0x31: {  	s23 =	simm.s32 $0x2;
	s26 =	simm.s32 $0x11000;
	[smem:$0x7F8] =	sst s24  }
0x32: {  	s24 =	simm.s32 $0xA000;
	[smem:$0x7FA] =	sst s26;
	s26 =	simm.s32 $0xC000  }
0x33: {  	[spmem:s5], [sflag:s4] =	dma.local [hbm:s0], $0xA00  }
0x34: {  	_ =	swait.ge [sflag:s6], $0xA00  }
0x35: {  	[sflag:s6] =	ssyncset.done $0x0  }
0x36: {  	s18 =	rddreg [dreg:$0x5];
	[sflag:s6] =	ssyncadd.s32 $0xFFFFF600  }
0x37: {  	[tilespmem:s31], [sflag:$0x4] =	stream.linear.gather [hbm4b:s18+s3], $0x1400, $0x38;
	[tilespmem:$0x16400] =	vst v63  }
0x38: {  	_ =	swait.ge [sflag:s6], $0x1400  }
0x39: {  	[sflag:s6] =	ssyncset.done $0x0  }
0x3a: {  	[sflag:s6] =	ssyncadd.s32 $0xFFFFEC00  }
0x3b: {  	[bflag:$0x0] =	sbarrier.arrive $0xFFFF  }
0x3c: {  	s0 =	rddreg [dreg:$0x6]  }
0x3d: {  	[tilespmem:s3], [sflag:$0x1] =	stream.linear.gather [hbm4b:s0+s3], $0x8000, $0x38;
	[tilespmem:$0x16400] =	vst v63  }
0x3e: {  	s18 =	smov.u32 s1;
	s1 =	rddreg [dreg:$0x7]  }
0x3f: {  	[tilespmem:s17], [sflag:$0x2] =	stream.linear.gather [hbm4b:s1+s3], $0x8000, $0x38;
	[tilespmem:$0x16400] =	vst v63  }
0x40: {  	_ =	swait.ge [sflag:s9], $0x8000  }
0x41: {  	[sflag:s9] =	ssyncset.done $0x0  }
0x42: {  	[sflag:s9] =	ssyncadd.s32 $0xFFFF8000  }
0x43: {  	[spmem:s2] =	stream.indirect.scatter.add.f32 [tilespmem:s3], [sflag:$0x3], $0x20, s31, s7, $0xb8;
	[tilespmem:$0x16400] =	vst v63  }
0x44: {  	s0 =	rddreg [dreg:$0xc]  }
0x45: {  	[spmem:s2] =	stream.indirect.scatter.add.f32 [tilespmem:s10], [sflag:$0x3], $0x20, s0, s7, $0xb8;
	[tilespmem:$0x16400] =	vst v63  }
0x46: {  	s1 =	rddreg [dreg:$0xd]  }
0x47: {  	[spmem:s2] =	stream.indirect.scatter.add.f32 [tilespmem:s11], [sflag:$0x3], $0x20, s1, s7, $0xb8;
	[tilespmem:$0x16400] =	vst v63  }
0x48: {  	s0 =	rddreg [dreg:$0xe]  }
0x49: {  	[spmem:s2] =	stream.indirect.scatter.add.f32 [tilespmem:s12], [sflag:$0x3], $0x20, s0, s7, $0xb8;
	[tilespmem:$0x16400] =	vst v63  }
0x4a: {  	s1 =	rddreg [dreg:$0xf]  }
0x4b: {  	[spmem:s2] =	stream.indirect.scatter.add.f32 [tilespmem:s13], [sflag:$0x3], $0x20, s1, s7, $0xb8;
	[tilespmem:$0x16400] =	vst v63  }
0x4c: {  	s0 =	rddreg [dreg:$0x10]  }
0x4d: {  	[spmem:s2] =	stream.indirect.scatter.add.f32 [tilespmem:s14], [sflag:$0x3], $0x20, s0, s7, $0xb8;
	[tilespmem:$0x16400] =	vst v63  }
0x4e: {  	s1 =	rddreg [dreg:$0x11]  }
0x4f: {  	[spmem:s2] =	stream.indirect.scatter.add.f32 [tilespmem:s15], [sflag:$0x3], $0x20, s1, s7, $0xb8;
	[tilespmem:$0x16400] =	vst v63  }
0x50: {  	s0 =	rddreg [dreg:$0x12]  }
0x51: {  	[spmem:s2] =	stream.indirect.scatter.add.f32 [tilespmem:s16], [sflag:$0x3], $0x20, s0, s7, $0xb8;
	[tilespmem:$0x16400] =	vst v63  }
0x52: {  	_ =	swait.ge [sflag:s8], $0x1000  }
0x53: {  	[sflag:s8] =	ssyncset.done $0x0  }
0x54: {  	[sflag:s8] =	ssyncadd.s32 $0xFFFFF000  }
0x55: {  	_ =	swait.ge [sflag:s8], $0x1000  }
0x56: {  	[sflag:s8] =	ssyncset.done $0x0  }
0x57: {  	[sflag:s8] =	ssyncadd.s32 $0xFFFFF000  }
0x58: {  	_ =	swait.ge [sflag:s8], $0x1000  }
0x59: {  	[sflag:s8] =	ssyncset.done $0x0  }
0x5a: {  	[sflag:s8] =	ssyncadd.s32 $0xFFFFF000  }
0x5b: {  	_ =	swait.ge [sflag:s8], $0x1000  }
0x5c: {  	[sflag:s8] =	ssyncset.done $0x0  }
0x5d: {  	[sflag:s8] =	ssyncadd.s32 $0xFFFFF000  }
0x5e: {  	_ =	swait.ge [sflag:s8], $0x1000  }
0x5f: {  	[sflag:s8] =	ssyncset.done $0x0  }
0x60: {  	[sflag:s8] =	ssyncadd.s32 $0xFFFFF000  }
0x61: {  	_ =	swait.ge [sflag:s8], $0x1000  }
0x62: {  	[sflag:s8] =	ssyncset.done $0x0  }
0x63: {  	[sflag:s8] =	ssyncadd.s32 $0xFFFFF000  }
0x64: {  	_ =	swait.ge [sflag:s8], $0x1000  }
0x65: {  	[sflag:s8] =	ssyncset.done $0x0  }
0x66: {  	[sflag:s8] =	ssyncadd.s32 $0xFFFFF000  }
0x67: {  	_ =	swait.ge [sflag:s8], $0x1000  }
0x68: {  	[sflag:s8] =	ssyncset.done $0x0  }
0x69: {  	s1 =	rddreg [dreg:$0x8];
	[sflag:s8] =	ssyncadd.s32 $0xFFFFF000  }
0x6a: {  	[tilespmem:s3], [sflag:$0x1] =	stream.linear.gather [hbm4b:s1+s3], $0x8000, $0x38;
	[tilespmem:$0x16400] =	vst v63  }
0x6b: {  	_ =	swait.ge [sflag:s23], $0x8000  }
0x6c: {  	[sflag:s23] =	ssyncset.done $0x0  }
0x6d: {  	s0 =	rddreg [dreg:$0x13];
	[sflag:s23] =	ssyncadd.s32 $0xFFFF8000  }
0x6e: {  	[spmem:s2] =	stream.indirect.scatter.add.f32 [tilespmem:s17], [sflag:$0x3], $0x20, s0, s7, $0xb8;
	[tilespmem:$0x16400] =	vst v63  }
0x6f: {  	s1 =	rddreg [dreg:$0x14]  }
0x70: {  	[spmem:s2] =	stream.indirect.scatter.add.f32 [tilespmem:s22], [sflag:$0x3], $0x20, s1, s7, $0xb8;
	[tilespmem:$0x16400] =	vst v63  }
0x71: {  	s0 =	rddreg [dreg:$0x15]  }
0x72: {  	[spmem:s2] =	stream.indirect.scatter.add.f32 [tilespmem:s24], [sflag:$0x3], $0x20, s0, s7, $0xb8;
	[tilespmem:$0x16400] =	vst v63  }
0x73: {  	s1 =	rddreg [dreg:$0x16]  }
0x74: {  	[spmem:s2] =	stream.indirect.scatter.add.f32 [tilespmem:s25], [sflag:$0x3], $0x20, s1, s7, $0xb8;
	[tilespmem:$0x16400] =	vst v63  }
0x75: {  	s0 =	rddreg [dreg:$0x17]  }
0x76: {  	[spmem:s2] =	stream.indirect.scatter.add.f32 [tilespmem:s26], [sflag:$0x3], $0x20, s0, s7, $0xb8;
	[tilespmem:$0x16400] =	vst v63  }
0x77: {  	s1 =	rddreg [dreg:$0x18]  }
0x78: {  	[spmem:s2] =	stream.indirect.scatter.add.f32 [tilespmem:s28], [sflag:$0x3], $0x20, s1, s7, $0xb8;
	[tilespmem:$0x16400] =	vst v63  }
0x79: {  	s0 =	rddreg [dreg:$0x19]  }
0x7a: {  	[spmem:s2] =	stream.indirect.scatter.add.f32 [tilespmem:s29], [sflag:$0x3], $0x20, s0, s7, $0xb8;
	[tilespmem:$0x16400] =	vst v63  }
0x7b: {  	s1 =	rddreg [dreg:$0x1a]  }
0x7c: {  	[spmem:s2] =	stream.indirect.scatter.add.f32 [tilespmem:s30], [sflag:$0x3], $0x20, s1, s7, $0xb8;
	[tilespmem:$0x16400] =	vst v63  }
0x7d: {  	_ =	swait.ge [sflag:s8], $0x1000  }
0x7e: {  	[sflag:s8] =	ssyncset.done $0x0  }
0x7f: {  	[sflag:s8] =	ssyncadd.s32 $0xFFFFF000  }
0x80: {  	_ =	swait.ge [sflag:s8], $0x1000  }
0x81: {  	[sflag:s8] =	ssyncset.done $0x0  }
0x82: {  	[sflag:s8] =	ssyncadd.s32 $0xFFFFF000  }
0x83: {  	_ =	swait.ge [sflag:s8], $0x1000  }
0x84: {  	[sflag:s8] =	ssyncset.done $0x0  }
0x85: {  	[sflag:s8] =	ssyncadd.s32 $0xFFFFF000  }
0x86: {  	_ =	swait.ge [sflag:s8], $0x1000  }
0x87: {  	[sflag:s8] =	ssyncset.done $0x0  }
0x88: {  	[sflag:s8] =	ssyncadd.s32 $0xFFFFF000  }
0x89: {  	_ =	swait.ge [sflag:s8], $0x1000  }
0x8a: {  	[sflag:s8] =	ssyncset.done $0x0  }
0x8b: {  	[sflag:s8] =	ssyncadd.s32 $0xFFFFF000  }
0x8c: {  	_ =	swait.ge [sflag:s8], $0x1000  }
0x8d: {  	[sflag:s8] =	ssyncset.done $0x0  }
0x8e: {  	[sflag:s8] =	ssyncadd.s32 $0xFFFFF000  }
0x8f: {  	_ =	swait.ge [sflag:s8], $0x1000  }
0x90: {  	[sflag:s8] =	ssyncset.done $0x0  }
0x91: {  	[sflag:s8] =	ssyncadd.s32 $0xFFFFF000  }
0x92: {  	_ =	swait.ge [sflag:s8], $0x1000  }
0x93: {  	[sflag:s8] =	ssyncset.done $0x0  }
0x94: {  	s1 =	rddreg [dreg:$0x9];
	[sflag:s8] =	ssyncadd.s32 $0xFFFFF000  }
0x95: {  	[tilespmem:s17], [sflag:$0x2] =	stream.linear.gather [hbm4b:s1+s3], $0x8000, $0x38;
	[tilespmem:$0x16400] =	vst v63  }
0x96: {  	_ =	swait.ge [sflag:s9], $0x8000  }
0x97: {  	s0 =	rddreg [dreg:$0x1b];
	[sflag:s9] =	ssyncset.done $0x0  }
0x98: {  	s1 =	rddreg [dreg:$0x1c];
	[sflag:s9] =	ssyncadd.s32 $0xFFFF8000  }
0x99: {  	[spmem:s2] =	stream.indirect.scatter.add.f32 [tilespmem:s3], [sflag:$0x3], $0x20, s0, s7, $0xb8;
	[tilespmem:$0x16400] =	vst v63  }
0x9a: {  	s0 =	rddreg [dreg:$0x1d]  }
0x9b: {  	[spmem:s2] =	stream.indirect.scatter.add.f32 [tilespmem:s10], [sflag:$0x3], $0x20, s1, s7, $0xb8;
	[tilespmem:$0x16400] =	vst v63  }
0x9c: {  	s1 =	rddreg [dreg:$0x1e]  }
0x9d: {  	[spmem:s2] =	stream.indirect.scatter.add.f32 [tilespmem:s11], [sflag:$0x3], $0x20, s0, s7, $0xb8;
	[tilespmem:$0x16400] =	vst v63  }
0x9e: {  	s0 =	rddreg [dreg:$0x1f]  }
0x9f: {  	[spmem:s2] =	stream.indirect.scatter.add.f32 [tilespmem:s12], [sflag:$0x3], $0x20, s1, s7, $0xb8;
	[tilespmem:$0x16400] =	vst v63  }
0xa0: {  	s1 =	sld [smem:$0x7EF]  }
0xa1: {  	[spmem:s2] =	stream.indirect.scatter.add.f32 [tilespmem:s13], [sflag:$0x3], $0x20, s0, s7, $0xb8;
	[tilespmem:$0x16400] =	vst v63  }
0xa2: {  	s0 =	sld [smem:$0x7F0]  }
0xa3: {  	[spmem:s2] =	stream.indirect.scatter.add.f32 [tilespmem:s14], [sflag:$0x3], $0x20, s1, s7, $0xb8;
	[tilespmem:$0x16400] =	vst v63  }
0xa4: {  	s1 =	sld [smem:$0x7F1]  }
0xa5: {  	[spmem:s2] =	stream.indirect.scatter.add.f32 [tilespmem:s15], [sflag:$0x3], $0x20, s0, s7, $0xb8;
	[tilespmem:$0x16400] =	vst v63  }
0xa6: {  	_ = 	snop  }
0xa7: {  	[spmem:s2] =	stream.indirect.scatter.add.f32 [tilespmem:s16], [sflag:$0x3], $0x20, s1, s7, $0xb8;
	[tilespmem:$0x16400] =	vst v63  }
0xa8: {  	_ =	swait.ge [sflag:s8], $0x1000  }
0xa9: {  	[sflag:s8] =	ssyncset.done $0x0  }
0xaa: {  	[sflag:s8] =	ssyncadd.s32 $0xFFFFF000  }
0xab: {  	_ =	swait.ge [sflag:s8], $0x1000  }
0xac: {  	[sflag:s8] =	ssyncset.done $0x0  }
0xad: {  	[sflag:s8] =	ssyncadd.s32 $0xFFFFF000  }
0xae: {  	_ =	swait.ge [sflag:s8], $0x1000  }
0xaf: {  	[sflag:s8] =	ssyncset.done $0x0  }
0xb0: {  	[sflag:s8] =	ssyncadd.s32 $0xFFFFF000  }
0xb1: {  	_ =	swait.ge [sflag:s8], $0x1000  }
0xb2: {  	[sflag:s8] =	ssyncset.done $0x0  }
0xb3: {  	[sflag:s8] =	ssyncadd.s32 $0xFFFFF000  }
0xb4: {  	_ =	swait.ge [sflag:s8], $0x1000  }
0xb5: {  	[sflag:s8] =	ssyncset.done $0x0  }
0xb6: {  	[sflag:s8] =	ssyncadd.s32 $0xFFFFF000  }
0xb7: {  	_ =	swait.ge [sflag:s8], $0x1000  }
0xb8: {  	[sflag:s8] =	ssyncset.done $0x0  }
0xb9: {  	[sflag:s8] =	ssyncadd.s32 $0xFFFFF000  }
0xba: {  	_ =	swait.ge [sflag:s8], $0x1000  }
0xbb: {  	[sflag:s8] =	ssyncset.done $0x0  }
0xbc: {  	[sflag:s8] =	ssyncadd.s32 $0xFFFFF000  }
0xbd: {  	_ =	swait.ge [sflag:s8], $0x1000  }
0xbe: {  	[sflag:s8] =	ssyncset.done $0x0  }
0xbf: {  	s1 =	rddreg [dreg:$0xa];
	[sflag:s8] =	ssyncadd.s32 $0xFFFFF000  }
0xc0: {  	[tilespmem:s3], [sflag:$0x1] =	stream.linear.gather [hbm4b:s1+s3], $0x8000, $0x38;
	[tilespmem:$0x16400] =	vst v63  }
0xc1: {  	_ =	swait.ge [sflag:s23], $0x8000  }
0xc2: {  	s0 =	sld [smem:$0x7F2]  }
0xc3: {  	[sflag:s23] =	ssyncset.done $0x0  }
0xc4: {  	s1 =	sld [smem:$0x7F3];
	[sflag:s23] =	ssyncadd.s32 $0xFFFF8000  }
0xc5: {  	[spmem:s2] =	stream.indirect.scatter.add.f32 [tilespmem:s17], [sflag:$0x3], $0x20, s0, s7, $0xb8;
	[tilespmem:$0x16400] =	vst v63  }
0xc6: {  	s0 =	sld [smem:$0x7F4]  }
0xc7: {  	[spmem:s2] =	stream.indirect.scatter.add.f32 [tilespmem:s22], [sflag:$0x3], $0x20, s1, s7, $0xb8;
	[tilespmem:$0x16400] =	vst v63  }
0xc8: {  	s1 =	sld [smem:$0x7F5]  }
0xc9: {  	[spmem:s2] =	stream.indirect.scatter.add.f32 [tilespmem:s24], [sflag:$0x3], $0x20, s0, s7, $0xb8;
	[tilespmem:$0x16400] =	vst v63  }
0xca: {  	s0 =	sld [smem:$0x7F6]  }
0xcb: {  	[spmem:s2] =	stream.indirect.scatter.add.f32 [tilespmem:s25], [sflag:$0x3], $0x20, s1, s7, $0xb8;
	[tilespmem:$0x16400] =	vst v63  }
0xcc: {  	s1 =	sld [smem:$0x7F7]  }
0xcd: {  	[spmem:s2] =	stream.indirect.scatter.add.f32 [tilespmem:s26], [sflag:$0x3], $0x20, s0, s7, $0xb8;
	[tilespmem:$0x16400] =	vst v63  }
0xce: {  	s0 =	sld [smem:$0x7F8]  }
0xcf: {  	[spmem:s2] =	stream.indirect.scatter.add.f32 [tilespmem:s28], [sflag:$0x3], $0x20, s1, s7, $0xb8;
	[tilespmem:$0x16400] =	vst v63  }
0xd0: {  	s1 =	sld [smem:$0x7F9]  }
0xd1: {  	[spmem:s2] =	stream.indirect.scatter.add.f32 [tilespmem:s29], [sflag:$0x3], $0x20, s0, s7, $0xb8;
	[tilespmem:$0x16400] =	vst v63  }
0xd2: {  	_ = 	snop  }
0xd3: {  	[spmem:s2] =	stream.indirect.scatter.add.f32 [tilespmem:s30], [sflag:$0x3], $0x20, s1, s7, $0xb8;
	[tilespmem:$0x16400] =	vst v63  }
0xd4: {  	_ =	swait.ge [sflag:s8], $0x1000  }
0xd5: {  	[sflag:s8] =	ssyncset.done $0x0  }
0xd6: {  	[sflag:s8] =	ssyncadd.s32 $0xFFFFF000  }
0xd7: {  	_ =	swait.ge [sflag:s8], $0x1000  }
0xd8: {  	[sflag:s8] =	ssyncset.done $0x0  }
0xd9: {  	[sflag:s8] =	ssyncadd.s32 $0xFFFFF000  }
0xda: {  	_ =	swait.ge [sflag:s8], $0x1000  }
0xdb: {  	[sflag:s8] =	ssyncset.done $0x0  }
0xdc: {  	[sflag:s8] =	ssyncadd.s32 $0xFFFFF000  }
0xdd: {  	_ =	swait.ge [sflag:s8], $0x1000  }
0xde: {  	[sflag:s8] =	ssyncset.done $0x0  }
0xdf: {  	[sflag:s8] =	ssyncadd.s32 $0xFFFFF000  }
0xe0: {  	_ =	swait.ge [sflag:s8], $0x1000  }
0xe1: {  	[sflag:s8] =	ssyncset.done $0x0  }
0xe2: {  	[sflag:s8] =	ssyncadd.s32 $0xFFFFF000  }
0xe3: {  	_ =	swait.ge [sflag:s8], $0x1000  }
0xe4: {  	[sflag:s8] =	ssyncset.done $0x0  }
0xe5: {  	[sflag:s8] =	ssyncadd.s32 $0xFFFFF000  }
0xe6: {  	_ =	swait.ge [sflag:s8], $0x1000  }
0xe7: {  	[sflag:s8] =	ssyncset.done $0x0  }
0xe8: {  	[sflag:s8] =	ssyncadd.s32 $0xFFFFF000  }
0xe9: {  	_ =	swait.ge [sflag:s8], $0x1000  }
0xea: {  	[sflag:s8] =	ssyncset.done $0x0  }
0xeb: {  	[sflag:s8] =	ssyncadd.s32 $0xFFFFF000  }
0xec: {  	_ =	swait.ge [sflag:s9], $0x8000  }
0xed: {  	s0 =	sld [smem:$0x7FA]  }
0xee: {  	[sflag:s9] =	ssyncset.done $0x0  }
0xef: {  	s1 =	sld [smem:$0x7FB];
	[sflag:s9] =	ssyncadd.s32 $0xFFFF8000  }
0xf0: {  	[spmem:s2] =	stream.indirect.scatter.add.f32 [tilespmem:s3], [sflag:$0x3], $0x20, s0, s7, $0xb8;
	[tilespmem:$0x16400] =	vst v63  }
0xf1: {  	s0 =	sld [smem:$0x7FC]  }
0xf2: {  	[spmem:s2] =	stream.indirect.scatter.add.f32 [tilespmem:s10], [sflag:$0x3], $0x20, s1, s7, $0xb8;
	[tilespmem:$0x16400] =	vst v63  }
0xf3: {  	s1 =	sld [smem:$0x7FD]  }
0xf4: {  	[spmem:s2] =	stream.indirect.scatter.add.f32 [tilespmem:s11], [sflag:$0x3], $0x20, s0, s7, $0xb8;
	[tilespmem:$0x16400] =	vst v63  }
0xf5: {  	_ = 	snop  }
0xf6: {  	[spmem:s2] =	stream.indirect.scatter.add.f32 [tilespmem:s12], [sflag:$0x3], $0x20, s1, s7, $0xb8;
	[tilespmem:$0x16400] =	vst v63  }
0xf7: {  	s1 =	simm.s32 $0x11200  }
0xf8: {  	[spmem:s2] =	stream.indirect.scatter.add.f32 [tilespmem:s13], [sflag:$0x3], $0x20, s1, s7, $0xb8;
	[tilespmem:$0x16400] =	vst v63  }
0xf9: {  	_ = 	snop  }
0xfa: {  	[spmem:s2] =	stream.indirect.scatter.add.f32 [tilespmem:s14], [sflag:$0x3], $0x20, s20, s7, $0xb8;
	[tilespmem:$0x16400] =	vst v63  }
0xfb: {  	_ = 	snop  }
0xfc: {  	[spmem:s2] =	stream.indirect.scatter.add.f32 [tilespmem:s15], [sflag:$0x3], $0x20, s21, s7, $0xb8;
	[tilespmem:$0x16400] =	vst v63  }
0xfd: {  	_ = 	snop  }
0xfe: {  	[spmem:s2] =	stream.indirect.scatter.add.f32 [tilespmem:s16], [sflag:$0x3], $0x20, s19, s7, $0xb8;
	[tilespmem:$0x16400] =	vst v63  }
0xff: {  	_ =	swait.ge [sflag:s8], $0x1000  }
0x100: {  	[sflag:s8] =	ssyncset.done $0x0  }
0x101: {  	[sflag:s8] =	ssyncadd.s32 $0xFFFFF000  }
0x102: {  	_ =	swait.ge [sflag:s8], $0x1000  }
0x103: {  	[sflag:s8] =	ssyncset.done $0x0  }
0x104: {  	[sflag:s8] =	ssyncadd.s32 $0xFFFFF000  }
0x105: {  	_ =	swait.ge [sflag:s8], $0x1000  }
0x106: {  	[sflag:s8] =	ssyncset.done $0x0  }
0x107: {  	[sflag:s8] =	ssyncadd.s32 $0xFFFFF000  }
0x108: {  	_ =	swait.ge [sflag:s8], $0x1000  }
0x109: {  	[sflag:s8] =	ssyncset.done $0x0  }
0x10a: {  	[sflag:s8] =	ssyncadd.s32 $0xFFFFF000  }
0x10b: {  	_ =	swait.ge [sflag:s8], $0x1000  }
0x10c: {  	[sflag:s8] =	ssyncset.done $0x0  }
0x10d: {  	[sflag:s8] =	ssyncadd.s32 $0xFFFFF000  }
0x10e: {  	_ =	swait.ge [sflag:s8], $0x1000  }
0x10f: {  	[sflag:s8] =	ssyncset.done $0x0  }
0x110: {  	[sflag:s8] =	ssyncadd.s32 $0xFFFFF000  }
0x111: {  	_ =	swait.ge [sflag:s8], $0x1000  }
0x112: {  	[sflag:s8] =	ssyncset.done $0x0  }
0x113: {  	[sflag:s8] =	ssyncadd.s32 $0xFFFFF000  }
0x114: {  	_ =	swait.ge [sflag:s8], $0x1000  }
0x115: {  	[sflag:s8] =	ssyncset.done $0x0  }
0x116: {  	p1 =	sne.s32 s18, $0x1;
	[sflag:s8] =	ssyncadd.s32 $0xFFFFF000  }
.Ltmp1:
0x117: {  	[bflag:$0x0] =	sbarrier.arrive $0xFFFF;
	(pc) =	sbr.rel @!p1 .LBB2_3-.Ltmp1, $4  }
0x118: {  	s1 =	rddreg [dreg:$0xb]  }
0x119: {  	[hbm:s1], [sflag:s4] =	dma.local [spmem:s5], $0xA00  }
0x11a: {  	p0 =	por $0x1, $0x1;
	_ =	swait.ge [sflag:s6], $0xA00  }
0x11b: {  	s1 =	sadd.s32 $0xFFFFFFFF, s18;
	s0 =	rddreg [dreg:$0x4];
	[sflag:s6] =	ssyncset.done $0x0  }
.LBB2_4:
0x11c: {  	[sflag:s6] =	ssyncadd.s32 $0xFFFFF600  }
0x11d: {  	[spmem:s5], [sflag:s4] =	dma.local [hbm:s0], $0xA00  }
0x11e: {  	_ =	swait.ge [sflag:s6], $0xA00  }
0x11f: {  	[sflag:s6] =	ssyncset.done $0x0  }
0x120: {  	s18 =	rddreg [dreg:$0x5];
	[sflag:s6] =	ssyncadd.s32 $0xFFFFF600  }
0x121: {  	[tilespmem:s31], [sflag:$0x4] =	stream.linear.gather [hbm4b:s18+s3], $0x1400, $0x38;
	[tilespmem:$0x16400] =	vst v63  }
0x122: {  	_ =	swait.ge [sflag:s6], $0x1400  }
0x123: {  	[sflag:s6] =	ssyncset.done $0x0  }
0x124: {  	[sflag:s6] =	ssyncadd.s32 $0xFFFFEC00  }
0x125: {  	[bflag:$0x0] =	sbarrier.arrive $0xFFFF  }
0x126: {  	s0 =	rddreg [dreg:$0x6]  }
0x127: {  	[tilespmem:s3], [sflag:$0x1] =	stream.linear.gather [hbm4b:s0+s3], $0x8000, $0x38;
	[tilespmem:$0x16400] =	vst v63  }
0x128: {  	s18 =	rddreg [dreg:$0x7]  }
0x129: {  	[tilespmem:s17], [sflag:$0x2] =	stream.linear.gather [hbm4b:s18+s3], $0x8000, $0x38;
	[tilespmem:$0x16400] =	vst v63  }
0x12a: {  	_ =	swait.ge [sflag:s9], $0x8000  }
0x12b: {  	[sflag:s9] =	ssyncset.done $0x0  }
0x12c: {  	[sflag:s9] =	ssyncadd.s32 $0xFFFF8000  }
0x12d: {  	[spmem:s2] =	stream.indirect.scatter.add.f32 [tilespmem:s3], [sflag:$0x3], $0x20, s31, s7, $0xb8;
	[tilespmem:$0x16400] =	vst v63  }
0x12e: {  	s0 =	rddreg [dreg:$0xc]  }
0x12f: {  	[spmem:s2] =	stream.indirect.scatter.add.f32 [tilespmem:s10], [sflag:$0x3], $0x20, s0, s7, $0xb8;
	[tilespmem:$0x16400] =	vst v63  }
0x130: {  	s18 =	rddreg [dreg:$0xd]  }
0x131: {  	[spmem:s2] =	stream.indirect.scatter.add.f32 [tilespmem:s11], [sflag:$0x3], $0x20, s18, s7, $0xb8;
	[tilespmem:$0x16400] =	vst v63  }
0x132: {  	s0 =	rddreg [dreg:$0xe]  }
0x133: {  	[spmem:s2] =	stream.indirect.scatter.add.f32 [tilespmem:s12], [sflag:$0x3], $0x20, s0, s7, $0xb8;
	[tilespmem:$0x16400] =	vst v63  }
0x134: {  	s18 =	rddreg [dreg:$0xf]  }
0x135: {  	[spmem:s2] =	stream.indirect.scatter.add.f32 [tilespmem:s13], [sflag:$0x3], $0x20, s18, s7, $0xb8;
	[tilespmem:$0x16400] =	vst v63  }
0x136: {  	s0 =	rddreg [dreg:$0x10]  }
0x137: {  	[spmem:s2] =	stream.indirect.scatter.add.f32 [tilespmem:s14], [sflag:$0x3], $0x20, s0, s7, $0xb8;
	[tilespmem:$0x16400] =	vst v63  }
0x138: {  	s18 =	rddreg [dreg:$0x11]  }
0x139: {  	[spmem:s2] =	stream.indirect.scatter.add.f32 [tilespmem:s15], [sflag:$0x3], $0x20, s18, s7, $0xb8;
	[tilespmem:$0x16400] =	vst v63  }
0x13a: {  	s0 =	rddreg [dreg:$0x12]  }
0x13b: {  	[spmem:s2] =	stream.indirect.scatter.add.f32 [tilespmem:s16], [sflag:$0x3], $0x20, s0, s7, $0xb8;
	[tilespmem:$0x16400] =	vst v63  }
0x13c: {  	_ =	swait.ge [sflag:s8], $0x1000  }
0x13d: {  	[sflag:s8] =	ssyncset.done $0x0  }
0x13e: {  	[sflag:s8] =	ssyncadd.s32 $0xFFFFF000  }
0x13f: {  	_ =	swait.ge [sflag:s8], $0x1000  }
0x140: {  	[sflag:s8] =	ssyncset.done $0x0  }
0x141: {  	[sflag:s8] =	ssyncadd.s32 $0xFFFFF000  }
0x142: {  	_ =	swait.ge [sflag:s8], $0x1000  }
0x143: {  	[sflag:s8] =	ssyncset.done $0x0  }
0x144: {  	[sflag:s8] =	ssyncadd.s32 $0xFFFFF000  }
0x145: {  	_ =	swait.ge [sflag:s8], $0x1000  }
0x146: {  	[sflag:s8] =	ssyncset.done $0x0  }
0x147: {  	[sflag:s8] =	ssyncadd.s32 $0xFFFFF000  }
0x148: {  	_ =	swait.ge [sflag:s8], $0x1000  }
0x149: {  	[sflag:s8] =	ssyncset.done $0x0  }
0x14a: {  	[sflag:s8] =	ssyncadd.s32 $0xFFFFF000  }
0x14b: {  	_ =	swait.ge [sflag:s8], $0x1000  }
0x14c: {  	[sflag:s8] =	ssyncset.done $0x0  }
0x14d: {  	[sflag:s8] =	ssyncadd.s32 $0xFFFFF000  }
0x14e: {  	_ =	swait.ge [sflag:s8], $0x1000  }
0x14f: {  	[sflag:s8] =	ssyncset.done $0x0  }
0x150: {  	[sflag:s8] =	ssyncadd.s32 $0xFFFFF000  }
0x151: {  	_ =	swait.ge [sflag:s8], $0x1000  }
0x152: {  	[sflag:s8] =	ssyncset.done $0x0  }
0x153: {  	s18 =	rddreg [dreg:$0x8];
	[sflag:s8] =	ssyncadd.s32 $0xFFFFF000  }
0x154: {  	[tilespmem:s3], [sflag:$0x1] =	stream.linear.gather [hbm4b:s18+s3], $0x8000, $0x38;
	[tilespmem:$0x16400] =	vst v63  }
0x155: {  	_ =	swait.ge [sflag:s23], $0x8000  }
0x156: {  	[sflag:s23] =	ssyncset.done $0x0  }
0x157: {  	s0 =	rddreg [dreg:$0x13];
	[sflag:s23] =	ssyncadd.s32 $0xFFFF8000  }
0x158: {  	[spmem:s2] =	stream.indirect.scatter.add.f32 [tilespmem:s17], [sflag:$0x3], $0x20, s0, s7, $0xb8;
	[tilespmem:$0x16400] =	vst v63  }
0x159: {  	s18 =	rddreg [dreg:$0x14]  }
0x15a: {  	[spmem:s2] =	stream.indirect.scatter.add.f32 [tilespmem:s22], [sflag:$0x3], $0x20, s18, s7, $0xb8;
	[tilespmem:$0x16400] =	vst v63  }
0x15b: {  	s0 =	rddreg [dreg:$0x15]  }
0x15c: {  	[spmem:s2] =	stream.indirect.scatter.add.f32 [tilespmem:s24], [sflag:$0x3], $0x20, s0, s7, $0xb8;
	[tilespmem:$0x16400] =	vst v63  }
0x15d: {  	s18 =	rddreg [dreg:$0x16]  }
0x15e: {  	[spmem:s2] =	stream.indirect.scatter.add.f32 [tilespmem:s25], [sflag:$0x3], $0x20, s18, s7, $0xb8;
	[tilespmem:$0x16400] =	vst v63  }
0x15f: {  	s0 =	rddreg [dreg:$0x17]  }
0x160: {  	[spmem:s2] =	stream.indirect.scatter.add.f32 [tilespmem:s26], [sflag:$0x3], $0x20, s0, s7, $0xb8;
	[tilespmem:$0x16400] =	vst v63  }
0x161: {  	s18 =	rddreg [dreg:$0x18]  }
0x162: {  	[spmem:s2] =	stream.indirect.scatter.add.f32 [tilespmem:s28], [sflag:$0x3], $0x20, s18, s7, $0xb8;
	[tilespmem:$0x16400] =	vst v63  }
0x163: {  	s0 =	rddreg [dreg:$0x19]  }
0x164: {  	[spmem:s2] =	stream.indirect.scatter.add.f32 [tilespmem:s29], [sflag:$0x3], $0x20, s0, s7, $0xb8;
	[tilespmem:$0x16400] =	vst v63  }
0x165: {  	s18 =	rddreg [dreg:$0x1a]  }
0x166: {  	[spmem:s2] =	stream.indirect.scatter.add.f32 [tilespmem:s30], [sflag:$0x3], $0x20, s18, s7, $0xb8;
	[tilespmem:$0x16400] =	vst v63  }
0x167: {  	_ =	swait.ge [sflag:s8], $0x1000  }
0x168: {  	[sflag:s8] =	ssyncset.done $0x0  }
0x169: {  	[sflag:s8] =	ssyncadd.s32 $0xFFFFF000  }
0x16a: {  	_ =	swait.ge [sflag:s8], $0x1000  }
0x16b: {  	[sflag:s8] =	ssyncset.done $0x0  }
0x16c: {  	[sflag:s8] =	ssyncadd.s32 $0xFFFFF000  }
0x16d: {  	_ =	swait.ge [sflag:s8], $0x1000  }
0x16e: {  	[sflag:s8] =	ssyncset.done $0x0  }
0x16f: {  	[sflag:s8] =	ssyncadd.s32 $0xFFFFF000  }
0x170: {  	_ =	swait.ge [sflag:s8], $0x1000  }
0x171: {  	[sflag:s8] =	ssyncset.done $0x0  }
0x172: {  	[sflag:s8] =	ssyncadd.s32 $0xFFFFF000  }
0x173: {  	_ =	swait.ge [sflag:s8], $0x1000  }
0x174: {  	[sflag:s8] =	ssyncset.done $0x0  }
0x175: {  	[sflag:s8] =	ssyncadd.s32 $0xFFFFF000  }
0x176: {  	_ =	swait.ge [sflag:s8], $0x1000  }
0x177: {  	[sflag:s8] =	ssyncset.done $0x0  }
0x178: {  	[sflag:s8] =	ssyncadd.s32 $0xFFFFF000  }
0x179: {  	_ =	swait.ge [sflag:s8], $0x1000  }
0x17a: {  	[sflag:s8] =	ssyncset.done $0x0  }
0x17b: {  	[sflag:s8] =	ssyncadd.s32 $0xFFFFF000  }
0x17c: {  	_ =	swait.ge [sflag:s8], $0x1000  }
0x17d: {  	[sflag:s8] =	ssyncset.done $0x0  }
0x17e: {  	s18 =	rddreg [dreg:$0x9];
	[sflag:s8] =	ssyncadd.s32 $0xFFFFF000  }
0x17f: {  	[tilespmem:s17], [sflag:$0x2] =	stream.linear.gather [hbm4b:s18+s3], $0x8000, $0x38;
	[tilespmem:$0x16400] =	vst v63  }
0x180: {  	_ =	swait.ge [sflag:s9], $0x8000  }
0x181: {  	s0 =	rddreg [dreg:$0x1b];
	[sflag:s9] =	ssyncset.done $0x0  }
0x182: {  	s18 =	rddreg [dreg:$0x1c];
	[sflag:s9] =	ssyncadd.s32 $0xFFFF8000  }
0x183: {  	[spmem:s2] =	stream.indirect.scatter.add.f32 [tilespmem:s3], [sflag:$0x3], $0x20, s0, s7, $0xb8;
	[tilespmem:$0x16400] =	vst v63  }
0x184: {  	s0 =	rddreg [dreg:$0x1d]  }
0x185: {  	[spmem:s2] =	stream.indirect.scatter.add.f32 [tilespmem:s10], [sflag:$0x3], $0x20, s18, s7, $0xb8;
	[tilespmem:$0x16400] =	vst v63  }
0x186: {  	s18 =	rddreg [dreg:$0x1e]  }
0x187: {  	[spmem:s2] =	stream.indirect.scatter.add.f32 [tilespmem:s11], [sflag:$0x3], $0x20, s0, s7, $0xb8;
	[tilespmem:$0x16400] =	vst v63  }
0x188: {  	s0 =	rddreg [dreg:$0x1f]  }
0x189: {  	[spmem:s2] =	stream.indirect.scatter.add.f32 [tilespmem:s12], [sflag:$0x3], $0x20, s18, s7, $0xb8;
	[tilespmem:$0x16400] =	vst v63  }
0x18a: {  	s18 =	sld [smem:$0x7EF]  }
0x18b: {  	[spmem:s2] =	stream.indirect.scatter.add.f32 [tilespmem:s13], [sflag:$0x3], $0x20, s0, s7, $0xb8;
	[tilespmem:$0x16400] =	vst v63  }
0x18c: {  	s0 =	sld [smem:$0x7F0]  }
0x18d: {  	[spmem:s2] =	stream.indirect.scatter.add.f32 [tilespmem:s14], [sflag:$0x3], $0x20, s18, s7, $0xb8;
	[tilespmem:$0x16400] =	vst v63  }
0x18e: {  	s18 =	sld [smem:$0x7F1]  }
0x18f: {  	[spmem:s2] =	stream.indirect.scatter.add.f32 [tilespmem:s15], [sflag:$0x3], $0x20, s0, s7, $0xb8;
	[tilespmem:$0x16400] =	vst v63  }
0x190: {  	_ = 	snop  }
0x191: {  	[spmem:s2] =	stream.indirect.scatter.add.f32 [tilespmem:s16], [sflag:$0x3], $0x20, s18, s7, $0xb8;
	[tilespmem:$0x16400] =	vst v63  }
0x192: {  	_ =	swait.ge [sflag:s8], $0x1000  }
0x193: {  	[sflag:s8] =	ssyncset.done $0x0  }
0x194: {  	[sflag:s8] =	ssyncadd.s32 $0xFFFFF000  }
0x195: {  	_ =	swait.ge [sflag:s8], $0x1000  }
0x196: {  	[sflag:s8] =	ssyncset.done $0x0  }
0x197: {  	[sflag:s8] =	ssyncadd.s32 $0xFFFFF000  }
0x198: {  	_ =	swait.ge [sflag:s8], $0x1000  }
0x199: {  	[sflag:s8] =	ssyncset.done $0x0  }
0x19a: {  	[sflag:s8] =	ssyncadd.s32 $0xFFFFF000  }
0x19b: {  	_ =	swait.ge [sflag:s8], $0x1000  }
0x19c: {  	[sflag:s8] =	ssyncset.done $0x0  }
0x19d: {  	[sflag:s8] =	ssyncadd.s32 $0xFFFFF000  }
0x19e: {  	_ =	swait.ge [sflag:s8], $0x1000  }
0x19f: {  	[sflag:s8] =	ssyncset.done $0x0  }
0x1a0: {  	[sflag:s8] =	ssyncadd.s32 $0xFFFFF000  }
0x1a1: {  	_ =	swait.ge [sflag:s8], $0x1000  }
0x1a2: {  	[sflag:s8] =	ssyncset.done $0x0  }
0x1a3: {  	[sflag:s8] =	ssyncadd.s32 $0xFFFFF000  }
0x1a4: {  	_ =	swait.ge [sflag:s8], $0x1000  }
0x1a5: {  	[sflag:s8] =	ssyncset.done $0x0  }
0x1a6: {  	[sflag:s8] =	ssyncadd.s32 $0xFFFFF000  }
0x1a7: {  	_ =	swait.ge [sflag:s8], $0x1000  }
0x1a8: {  	[sflag:s8] =	ssyncset.done $0x0  }
0x1a9: {  	s18 =	rddreg [dreg:$0xa];
	[sflag:s8] =	ssyncadd.s32 $0xFFFFF000  }
0x1aa: {  	[tilespmem:s3], [sflag:$0x1] =	stream.linear.gather [hbm4b:s18+s3], $0x8000, $0x38;
	[tilespmem:$0x16400] =	vst v63  }
0x1ab: {  	_ =	swait.ge [sflag:s23], $0x8000  }
0x1ac: {  	s0 =	sld [smem:$0x7F2]  }
0x1ad: {  	[sflag:s23] =	ssyncset.done $0x0  }
0x1ae: {  	s18 =	sld [smem:$0x7F3];
	[sflag:s23] =	ssyncadd.s32 $0xFFFF8000  }
0x1af: {  	[spmem:s2] =	stream.indirect.scatter.add.f32 [tilespmem:s17], [sflag:$0x3], $0x20, s0, s7, $0xb8;
	[tilespmem:$0x16400] =	vst v63  }
0x1b0: {  	s0 =	sld [smem:$0x7F4]  }
0x1b1: {  	[spmem:s2] =	stream.indirect.scatter.add.f32 [tilespmem:s22], [sflag:$0x3], $0x20, s18, s7, $0xb8;
	[tilespmem:$0x16400] =	vst v63  }
0x1b2: {  	s18 =	sld [smem:$0x7F5]  }
0x1b3: {  	[spmem:s2] =	stream.indirect.scatter.add.f32 [tilespmem:s24], [sflag:$0x3], $0x20, s0, s7, $0xb8;
	[tilespmem:$0x16400] =	vst v63  }
0x1b4: {  	s0 =	sld [smem:$0x7F6]  }
0x1b5: {  	[spmem:s2] =	stream.indirect.scatter.add.f32 [tilespmem:s25], [sflag:$0x3], $0x20, s18, s7, $0xb8;
	[tilespmem:$0x16400] =	vst v63  }
0x1b6: {  	s18 =	sld [smem:$0x7F7]  }
0x1b7: {  	[spmem:s2] =	stream.indirect.scatter.add.f32 [tilespmem:s26], [sflag:$0x3], $0x20, s0, s7, $0xb8;
	[tilespmem:$0x16400] =	vst v63  }
0x1b8: {  	s0 =	sld [smem:$0x7F8]  }
0x1b9: {  	[spmem:s2] =	stream.indirect.scatter.add.f32 [tilespmem:s28], [sflag:$0x3], $0x20, s18, s7, $0xb8;
	[tilespmem:$0x16400] =	vst v63  }
0x1ba: {  	s18 =	sld [smem:$0x7F9]  }
0x1bb: {  	[spmem:s2] =	stream.indirect.scatter.add.f32 [tilespmem:s29], [sflag:$0x3], $0x20, s0, s7, $0xb8;
	[tilespmem:$0x16400] =	vst v63  }
0x1bc: {  	_ = 	snop  }
0x1bd: {  	[spmem:s2] =	stream.indirect.scatter.add.f32 [tilespmem:s30], [sflag:$0x3], $0x20, s18, s7, $0xb8;
	[tilespmem:$0x16400] =	vst v63  }
0x1be: {  	_ =	swait.ge [sflag:s8], $0x1000  }
0x1bf: {  	[sflag:s8] =	ssyncset.done $0x0  }
0x1c0: {  	[sflag:s8] =	ssyncadd.s32 $0xFFFFF000  }
0x1c1: {  	_ =	swait.ge [sflag:s8], $0x1000  }
0x1c2: {  	[sflag:s8] =	ssyncset.done $0x0  }
0x1c3: {  	[sflag:s8] =	ssyncadd.s32 $0xFFFFF000  }
0x1c4: {  	_ =	swait.ge [sflag:s8], $0x1000  }
0x1c5: {  	[sflag:s8] =	ssyncset.done $0x0  }
0x1c6: {  	[sflag:s8] =	ssyncadd.s32 $0xFFFFF000  }
0x1c7: {  	_ =	swait.ge [sflag:s8], $0x1000  }
0x1c8: {  	[sflag:s8] =	ssyncset.done $0x0  }
0x1c9: {  	[sflag:s8] =	ssyncadd.s32 $0xFFFFF000  }
0x1ca: {  	_ =	swait.ge [sflag:s8], $0x1000  }
0x1cb: {  	[sflag:s8] =	ssyncset.done $0x0  }
0x1cc: {  	[sflag:s8] =	ssyncadd.s32 $0xFFFFF000  }
0x1cd: {  	_ =	swait.ge [sflag:s8], $0x1000  }
0x1ce: {  	[sflag:s8] =	ssyncset.done $0x0  }
0x1cf: {  	[sflag:s8] =	ssyncadd.s32 $0xFFFFF000  }
0x1d0: {  	_ =	swait.ge [sflag:s8], $0x1000  }
0x1d1: {  	[sflag:s8] =	ssyncset.done $0x0  }
0x1d2: {  	[sflag:s8] =	ssyncadd.s32 $0xFFFFF000  }
0x1d3: {  	_ =	swait.ge [sflag:s8], $0x1000  }
0x1d4: {  	[sflag:s8] =	ssyncset.done $0x0  }
0x1d5: {  	[sflag:s8] =	ssyncadd.s32 $0xFFFFF000  }
0x1d6: {  	_ =	swait.ge [sflag:s9], $0x8000  }
0x1d7: {  	s0 =	sld [smem:$0x7FA]  }
0x1d8: {  	[sflag:s9] =	ssyncset.done $0x0  }
0x1d9: {  	s18 =	sld [smem:$0x7FB];
	[sflag:s9] =	ssyncadd.s32 $0xFFFF8000  }
0x1da: {  	[spmem:s2] =	stream.indirect.scatter.add.f32 [tilespmem:s3], [sflag:$0x3], $0x20, s0, s7, $0xb8;
	[tilespmem:$0x16400] =	vst v63  }
0x1db: {  	s0 =	sld [smem:$0x7FC]  }
0x1dc: {  	[spmem:s2] =	stream.indirect.scatter.add.f32 [tilespmem:s10], [sflag:$0x3], $0x20, s18, s7, $0xb8;
	[tilespmem:$0x16400] =	vst v63  }
0x1dd: {  	s18 =	sld [smem:$0x7FD]  }
0x1de: {  	[spmem:s2] =	stream.indirect.scatter.add.f32 [tilespmem:s11], [sflag:$0x3], $0x20, s0, s7, $0xb8;
	[tilespmem:$0x16400] =	vst v63  }
0x1df: {  	_ = 	snop  }
0x1e0: {  	[spmem:s2] =	stream.indirect.scatter.add.f32 [tilespmem:s12], [sflag:$0x3], $0x20, s18, s7, $0xb8;
	[tilespmem:$0x16400] =	vst v63  }
0x1e1: {  	s18 =	simm.s32 $0x11200  }
0x1e2: {  	[spmem:s2] =	stream.indirect.scatter.add.f32 [tilespmem:s13], [sflag:$0x3], $0x20, s18, s7, $0xb8;
	[tilespmem:$0x16400] =	vst v63  }
0x1e3: {  	_ = 	snop  }
0x1e4: {  	[spmem:s2] =	stream.indirect.scatter.add.f32 [tilespmem:s14], [sflag:$0x3], $0x20, s20, s7, $0xb8;
	[tilespmem:$0x16400] =	vst v63  }
0x1e5: {  	_ = 	snop  }
0x1e6: {  	[spmem:s2] =	stream.indirect.scatter.add.f32 [tilespmem:s15], [sflag:$0x3], $0x20, s21, s7, $0xb8;
	[tilespmem:$0x16400] =	vst v63  }
0x1e7: {  	_ = 	snop  }
0x1e8: {  	[spmem:s2] =	stream.indirect.scatter.add.f32 [tilespmem:s16], [sflag:$0x3], $0x20, s19, s7, $0xb8;
	[tilespmem:$0x16400] =	vst v63  }
0x1e9: {  	_ =	swait.ge [sflag:s8], $0x1000  }
0x1ea: {  	[sflag:s8] =	ssyncset.done $0x0  }
0x1eb: {  	[sflag:s8] =	ssyncadd.s32 $0xFFFFF000  }
0x1ec: {  	_ =	swait.ge [sflag:s8], $0x1000  }
0x1ed: {  	[sflag:s8] =	ssyncset.done $0x0  }
0x1ee: {  	[sflag:s8] =	ssyncadd.s32 $0xFFFFF000  }
0x1ef: {  	_ =	swait.ge [sflag:s8], $0x1000  }
0x1f0: {  	[sflag:s8] =	ssyncset.done $0x0  }
0x1f1: {  	[sflag:s8] =	ssyncadd.s32 $0xFFFFF000  }
0x1f2: {  	_ =	swait.ge [sflag:s8], $0x1000  }
0x1f3: {  	[sflag:s8] =	ssyncset.done $0x0  }
0x1f4: {  	[sflag:s8] =	ssyncadd.s32 $0xFFFFF000  }
0x1f5: {  	_ =	swait.ge [sflag:s8], $0x1000  }
0x1f6: {  	[sflag:s8] =	ssyncset.done $0x0  }
0x1f7: {  	[sflag:s8] =	ssyncadd.s32 $0xFFFFF000  }
0x1f8: {  	_ =	swait.ge [sflag:s8], $0x1000  }
0x1f9: {  	[sflag:s8] =	ssyncset.done $0x0  }
0x1fa: {  	[sflag:s8] =	ssyncadd.s32 $0xFFFFF000  }
0x1fb: {  	_ =	swait.ge [sflag:s8], $0x1000  }
0x1fc: {  	[sflag:s8] =	ssyncset.done $0x0  }
0x1fd: {  	[sflag:s8] =	ssyncadd.s32 $0xFFFFF000  }
0x1fe: {  	_ =	swait.ge [sflag:s8], $0x1000  }
0x1ff: {  	[sflag:s8] =	ssyncset.done $0x0  }
0x200: {  	p1 =	sne.s32 s1, $0x1;
	[sflag:s8] =	ssyncadd.s32 $0xFFFFF000  }
.Ltmp2:
0x201: {  	[bflag:$0x0] =	sbarrier.arrive $0xFFFF;
	(pc) =	sbr.rel @p1 .LBB2_4-.Ltmp2, $4  }
0x202: {  	s18 =	rddreg [dreg:$0xb]  }
0x203: {  	[hbm:s18], [sflag:s4] =	dma.local [spmem:s5], $0xA00  }
0x204: {  	_ =	swait.ge [sflag:s6], $0xA00  }
0x205: {  	s1 =	sadd.s32 $0xFFFFFFFF, s1;
	s0 =	rddreg [dreg:$0x4];
	[sflag:s6] =	ssyncset.done $0x0  }
0x206: {  	s21 =	simm.s32 $0x11300  }
0x207: {  	s20 =	simm.s32 $0x11280;
	s19 =	simm.s32 $0x11200;
	s18 =	stileid.u32  }
.LBB2_6:
0x208: {  	[sflag:s6] =	ssyncadd.s32 @p0 $0xFFFFF600  }
0x209: {  	[spmem:s5], [sflag:s4] =	dma.local [hbm:s0], $0xA00  }
0x20a: {  	_ =	swait.ge [sflag:s6], $0xA00  }
0x20b: {  	[sflag:s6] =	ssyncset.done $0x0  }
0x20c: {  	s1 =	rddreg [dreg:$0x5];
	[sflag:s6] =	ssyncadd.s32 $0xFFFFF600  }
0x20d: {  	[tilespmem:s31], [sflag:$0x4] =	stream.linear.gather [hbm4b:s1+s3], $0x1400, $0x38;
	[tilespmem:$0x16400] =	vst v63  }
0x20e: {  	_ =	swait.ge [sflag:s6], $0x1400  }
0x20f: {  	[sflag:s6] =	ssyncset.done $0x0  }
0x210: {  	[sflag:s6] =	ssyncadd.s32 $0xFFFFEC00  }
0x211: {  	[bflag:$0x0] =	sbarrier.arrive $0xFFFF  }
0x212: {  	s0 =	rddreg [dreg:$0x6]  }
0x213: {  	[tilespmem:s3], [sflag:$0x1] =	stream.linear.gather [hbm4b:s0+s3], $0x8000, $0x38;
	[tilespmem:$0x16400] =	vst v63  }
0x214: {  	s1 =	rddreg [dreg:$0x7]  }
0x215: {  	[tilespmem:s17], [sflag:$0x2] =	stream.linear.gather [hbm4b:s1+s3], $0x8000, $0x38;
	[tilespmem:$0x16400] =	vst v63  }
0x216: {  	_ =	swait.ge [sflag:s9], $0x8000  }
0x217: {  	[sflag:s9] =	ssyncset.done $0x0  }
0x218: {  	[sflag:s9] =	ssyncadd.s32 $0xFFFF8000  }
0x219: {  	[spmem:s2] =	stream.indirect.scatter.add.f32 [tilespmem:s3], [sflag:$0x3], $0x20, s31, s7, $0xb8;
	[tilespmem:$0x16400] =	vst v63  }
0x21a: {  	s0 =	rddreg [dreg:$0xc]  }
0x21b: {  	[spmem:s2] =	stream.indirect.scatter.add.f32 [tilespmem:s10], [sflag:$0x3], $0x20, s0, s7, $0xb8;
	[tilespmem:$0x16400] =	vst v63  }
0x21c: {  	s1 =	rddreg [dreg:$0xd]  }
0x21d: {  	[spmem:s2] =	stream.indirect.scatter.add.f32 [tilespmem:s11], [sflag:$0x3], $0x20, s1, s7, $0xb8;
	[tilespmem:$0x16400] =	vst v63  }
0x21e: {  	s31 =	rddreg [dreg:$0xe]  }
0x21f: {  	[spmem:s2] =	stream.indirect.scatter.add.f32 [tilespmem:s12], [sflag:$0x3], $0x20, s31, s7, $0xb8;
	[tilespmem:$0x16400] =	vst v63  }
0x220: {  	s1 =	rddreg [dreg:$0xf]  }
0x221: {  	[spmem:s2] =	stream.indirect.scatter.add.f32 [tilespmem:s13], [sflag:$0x3], $0x20, s1, s7, $0xb8;
	[tilespmem:$0x16400] =	vst v63  }
0x222: {  	s31 =	rddreg [dreg:$0x10]  }
0x223: {  	[spmem:s2] =	stream.indirect.scatter.add.f32 [tilespmem:s14], [sflag:$0x3], $0x20, s31, s7, $0xb8;
	[tilespmem:$0x16400] =	vst v63  }
0x224: {  	s1 =	rddreg [dreg:$0x11]  }
0x225: {  	[spmem:s2] =	stream.indirect.scatter.add.f32 [tilespmem:s15], [sflag:$0x3], $0x20, s1, s7, $0xb8;
	[tilespmem:$0x16400] =	vst v63  }
0x226: {  	s31 =	rddreg [dreg:$0x12]  }
0x227: {  	[spmem:s2] =	stream.indirect.scatter.add.f32 [tilespmem:s16], [sflag:$0x3], $0x20, s31, s7, $0xb8;
	[tilespmem:$0x16400] =	vst v63  }
0x228: {  	_ =	swait.ge [sflag:s8], $0x1000  }
0x229: {  	[sflag:s8] =	ssyncset.done $0x0  }
0x22a: {  	[sflag:s8] =	ssyncadd.s32 $0xFFFFF000  }
0x22b: {  	_ =	swait.ge [sflag:s8], $0x1000  }
0x22c: {  	[sflag:s8] =	ssyncset.done $0x0  }
0x22d: {  	[sflag:s8] =	ssyncadd.s32 $0xFFFFF000  }
0x22e: {  	_ =	swait.ge [sflag:s8], $0x1000  }
0x22f: {  	[sflag:s8] =	ssyncset.done $0x0  }
0x230: {  	[sflag:s8] =	ssyncadd.s32 $0xFFFFF000  }
0x231: {  	_ =	swait.ge [sflag:s8], $0x1000  }
0x232: {  	[sflag:s8] =	ssyncset.done $0x0  }
0x233: {  	[sflag:s8] =	ssyncadd.s32 $0xFFFFF000  }
0x234: {  	_ =	swait.ge [sflag:s8], $0x1000  }
0x235: {  	[sflag:s8] =	ssyncset.done $0x0  }
0x236: {  	[sflag:s8] =	ssyncadd.s32 $0xFFFFF000  }
0x237: {  	_ =	swait.ge [sflag:s8], $0x1000  }
0x238: {  	[sflag:s8] =	ssyncset.done $0x0  }
0x239: {  	[sflag:s8] =	ssyncadd.s32 $0xFFFFF000  }
0x23a: {  	_ =	swait.ge [sflag:s8], $0x1000  }
0x23b: {  	[sflag:s8] =	ssyncset.done $0x0  }
0x23c: {  	[sflag:s8] =	ssyncadd.s32 $0xFFFFF000  }
0x23d: {  	_ =	swait.ge [sflag:s8], $0x1000  }
0x23e: {  	[sflag:s8] =	ssyncset.done $0x0  }
0x23f: {  	s31 =	rddreg [dreg:$0x8];
	[sflag:s8] =	ssyncadd.s32 $0xFFFFF000  }
0x240: {  	[tilespmem:s3], [sflag:$0x1] =	stream.linear.gather [hbm4b:s31+s3], $0x8000, $0x38;
	[tilespmem:$0x16400] =	vst v63  }
0x241: {  	_ =	swait.ge [sflag:s23], $0x8000  }
0x242: {  	[sflag:s23] =	ssyncset.done $0x0  }
0x243: {  	s1 =	rddreg [dreg:$0x13];
	[sflag:s23] =	ssyncadd.s32 $0xFFFF8000  }
0x244: {  	[spmem:s2] =	stream.indirect.scatter.add.f32 [tilespmem:s17], [sflag:$0x3], $0x20, s1, s7, $0xb8;
	[tilespmem:$0x16400] =	vst v63  }
0x245: {  	s31 =	rddreg [dreg:$0x14]  }
0x246: {  	[spmem:s2] =	stream.indirect.scatter.add.f32 [tilespmem:s22], [sflag:$0x3], $0x20, s31, s7, $0xb8;
	[tilespmem:$0x16400] =	vst v63  }
0x247: {  	s0 =	rddreg [dreg:$0x15]  }
0x248: {  	[spmem:s2] =	stream.indirect.scatter.add.f32 [tilespmem:s24], [sflag:$0x3], $0x20, s0, s7, $0xb8;
	[tilespmem:$0x16400] =	vst v63  }
0x249: {  	s31 =	rddreg [dreg:$0x16]  }
0x24a: {  	[spmem:s2] =	stream.indirect.scatter.add.f32 [tilespmem:s25], [sflag:$0x3], $0x20, s31, s7, $0xb8;
	[tilespmem:$0x16400] =	vst v63  }
0x24b: {  	s0 =	rddreg [dreg:$0x17]  }
0x24c: {  	[spmem:s2] =	stream.indirect.scatter.add.f32 [tilespmem:s26], [sflag:$0x3], $0x20, s0, s7, $0xb8;
	[tilespmem:$0x16400] =	vst v63  }
0x24d: {  	s31 =	rddreg [dreg:$0x18]  }
0x24e: {  	[spmem:s2] =	stream.indirect.scatter.add.f32 [tilespmem:s28], [sflag:$0x3], $0x20, s31, s7, $0xb8;
	[tilespmem:$0x16400] =	vst v63  }
0x24f: {  	s0 =	rddreg [dreg:$0x19]  }
0x250: {  	[spmem:s2] =	stream.indirect.scatter.add.f32 [tilespmem:s29], [sflag:$0x3], $0x20, s0, s7, $0xb8;
	[tilespmem:$0x16400] =	vst v63  }
0x251: {  	s31 =	rddreg [dreg:$0x1a]  }
0x252: {  	[spmem:s2] =	stream.indirect.scatter.add.f32 [tilespmem:s30], [sflag:$0x3], $0x20, s31, s7, $0xb8;
	[tilespmem:$0x16400] =	vst v63  }
0x253: {  	_ =	swait.ge [sflag:s8], $0x1000  }
0x254: {  	[sflag:s8] =	ssyncset.done $0x0  }
0x255: {  	[sflag:s8] =	ssyncadd.s32 $0xFFFFF000  }
0x256: {  	_ =	swait.ge [sflag:s8], $0x1000  }
0x257: {  	[sflag:s8] =	ssyncset.done $0x0  }
0x258: {  	[sflag:s8] =	ssyncadd.s32 $0xFFFFF000  }
0x259: {  	_ =	swait.ge [sflag:s8], $0x1000  }
0x25a: {  	[sflag:s8] =	ssyncset.done $0x0  }
0x25b: {  	[sflag:s8] =	ssyncadd.s32 $0xFFFFF000  }
0x25c: {  	_ =	swait.ge [sflag:s8], $0x1000  }
0x25d: {  	[sflag:s8] =	ssyncset.done $0x0  }
0x25e: {  	[sflag:s8] =	ssyncadd.s32 $0xFFFFF000  }
0x25f: {  	_ =	swait.ge [sflag:s8], $0x1000  }
0x260: {  	[sflag:s8] =	ssyncset.done $0x0  }
0x261: {  	[sflag:s8] =	ssyncadd.s32 $0xFFFFF000  }
0x262: {  	_ =	swait.ge [sflag:s8], $0x1000  }
0x263: {  	[sflag:s8] =	ssyncset.done $0x0  }
0x264: {  	[sflag:s8] =	ssyncadd.s32 $0xFFFFF000  }
0x265: {  	_ =	swait.ge [sflag:s8], $0x1000  }
0x266: {  	[sflag:s8] =	ssyncset.done $0x0  }
0x267: {  	[sflag:s8] =	ssyncadd.s32 $0xFFFFF000  }
0x268: {  	_ =	swait.ge [sflag:s8], $0x1000  }
0x269: {  	[sflag:s8] =	ssyncset.done $0x0  }
0x26a: {  	s31 =	rddreg [dreg:$0x9];
	[sflag:s8] =	ssyncadd.s32 $0xFFFFF000  }
0x26b: {  	[tilespmem:s17], [sflag:$0x2] =	stream.linear.gather [hbm4b:s31+s3], $0x8000, $0x38;
	[tilespmem:$0x16400] =	vst v63  }
0x26c: {  	_ =	swait.ge [sflag:s9], $0x8000  }
0x26d: {  	s1 =	rddreg [dreg:$0x1b];
	[sflag:s9] =	ssyncset.done $0x0  }
0x26e: {  	s31 =	rddreg [dreg:$0x1c];
	[sflag:s9] =	ssyncadd.s32 $0xFFFF8000  }
0x26f: {  	[spmem:s2] =	stream.indirect.scatter.add.f32 [tilespmem:s3], [sflag:$0x3], $0x20, s1, s7, $0xb8;
	[tilespmem:$0x16400] =	vst v63  }
0x270: {  	s0 =	rddreg [dreg:$0x1d]  }
0x271: {  	[spmem:s2] =	stream.indirect.scatter.add.f32 [tilespmem:s10], [sflag:$0x3], $0x20, s31, s7, $0xb8;
	[tilespmem:$0x16400] =	vst v63  }
0x272: {  	s31 =	rddreg [dreg:$0x1e]  }
0x273: {  	[spmem:s2] =	stream.indirect.scatter.add.f32 [tilespmem:s11], [sflag:$0x3], $0x20, s0, s7, $0xb8;
	[tilespmem:$0x16400] =	vst v63  }
0x274: {  	s0 =	rddreg [dreg:$0x1f]  }
0x275: {  	[spmem:s2] =	stream.indirect.scatter.add.f32 [tilespmem:s12], [sflag:$0x3], $0x20, s31, s7, $0xb8;
	[tilespmem:$0x16400] =	vst v63  }
0x276: {  	s31 =	sld [smem:$0x7EF]  }
0x277: {  	[spmem:s2] =	stream.indirect.scatter.add.f32 [tilespmem:s13], [sflag:$0x3], $0x20, s0, s7, $0xb8;
	[tilespmem:$0x16400] =	vst v63  }
0x278: {  	s0 =	sld [smem:$0x7F0]  }
0x279: {  	[spmem:s2] =	stream.indirect.scatter.add.f32 [tilespmem:s14], [sflag:$0x3], $0x20, s31, s7, $0xb8;
	[tilespmem:$0x16400] =	vst v63  }
0x27a: {  	s31 =	sld [smem:$0x7F1]  }
0x27b: {  	[spmem:s2] =	stream.indirect.scatter.add.f32 [tilespmem:s15], [sflag:$0x3], $0x20, s0, s7, $0xb8;
	[tilespmem:$0x16400] =	vst v63  }
0x27c: {  	_ = 	snop  }
0x27d: {  	[spmem:s2] =	stream.indirect.scatter.add.f32 [tilespmem:s16], [sflag:$0x3], $0x20, s31, s7, $0xb8;
	[tilespmem:$0x16400] =	vst v63  }
0x27e: {  	_ =	swait.ge [sflag:s8], $0x1000  }
0x27f: {  	[sflag:s8] =	ssyncset.done $0x0  }
0x280: {  	[sflag:s8] =	ssyncadd.s32 $0xFFFFF000  }
0x281: {  	_ =	swait.ge [sflag:s8], $0x1000  }
0x282: {  	[sflag:s8] =	ssyncset.done $0x0  }
0x283: {  	[sflag:s8] =	ssyncadd.s32 $0xFFFFF000  }
0x284: {  	_ =	swait.ge [sflag:s8], $0x1000  }
0x285: {  	[sflag:s8] =	ssyncset.done $0x0  }
0x286: {  	[sflag:s8] =	ssyncadd.s32 $0xFFFFF000  }
0x287: {  	_ =	swait.ge [sflag:s8], $0x1000  }
0x288: {  	[sflag:s8] =	ssyncset.done $0x0  }
0x289: {  	[sflag:s8] =	ssyncadd.s32 $0xFFFFF000  }
0x28a: {  	_ =	swait.ge [sflag:s8], $0x1000  }
0x28b: {  	[sflag:s8] =	ssyncset.done $0x0  }
0x28c: {  	[sflag:s8] =	ssyncadd.s32 $0xFFFFF000  }
0x28d: {  	_ =	swait.ge [sflag:s8], $0x1000  }
0x28e: {  	[sflag:s8] =	ssyncset.done $0x0  }
0x28f: {  	[sflag:s8] =	ssyncadd.s32 $0xFFFFF000  }
0x290: {  	_ =	swait.ge [sflag:s8], $0x1000  }
0x291: {  	[sflag:s8] =	ssyncset.done $0x0  }
0x292: {  	[sflag:s8] =	ssyncadd.s32 $0xFFFFF000  }
0x293: {  	_ =	swait.ge [sflag:s8], $0x1000  }
0x294: {  	[sflag:s8] =	ssyncset.done $0x0  }
0x295: {  	s31 =	rddreg [dreg:$0xa];
	[sflag:s8] =	ssyncadd.s32 $0xFFFFF000  }
0x296: {  	[tilespmem:s3], [sflag:$0x1] =	stream.linear.gather [hbm4b:s31+s3], $0x8000, $0x38;
	[tilespmem:$0x16400] =	vst v63  }
0x297: {  	_ =	swait.ge [sflag:s23], $0x8000  }
0x298: {  	s1 =	sld [smem:$0x7F2]  }
0x299: {  	[sflag:s23] =	ssyncset.done $0x0  }
0x29a: {  	s31 =	sld [smem:$0x7F3];
	[sflag:s23] =	ssyncadd.s32 $0xFFFF8000  }
0x29b: {  	[spmem:s2] =	stream.indirect.scatter.add.f32 [tilespmem:s17], [sflag:$0x3], $0x20, s1, s7, $0xb8;
	[tilespmem:$0x16400] =	vst v63  }
0x29c: {  	s23 =	sld [smem:$0x7F4]  }
0x29d: {  	[spmem:s2] =	stream.indirect.scatter.add.f32 [tilespmem:s22], [sflag:$0x3], $0x20, s31, s7, $0xb8;
	[tilespmem:$0x16400] =	vst v63  }
0x29e: {  	s31 =	sld [smem:$0x7F5]  }
0x29f: {  	[spmem:s2] =	stream.indirect.scatter.add.f32 [tilespmem:s24], [sflag:$0x3], $0x20, s23, s7, $0xb8;
	[tilespmem:$0x16400] =	vst v63  }
0x2a0: {  	s17 =	sld [smem:$0x7F6]  }
0x2a1: {  	[spmem:s2] =	stream.indirect.scatter.add.f32 [tilespmem:s25], [sflag:$0x3], $0x20, s31, s7, $0xb8;
	[tilespmem:$0x16400] =	vst v63  }
0x2a2: {  	s22 =	sld [smem:$0x7F7]  }
0x2a3: {  	[spmem:s2] =	stream.indirect.scatter.add.f32 [tilespmem:s26], [sflag:$0x3], $0x20, s17, s7, $0xb8;
	[tilespmem:$0x16400] =	vst v63  }
0x2a4: {  	s23 =	sld [smem:$0x7F8]  }
0x2a5: {  	[spmem:s2] =	stream.indirect.scatter.add.f32 [tilespmem:s28], [sflag:$0x3], $0x20, s22, s7, $0xb8;
	[tilespmem:$0x16400] =	vst v63  }
0x2a6: {  	s24 =	sld [smem:$0x7F9]  }
0x2a7: {  	[spmem:s2] =	stream.indirect.scatter.add.f32 [tilespmem:s29], [sflag:$0x3], $0x20, s23, s7, $0xb8;
	[tilespmem:$0x16400] =	vst v63  }
0x2a8: {  	_ = 	snop  }
0x2a9: {  	[spmem:s2] =	stream.indirect.scatter.add.f32 [tilespmem:s30], [sflag:$0x3], $0x20, s24, s7, $0xb8;
	[tilespmem:$0x16400] =	vst v63  }
0x2aa: {  	_ =	swait.ge [sflag:s8], $0x1000  }
0x2ab: {  	[sflag:s8] =	ssyncset.done $0x0  }
0x2ac: {  	[sflag:s8] =	ssyncadd.s32 $0xFFFFF000  }
0x2ad: {  	_ =	swait.ge [sflag:s8], $0x1000  }
0x2ae: {  	[sflag:s8] =	ssyncset.done $0x0  }
0x2af: {  	[sflag:s8] =	ssyncadd.s32 $0xFFFFF000  }
0x2b0: {  	_ =	swait.ge [sflag:s8], $0x1000  }
0x2b1: {  	[sflag:s8] =	ssyncset.done $0x0  }
0x2b2: {  	[sflag:s8] =	ssyncadd.s32 $0xFFFFF000  }
0x2b3: {  	_ =	swait.ge [sflag:s8], $0x1000  }
0x2b4: {  	[sflag:s8] =	ssyncset.done $0x0  }
0x2b5: {  	[sflag:s8] =	ssyncadd.s32 $0xFFFFF000  }
0x2b6: {  	_ =	swait.ge [sflag:s8], $0x1000  }
0x2b7: {  	[sflag:s8] =	ssyncset.done $0x0  }
0x2b8: {  	[sflag:s8] =	ssyncadd.s32 $0xFFFFF000  }
0x2b9: {  	_ =	swait.ge [sflag:s8], $0x1000  }
0x2ba: {  	[sflag:s8] =	ssyncset.done $0x0  }
0x2bb: {  	[sflag:s8] =	ssyncadd.s32 $0xFFFFF000  }
0x2bc: {  	_ =	swait.ge [sflag:s8], $0x1000  }
0x2bd: {  	[sflag:s8] =	ssyncset.done $0x0  }
0x2be: {  	[sflag:s8] =	ssyncadd.s32 $0xFFFFF000  }
0x2bf: {  	_ =	swait.ge [sflag:s8], $0x1000  }
0x2c0: {  	[sflag:s8] =	ssyncset.done $0x0  }
0x2c1: {  	[sflag:s8] =	ssyncadd.s32 $0xFFFFF000  }
0x2c2: {  	_ =	swait.ge [sflag:s9], $0x8000  }
0x2c3: {  	s25 =	sld [smem:$0x7FA]  }
0x2c4: {  	[sflag:s9] =	ssyncset.done $0x0  }
0x2c5: {  	s26 =	sld [smem:$0x7FB];
	[sflag:s9] =	ssyncadd.s32 $0xFFFF8000  }
0x2c6: {  	[spmem:s2] =	stream.indirect.scatter.add.f32 [tilespmem:s3], [sflag:$0x3], $0x20, s25, s7, $0xb8;
	[tilespmem:$0x16400] =	vst v63  }
0x2c7: {  	s28 =	sld [smem:$0x7FC]  }
0x2c8: {  	[spmem:s2] =	stream.indirect.scatter.add.f32 [tilespmem:s10], [sflag:$0x3], $0x20, s26, s7, $0xb8;
	[tilespmem:$0x16400] =	vst v63  }
0x2c9: {  	s29 =	sld [smem:$0x7FD]  }
0x2ca: {  	[spmem:s2] =	stream.indirect.scatter.add.f32 [tilespmem:s11], [sflag:$0x3], $0x20, s28, s7, $0xb8;
	[tilespmem:$0x16400] =	vst v63  }
0x2cb: {  	_ = 	snop  }
0x2cc: {  	[spmem:s2] =	stream.indirect.scatter.add.f32 [tilespmem:s12], [sflag:$0x3], $0x20, s29, s7, $0xb8;
	[tilespmem:$0x16400] =	vst v63  }
0x2cd: {  	_ = 	snop  }
0x2ce: {  	[spmem:s2] =	stream.indirect.scatter.add.f32 [tilespmem:s13], [sflag:$0x3], $0x20, s19, s7, $0xb8;
	[tilespmem:$0x16400] =	vst v63  }
0x2cf: {  	_ = 	snop  }
0x2d0: {  	[spmem:s2] =	stream.indirect.scatter.add.f32 [tilespmem:s14], [sflag:$0x3], $0x20, s20, s7, $0xb8;
	[tilespmem:$0x16400] =	vst v63  }
0x2d1: {  	_ = 	snop  }
0x2d2: {  	[spmem:s2] =	stream.indirect.scatter.add.f32 [tilespmem:s15], [sflag:$0x3], $0x20, s21, s7, $0xb8;
	[tilespmem:$0x16400] =	vst v63  }
0x2d3: {  	s30 =	simm.s32 $0x11380  }
0x2d4: {  	[spmem:s2] =	stream.indirect.scatter.add.f32 [tilespmem:s16], [sflag:$0x3], $0x20, s30, s7, $0xb8;
	[tilespmem:$0x16400] =	vst v63  }
0x2d5: {  	_ =	swait.ge [sflag:s8], $0x1000  }
0x2d6: {  	[sflag:s8] =	ssyncset.done $0x0  }
0x2d7: {  	[sflag:s8] =	ssyncadd.s32 $0xFFFFF000  }
0x2d8: {  	_ =	swait.ge [sflag:s8], $0x1000  }
0x2d9: {  	[sflag:s8] =	ssyncset.done $0x0  }
0x2da: {  	[sflag:s8] =	ssyncadd.s32 $0xFFFFF000  }
0x2db: {  	_ =	swait.ge [sflag:s8], $0x1000  }
0x2dc: {  	[sflag:s8] =	ssyncset.done $0x0  }
0x2dd: {  	[sflag:s8] =	ssyncadd.s32 $0xFFFFF000  }
0x2de: {  	_ =	swait.ge [sflag:s8], $0x1000  }
0x2df: {  	[sflag:s8] =	ssyncset.done $0x0  }
0x2e0: {  	[sflag:s8] =	ssyncadd.s32 $0xFFFFF000  }
0x2e1: {  	_ =	swait.ge [sflag:s8], $0x1000  }
0x2e2: {  	[sflag:s8] =	ssyncset.done $0x0  }
0x2e3: {  	[sflag:s8] =	ssyncadd.s32 $0xFFFFF000  }
0x2e4: {  	_ =	swait.ge [sflag:s8], $0x1000  }
0x2e5: {  	[sflag:s8] =	ssyncset.done $0x0  }
0x2e6: {  	[sflag:s8] =	ssyncadd.s32 $0xFFFFF000  }
0x2e7: {  	_ =	swait.ge [sflag:s8], $0x1000  }
0x2e8: {  	[sflag:s8] =	ssyncset.done $0x0  }
0x2e9: {  	[sflag:s8] =	ssyncadd.s32 $0xFFFFF000  }
0x2ea: {  	_ =	swait.ge [sflag:s8], $0x1000  }
0x2eb: {  	[sflag:s8] =	ssyncset.done $0x0  }
0x2ec: {  	[sflag:s8] =	ssyncadd.s32 $0xFFFFF000  }
0x2ed: {  	[bflag:$0x0] =	sbarrier.arrive $0xFFFF  }
0x2ee: {  	s31 =	rddreg [dreg:$0xb]  }
0x2ef: {  	[hbm:s31], [sflag:s4] =	dma.local [spmem:s5], $0xA00  }
0x2f0: {  	_ =	swait.ge [sflag:s6], $0xA00  }
0x2f1: {  	[sflag:s6] =	ssyncset.done $0x0  }
0x2f2: {  	[sflag:s6] =	ssyncadd.s32 $0xFFFFF600  }
0x2f3: {  	_ =	sfence.sel $0x180000  }
0x2f4: {  	[bflag:$0x0] =	sbarrier.arrive $0xFFFF  }
0x2f5: {  	_ =	strace $0x9000004A  }
0x2f6: {  	[bflag:$0x2] =	sbarrier.arrive $0xFFFF  }
0x2f7: {  	p0 =	sne.s32 s18, $0x0;
	s0 =	rddreg [dreg:$0x3]  }
0x2f8: {  	s0 =	sadd.s32 @!p0 $0x100000, s0  }
0x2f9: {  	[sflag:s0] =	ssyncadd.tile.s32 @!p0 $0x1;
	_ =	shalt  }
.LBB2_1:
.Ltmp3:
0x2fa: {  	(pc) =	sbr.rel .LBB2_6-.Ltmp3, $2  }
0x2fb: {  	_ =	sdelay $0x2  }
0x2fc: {  	s21 =	simm.s32 $0x11300;
	s20 =	simm.s32 $0x11280;
	s19 =	simm.s32 $0x11200  }
.LBB2_3:
.Ltmp4:
0x2fd: {  	(pc) =	sbr.rel .LBB2_6-.Ltmp4, $3  }
0x2fe: {  	_ =	sdelay $0x1  }
0x2ff: {  	s21 =	simm.s32 $0x11300  }
0x300: {  	s20 =	simm.s32 $0x11280;
	s19 =	simm.s32 $0x11200;
	s18 =	stileid.u32  }
.Lfunc_end2:
_tile_overlayer_lowered:
.L_overlay_start_2:
0x301: {  	(tag) =	ssettag $0x2  }
0x302: {  	s0 =	rddreg [dreg:$0x0];
	s2 =	stileid.u32  }
0x303: {  	s1 =	rddreg [dreg:$0x1];
	p0 =	sne.s32 s2, $0x0  }
0x304: {  	s3 =	rddreg [dreg:$0x2];
	[bflag:$0x3] =	sbarrier.arrive $0xFFFF;
	s2 =	simm.s32 @!p0 $0x1C04  }
0x305: {  	[timem:s3], [sflag:s2] =	dma.local @!p0 [hbm:s0], s1  }
0x306: {  	s0 =	simm.s32 @!p0 $0x4  }
0x307: {  	_ =	swait.ge @!p0 [sflag:s0], s1  }
0x308: {  	s1 =	ssub.s32 @!p0 $0x0, s1;
	[sflag:s0] =	ssyncset.done @!p0 $0x0  }
0x309: {  	[sflag:s0] =	ssyncadd.s32 @!p0 s1  }
0x30a: {  	[bflag:$0x3] =	sbarrier.arrive $0xFFFF  }
0x30b: {  	_ =	shalt  }

</sc_bundles>
